<compile_context>
chip_gen: v7x
topology: tpu7x:2x2x1
jax: 0.10.2.dev20260603
libtpu: 0.0.44.dev20260713+nightly
codegen_flags: <defaults>
</compile_context>

<pallas_src>
import functools

import jax
import jax.numpy as jnp
from jax import lax
from jax.experimental import pallas as pl
from jax.experimental.pallas import tpu as pltpu
from jax.experimental.pallas import tpu_sc as plsc

VOCAB = 100000
TYPE_VOCAB = 16
MAX_POS = 512
HIDDEN = 128
LN_EPS = 1e-3
L = 16
NJ = HIDDEN // L
NW = 32
CHUNK = 64
NG = CHUNK // L
UNROLL = 8

POS_SHIFT = 17
TYP_SHIFT = 26
TOK_MASK = (1 << POS_SHIFT) - 1
POS_MASK = MAX_POS - 1


def _rsqrt(u):
    i = lax.bitcast_convert_type(u, jnp.int32)
    i = jnp.int32(0x5F3759DF) - lax.shift_right_arithmetic(i, 1)
    y = lax.bitcast_convert_type(i, jnp.float32)
    half = jnp.float32(0.5) * u
    for _ in range(3):
        y = y * (jnp.float32(1.5) - half * y * y)
    return y


def _sc_body(pk_hbm, temb_hbm, yemb_hbm, pemb_hbm, gam_hbm, bet_hbm, out_hbm,
             ptab, ttab, gvec, bvec, pk_v,
             idx_a, idx_b, tbuf_a, tbuf_b, obuf_a, obuf_b,
             gsem_a, gsem_b, osem_a, osem_b):
    n = pk_hbm.shape[0]
    tpw = n // NW
    nchunk = tpw // CHUNK
    wid = lax.axis_index("c") * 16 + lax.axis_index("s")
    base0 = wid * tpw

    pltpu.sync_copy(pemb_hbm, ptab)
    pltpu.sync_copy(yemb_hbm, ttab)
    pltpu.sync_copy(gam_hbm, gvec)
    pltpu.sync_copy(bet_hbm, bvec)
    pltpu.sync_copy(pk_hbm.at[pl.ds(base0, tpw)], pk_v.at[pl.ds(0, tpw)])

    inv_h = jnp.float32(1.0 / HIDDEN)
    eps = jnp.float32(LN_EPS)
    tok_m = jnp.int32(TOK_MASK)
    pos_m = jnp.int32(POS_MASK)

    def unpack(g, idx_ref):
        off = g * CHUNK
        for k in range(NG):
            v = pk_v[pl.ds(off + k * L, L)]
            idx_ref[pl.ds(k * L, L)] = v & tok_m

    def start_gather(g, idx_ref, tbuf, sem):
        unpack(g, idx_ref)
        return pltpu.async_copy(temb_hbm.at[idx_ref], tbuf, sem)

    iota = lax.iota(jnp.int32, L)
    gvs = [gvec[pl.ds(j * L, L)] for j in range(NJ)]
    bvs = [bvec[pl.ds(j * L, L)] for j in range(NJ)]

    def compute(g, tbuf, obuf):
        off = g * CHUNK

        def group(k, c):
            pkvec = pk_v[pl.ds(off + k * UNROLL, L)]
            for l in range(UNROLL):
                pk = pkvec[l]
                p = lax.shift_right_logical(pk, POS_SHIFT) & pos_m
                q = lax.shift_right_logical(pk, TYP_SHIFT)
                t = k * UNROLL + l
                xs = []
                acc = None
                acc2 = None
                for j in range(NJ):
                    sl = pl.ds(j * L, L)
                    x = tbuf[t, sl] + ptab[p, sl] + ttab[q, sl]
                    xs.append(x)
                    acc = x if acc is None else acc + x
                    xx = x * x
                    acc2 = xx if acc2 is None else acc2 + xx
                s1 = jnp.sum(acc)
                s2 = jnp.sum(acc2)
                mean = s1 * inv_h
                var = s2 * inv_h - mean * mean
                rstd = _rsqrt(var + eps)
                bb = -mean * rstd
                for j in range(NJ):
                    sl = pl.ds(j * L, L)
                    obuf[t, sl] = (xs[j] * rstd + bb) * gvs[j] + bvs[j]
            return c

        lax.fori_loop(0, CHUNK // UNROLL, group, 0)

    def out_slice(g):
        return out_hbm.at[pl.ds(base0 + g * CHUNK, CHUNK)]

    start_gather(0, idx_a, tbuf_a, gsem_a)

    def pair(h, c):
        ga = 2 * h
        gb = 2 * h + 1
        start_gather(gb, idx_b, tbuf_b, gsem_b)
        pltpu.make_async_copy(temb_hbm.at[idx_a], tbuf_a, gsem_a).wait()

        @pl.when(h > 0)
        def _():
            pltpu.make_async_copy(obuf_a, out_slice(ga), osem_a).wait()

        compute(ga, tbuf_a, obuf_a)
        pltpu.async_copy(obuf_a, out_slice(ga), osem_a)

        @pl.when(ga + 2 < nchunk)
        def _():
            start_gather(ga + 2, idx_a, tbuf_a, gsem_a)

        pltpu.make_async_copy(temb_hbm.at[idx_b], tbuf_b, gsem_b).wait()

        @pl.when(h > 0)
        def _():
            pltpu.make_async_copy(obuf_b, out_slice(gb), osem_b).wait()

        compute(gb, tbuf_b, obuf_b)
        pltpu.async_copy(obuf_b, out_slice(gb), osem_b)
        return c

    lax.fori_loop(0, nchunk // 2, pair, 0)
    pltpu.make_async_copy(obuf_a, out_slice(nchunk - 2), osem_a).wait()
    pltpu.make_async_copy(obuf_b, out_slice(nchunk - 1), osem_b).wait()


def kernel(input_ids, position_ids, token_type_ids, attention_mask,
           token_emb, type_emb, pos_emb, ln_gamma, ln_beta):
    del attention_mask
    b, s = input_ids.shape
    n = b * s
    packed = (input_ids | (position_ids << POS_SHIFT)
              | (token_type_ids << TYP_SHIFT)).reshape(n)

    mesh = plsc.VectorSubcoreMesh(core_axis_name="c", subcore_axis_name="s")
    tpw = n // NW
    f = pl.kernel(
        _sc_body,
        out_type=jax.ShapeDtypeStruct((n, HIDDEN), jnp.float32),
        mesh=mesh,
        compiler_params=pltpu.CompilerParams(needs_layout_passes=False),
        scratch_types=[
            pltpu.VMEM((MAX_POS, HIDDEN), jnp.float32),
            pltpu.VMEM((TYPE_VOCAB, HIDDEN), jnp.float32),
            pltpu.VMEM((HIDDEN,), jnp.float32),
            pltpu.VMEM((HIDDEN,), jnp.float32),
            pltpu.VMEM((tpw + L,), jnp.int32),
            pltpu.VMEM((CHUNK,), jnp.int32),
            pltpu.VMEM((CHUNK,), jnp.int32),
            pltpu.VMEM((CHUNK, HIDDEN), jnp.float32),
            pltpu.VMEM((CHUNK, HIDDEN), jnp.float32),
            pltpu.VMEM((CHUNK, HIDDEN), jnp.float32),
            pltpu.VMEM((CHUNK, HIDDEN), jnp.float32),
            pltpu.SemaphoreType.DMA,
            pltpu.SemaphoreType.DMA,
            pltpu.SemaphoreType.DMA,
            pltpu.SemaphoreType.DMA,
        ],
    )
    out = f(packed, token_emb, type_emb, pos_emb, ln_gamma, ln_beta)
    return out.reshape(b, s, HIDDEN)

# --- scband reference (transcript-rebuilt; emitter-appended) ---
"""Pipeline reference for scband-bert-23579370455520 (READ-ONLY COPY).

The authoritative reference and input builder live on the scoring server;
editing this copy changes nothing except your own understanding.
"""

import jax, jax.numpy as jnp
import numpy as np

VOCAB = 100000
TYPE_VOCAB = 16
MAX_POS = 512
HIDDEN = 128
B = 1024
S = 512
LN_EPS = 1e-3  # Keras LayerNormalization default epsilon


def setup_inputs(seed: int = 0) -> dict:
    key = jax.random.key(seed)
    ks = jax.random.split(key, 8)
    input_ids = jax.random.randint(ks[0], (B, S), 0, VOCAB, dtype=jnp.int32)
    position_ids = jax.random.randint(ks[1], (B, S), 0, MAX_POS, dtype=jnp.int32)
    token_type_ids = jax.random.randint(ks[2], (B, S), 0, TYPE_VOCAB, dtype=jnp.int32)
    attention_mask = jnp.ones((B, S), dtype=jnp.float32)
    token_emb = jax.random.normal(ks[3], (VOCAB, HIDDEN), dtype=jnp.float32) * 0.02
    type_emb = jax.random.normal(ks[4], (TYPE_VOCAB, HIDDEN), dtype=jnp.float32) * 0.02
    pos_emb = jax.random.normal(ks[5], (MAX_POS, HIDDEN), dtype=jnp.float32) * 0.02
    ln_gamma = jnp.ones((HIDDEN,), dtype=jnp.float32)
    ln_beta = jnp.zeros((HIDDEN,), dtype=jnp.float32)
    return {
        'input_ids': input_ids,
        'position_ids': position_ids,
        'token_type_ids': token_type_ids,
        'attention_mask': attention_mask,
        'token_emb': token_emb,
        'type_emb': type_emb,
        'pos_emb': pos_emb,
        'ln_gamma': ln_gamma,
        'ln_beta': ln_beta,
    }


def reference(input_ids, position_ids, token_type_ids, attention_mask,
              token_emb, type_emb, pos_emb, ln_gamma, ln_beta):
    # Embedding lookups (gather)
    words_embeddings = jnp.take(token_emb, input_ids, axis=0)
    token_type_embeddings = jnp.take(type_emb, token_type_ids, axis=0)
    position_embeddings = jnp.take(pos_emb, position_ids, axis=0)
    # Sum of the three embeddings (intended semantics of the module)
    embeddings = words_embeddings + token_type_embeddings + position_embeddings
    # LayerNormalization over the last axis (Keras default: epsilon=1e-3)
    mean = jnp.mean(embeddings, axis=-1, keepdims=True)
    var = jnp.mean(jnp.square(embeddings - mean), axis=-1, keepdims=True)
    normed = (embeddings - mean) * jax.lax.rsqrt(var + LN_EPS)
    out = normed * ln_gamma + ln_beta
    # Dropout is identity at inference
    return out

if __name__ == "__main__":
    import jax
    _d = setup_inputs()
    print(jax.jit(kernel)(*tuple(_d.values())))

</pallas_src>

<mosaic_0001>
#map = affine_map<(d0, d1) -> (0)>
#map1 = affine_map<(d0, d1) -> (0, 0)>
module attributes {stable_mosaic.version = 14 : i64} {
  func.func @_sc_body(%arg0: i32, %arg1: i32, %arg2: memref<524288xi32, #tpu.memory_space<hbm>>, %arg3: memref<100000x128xf32, #tpu.memory_space<hbm>>, %arg4: memref<16x128xf32, #tpu.memory_space<hbm>>, %arg5: memref<512x128xf32, #tpu.memory_space<hbm>>, %arg6: memref<128xf32, #tpu.memory_space<hbm>>, %arg7: memref<128xf32, #tpu.memory_space<hbm>>, %arg8: memref<524288x128xf32, #tpu.memory_space<hbm>>, %arg9: memref<512x128xf32, #tpu.memory_space<vmem>>, %arg10: memref<16x128xf32, #tpu.memory_space<vmem>>, %arg11: memref<128xf32, #tpu.memory_space<vmem>>, %arg12: memref<128xf32, #tpu.memory_space<vmem>>, %arg13: memref<16400xi32, #tpu.memory_space<vmem>>, %arg14: memref<64xi32, #tpu.memory_space<vmem>>, %arg15: memref<64xi32, #tpu.memory_space<vmem>>, %arg16: memref<64x128xf32, #tpu.memory_space<vmem>>, %arg17: memref<64x128xf32, #tpu.memory_space<vmem>>, %arg18: memref<64x128xf32, #tpu.memory_space<vmem>>, %arg19: memref<64x128xf32, #tpu.memory_space<vmem>>, %arg20: memref<!tpu.dma_semaphore, #tpu.memory_space<semaphore_mem>>, %arg21: memref<!tpu.dma_semaphore, #tpu.memory_space<semaphore_mem>>, %arg22: memref<!tpu.dma_semaphore, #tpu.memory_space<semaphore_mem>>, %arg23: memref<!tpu.dma_semaphore, #tpu.memory_space<semaphore_mem>>) attributes {dimension_semantics = [#tpu.dimension_semantics<core_parallel>, #tpu.dimension_semantics<subcore_parallel>], iteration_bounds = array<i64: 2, 16>, scalar_prefetch = 0 : i64, scratch_operands = 15 : i64, tpu.core_type = #tpu.core_type<sc_vector_subcore>, window_params = [{transform_indices = #map}, {transform_indices = #map1}, {transform_indices = #map1}, {transform_indices = #map1}, {transform_indices = #map}, {transform_indices = #map}, {transform_indices = #map1}]} {
    %mul3A = arith.constant 16 : i32
    %mul3A_0 = arith.muli %arg0, %mul3A : i32
    %add3A = arith.addi %mul3A_0, %arg1 : i32
    %mul3A_1 = arith.constant 16384 : i32
    %mul3A_2 = arith.muli %add3A, %mul3A_1 : i32
    "tpu.region"() ({
      %run_scoped3A = tpu.sem_alloc : memref<!tpu.dma_semaphore, #tpu.memory_space<semaphore_mem>>
      tpu.enqueue_dma source(%arg5 : memref<512x128xf32, #tpu.memory_space<hbm>>) target(%arg9 : memref<512x128xf32, #tpu.memory_space<vmem>>) target_semaphore(%run_scoped3A : memref<!tpu.dma_semaphore, #tpu.memory_space<semaphore_mem>>)
      tpu.wait_dma2 semaphore(%run_scoped3A : memref<!tpu.dma_semaphore, #tpu.memory_space<semaphore_mem>>) src(%arg5 : memref<512x128xf32, #tpu.memory_space<hbm>>) dst(%arg9 : memref<512x128xf32, #tpu.memory_space<vmem>>)
      tpu.yield
    }) : () -> ()
    "tpu.region"() ({
      %run_scoped3A = tpu.sem_alloc : memref<!tpu.dma_semaphore, #tpu.memory_space<semaphore_mem>>
      tpu.enqueue_dma source(%arg4 : memref<16x128xf32, #tpu.memory_space<hbm>>) target(%arg10 : memref<16x128xf32, #tpu.memory_space<vmem>>) target_semaphore(%run_scoped3A : memref<!tpu.dma_semaphore, #tpu.memory_space<semaphore_mem>>)
      tpu.wait_dma2 semaphore(%run_scoped3A : memref<!tpu.dma_semaphore, #tpu.memory_space<semaphore_mem>>) src(%arg4 : memref<16x128xf32, #tpu.memory_space<hbm>>) dst(%arg10 : memref<16x128xf32, #tpu.memory_space<vmem>>)
      tpu.yield
    }) : () -> ()
    "tpu.region"() ({
      %run_scoped3A = tpu.sem_alloc : memref<!tpu.dma_semaphore, #tpu.memory_space<semaphore_mem>>
      tpu.enqueue_dma source(%arg6 : memref<128xf32, #tpu.memory_space<hbm>>) target(%arg11 : memref<128xf32, #tpu.memory_space<vmem>>) target_semaphore(%run_scoped3A : memref<!tpu.dma_semaphore, #tpu.memory_space<semaphore_mem>>)
      tpu.wait_dma2 semaphore(%run_scoped3A : memref<!tpu.dma_semaphore, #tpu.memory_space<semaphore_mem>>) src(%arg6 : memref<128xf32, #tpu.memory_space<hbm>>) dst(%arg11 : memref<128xf32, #tpu.memory_space<vmem>>)
      tpu.yield
    }) : () -> ()
    "tpu.region"() ({
      %run_scoped3A = tpu.sem_alloc : memref<!tpu.dma_semaphore, #tpu.memory_space<semaphore_mem>>
      tpu.enqueue_dma source(%arg7 : memref<128xf32, #tpu.memory_space<hbm>>) target(%arg12 : memref<128xf32, #tpu.memory_space<vmem>>) target_semaphore(%run_scoped3A : memref<!tpu.dma_semaphore, #tpu.memory_space<semaphore_mem>>)
      tpu.wait_dma2 semaphore(%run_scoped3A : memref<!tpu.dma_semaphore, #tpu.memory_space<semaphore_mem>>) src(%arg7 : memref<128xf32, #tpu.memory_space<hbm>>) dst(%arg12 : memref<128xf32, #tpu.memory_space<vmem>>)
      tpu.yield
    }) : () -> ()
    "tpu.region"() ({
      %run_scoped3A = tpu.sem_alloc : memref<!tpu.dma_semaphore, #tpu.memory_space<semaphore_mem>>
      %dma_start3A_82 = arith.constant 0 : i32
      %dma_start3A_83 = tpu.memref_slice %arg13[%dma_start3A_82] : memref<16400xi32, #tpu.memory_space<vmem>> -> memref<16384xi32, #tpu.memory_space<vmem>>
      %dma_start3A_84 = tpu.memref_slice %arg2[%mul3A_2] : memref<524288xi32, #tpu.memory_space<hbm>> -> memref<16384xi32, #tpu.memory_space<hbm>>
      %dma_start3A_85 = arith.constant 0 : i32
      %dma_start3A_86 = tpu.memref_slice %arg13[%dma_start3A_85] : memref<16400xi32, #tpu.memory_space<vmem>> -> memref<16384xi32, #tpu.memory_space<vmem>>
      %dma_start3A_87 = tpu.memref_slice %arg2[%mul3A_2] : memref<524288xi32, #tpu.memory_space<hbm>> -> memref<16384xi32, #tpu.memory_space<hbm>>
      tpu.enqueue_dma source(%dma_start3A_87 : memref<16384xi32, #tpu.memory_space<hbm>>) target(%dma_start3A_86 : memref<16384xi32, #tpu.memory_space<vmem>>) target_semaphore(%run_scoped3A : memref<!tpu.dma_semaphore, #tpu.memory_space<semaphore_mem>>)
      %dma_wait3A_88 = arith.constant 0 : i32
      %dma_wait3A_89 = tpu.memref_slice %arg13[%dma_wait3A_88] : memref<16400xi32, #tpu.memory_space<vmem>> -> memref<16384xi32, #tpu.memory_space<vmem>>
      %dma_wait3A_90 = tpu.memref_slice %arg2[%mul3A_2] : memref<524288xi32, #tpu.memory_space<hbm>> -> memref<16384xi32, #tpu.memory_space<hbm>>
      %dma_wait3A_91 = arith.constant 0 : i32
      %dma_wait3A_92 = tpu.memref_slice %arg13[%dma_wait3A_91] : memref<16400xi32, #tpu.memory_space<vmem>> -> memref<16384xi32, #tpu.memory_space<vmem>>
      %dma_wait3A_93 = tpu.memref_slice %arg2[%mul3A_2] : memref<524288xi32, #tpu.memory_space<hbm>> -> memref<16384xi32, #tpu.memory_space<hbm>>
      tpu.wait_dma2 semaphore(%run_scoped3A : memref<!tpu.dma_semaphore, #tpu.memory_space<semaphore_mem>>) src(%dma_wait3A_93 : memref<16384xi32, #tpu.memory_space<hbm>>) dst(%dma_wait3A_92 : memref<16384xi32, #tpu.memory_space<vmem>>)
      tpu.yield
    }) : () -> ()
    %iota3A = tpu.iota {dimensions = array<i32: 0>} : vector<16xi32>
    %get3A = arith.constant 0 : index
    %get3A_3 = tpu.vector_load %arg11[%get3A] {strides = array<i32>} : memref<128xf32, #tpu.memory_space<vmem>>, vector<16xf32>,
    %get3A_4 = arith.constant 16 : index
    %get3A_5 = tpu.vector_load %arg11[%get3A_4] {strides = array<i32>} : memref<128xf32, #tpu.memory_space<vmem>>, vector<16xf32>,
    %get3A_6 = arith.constant 32 : index
    %get3A_7 = tpu.vector_load %arg11[%get3A_6] {strides = array<i32>} : memref<128xf32, #tpu.memory_space<vmem>>, vector<16xf32>,
    %get3A_8 = arith.constant 48 : index
    %get3A_9 = tpu.vector_load %arg11[%get3A_8] {strides = array<i32>} : memref<128xf32, #tpu.memory_space<vmem>>, vector<16xf32>,
    %get3A_10 = arith.constant 64 : index
    %get3A_11 = tpu.vector_load %arg11[%get3A_10] {strides = array<i32>} : memref<128xf32, #tpu.memory_space<vmem>>, vector<16xf32>,
    %get3A_12 = arith.constant 80 : index
    %get3A_13 = tpu.vector_load %arg11[%get3A_12] {strides = array<i32>} : memref<128xf32, #tpu.memory_space<vmem>>, vector<16xf32>,
    %get3A_14 = arith.constant 96 : index
    %get3A_15 = tpu.vector_load %arg11[%get3A_14] {strides = array<i32>} : memref<128xf32, #tpu.memory_space<vmem>>, vector<16xf32>,
    %get3A_16 = arith.constant 112 : index
    %get3A_17 = tpu.vector_load %arg11[%get3A_16] {strides = array<i32>} : memref<128xf32, #tpu.memory_space<vmem>>, vector<16xf32>,
    %get3A_18 = arith.constant 0 : index
    %get3A_19 = tpu.vector_load %arg12[%get3A_18] {strides = array<i32>} : memref<128xf32, #tpu.memory_space<vmem>>, vector<16xf32>,
    %get3A_20 = arith.constant 16 : index
    %get3A_21 = tpu.vector_load %arg12[%get3A_20] {strides = array<i32>} : memref<128xf32, #tpu.memory_space<vmem>>, vector<16xf32>,
    %get3A_22 = arith.constant 32 : index
    %get3A_23 = tpu.vector_load %arg12[%get3A_22] {strides = array<i32>} : memref<128xf32, #tpu.memory_space<vmem>>, vector<16xf32>,
    %get3A_24 = arith.constant 48 : index
    %get3A_25 = tpu.vector_load %arg12[%get3A_24] {strides = array<i32>} : memref<128xf32, #tpu.memory_space<vmem>>, vector<16xf32>,
    %get3A_26 = arith.constant 64 : index
    %get3A_27 = tpu.vector_load %arg12[%get3A_26] {strides = array<i32>} : memref<128xf32, #tpu.memory_space<vmem>>, vector<16xf32>,
    %get3A_28 = arith.constant 80 : index
    %get3A_29 = tpu.vector_load %arg12[%get3A_28] {strides = array<i32>} : memref<128xf32, #tpu.memory_space<vmem>>, vector<16xf32>,
    %get3A_30 = arith.constant 96 : index
    %get3A_31 = tpu.vector_load %arg12[%get3A_30] {strides = array<i32>} : memref<128xf32, #tpu.memory_space<vmem>>, vector<16xf32>,
    %get3A_32 = arith.constant 112 : index
    %get3A_33 = tpu.vector_load %arg12[%get3A_32] {strides = array<i32>} : memref<128xf32, #tpu.memory_space<vmem>>, vector<16xf32>,
    %get3A_34 = arith.constant 0 : index
    %get3A_35 = tpu.vector_load %arg13[%get3A_34] {strides = array<i32>} : memref<16400xi32, #tpu.memory_space<vmem>>, vector<16xi32>,
    %and3A = arith.constant 131071 : i32
    %and3A_36 = vector.broadcast %and3A : i32 to vector<16xi32>
    %and3A_37 = arith.andi %get3A_35, %and3A_36 : vector<16xi32>
    %swap3A = arith.constant 0 : index
    %swap3A_38 = tpu.vector_load %arg14[%swap3A] {strides = array<i32>} : memref<64xi32, #tpu.memory_space<vmem>>, vector<16xi32>,
    tpu.vector_store %arg14[%swap3A], %and3A_37 {strides = array<i32>} : memref<64xi32, #tpu.memory_space<vmem>>, vector<16xi32>,
    %get3A_39 = arith.constant 16 : index
    %get3A_40 = tpu.vector_load %arg13[%get3A_39] {strides = array<i32>} : memref<16400xi32, #tpu.memory_space<vmem>>, vector<16xi32>,
    %and3A_41 = arith.constant 131071 : i32
    %and3A_42 = vector.broadcast %and3A_41 : i32 to vector<16xi32>
    %and3A_43 = arith.andi %get3A_40, %and3A_42 : vector<16xi32>
    %swap3A_44 = arith.constant 16 : index
    %swap3A_45 = tpu.vector_load %arg14[%swap3A_44] {strides = array<i32>} : memref<64xi32, #tpu.memory_space<vmem>>, vector<16xi32>,
    tpu.vector_store %arg14[%swap3A_44], %and3A_43 {strides = array<i32>} : memref<64xi32, #tpu.memory_space<vmem>>, vector<16xi32>,
    %get3A_46 = arith.constant 32 : index
    %get3A_47 = tpu.vector_load %arg13[%get3A_46] {strides = array<i32>} : memref<16400xi32, #tpu.memory_space<vmem>>, vector<16xi32>,
    %and3A_48 = arith.constant 131071 : i32
    %and3A_49 = vector.broadcast %and3A_48 : i32 to vector<16xi32>
    %and3A_50 = arith.andi %get3A_47, %and3A_49 : vector<16xi32>
    %swap3A_51 = arith.constant 32 : index
    %swap3A_52 = tpu.vector_load %arg14[%swap3A_51] {strides = array<i32>} : memref<64xi32, #tpu.memory_space<vmem>>, vector<16xi32>,
    tpu.vector_store %arg14[%swap3A_51], %and3A_50 {strides = array<i32>} : memref<64xi32, #tpu.memory_space<vmem>>, vector<16xi32>,
    %get3A_53 = arith.constant 48 : index
    %get3A_54 = tpu.vector_load %arg13[%get3A_53] {strides = array<i32>} : memref<16400xi32, #tpu.memory_space<vmem>>, vector<16xi32>,
    %and3A_55 = arith.constant 131071 : i32
    %and3A_56 = vector.broadcast %and3A_55 : i32 to vector<16xi32>
    %and3A_57 = arith.andi %get3A_54, %and3A_56 : vector<16xi32>
    %swap3A_58 = arith.constant 48 : index
    %swap3A_59 = tpu.vector_load %arg14[%swap3A_58] {strides = array<i32>} : memref<64xi32, #tpu.memory_space<vmem>>, vector<16xi32>,
    tpu.vector_store %arg14[%swap3A_58], %and3A_57 {strides = array<i32>} : memref<64xi32, #tpu.memory_space<vmem>>, vector<16xi32>,
    %dma_start3A = arith.constant 0 : i32
    %dma_start3A_60 = arith.constant 0 : i32
    %dma_start3A_61 = tpu.memref_slice %arg3[%dma_start3A, %dma_start3A_60] : memref<100000x128xf32, #tpu.memory_space<hbm>> -> memref<100000x128xf32, #tpu.memory_space<hbm>>
    tpu.enqueue_indirect_dma source(%dma_start3A_61 : memref<100000x128xf32, #tpu.memory_space<hbm>>) target(%arg16 : memref<64x128xf32, #tpu.memory_space<vmem>>) offsets(%arg14 : memref<64xi32, #tpu.memory_space<vmem>>) semaphore(%arg20 : memref<!tpu.dma_semaphore, #tpu.memory_space<semaphore_mem>>)
    %scan3A = arith.constant 0 : i32
    %scan3A_62 = arith.constant 131071 : i32
    %scan3A_63 = arith.constant 511 : i32
    %scan3A_64 = arith.constant 7.812500e-03 : f32
    %scan3A_65 = arith.constant 1.000000e-03 : f32
    %scan3A_66 = arith.constant 0 : i32
    %scan3A_67 = arith.constant 128 : i32
    %scan3A_68 = arith.addi %scan3A_66, %scan3A_67 : i32
    %scan3A_69 = arith.constant 1 : i32
    scf.for %scan3A_82 = %scan3A_66 to %scan3A_68 step %scan3A_69  : i32 {
      %mul3A_83 = arith.constant 2 : i32
      %mul3A_84 = arith.muli %mul3A_83, %scan3A_82 : i32
      %mul3A_85 = arith.constant 2 : i32
      %mul3A_86 = arith.muli %mul3A_85, %scan3A_82 : i32
      %add3A_87 = arith.constant 1 : i32
      %add3A_88 = arith.addi %mul3A_86, %add3A_87 : i32
      %mul3A_89 = arith.constant 64 : i32
      %mul3A_90 = arith.muli %add3A_88, %mul3A_89 : i32
      %add3A_91 = arith.constant 0 : i32
      %add3A_92 = arith.addi %mul3A_90, %add3A_91 : i32
      %get3A_93 = arith.index_cast %add3A_92 : i32 to index
      %get3A_94 = tpu.vector_load %arg13[%get3A_93] {strides = array<i32>} : memref<16400xi32, #tpu.memory_space<vmem>>, vector<16xi32>,
      %and3A_95 = vector.broadcast %scan3A_62 : i32 to vector<16xi32>
      %and3A_96 = arith.andi %get3A_94, %and3A_95 : vector<16xi32>
      %swap3A_97 = arith.constant 0 : index
      %swap3A_98 = tpu.vector_load %arg15[%swap3A_97] {strides = array<i32>} : memref<64xi32, #tpu.memory_space<vmem>>, vector<16xi32>,
      tpu.vector_store %arg15[%swap3A_97], %and3A_96 {strides = array<i32>} : memref<64xi32, #tpu.memory_space<vmem>>, vector<16xi32>,
      %add3A_99 = arith.constant 16 : i32
      %add3A_100 = arith.addi %mul3A_90, %add3A_99 : i32
      %get3A_101 = arith.index_cast %add3A_100 : i32 to index
      %get3A_102 = tpu.vector_load %arg13[%get3A_101] {strides = array<i32>} : memref<16400xi32, #tpu.memory_space<vmem>>, vector<16xi32>,
      %and3A_103 = vector.broadcast %scan3A_62 : i32 to vector<16xi32>
      %and3A_104 = arith.andi %get3A_102, %and3A_103 : vector<16xi32>
      %swap3A_105 = arith.constant 16 : index
      %swap3A_106 = tpu.vector_load %arg15[%swap3A_105] {strides = array<i32>} : memref<64xi32, #tpu.memory_space<vmem>>, vector<16xi32>,
      tpu.vector_store %arg15[%swap3A_105], %and3A_104 {strides = array<i32>} : memref<64xi32, #tpu.memory_space<vmem>>, vector<16xi32>,
      %add3A_107 = arith.constant 32 : i32
      %add3A_108 = arith.addi %mul3A_90, %add3A_107 : i32
      %get3A_109 = arith.index_cast %add3A_108 : i32 to index
      %get3A_110 = tpu.vector_load %arg13[%get3A_109] {strides = array<i32>} : memref<16400xi32, #tpu.memory_space<vmem>>, vector<16xi32>,
      %and3A_111 = vector.broadcast %scan3A_62 : i32 to vector<16xi32>
      %and3A_112 = arith.andi %get3A_110, %and3A_111 : vector<16xi32>
      %swap3A_113 = arith.constant 32 : index
      %swap3A_114 = tpu.vector_load %arg15[%swap3A_113] {strides = array<i32>} : memref<64xi32, #tpu.memory_space<vmem>>, vector<16xi32>,
      tpu.vector_store %arg15[%swap3A_113], %and3A_112 {strides = array<i32>} : memref<64xi32, #tpu.memory_space<vmem>>, vector<16xi32>,
      %add3A_115 = arith.constant 48 : i32
      %add3A_116 = arith.addi %mul3A_90, %add3A_115 : i32
      %get3A_117 = arith.index_cast %add3A_116 : i32 to index
      %get3A_118 = tpu.vector_load %arg13[%get3A_117] {strides = array<i32>} : memref<16400xi32, #tpu.memory_space<vmem>>, vector<16xi32>,
      %and3A_119 = vector.broadcast %scan3A_62 : i32 to vector<16xi32>
      %and3A_120 = arith.andi %get3A_118, %and3A_119 : vector<16xi32>
      %swap3A_121 = arith.constant 48 : index
      %swap3A_122 = tpu.vector_load %arg15[%swap3A_121] {strides = array<i32>} : memref<64xi32, #tpu.memory_space<vmem>>, vector<16xi32>,
      tpu.vector_store %arg15[%swap3A_121], %and3A_120 {strides = array<i32>} : memref<64xi32, #tpu.memory_space<vmem>>, vector<16xi32>,
      %dma_start3A_123 = arith.constant 0 : i32
      %dma_start3A_124 = arith.constant 0 : i32
      %dma_start3A_125 = tpu.memref_slice %arg3[%dma_start3A_123, %dma_start3A_124] : memref<100000x128xf32, #tpu.memory_space<hbm>> -> memref<100000x128xf32, #tpu.memory_space<hbm>>
      tpu.enqueue_indirect_dma source(%dma_start3A_125 : memref<100000x128xf32, #tpu.memory_space<hbm>>) target(%arg17 : memref<64x128xf32, #tpu.memory_space<vmem>>) offsets(%arg15 : memref<64xi32, #tpu.memory_space<vmem>>) semaphore(%arg21 : memref<!tpu.dma_semaphore, #tpu.memory_space<semaphore_mem>>)
      %dma_wait3A_126 = arith.constant 0 : i32
      %dma_wait3A_127 = arith.constant 0 : i32
      %dma_wait3A_128 = tpu.memref_slice %arg3[%dma_wait3A_126, %dma_wait3A_127] : memref<100000x128xf32, #tpu.memory_space<hbm>> -> memref<100000x128xf32, #tpu.memory_space<hbm>>
      tpu.wait_indirect_dma semaphore(%arg20 : memref<!tpu.dma_semaphore, #tpu.memory_space<semaphore_mem>>) src(%dma_wait3A_128 : memref<100000x128xf32, #tpu.memory_space<hbm>>) dst(%arg16 : memref<64x128xf32, #tpu.memory_space<vmem>>)
      %gt3A = arith.constant 0 : i32
      %gt3A_129 = arith.cmpi sgt, %scan3A_82, %gt3A : i32
      %convert_element_type3A = arith.extui %gt3A_129 : i1 to i32
      %cond3A = arith.constant 0 : i32
      %cond3A_130 = arith.cmpi ne, %convert_element_type3A, %cond3A : i32
      scf.if %cond3A_130 {
        %mul3A_175 = arith.constant 64 : i32
        %mul3A_176 = arith.muli %mul3A_84, %mul3A_175 : i32
        %add3A_177 = arith.addi %mul3A_2, %mul3A_176 : i32
        %dma_wait3A_178 = arith.constant 0 : i32
        %dma_wait3A_179 = tpu.memref_slice %arg8[%add3A_177, %dma_wait3A_178] : memref<524288x128xf32, #tpu.memory_space<hbm>> -> memref<64x128xf32, #tpu.memory_space<hbm>>
        %dma_wait3A_180 = arith.constant 0 : i32
        %dma_wait3A_181 = tpu.memref_slice %arg8[%add3A_177, %dma_wait3A_180] : memref<524288x128xf32, #tpu.memory_space<hbm>> -> memref<64x128xf32, #tpu.memory_space<hbm>>
        tpu.wait_dma2 semaphore(%arg22 : memref<!tpu.dma_semaphore, #tpu.memory_space<semaphore_mem>>) src(%arg18 : memref<64x128xf32, #tpu.memory_space<vmem>>) dst(%dma_wait3A_181 : memref<64x128xf32, #tpu.memory_space<hbm>>)
      } else {
      }
      %mul3A_131 = arith.constant 64 : i32
      %mul3A_132 = arith.muli %mul3A_84, %mul3A_131 : i32
      %scan3A_133 = arith.constant 0 : i32
      %scan3A_134 = arith.constant 0 : i32
      %scan3A_135 = arith.constant 8 : i32
      %scan3A_136 = arith.addi %scan3A_134, %scan3A_135 : i32
      %scan3A_137 = arith.constant 1 : i32
      scf.for %scan3A_175 = %scan3A_134 to %scan3A_136 step %scan3A_137  : i32 {
        %mul3A_176 = arith.constant 8 : i32
        %mul3A_177 = arith.muli %scan3A_175, %mul3A_176 : i32
        %add3A_178 = arith.addi %mul3A_132, %mul3A_177 : i32
        %get3A_179 = arith.index_cast %add3A_178 : i32 to index
        %get3A_180 = tpu.vector_load %arg13[%get3A_179] {strides = array<i32>} : memref<16400xi32, #tpu.memory_space<vmem>>, vector<16xi32>,
        %slice3A = vector.extract_strided_slice %get3A_180 {offsets = [0], sizes = [1], strides = [1]} : vector<16xi32> to vector<1xi32>
        %squeeze3A = vector.extract %slice3A[0] : i32 from vector<1xi32>
        %shift_right_logical3A = arith.constant 17 : i32
        %shift_right_logical3A_181 = arith.shrui %squeeze3A, %shift_right_logical3A : i32
        %and3A_182 = arith.andi %shift_right_logical3A_181, %scan3A_63 : i32
        %shift_right_logical3A_183 = arith.constant 26 : i32
        %shift_right_logical3A_184 = arith.shrui %squeeze3A, %shift_right_logical3A_183 : i32
        %mul3A_185 = arith.constant 8 : i32
        %mul3A_186 = arith.muli %scan3A_175, %mul3A_185 : i32
        %add3A_187 = arith.constant 0 : i32
        %add3A_188 = arith.addi %mul3A_186, %add3A_187 : i32
        %get3A_189 = arith.index_cast %add3A_188 : i32 to index
        %get3A_190 = arith.constant 0 : index
        %get3A_191 = tpu.vector_load %arg16[%get3A_189, %get3A_190] {strides = array<i32>} : memref<64x128xf32, #tpu.memory_space<vmem>>, vector<16xf32>,
        %get3A_192 = arith.index_cast %and3A_182 : i32 to index
        %get3A_193 = arith.constant 0 : index
        %get3A_194 = tpu.vector_load %arg9[%get3A_192, %get3A_193] {strides = array<i32>} : memref<512x128xf32, #tpu.memory_space<vmem>>, vector<16xf32>,
        %add3A_195 = arith.addf %get3A_191, %get3A_194 : vector<16xf32>
        %get3A_196 = arith.index_cast %shift_right_logical3A_184 : i32 to index
        %get3A_197 = arith.constant 0 : index
        %get3A_198 = tpu.vector_load %arg10[%get3A_196, %get3A_197] {strides = array<i32>} : memref<16x128xf32, #tpu.memory_space<vmem>>, vector<16xf32>,
        %add3A_199 = arith.addf %add3A_195, %get3A_198 : vector<16xf32>
        %mul3A_200 = arith.mulf %add3A_199, %add3A_199 : vector<16xf32>
        %get3A_201 = arith.index_cast %add3A_188 : i32 to index
        %get3A_202 = arith.constant 16 : index
        %get3A_203 = tpu.vector_load %arg16[%get3A_201, %get3A_202] {strides = array<i32>} : memref<64x128xf32, #tpu.memory_space<vmem>>, vector<16xf32>,
        %get3A_204 = arith.index_cast %and3A_182 : i32 to index
        %get3A_205 = arith.constant 16 : index
        %get3A_206 = tpu.vector_load %arg9[%get3A_204, %get3A_205] {strides = array<i32>} : memref<512x128xf32, #tpu.memory_space<vmem>>, vector<16xf32>,
        %add3A_207 = arith.addf %get3A_203, %get3A_206 : vector<16xf32>
        %get3A_208 = arith.index_cast %shift_right_logical3A_184 : i32 to index
        %get3A_209 = arith.constant 16 : index
        %get3A_210 = tpu.vector_load %arg10[%get3A_208, %get3A_209] {strides = array<i32>} : memref<16x128xf32, #tpu.memory_space<vmem>>, vector<16xf32>,
        %add3A_211 = arith.addf %add3A_207, %get3A_210 : vector<16xf32>
        %add3A_212 = arith.addf %add3A_199, %add3A_211 : vector<16xf32>
        %mul3A_213 = arith.mulf %add3A_211, %add3A_211 : vector<16xf32>
        %add3A_214 = arith.addf %mul3A_200, %mul3A_213 : vector<16xf32>
        %get3A_215 = arith.index_cast %add3A_188 : i32 to index
        %get3A_216 = arith.constant 32 : index
        %get3A_217 = tpu.vector_load %arg16[%get3A_215, %get3A_216] {strides = array<i32>} : memref<64x128xf32, #tpu.memory_space<vmem>>, vector<16xf32>,
        %get3A_218 = arith.index_cast %and3A_182 : i32 to index
        %get3A_219 = arith.constant 32 : index
        %get3A_220 = tpu.vector_load %arg9[%get3A_218, %get3A_219] {strides = array<i32>} : memref<512x128xf32, #tpu.memory_space<vmem>>, vector<16xf32>,
        %add3A_221 = arith.addf %get3A_217, %get3A_220 : vector<16xf32>
        %get3A_222 = arith.index_cast %shift_right_logical3A_184 : i32 to index
        %get3A_223 = arith.constant 32 : index
        %get3A_224 = tpu.vector_load %arg10[%get3A_222, %get3A_223] {strides = array<i32>} : memref<16x128xf32, #tpu.memory_space<vmem>>, vector<16xf32>,
        %add3A_225 = arith.addf %add3A_221, %get3A_224 : vector<16xf32>
        %add3A_226 = arith.addf %add3A_212, %add3A_225 : vector<16xf32>
        %mul3A_227 = arith.mulf %add3A_225, %add3A_225 : vector<16xf32>
        %add3A_228 = arith.addf %add3A_214, %mul3A_227 : vector<16xf32>
        %get3A_229 = arith.index_cast %add3A_188 : i32 to index
        %get3A_230 = arith.constant 48 : index
        %get3A_231 = tpu.vector_load %arg16[%get3A_229, %get3A_230] {strides = array<i32>} : memref<64x128xf32, #tpu.memory_space<vmem>>, vector<16xf32>,
        %get3A_232 = arith.index_cast %and3A_182 : i32 to index
        %get3A_233 = arith.constant 48 : index
        %get3A_234 = tpu.vector_load %arg9[%get3A_232, %get3A_233] {strides = array<i32>} : memref<512x128xf32, #tpu.memory_space<vmem>>, vector<16xf32>,
        %add3A_235 = arith.addf %get3A_231, %get3A_234 : vector<16xf32>
        %get3A_236 = arith.index_cast %shift_right_logical3A_184 : i32 to index
        %get3A_237 = arith.constant 48 : index
        %get3A_238 = tpu.vector_load %arg10[%get3A_236, %get3A_237] {strides = array<i32>} : memref<16x128xf32, #tpu.memory_space<vmem>>, vector<16xf32>,
        %add3A_239 = arith.addf %add3A_235, %get3A_238 : vector<16xf32>
        %add3A_240 = arith.addf %add3A_226, %add3A_239 : vector<16xf32>
        %mul3A_241 = arith.mulf %add3A_239, %add3A_239 : vector<16xf32>
        %add3A_242 = arith.addf %add3A_228, %mul3A_241 : vector<16xf32>
        %get3A_243 = arith.index_cast %add3A_188 : i32 to index
        %get3A_244 = arith.constant 64 : index
        %get3A_245 = tpu.vector_load %arg16[%get3A_243, %get3A_244] {strides = array<i32>} : memref<64x128xf32, #tpu.memory_space<vmem>>, vector<16xf32>,
        %get3A_246 = arith.index_cast %and3A_182 : i32 to index
        %get3A_247 = arith.constant 64 : index
        %get3A_248 = tpu.vector_load %arg9[%get3A_246, %get3A_247] {strides = array<i32>} : memref<512x128xf32, #tpu.memory_space<vmem>>, vector<16xf32>,
        %add3A_249 = arith.addf %get3A_245, %get3A_248 : vector<16xf32>
        %get3A_250 = arith.index_cast %shift_right_logical3A_184 : i32 to index
        %get3A_251 = arith.constant 64 : index
        %get3A_252 = tpu.vector_load %arg10[%get3A_250, %get3A_251] {strides = array<i32>} : memref<16x128xf32, #tpu.memory_space<vmem>>, vector<16xf32>,
        %add3A_253 = arith.addf %add3A_249, %get3A_252 : vector<16xf32>
        %add3A_254 = arith.addf %add3A_240, %add3A_253 : vector<16xf32>
        %mul3A_255 = arith.mulf %add3A_253, %add3A_253 : vector<16xf32>
        %add3A_256 = arith.addf %add3A_242, %mul3A_255 : vector<16xf32>
        %get3A_257 = arith.index_cast %add3A_188 : i32 to index
        %get3A_258 = arith.constant 80 : index
        %get3A_259 = tpu.vector_load %arg16[%get3A_257, %get3A_258] {strides = array<i32>} : memref<64x128xf32, #tpu.memory_space<vmem>>, vector<16xf32>,
        %get3A_260 = arith.index_cast %and3A_182 : i32 to index
        %get3A_261 = arith.constant 80 : index
        %get3A_262 = tpu.vector_load %arg9[%get3A_260, %get3A_261] {strides = array<i32>} : memref<512x128xf32, #tpu.memory_space<vmem>>, vector<16xf32>,
        %add3A_263 = arith.addf %get3A_259, %get3A_262 : vector<16xf32>
        %get3A_264 = arith.index_cast %shift_right_logical3A_184 : i32 to index
        %get3A_265 = arith.constant 80 : index
        %get3A_266 = tpu.vector_load %arg10[%get3A_264, %get3A_265] {strides = array<i32>} : memref<16x128xf32, #tpu.memory_space<vmem>>, vector<16xf32>,
        %add3A_267 = arith.addf %add3A_263, %get3A_266 : vector<16xf32>
        %add3A_268 = arith.addf %add3A_254, %add3A_267 : vector<16xf32>
        %mul3A_269 = arith.mulf %add3A_267, %add3A_267 : vector<16xf32>
        %add3A_270 = arith.addf %add3A_256, %mul3A_269 : vector<16xf32>
        %get3A_271 = arith.index_cast %add3A_188 : i32 to index
        %get3A_272 = arith.constant 96 : index
        %get3A_273 = tpu.vector_load %arg16[%get3A_271, %get3A_272] {strides = array<i32>} : memref<64x128xf32, #tpu.memory_space<vmem>>, vector<16xf32>,
        %get3A_274 = arith.index_cast %and3A_182 : i32 to index
        %get3A_275 = arith.constant 96 : index
        %get3A_276 = tpu.vector_load %arg9[%get3A_274, %get3A_275] {strides = array<i32>} : memref<512x128xf32, #tpu.memory_space<vmem>>, vector<16xf32>,
        %add3A_277 = arith.addf %get3A_273, %get3A_276 : vector<16xf32>
        %get3A_278 = arith.index_cast %shift_right_logical3A_184 : i32 to index
        %get3A_279 = arith.constant 96 : index
        %get3A_280 = tpu.vector_load %arg10[%get3A_278, %get3A_279] {strides = array<i32>} : memref<16x128xf32, #tpu.memory_space<vmem>>, vector<16xf32>,
        %add3A_281 = arith.addf %add3A_277, %get3A_280 : vector<16xf32>
        %add3A_282 = arith.addf %add3A_268, %add3A_281 : vector<16xf32>
        %mul3A_283 = arith.mulf %add3A_281, %add3A_281 : vector<16xf32>
        %add3A_284 = arith.addf %add3A_270, %mul3A_283 : vector<16xf32>
        %get3A_285 = arith.index_cast %add3A_188 : i32 to index
        %get3A_286 = arith.constant 112 : index
        %get3A_287 = tpu.vector_load %arg16[%get3A_285, %get3A_286] {strides = array<i32>} : memref<64x128xf32, #tpu.memory_space<vmem>>, vector<16xf32>,
        %get3A_288 = arith.index_cast %and3A_182 : i32 to index
        %get3A_289 = arith.constant 112 : index
        %get3A_290 = tpu.vector_load %arg9[%get3A_288, %get3A_289] {strides = array<i32>} : memref<512x128xf32, #tpu.memory_space<vmem>>, vector<16xf32>,
        %add3A_291 = arith.addf %get3A_287, %get3A_290 : vector<16xf32>
        %get3A_292 = arith.index_cast %shift_right_logical3A_184 : i32 to index
        %get3A_293 = arith.constant 112 : index
        %get3A_294 = tpu.vector_load %arg10[%get3A_292, %get3A_293] {strides = array<i32>} : memref<16x128xf32, #tpu.memory_space<vmem>>, vector<16xf32>,
        %add3A_295 = arith.addf %add3A_291, %get3A_294 : vector<16xf32>
        %add3A_296 = arith.addf %add3A_282, %add3A_295 : vector<16xf32>
        %mul3A_297 = arith.mulf %add3A_295, %add3A_295 : vector<16xf32>
        %add3A_298 = arith.addf %add3A_284, %mul3A_297 : vector<16xf32>
        %reduce_sum3A = arith.constant true
        %reduce_sum3A_299 = vector.broadcast %reduce_sum3A : i1 to vector<16xi1>
        %reduce_sum3A_300 = tpu.scan <sum>, %add3A_296 masked %reduce_sum3A_299 : vector<16xf32>, vector<16xi1> -> vector<16xf32>
        %reduce_sum3A_301 = vector.extract %reduce_sum3A_300[15] : f32 from vector<16xf32>
        %reduce_sum3A_302 = arith.constant true
        %reduce_sum3A_303 = vector.broadcast %reduce_sum3A_302 : i1 to vector<16xi1>
        %reduce_sum3A_304 = tpu.scan <sum>, %add3A_298 masked %reduce_sum3A_303 : vector<16xf32>, vector<16xi1> -> vector<16xf32>
        %reduce_sum3A_305 = vector.extract %reduce_sum3A_304[15] : f32 from vector<16xf32>
        %mul3A_306 = arith.mulf %reduce_sum3A_301, %scan3A_64 : f32
        %mul3A_307 = arith.mulf %reduce_sum3A_305, %scan3A_64 : f32
        %mul3A_308 = arith.mulf %mul3A_306, %mul3A_306 : f32
        %sub3A = arith.subf %mul3A_307, %mul3A_308 : f32
        %add3A_309 = arith.addf %sub3A, %scan3A_65 : f32
        %bitcast_convert_type3A = arith.bitcast %add3A_309 : f32 to i32
        %shift_right_arithmetic3A = arith.constant 1 : i32
        %shift_right_arithmetic3A_310 = arith.shrsi %bitcast_convert_type3A, %shift_right_arithmetic3A : i32
        %sub3A_311 = arith.constant 1597463007 : i32
        %sub3A_312 = arith.subi %sub3A_311, %shift_right_arithmetic3A_310 : i32
        %bitcast_convert_type3A_313 = arith.bitcast %sub3A_312 : i32 to f32
        %mul3A_314 = arith.constant 5.000000e-01 : f32
        %mul3A_315 = arith.mulf %mul3A_314, %add3A_309 : f32
        %mul3A_316 = arith.mulf %mul3A_315, %bitcast_convert_type3A_313 : f32
        %mul3A_317 = arith.mulf %mul3A_316, %bitcast_convert_type3A_313 : f32
        %sub3A_318 = arith.constant 1.500000e+00 : f32
        %sub3A_319 = arith.subf %sub3A_318, %mul3A_317 : f32
        %mul3A_320 = arith.mulf %bitcast_convert_type3A_313, %sub3A_319 : f32
        %mul3A_321 = arith.mulf %mul3A_315, %mul3A_320 : f32
        %mul3A_322 = arith.mulf %mul3A_321, %mul3A_320 : f32
        %sub3A_323 = arith.constant 1.500000e+00 : f32
        %sub3A_324 = arith.subf %sub3A_323, %mul3A_322 : f32
        %mul3A_325 = arith.mulf %mul3A_320, %sub3A_324 : f32
        %mul3A_326 = arith.mulf %mul3A_315, %mul3A_325 : f32
        %mul3A_327 = arith.mulf %mul3A_326, %mul3A_325 : f32
        %sub3A_328 = arith.constant 1.500000e+00 : f32
        %sub3A_329 = arith.subf %sub3A_328, %mul3A_327 : f32
        %mul3A_330 = arith.mulf %mul3A_325, %sub3A_329 : f32
        %neg3A = arith.constant 0.000000e+00 : f32
        %neg3A_331 = arith.subf %neg3A, %mul3A_306 : f32
        %mul3A_332 = arith.mulf %neg3A_331, %mul3A_330 : f32
        %mul3A_333 = vector.broadcast %mul3A_330 : f32 to vector<16xf32>
        %mul3A_334 = arith.mulf %add3A_199, %mul3A_333 : vector<16xf32>
        %add3A_335 = vector.broadcast %mul3A_332 : f32 to vector<16xf32>
        %add3A_336 = arith.addf %mul3A_334, %add3A_335 : vector<16xf32>
        %mul3A_337 = arith.mulf %add3A_336, %get3A_3 : vector<16xf32>
        %add3A_338 = arith.addf %mul3A_337, %get3A_19 : vector<16xf32>
        %swap3A_339 = arith.index_cast %add3A_188 : i32 to index
        %swap3A_340 = arith.constant 0 : index
        %swap3A_341 = tpu.vector_load %arg18[%swap3A_339, %swap3A_340] {strides = array<i32>} : memref<64x128xf32, #tpu.memory_space<vmem>>, vector<16xf32>,
        tpu.vector_store %arg18[%swap3A_339, %swap3A_340], %add3A_338 {strides = array<i32>} : memref<64x128xf32, #tpu.memory_space<vmem>>, vector<16xf32>,
        %mul3A_342 = vector.broadcast %mul3A_330 : f32 to vector<16xf32>
        %mul3A_343 = arith.mulf %add3A_211, %mul3A_342 : vector<16xf32>
        %add3A_344 = vector.broadcast %mul3A_332 : f32 to vector<16xf32>
        %add3A_345 = arith.addf %mul3A_343, %add3A_344 : vector<16xf32>
        %mul3A_346 = arith.mulf %add3A_345, %get3A_5 : vector<16xf32>
        %add3A_347 = arith.addf %mul3A_346, %get3A_21 : vector<16xf32>
        %swap3A_348 = arith.index_cast %add3A_188 : i32 to index
        %swap3A_349 = arith.constant 16 : index
        %swap3A_350 = tpu.vector_load %arg18[%swap3A_348, %swap3A_349] {strides = array<i32>} : memref<64x128xf32, #tpu.memory_space<vmem>>, vector<16xf32>,
        tpu.vector_store %arg18[%swap3A_348, %swap3A_349], %add3A_347 {strides = array<i32>} : memref<64x128xf32, #tpu.memory_space<vmem>>, vector<16xf32>,
        %mul3A_351 = vector.broadcast %mul3A_330 : f32 to vector<16xf32>
        %mul3A_352 = arith.mulf %add3A_225, %mul3A_351 : vector<16xf32>
        %add3A_353 = vector.broadcast %mul3A_332 : f32 to vector<16xf32>
        %add3A_354 = arith.addf %mul3A_352, %add3A_353 : vector<16xf32>
        %mul3A_355 = arith.mulf %add3A_354, %get3A_7 : vector<16xf32>
        %add3A_356 = arith.addf %mul3A_355, %get3A_23 : vector<16xf32>
        %swap3A_357 = arith.index_cast %add3A_188 : i32 to index
        %swap3A_358 = arith.constant 32 : index
        %swap3A_359 = tpu.vector_load %arg18[%swap3A_357, %swap3A_358] {strides = array<i32>} : memref<64x128xf32, #tpu.memory_space<vmem>>, vector<16xf32>,
        tpu.vector_store %arg18[%swap3A_357, %swap3A_358], %add3A_356 {strides = array<i32>} : memref<64x128xf32, #tpu.memory_space<vmem>>, vector<16xf32>,
        %mul3A_360 = vector.broadcast %mul3A_330 : f32 to vector<16xf32>
        %mul3A_361 = arith.mulf %add3A_239, %mul3A_360 : vector<16xf32>
        %add3A_362 = vector.broadcast %mul3A_332 : f32 to vector<16xf32>
        %add3A_363 = arith.addf %mul3A_361, %add3A_362 : vector<16xf32>
        %mul3A_364 = arith.mulf %add3A_363, %get3A_9 : vector<16xf32>
        %add3A_365 = arith.addf %mul3A_364, %get3A_25 : vector<16xf32>
        %swap3A_366 = arith.index_cast %add3A_188 : i32 to index
        %swap3A_367 = arith.constant 48 : index
        %swap3A_368 = tpu.vector_load %arg18[%swap3A_366, %swap3A_367] {strides = array<i32>} : memref<64x128xf32, #tpu.memory_space<vmem>>, vector<16xf32>,
        tpu.vector_store %arg18[%swap3A_366, %swap3A_367], %add3A_365 {strides = array<i32>} : memref<64x128xf32, #tpu.memory_space<vmem>>, vector<16xf32>,
        %mul3A_369 = vector.broadcast %mul3A_330 : f32 to vector<16xf32>
        %mul3A_370 = arith.mulf %add3A_253, %mul3A_369 : vector<16xf32>
        %add3A_371 = vector.broadcast %mul3A_332 : f32 to vector<16xf32>
        %add3A_372 = arith.addf %mul3A_370, %add3A_371 : vector<16xf32>
        %mul3A_373 = arith.mulf %add3A_372, %get3A_11 : vector<16xf32>
        %add3A_374 = arith.addf %mul3A_373, %get3A_27 : vector<16xf32>
        %swap3A_375 = arith.index_cast %add3A_188 : i32 to index
        %swap3A_376 = arith.constant 64 : index
        %swap3A_377 = tpu.vector_load %arg18[%swap3A_375, %swap3A_376] {strides = array<i32>} : memref<64x128xf32, #tpu.memory_space<vmem>>, vector<16xf32>,
        tpu.vector_store %arg18[%swap3A_375, %swap3A_376], %add3A_374 {strides = array<i32>} : memref<64x128xf32, #tpu.memory_space<vmem>>, vector<16xf32>,
        %mul3A_378 = vector.broadcast %mul3A_330 : f32 to vector<16xf32>
        %mul3A_379 = arith.mulf %add3A_267, %mul3A_378 : vector<16xf32>
        %add3A_380 = vector.broadcast %mul3A_332 : f32 to vector<16xf32>
        %add3A_381 = arith.addf %mul3A_379, %add3A_380 : vector<16xf32>
        %mul3A_382 = arith.mulf %add3A_381, %get3A_13 : vector<16xf32>
        %add3A_383 = arith.addf %mul3A_382, %get3A_29 : vector<16xf32>
        %swap3A_384 = arith.index_cast %add3A_188 : i32 to index
        %swap3A_385 = arith.constant 80 : index
        %swap3A_386 = tpu.vector_load %arg18[%swap3A_384, %swap3A_385] {strides = array<i32>} : memref<64x128xf32, #tpu.memory_space<vmem>>, vector<16xf32>,
        tpu.vector_store %arg18[%swap3A_384, %swap3A_385], %add3A_383 {strides = array<i32>} : memref<64x128xf32, #tpu.memory_space<vmem>>, vector<16xf32>,
        %mul3A_387 = vector.broadcast %mul3A_330 : f32 to vector<16xf32>
        %mul3A_388 = arith.mulf %add3A_281, %mul3A_387 : vector<16xf32>
        %add3A_389 = vector.broadcast %mul3A_332 : f32 to vector<16xf32>
        %add3A_390 = arith.addf %mul3A_388, %add3A_389 : vector<16xf32>
        %mul3A_391 = arith.mulf %add3A_390, %get3A_15 : vector<16xf32>
        %add3A_392 = arith.addf %mul3A_391, %get3A_31 : vector<16xf32>
        %swap3A_393 = arith.index_cast %add3A_188 : i32 to index
        %swap3A_394 = arith.constant 96 : index
        %swap3A_395 = tpu.vector_load %arg18[%swap3A_393, %swap3A_394] {strides = array<i32>} : memref<64x128xf32, #tpu.memory_space<vmem>>, vector<16xf32>,
        tpu.vector_store %arg18[%swap3A_393, %swap3A_394], %add3A_392 {strides = array<i32>} : memref<64x128xf32, #tpu.memory_space<vmem>>, vector<16xf32>,
        %mul3A_396 = vector.broadcast %mul3A_330 : f32 to vector<16xf32>
        %mul3A_397 = arith.mulf %add3A_295, %mul3A_396 : vector<16xf32>
        %add3A_398 = vector.broadcast %mul3A_332 : f32 to vector<16xf32>
        %add3A_399 = arith.addf %mul3A_397, %add3A_398 : vector<16xf32>
        %mul3A_400 = arith.mulf %add3A_399, %get3A_17 : vector<16xf32>
        %add3A_401 = arith.addf %mul3A_400, %get3A_33 : vector<16xf32>
        %swap3A_402 = arith.index_cast %add3A_188 : i32 to index
        %swap3A_403 = arith.constant 112 : index
        %swap3A_404 = tpu.vector_load %arg18[%swap3A_402, %swap3A_403] {strides = array<i32>} : memref<64x128xf32, #tpu.memory_space<vmem>>, vector<16xf32>,
        tpu.vector_store %arg18[%swap3A_402, %swap3A_403], %add3A_401 {strides = array<i32>} : memref<64x128xf32, #tpu.memory_space<vmem>>, vector<16xf32>,
        %slice3A_405 = vector.extract_strided_slice %get3A_180 {offsets = [1], sizes = [1], strides = [1]} : vector<16xi32> to vector<1xi32>
        %squeeze3A_406 = vector.extract %slice3A_405[0] : i32 from vector<1xi32>
        %shift_right_logical3A_407 = arith.constant 17 : i32
        %shift_right_logical3A_408 = arith.shrui %squeeze3A_406, %shift_right_logical3A_407 : i32
        %and3A_409 = arith.andi %shift_right_logical3A_408, %scan3A_63 : i32
        %shift_right_logical3A_410 = arith.constant 26 : i32
        %shift_right_logical3A_411 = arith.shrui %squeeze3A_406, %shift_right_logical3A_410 : i32
        %mul3A_412 = arith.constant 8 : i32
        %mul3A_413 = arith.muli %scan3A_175, %mul3A_412 : i32
        %add3A_414 = arith.constant 1 : i32
        %add3A_415 = arith.addi %mul3A_413, %add3A_414 : i32
        %get3A_416 = arith.index_cast %add3A_415 : i32 to index
        %get3A_417 = arith.constant 0 : index
        %get3A_418 = tpu.vector_load %arg16[%get3A_416, %get3A_417] {strides = array<i32>} : memref<64x128xf32, #tpu.memory_space<vmem>>, vector<16xf32>,
        %get3A_419 = arith.index_cast %and3A_409 : i32 to index
        %get3A_420 = arith.constant 0 : index
        %get3A_421 = tpu.vector_load %arg9[%get3A_419, %get3A_420] {strides = array<i32>} : memref<512x128xf32, #tpu.memory_space<vmem>>, vector<16xf32>,
        %add3A_422 = arith.addf %get3A_418, %get3A_421 : vector<16xf32>
        %get3A_423 = arith.index_cast %shift_right_logical3A_411 : i32 to index
        %get3A_424 = arith.constant 0 : index
        %get3A_425 = tpu.vector_load %arg10[%get3A_423, %get3A_424] {strides = array<i32>} : memref<16x128xf32, #tpu.memory_space<vmem>>, vector<16xf32>,
        %add3A_426 = arith.addf %add3A_422, %get3A_425 : vector<16xf32>
        %mul3A_427 = arith.mulf %add3A_426, %add3A_426 : vector<16xf32>
        %get3A_428 = arith.index_cast %add3A_415 : i32 to index
        %get3A_429 = arith.constant 16 : index
        %get3A_430 = tpu.vector_load %arg16[%get3A_428, %get3A_429] {strides = array<i32>} : memref<64x128xf32, #tpu.memory_space<vmem>>, vector<16xf32>,
        %get3A_431 = arith.index_cast %and3A_409 : i32 to index
        %get3A_432 = arith.constant 16 : index
        %get3A_433 = tpu.vector_load %arg9[%get3A_431, %get3A_432] {strides = array<i32>} : memref<512x128xf32, #tpu.memory_space<vmem>>, vector<16xf32>,
        %add3A_434 = arith.addf %get3A_430, %get3A_433 : vector<16xf32>
        %get3A_435 = arith.index_cast %shift_right_logical3A_411 : i32 to index
        %get3A_436 = arith.constant 16 : index
        %get3A_437 = tpu.vector_load %arg10[%get3A_435, %get3A_436] {strides = array<i32>} : memref<16x128xf32, #tpu.memory_space<vmem>>, vector<16xf32>,
        %add3A_438 = arith.addf %add3A_434, %get3A_437 : vector<16xf32>
        %add3A_439 = arith.addf %add3A_426, %add3A_438 : vector<16xf32>
        %mul3A_440 = arith.mulf %add3A_438, %add3A_438 : vector<16xf32>
        %add3A_441 = arith.addf %mul3A_427, %mul3A_440 : vector<16xf32>
        %get3A_442 = arith.index_cast %add3A_415 : i32 to index
        %get3A_443 = arith.constant 32 : index
        %get3A_444 = tpu.vector_load %arg16[%get3A_442, %get3A_443] {strides = array<i32>} : memref<64x128xf32, #tpu.memory_space<vmem>>, vector<16xf32>,
        %get3A_445 = arith.index_cast %and3A_409 : i32 to index
        %get3A_446 = arith.constant 32 : index
        %get3A_447 = tpu.vector_load %arg9[%get3A_445, %get3A_446] {strides = array<i32>} : memref<512x128xf32, #tpu.memory_space<vmem>>, vector<16xf32>,
        %add3A_448 = arith.addf %get3A_444, %get3A_447 : vector<16xf32>
        %get3A_449 = arith.index_cast %shift_right_logical3A_411 : i32 to index
        %get3A_450 = arith.constant 32 : index
        %get3A_451 = tpu.vector_load %arg10[%get3A_449, %get3A_450] {strides = array<i32>} : memref<16x128xf32, #tpu.memory_space<vmem>>, vector<16xf32>,
        %add3A_452 = arith.addf %add3A_448, %get3A_451 : vector<16xf32>
        %add3A_453 = arith.addf %add3A_439, %add3A_452 : vector<16xf32>
        %mul3A_454 = arith.mulf %add3A_452, %add3A_452 : vector<16xf32>
        %add3A_455 = arith.addf %add3A_441, %mul3A_454 : vector<16xf32>
        %get3A_456 = arith.index_cast %add3A_415 : i32 to index
        %get3A_457 = arith.constant 48 : index
        %get3A_458 = tpu.vector_load %arg16[%get3A_456, %get3A_457] {strides = array<i32>} : memref<64x128xf32, #tpu.memory_space<vmem>>, vector<16xf32>,
        %get3A_459 = arith.index_cast %and3A_409 : i32 to index
        %get3A_460 = arith.constant 48 : index
        %get3A_461 = tpu.vector_load %arg9[%get3A_459, %get3A_460] {strides = array<i32>} : memref<512x128xf32, #tpu.memory_space<vmem>>, vector<16xf32>,
        %add3A_462 = arith.addf %get3A_458, %get3A_461 : vector<16xf32>
        %get3A_463 = arith.index_cast %shift_right_logical3A_411 : i32 to index
        %get3A_464 = arith.constant 48 : index
        %get3A_465 = tpu.vector_load %arg10[%get3A_463, %get3A_464] {strides = array<i32>} : memref<16x128xf32, #tpu.memory_space<vmem>>, vector<16xf32>,
        %add3A_466 = arith.addf %add3A_462, %get3A_465 : vector<16xf32>
        %add3A_467 = arith.addf %add3A_453, %add3A_466 : vector<16xf32>
        %mul3A_468 = arith.mulf %add3A_466, %add3A_466 : vector<16xf32>
        %add3A_469 = arith.addf %add3A_455, %mul3A_468 : vector<16xf32>
        %get3A_470 = arith.index_cast %add3A_415 : i32 to index
        %get3A_471 = arith.constant 64 : index
        %get3A_472 = tpu.vector_load %arg16[%get3A_470, %get3A_471] {strides = array<i32>} : memref<64x128xf32, #tpu.memory_space<vmem>>, vector<16xf32>,
        %get3A_473 = arith.index_cast %and3A_409 : i32 to index
        %get3A_474 = arith.constant 64 : index
        %get3A_475 = tpu.vector_load %arg9[%get3A_473, %get3A_474] {strides = array<i32>} : memref<512x128xf32, #tpu.memory_space<vmem>>, vector<16xf32>,
        %add3A_476 = arith.addf %get3A_472, %get3A_475 : vector<16xf32>
        %get3A_477 = arith.index_cast %shift_right_logical3A_411 : i32 to index
        %get3A_478 = arith.constant 64 : index
        %get3A_479 = tpu.vector_load %arg10[%get3A_477, %get3A_478] {strides = array<i32>} : memref<16x128xf32, #tpu.memory_space<vmem>>, vector<16xf32>,
        %add3A_480 = arith.addf %add3A_476, %get3A_479 : vector<16xf32>
        %add3A_481 = arith.addf %add3A_467, %add3A_480 : vector<16xf32>
        %mul3A_482 = arith.mulf %add3A_480, %add3A_480 : vector<16xf32>
        %add3A_483 = arith.addf %add3A_469, %mul3A_482 : vector<16xf32>
        %get3A_484 = arith.index_cast %add3A_415 : i32 to index
        %get3A_485 = arith.constant 80 : index
        %get3A_486 = tpu.vector_load %arg16[%get3A_484, %get3A_485] {strides = array<i32>} : memref<64x128xf32, #tpu.memory_space<vmem>>, vector<16xf32>,
        %get3A_487 = arith.index_cast %and3A_409 : i32 to index
        %get3A_488 = arith.constant 80 : index
        %get3A_489 = tpu.vector_load %arg9[%get3A_487, %get3A_488] {strides = array<i32>} : memref<512x128xf32, #tpu.memory_space<vmem>>, vector<16xf32>,
        %add3A_490 = arith.addf %get3A_486, %get3A_489 : vector<16xf32>
        %get3A_491 = arith.index_cast %shift_right_logical3A_411 : i32 to index
        %get3A_492 = arith.constant 80 : index
        %get3A_493 = tpu.vector_load %arg10[%get3A_491, %get3A_492] {strides = array<i32>} : memref<16x128xf32, #tpu.memory_space<vmem>>, vector<16xf32>,
        %add3A_494 = arith.addf %add3A_490, %get3A_493 : vector<16xf32>
        %add3A_495 = arith.addf %add3A_481, %add3A_494 : vector<16xf32>
        %mul3A_496 = arith.mulf %add3A_494, %add3A_494 : vector<16xf32>
        %add3A_497 = arith.addf %add3A_483, %mul3A_496 : vector<16xf32>
        %get3A_498 = arith.index_cast %add3A_415 : i32 to index
        %get3A_499 = arith.constant 96 : index
        %get3A_500 = tpu.vector_load %arg16[%get3A_498, %get3A_499] {strides = array<i32>} : memref<64x128xf32, #tpu.memory_space<vmem>>, vector<16xf32>,
        %get3A_501 = arith.index_cast %and3A_409 : i32 to index
        %get3A_502 = arith.constant 96 : index
        %get3A_503 = tpu.vector_load %arg9[%get3A_501, %get3A_502] {strides = array<i32>} : memref<512x128xf32, #tpu.memory_space<vmem>>, vector<16xf32>,
        %add3A_504 = arith.addf %get3A_500, %get3A_503 : vector<16xf32>
        %get3A_505 = arith.index_cast %shift_right_logical3A_411 : i32 to index
        %get3A_506 = arith.constant 96 : index
        %get3A_507 = tpu.vector_load %arg10[%get3A_505, %get3A_506] {strides = array<i32>} : memref<16x128xf32, #tpu.memory_space<vmem>>, vector<16xf32>,
        %add3A_508 = arith.addf %add3A_504, %get3A_507 : vector<16xf32>
        %add3A_509 = arith.addf %add3A_495, %add3A_508 : vector<16xf32>
        %mul3A_510 = arith.mulf %add3A_508, %add3A_508 : vector<16xf32>
        %add3A_511 = arith.addf %add3A_497, %mul3A_510 : vector<16xf32>
        %get3A_512 = arith.index_cast %add3A_415 : i32 to index
        %get3A_513 = arith.constant 112 : index
        %get3A_514 = tpu.vector_load %arg16[%get3A_512, %get3A_513] {strides = array<i32>} : memref<64x128xf32, #tpu.memory_space<vmem>>, vector<16xf32>,
        %get3A_515 = arith.index_cast %and3A_409 : i32 to index
        %get3A_516 = arith.constant 112 : index
        %get3A_517 = tpu.vector_load %arg9[%get3A_515, %get3A_516] {strides = array<i32>} : memref<512x128xf32, #tpu.memory_space<vmem>>, vector<16xf32>,
        %add3A_518 = arith.addf %get3A_514, %get3A_517 : vector<16xf32>
        %get3A_519 = arith.index_cast %shift_right_logical3A_411 : i32 to index
        %get3A_520 = arith.constant 112 : index
        %get3A_521 = tpu.vector_load %arg10[%get3A_519, %get3A_520] {strides = array<i32>} : memref<16x128xf32, #tpu.memory_space<vmem>>, vector<16xf32>,
        %add3A_522 = arith.addf %add3A_518, %get3A_521 : vector<16xf32>
        %add3A_523 = arith.addf %add3A_509, %add3A_522 : vector<16xf32>
        %mul3A_524 = arith.mulf %add3A_522, %add3A_522 : vector<16xf32>
        %add3A_525 = arith.addf %add3A_511, %mul3A_524 : vector<16xf32>
        %reduce_sum3A_526 = arith.constant true
        %reduce_sum3A_527 = vector.broadcast %reduce_sum3A_526 : i1 to vector<16xi1>
        %reduce_sum3A_528 = tpu.scan <sum>, %add3A_523 masked %reduce_sum3A_527 : vector<16xf32>, vector<16xi1> -> vector<16xf32>
        %reduce_sum3A_529 = vector.extract %reduce_sum3A_528[15] : f32 from vector<16xf32>
        %reduce_sum3A_530 = arith.constant true
        %reduce_sum3A_531 = vector.broadcast %reduce_sum3A_530 : i1 to vector<16xi1>
        %reduce_sum3A_532 = tpu.scan <sum>, %add3A_525 masked %reduce_sum3A_531 : vector<16xf32>, vector<16xi1> -> vector<16xf32>
        %reduce_sum3A_533 = vector.extract %reduce_sum3A_532[15] : f32 from vector<16xf32>
        %mul3A_534 = arith.mulf %reduce_sum3A_529, %scan3A_64 : f32
        %mul3A_535 = arith.mulf %reduce_sum3A_533, %scan3A_64 : f32
        %mul3A_536 = arith.mulf %mul3A_534, %mul3A_534 : f32
        %sub3A_537 = arith.subf %mul3A_535, %mul3A_536 : f32
        %add3A_538 = arith.addf %sub3A_537, %scan3A_65 : f32
        %bitcast_convert_type3A_539 = arith.bitcast %add3A_538 : f32 to i32
        %shift_right_arithmetic3A_540 = arith.constant 1 : i32
        %shift_right_arithmetic3A_541 = arith.shrsi %bitcast_convert_type3A_539, %shift_right_arithmetic3A_540 : i32
        %sub3A_542 = arith.constant 1597463007 : i32
        %sub3A_543 = arith.subi %sub3A_542, %shift_right_arithmetic3A_541 : i32
        %bitcast_convert_type3A_544 = arith.bitcast %sub3A_543 : i32 to f32
        %mul3A_545 = arith.constant 5.000000e-01 : f32
        %mul3A_546 = arith.mulf %mul3A_545, %add3A_538 : f32
        %mul3A_547 = arith.mulf %mul3A_546, %bitcast_convert_type3A_544 : f32
        %mul3A_548 = arith.mulf %mul3A_547, %bitcast_convert_type3A_544 : f32
        %sub3A_549 = arith.constant 1.500000e+00 : f32
        %sub3A_550 = arith.subf %sub3A_549, %mul3A_548 : f32
        %mul3A_551 = arith.mulf %bitcast_convert_type3A_544, %sub3A_550 : f32
        %mul3A_552 = arith.mulf %mul3A_546, %mul3A_551 : f32
        %mul3A_553 = arith.mulf %mul3A_552, %mul3A_551 : f32
        %sub3A_554 = arith.constant 1.500000e+00 : f32
        %sub3A_555 = arith.subf %sub3A_554, %mul3A_553 : f32
        %mul3A_556 = arith.mulf %mul3A_551, %sub3A_555 : f32
        %mul3A_557 = arith.mulf %mul3A_546, %mul3A_556 : f32
        %mul3A_558 = arith.mulf %mul3A_557, %mul3A_556 : f32
        %sub3A_559 = arith.constant 1.500000e+00 : f32
        %sub3A_560 = arith.subf %sub3A_559, %mul3A_558 : f32
        %mul3A_561 = arith.mulf %mul3A_556, %sub3A_560 : f32
        %neg3A_562 = arith.constant 0.000000e+00 : f32
        %neg3A_563 = arith.subf %neg3A_562, %mul3A_534 : f32
        %mul3A_564 = arith.mulf %neg3A_563, %mul3A_561 : f32
        %mul3A_565 = vector.broadcast %mul3A_561 : f32 to vector<16xf32>
        %mul3A_566 = arith.mulf %add3A_426, %mul3A_565 : vector<16xf32>
        %add3A_567 = vector.broadcast %mul3A_564 : f32 to vector<16xf32>
        %add3A_568 = arith.addf %mul3A_566, %add3A_567 : vector<16xf32>
        %mul3A_569 = arith.mulf %add3A_568, %get3A_3 : vector<16xf32>
        %add3A_570 = arith.addf %mul3A_569, %get3A_19 : vector<16xf32>
        %swap3A_571 = arith.index_cast %add3A_415 : i32 to index
        %swap3A_572 = arith.constant 0 : index
        %swap3A_573 = tpu.vector_load %arg18[%swap3A_571, %swap3A_572] {strides = array<i32>} : memref<64x128xf32, #tpu.memory_space<vmem>>, vector<16xf32>,
        tpu.vector_store %arg18[%swap3A_571, %swap3A_572], %add3A_570 {strides = array<i32>} : memref<64x128xf32, #tpu.memory_space<vmem>>, vector<16xf32>,
        %mul3A_574 = vector.broadcast %mul3A_561 : f32 to vector<16xf32>
        %mul3A_575 = arith.mulf %add3A_438, %mul3A_574 : vector<16xf32>
        %add3A_576 = vector.broadcast %mul3A_564 : f32 to vector<16xf32>
        %add3A_577 = arith.addf %mul3A_575, %add3A_576 : vector<16xf32>
        %mul3A_578 = arith.mulf %add3A_577, %get3A_5 : vector<16xf32>
        %add3A_579 = arith.addf %mul3A_578, %get3A_21 : vector<16xf32>
        %swap3A_580 = arith.index_cast %add3A_415 : i32 to index
        %swap3A_581 = arith.constant 16 : index
        %swap3A_582 = tpu.vector_load %arg18[%swap3A_580, %swap3A_581] {strides = array<i32>} : memref<64x128xf32, #tpu.memory_space<vmem>>, vector<16xf32>,
        tpu.vector_store %arg18[%swap3A_580, %swap3A_581], %add3A_579 {strides = array<i32>} : memref<64x128xf32, #tpu.memory_space<vmem>>, vector<16xf32>,
        %mul3A_583 = vector.broadcast %mul3A_561 : f32 to vector<16xf32>
        %mul3A_584 = arith.mulf %add3A_452, %mul3A_583 : vector<16xf32>
        %add3A_585 = vector.broadcast %mul3A_564 : f32 to vector<16xf32>
        %add3A_586 = arith.addf %mul3A_584, %add3A_585 : vector<16xf32>
        %mul3A_587 = arith.mulf %add3A_586, %get3A_7 : vector<16xf32>
        %add3A_588 = arith.addf %mul3A_587, %get3A_23 : vector<16xf32>
        %swap3A_589 = arith.index_cast %add3A_415 : i32 to index
        %swap3A_590 = arith.constant 32 : index
        %swap3A_591 = tpu.vector_load %arg18[%swap3A_589, %swap3A_590] {strides = array<i32>} : memref<64x128xf32, #tpu.memory_space<vmem>>, vector<16xf32>,
        tpu.vector_store %arg18[%swap3A_589, %swap3A_590], %add3A_588 {strides = array<i32>} : memref<64x128xf32, #tpu.memory_space<vmem>>, vector<16xf32>,
        %mul3A_592 = vector.broadcast %mul3A_561 : f32 to vector<16xf32>
        %mul3A_593 = arith.mulf %add3A_466, %mul3A_592 : vector<16xf32>
        %add3A_594 = vector.broadcast %mul3A_564 : f32 to vector<16xf32>
        %add3A_595 = arith.addf %mul3A_593, %add3A_594 : vector<16xf32>
        %mul3A_596 = arith.mulf %add3A_595, %get3A_9 : vector<16xf32>
        %add3A_597 = arith.addf %mul3A_596, %get3A_25 : vector<16xf32>
        %swap3A_598 = arith.index_cast %add3A_415 : i32 to index
        %swap3A_599 = arith.constant 48 : index
        %swap3A_600 = tpu.vector_load %arg18[%swap3A_598, %swap3A_599] {strides = array<i32>} : memref<64x128xf32, #tpu.memory_space<vmem>>, vector<16xf32>,
        tpu.vector_store %arg18[%swap3A_598, %swap3A_599], %add3A_597 {strides = array<i32>} : memref<64x128xf32, #tpu.memory_space<vmem>>, vector<16xf32>,
        %mul3A_601 = vector.broadcast %mul3A_561 : f32 to vector<16xf32>
        %mul3A_602 = arith.mulf %add3A_480, %mul3A_601 : vector<16xf32>
        %add3A_603 = vector.broadcast %mul3A_564 : f32 to vector<16xf32>
        %add3A_604 = arith.addf %mul3A_602, %add3A_603 : vector<16xf32>
        %mul3A_605 = arith.mulf %add3A_604, %get3A_11 : vector<16xf32>
        %add3A_606 = arith.addf %mul3A_605, %get3A_27 : vector<16xf32>
        %swap3A_607 = arith.index_cast %add3A_415 : i32 to index
        %swap3A_608 = arith.constant 64 : index
        %swap3A_609 = tpu.vector_load %arg18[%swap3A_607, %swap3A_608] {strides = array<i32>} : memref<64x128xf32, #tpu.memory_space<vmem>>, vector<16xf32>,
        tpu.vector_store %arg18[%swap3A_607, %swap3A_608], %add3A_606 {strides = array<i32>} : memref<64x128xf32, #tpu.memory_space<vmem>>, vector<16xf32>,
        %mul3A_610 = vector.broadcast %mul3A_561 : f32 to vector<16xf32>
        %mul3A_611 = arith.mulf %add3A_494, %mul3A_610 : vector<16xf32>
        %add3A_612 = vector.broadcast %mul3A_564 : f32 to vector<16xf32>
        %add3A_613 = arith.addf %mul3A_611, %add3A_612 : vector<16xf32>
        %mul3A_614 = arith.mulf %add3A_613, %get3A_13 : vector<16xf32>
        %add3A_615 = arith.addf %mul3A_614, %get3A_29 : vector<16xf32>
        %swap3A_616 = arith.index_cast %add3A_415 : i32 to index
        %swap3A_617 = arith.constant 80 : index
        %swap3A_618 = tpu.vector_load %arg18[%swap3A_616, %swap3A_617] {strides = array<i32>} : memref<64x128xf32, #tpu.memory_space<vmem>>, vector<16xf32>,
        tpu.vector_store %arg18[%swap3A_616, %swap3A_617], %add3A_615 {strides = array<i32>} : memref<64x128xf32, #tpu.memory_space<vmem>>, vector<16xf32>,
        %mul3A_619 = vector.broadcast %mul3A_561 : f32 to vector<16xf32>
        %mul3A_620 = arith.mulf %add3A_508, %mul3A_619 : vector<16xf32>
        %add3A_621 = vector.broadcast %mul3A_564 : f32 to vector<16xf32>
        %add3A_622 = arith.addf %mul3A_620, %add3A_621 : vector<16xf32>
        %mul3A_623 = arith.mulf %add3A_622, %get3A_15 : vector<16xf32>
        %add3A_624 = arith.addf %mul3A_623, %get3A_31 : vector<16xf32>
        %swap3A_625 = arith.index_cast %add3A_415 : i32 to index
        %swap3A_626 = arith.constant 96 : index
        %swap3A_627 = tpu.vector_load %arg18[%swap3A_625, %swap3A_626] {strides = array<i32>} : memref<64x128xf32, #tpu.memory_space<vmem>>, vector<16xf32>,
        tpu.vector_store %arg18[%swap3A_625, %swap3A_626], %add3A_624 {strides = array<i32>} : memref<64x128xf32, #tpu.memory_space<vmem>>, vector<16xf32>,
        %mul3A_628 = vector.broadcast %mul3A_561 : f32 to vector<16xf32>
        %mul3A_629 = arith.mulf %add3A_522, %mul3A_628 : vector<16xf32>
        %add3A_630 = vector.broadcast %mul3A_564 : f32 to vector<16xf32>
        %add3A_631 = arith.addf %mul3A_629, %add3A_630 : vector<16xf32>
        %mul3A_632 = arith.mulf %add3A_631, %get3A_17 : vector<16xf32>
        %add3A_633 = arith.addf %mul3A_632, %get3A_33 : vector<16xf32>
        %swap3A_634 = arith.index_cast %add3A_415 : i32 to index
        %swap3A_635 = arith.constant 112 : index
        %swap3A_636 = tpu.vector_load %arg18[%swap3A_634, %swap3A_635] {strides = array<i32>} : memref<64x128xf32, #tpu.memory_space<vmem>>, vector<16xf32>,
        tpu.vector_store %arg18[%swap3A_634, %swap3A_635], %add3A_633 {strides = array<i32>} : memref<64x128xf32, #tpu.memory_space<vmem>>, vector<16xf32>,
        %slice3A_637 = vector.extract_strided_slice %get3A_180 {offsets = [2], sizes = [1], strides = [1]} : vector<16xi32> to vector<1xi32>
        %squeeze3A_638 = vector.extract %slice3A_637[0] : i32 from vector<1xi32>
        %shift_right_logical3A_639 = arith.constant 17 : i32
        %shift_right_logical3A_640 = arith.shrui %squeeze3A_638, %shift_right_logical3A_639 : i32
        %and3A_641 = arith.andi %shift_right_logical3A_640, %scan3A_63 : i32
        %shift_right_logical3A_642 = arith.constant 26 : i32
        %shift_right_logical3A_643 = arith.shrui %squeeze3A_638, %shift_right_logical3A_642 : i32
        %mul3A_644 = arith.constant 8 : i32
        %mul3A_645 = arith.muli %scan3A_175, %mul3A_644 : i32
        %add3A_646 = arith.constant 2 : i32
        %add3A_647 = arith.addi %mul3A_645, %add3A_646 : i32
        %get3A_648 = arith.index_cast %add3A_647 : i32 to index
        %get3A_649 = arith.constant 0 : index
        %get3A_650 = tpu.vector_load %arg16[%get3A_648, %get3A_649] {strides = array<i32>} : memref<64x128xf32, #tpu.memory_space<vmem>>, vector<16xf32>,
        %get3A_651 = arith.index_cast %and3A_641 : i32 to index
        %get3A_652 = arith.constant 0 : index
        %get3A_653 = tpu.vector_load %arg9[%get3A_651, %get3A_652] {strides = array<i32>} : memref<512x128xf32, #tpu.memory_space<vmem>>, vector<16xf32>,
        %add3A_654 = arith.addf %get3A_650, %get3A_653 : vector<16xf32>
        %get3A_655 = arith.index_cast %shift_right_logical3A_643 : i32 to index
        %get3A_656 = arith.constant 0 : index
        %get3A_657 = tpu.vector_load %arg10[%get3A_655, %get3A_656] {strides = array<i32>} : memref<16x128xf32, #tpu.memory_space<vmem>>, vector<16xf32>,
        %add3A_658 = arith.addf %add3A_654, %get3A_657 : vector<16xf32>
        %mul3A_659 = arith.mulf %add3A_658, %add3A_658 : vector<16xf32>
        %get3A_660 = arith.index_cast %add3A_647 : i32 to index
        %get3A_661 = arith.constant 16 : index
        %get3A_662 = tpu.vector_load %arg16[%get3A_660, %get3A_661] {strides = array<i32>} : memref<64x128xf32, #tpu.memory_space<vmem>>, vector<16xf32>,
        %get3A_663 = arith.index_cast %and3A_641 : i32 to index
        %get3A_664 = arith.constant 16 : index
        %get3A_665 = tpu.vector_load %arg9[%get3A_663, %get3A_664] {strides = array<i32>} : memref<512x128xf32, #tpu.memory_space<vmem>>, vector<16xf32>,
        %add3A_666 = arith.addf %get3A_662, %get3A_665 : vector<16xf32>
        %get3A_667 = arith.index_cast %shift_right_logical3A_643 : i32 to index
        %get3A_668 = arith.constant 16 : index
        %get3A_669 = tpu.vector_load %arg10[%get3A_667, %get3A_668] {strides = array<i32>} : memref<16x128xf32, #tpu.memory_space<vmem>>, vector<16xf32>,
        %add3A_670 = arith.addf %add3A_666, %get3A_669 : vector<16xf32>
        %add3A_671 = arith.addf %add3A_658, %add3A_670 : vector<16xf32>
        %mul3A_672 = arith.mulf %add3A_670, %add3A_670 : vector<16xf32>
        %add3A_673 = arith.addf %mul3A_659, %mul3A_672 : vector<16xf32>
        %get3A_674 = arith.index_cast %add3A_647 : i32 to index
        %get3A_675 = arith.constant 32 : index
        %get3A_676 = tpu.vector_load %arg16[%get3A_674, %get3A_675] {strides = array<i32>} : memref<64x128xf32, #tpu.memory_space<vmem>>, vector<16xf32>,
        %get3A_677 = arith.index_cast %and3A_641 : i32 to index
        %get3A_678 = arith.constant 32 : index
        %get3A_679 = tpu.vector_load %arg9[%get3A_677, %get3A_678] {strides = array<i32>} : memref<512x128xf32, #tpu.memory_space<vmem>>, vector<16xf32>,
        %add3A_680 = arith.addf %get3A_676, %get3A_679 : vector<16xf32>
        %get3A_681 = arith.index_cast %shift_right_logical3A_643 : i32 to index
        %get3A_682 = arith.constant 32 : index
        %get3A_683 = tpu.vector_load %arg10[%get3A_681, %get3A_682] {strides = array<i32>} : memref<16x128xf32, #tpu.memory_space<vmem>>, vector<16xf32>,
        %add3A_684 = arith.addf %add3A_680, %get3A_683 : vector<16xf32>
        %add3A_685 = arith.addf %add3A_671, %add3A_684 : vector<16xf32>
        %mul3A_686 = arith.mulf %add3A_684, %add3A_684 : vector<16xf32>
        %add3A_687 = arith.addf %add3A_673, %mul3A_686 : vector<16xf32>
        %get3A_688 = arith.index_cast %add3A_647 : i32 to index
        %get3A_689 = arith.constant 48 : index
        %get3A_690 = tpu.vector_load %arg16[%get3A_688, %get3A_689] {strides = array<i32>} : memref<64x128xf32, #tpu.memory_space<vmem>>, vector<16xf32>,
        %get3A_691 = arith.index_cast %and3A_641 : i32 to index
        %get3A_692 = arith.constant 48 : index
        %get3A_693 = tpu.vector_load %arg9[%get3A_691, %get3A_692] {strides = array<i32>} : memref<512x128xf32, #tpu.memory_space<vmem>>, vector<16xf32>,
        %add3A_694 = arith.addf %get3A_690, %get3A_693 : vector<16xf32>
        %get3A_695 = arith.index_cast %shift_right_logical3A_643 : i32 to index
        %get3A_696 = arith.constant 48 : index
        %get3A_697 = tpu.vector_load %arg10[%get3A_695, %get3A_696] {strides = array<i32>} : memref<16x128xf32, #tpu.memory_space<vmem>>, vector<16xf32>,
        %add3A_698 = arith.addf %add3A_694, %get3A_697 : vector<16xf32>
        %add3A_699 = arith.addf %add3A_685, %add3A_698 : vector<16xf32>
        %mul3A_700 = arith.mulf %add3A_698, %add3A_698 : vector<16xf32>
        %add3A_701 = arith.addf %add3A_687, %mul3A_700 : vector<16xf32>
        %get3A_702 = arith.index_cast %add3A_647 : i32 to index
        %get3A_703 = arith.constant 64 : index
        %get3A_704 = tpu.vector_load %arg16[%get3A_702, %get3A_703] {strides = array<i32>} : memref<64x128xf32, #tpu.memory_space<vmem>>, vector<16xf32>,
        %get3A_705 = arith.index_cast %and3A_641 : i32 to index
        %get3A_706 = arith.constant 64 : index
        %get3A_707 = tpu.vector_load %arg9[%get3A_705, %get3A_706] {strides = array<i32>} : memref<512x128xf32, #tpu.memory_space<vmem>>, vector<16xf32>,
        %add3A_708 = arith.addf %get3A_704, %get3A_707 : vector<16xf32>
        %get3A_709 = arith.index_cast %shift_right_logical3A_643 : i32 to index
        %get3A_710 = arith.constant 64 : index
        %get3A_711 = tpu.vector_load %arg10[%get3A_709, %get3A_710] {strides = array<i32>} : memref<16x128xf32, #tpu.memory_space<vmem>>, vector<16xf32>,
        %add3A_712 = arith.addf %add3A_708, %get3A_711 : vector<16xf32>
        %add3A_713 = arith.addf %add3A_699, %add3A_712 : vector<16xf32>
        %mul3A_714 = arith.mulf %add3A_712, %add3A_712 : vector<16xf32>
        %add3A_715 = arith.addf %add3A_701, %mul3A_714 : vector<16xf32>
        %get3A_716 = arith.index_cast %add3A_647 : i32 to index
        %get3A_717 = arith.constant 80 : index
        %get3A_718 = tpu.vector_load %arg16[%get3A_716, %get3A_717] {strides = array<i32>} : memref<64x128xf32, #tpu.memory_space<vmem>>, vector<16xf32>,
        %get3A_719 = arith.index_cast %and3A_641 : i32 to index
        %get3A_720 = arith.constant 80 : index
        %get3A_721 = tpu.vector_load %arg9[%get3A_719, %get3A_720] {strides = array<i32>} : memref<512x128xf32, #tpu.memory_space<vmem>>, vector<16xf32>,
        %add3A_722 = arith.addf %get3A_718, %get3A_721 : vector<16xf32>
        %get3A_723 = arith.index_cast %shift_right_logical3A_643 : i32 to index
        %get3A_724 = arith.constant 80 : index
        %get3A_725 = tpu.vector_load %arg10[%get3A_723, %get3A_724] {strides = array<i32>} : memref<16x128xf32, #tpu.memory_space<vmem>>, vector<16xf32>,
        %add3A_726 = arith.addf %add3A_722, %get3A_725 : vector<16xf32>
        %add3A_727 = arith.addf %add3A_713, %add3A_726 : vector<16xf32>
        %mul3A_728 = arith.mulf %add3A_726, %add3A_726 : vector<16xf32>
        %add3A_729 = arith.addf %add3A_715, %mul3A_728 : vector<16xf32>
        %get3A_730 = arith.index_cast %add3A_647 : i32 to index
        %get3A_731 = arith.constant 96 : index
        %get3A_732 = tpu.vector_load %arg16[%get3A_730, %get3A_731] {strides = array<i32>} : memref<64x128xf32, #tpu.memory_space<vmem>>, vector<16xf32>,
        %get3A_733 = arith.index_cast %and3A_641 : i32 to index
        %get3A_734 = arith.constant 96 : index
        %get3A_735 = tpu.vector_load %arg9[%get3A_733, %get3A_734] {strides = array<i32>} : memref<512x128xf32, #tpu.memory_space<vmem>>, vector<16xf32>,
        %add3A_736 = arith.addf %get3A_732, %get3A_735 : vector<16xf32>
        %get3A_737 = arith.index_cast %shift_right_logical3A_643 : i32 to index
        %get3A_738 = arith.constant 96 : index
        %get3A_739 = tpu.vector_load %arg10[%get3A_737, %get3A_738] {strides = array<i32>} : memref<16x128xf32, #tpu.memory_space<vmem>>, vector<16xf32>,
        %add3A_740 = arith.addf %add3A_736, %get3A_739 : vector<16xf32>
        %add3A_741 = arith.addf %add3A_727, %add3A_740 : vector<16xf32>
        %mul3A_742 = arith.mulf %add3A_740, %add3A_740 : vector<16xf32>
        %add3A_743 = arith.addf %add3A_729, %mul3A_742 : vector<16xf32>
        %get3A_744 = arith.index_cast %add3A_647 : i32 to index
        %get3A_745 = arith.constant 112 : index
        %get3A_746 = tpu.vector_load %arg16[%get3A_744, %get3A_745] {strides = array<i32>} : memref<64x128xf32, #tpu.memory_space<vmem>>, vector<16xf32>,
        %get3A_747 = arith.index_cast %and3A_641 : i32 to index
        %get3A_748 = arith.constant 112 : index
        %get3A_749 = tpu.vector_load %arg9[%get3A_747, %get3A_748] {strides = array<i32>} : memref<512x128xf32, #tpu.memory_space<vmem>>, vector<16xf32>,
        %add3A_750 = arith.addf %get3A_746, %get3A_749 : vector<16xf32>
        %get3A_751 = arith.index_cast %shift_right_logical3A_643 : i32 to index
        %get3A_752 = arith.constant 112 : index
        %get3A_753 = tpu.vector_load %arg10[%get3A_751, %get3A_752] {strides = array<i32>} : memref<16x128xf32, #tpu.memory_space<vmem>>, vector<16xf32>,
        %add3A_754 = arith.addf %add3A_750, %get3A_753 : vector<16xf32>
        %add3A_755 = arith.addf %add3A_741, %add3A_754 : vector<16xf32>
        %mul3A_756 = arith.mulf %add3A_754, %add3A_754 : vector<16xf32>
        %add3A_757 = arith.addf %add3A_743, %mul3A_756 : vector<16xf32>
        %reduce_sum3A_758 = arith.constant true
        %reduce_sum3A_759 = vector.broadcast %reduce_sum3A_758 : i1 to vector<16xi1>
        %reduce_sum3A_760 = tpu.scan <sum>, %add3A_755 masked %reduce_sum3A_759 : vector<16xf32>, vector<16xi1> -> vector<16xf32>
        %reduce_sum3A_761 = vector.extract %reduce_sum3A_760[15] : f32 from vector<16xf32>
        %reduce_sum3A_762 = arith.constant true
        %reduce_sum3A_763 = vector.broadcast %reduce_sum3A_762 : i1 to vector<16xi1>
        %reduce_sum3A_764 = tpu.scan <sum>, %add3A_757 masked %reduce_sum3A_763 : vector<16xf32>, vector<16xi1> -> vector<16xf32>
        %reduce_sum3A_765 = vector.extract %reduce_sum3A_764[15] : f32 from vector<16xf32>
        %mul3A_766 = arith.mulf %reduce_sum3A_761, %scan3A_64 : f32
        %mul3A_767 = arith.mulf %reduce_sum3A_765, %scan3A_64 : f32
        %mul3A_768 = arith.mulf %mul3A_766, %mul3A_766 : f32
        %sub3A_769 = arith.subf %mul3A_767, %mul3A_768 : f32
        %add3A_770 = arith.addf %sub3A_769, %scan3A_65 : f32
        %bitcast_convert_type3A_771 = arith.bitcast %add3A_770 : f32 to i32
        %shift_right_arithmetic3A_772 = arith.constant 1 : i32
        %shift_right_arithmetic3A_773 = arith.shrsi %bitcast_convert_type3A_771, %shift_right_arithmetic3A_772 : i32
        %sub3A_774 = arith.constant 1597463007 : i32
        %sub3A_775 = arith.subi %sub3A_774, %shift_right_arithmetic3A_773 : i32
        %bitcast_convert_type3A_776 = arith.bitcast %sub3A_775 : i32 to f32
        %mul3A_777 = arith.constant 5.000000e-01 : f32
        %mul3A_778 = arith.mulf %mul3A_777, %add3A_770 : f32
        %mul3A_779 = arith.mulf %mul3A_778, %bitcast_convert_type3A_776 : f32
        %mul3A_780 = arith.mulf %mul3A_779, %bitcast_convert_type3A_776 : f32
        %sub3A_781 = arith.constant 1.500000e+00 : f32
        %sub3A_782 = arith.subf %sub3A_781, %mul3A_780 : f32
        %mul3A_783 = arith.mulf %bitcast_convert_type3A_776, %sub3A_782 : f32
        %mul3A_784 = arith.mulf %mul3A_778, %mul3A_783 : f32
        %mul3A_785 = arith.mulf %mul3A_784, %mul3A_783 : f32
        %sub3A_786 = arith.constant 1.500000e+00 : f32
        %sub3A_787 = arith.subf %sub3A_786, %mul3A_785 : f32
        %mul3A_788 = arith.mulf %mul3A_783, %sub3A_787 : f32
        %mul3A_789 = arith.mulf %mul3A_778, %mul3A_788 : f32
        %mul3A_790 = arith.mulf %mul3A_789, %mul3A_788 : f32
        %sub3A_791 = arith.constant 1.500000e+00 : f32
        %sub3A_792 = arith.subf %sub3A_791, %mul3A_790 : f32
        %mul3A_793 = arith.mulf %mul3A_788, %sub3A_792 : f32
        %neg3A_794 = arith.constant 0.000000e+00 : f32
        %neg3A_795 = arith.subf %neg3A_794, %mul3A_766 : f32
        %mul3A_796 = arith.mulf %neg3A_795, %mul3A_793 : f32
        %mul3A_797 = vector.broadcast %mul3A_793 : f32 to vector<16xf32>
        %mul3A_798 = arith.mulf %add3A_658, %mul3A_797 : vector<16xf32>
        %add3A_799 = vector.broadcast %mul3A_796 : f32 to vector<16xf32>
        %add3A_800 = arith.addf %mul3A_798, %add3A_799 : vector<16xf32>
        %mul3A_801 = arith.mulf %add3A_800, %get3A_3 : vector<16xf32>
        %add3A_802 = arith.addf %mul3A_801, %get3A_19 : vector<16xf32>
        %swap3A_803 = arith.index_cast %add3A_647 : i32 to index
        %swap3A_804 = arith.constant 0 : index
        %swap3A_805 = tpu.vector_load %arg18[%swap3A_803, %swap3A_804] {strides = array<i32>} : memref<64x128xf32, #tpu.memory_space<vmem>>, vector<16xf32>,
        tpu.vector_store %arg18[%swap3A_803, %swap3A_804], %add3A_802 {strides = array<i32>} : memref<64x128xf32, #tpu.memory_space<vmem>>, vector<16xf32>,
        %mul3A_806 = vector.broadcast %mul3A_793 : f32 to vector<16xf32>
        %mul3A_807 = arith.mulf %add3A_670, %mul3A_806 : vector<16xf32>
        %add3A_808 = vector.broadcast %mul3A_796 : f32 to vector<16xf32>
        %add3A_809 = arith.addf %mul3A_807, %add3A_808 : vector<16xf32>
        %mul3A_810 = arith.mulf %add3A_809, %get3A_5 : vector<16xf32>
        %add3A_811 = arith.addf %mul3A_810, %get3A_21 : vector<16xf32>
        %swap3A_812 = arith.index_cast %add3A_647 : i32 to index
        %swap3A_813 = arith.constant 16 : index
        %swap3A_814 = tpu.vector_load %arg18[%swap3A_812, %swap3A_813] {strides = array<i32>} : memref<64x128xf32, #tpu.memory_space<vmem>>, vector<16xf32>,
        tpu.vector_store %arg18[%swap3A_812, %swap3A_813], %add3A_811 {strides = array<i32>} : memref<64x128xf32, #tpu.memory_space<vmem>>, vector<16xf32>,
        %mul3A_815 = vector.broadcast %mul3A_793 : f32 to vector<16xf32>
        %mul3A_816 = arith.mulf %add3A_684, %mul3A_815 : vector<16xf32>
        %add3A_817 = vector.broadcast %mul3A_796 : f32 to vector<16xf32>
        %add3A_818 = arith.addf %mul3A_816, %add3A_817 : vector<16xf32>
        %mul3A_819 = arith.mulf %add3A_818, %get3A_7 : vector<16xf32>
        %add3A_820 = arith.addf %mul3A_819, %get3A_23 : vector<16xf32>
        %swap3A_821 = arith.index_cast %add3A_647 : i32 to index
        %swap3A_822 = arith.constant 32 : index
        %swap3A_823 = tpu.vector_load %arg18[%swap3A_821, %swap3A_822] {strides = array<i32>} : memref<64x128xf32, #tpu.memory_space<vmem>>, vector<16xf32>,
        tpu.vector_store %arg18[%swap3A_821, %swap3A_822], %add3A_820 {strides = array<i32>} : memref<64x128xf32, #tpu.memory_space<vmem>>, vector<16xf32>,
        %mul3A_824 = vector.broadcast %mul3A_793 : f32 to vector<16xf32>
        %mul3A_825 = arith.mulf %add3A_698, %mul3A_824 : vector<16xf32>
        %add3A_826 = vector.broadcast %mul3A_796 : f32 to vector<16xf32>
        %add3A_827 = arith.addf %mul3A_825, %add3A_826 : vector<16xf32>
        %mul3A_828 = arith.mulf %add3A_827, %get3A_9 : vector<16xf32>
        %add3A_829 = arith.addf %mul3A_828, %get3A_25 : vector<16xf32>
        %swap3A_830 = arith.index_cast %add3A_647 : i32 to index
        %swap3A_831 = arith.constant 48 : index
        %swap3A_832 = tpu.vector_load %arg18[%swap3A_830, %swap3A_831] {strides = array<i32>} : memref<64x128xf32, #tpu.memory_space<vmem>>, vector<16xf32>,
        tpu.vector_store %arg18[%swap3A_830, %swap3A_831], %add3A_829 {strides = array<i32>} : memref<64x128xf32, #tpu.memory_space<vmem>>, vector<16xf32>,
        %mul3A_833 = vector.broadcast %mul3A_793 : f32 to vector<16xf32>
        %mul3A_834 = arith.mulf %add3A_712, %mul3A_833 : vector<16xf32>
        %add3A_835 = vector.broadcast %mul3A_796 : f32 to vector<16xf32>
        %add3A_836 = arith.addf %mul3A_834, %add3A_835 : vector<16xf32>
        %mul3A_837 = arith.mulf %add3A_836, %get3A_11 : vector<16xf32>
        %add3A_838 = arith.addf %mul3A_837, %get3A_27 : vector<16xf32>
        %swap3A_839 = arith.index_cast %add3A_647 : i32 to index
        %swap3A_840 = arith.constant 64 : index
        %swap3A_841 = tpu.vector_load %arg18[%swap3A_839, %swap3A_840] {strides = array<i32>} : memref<64x128xf32, #tpu.memory_space<vmem>>, vector<16xf32>,
        tpu.vector_store %arg18[%swap3A_839, %swap3A_840], %add3A_838 {strides = array<i32>} : memref<64x128xf32, #tpu.memory_space<vmem>>, vector<16xf32>,
        %mul3A_842 = vector.broadcast %mul3A_793 : f32 to vector<16xf32>
        %mul3A_843 = arith.mulf %add3A_726, %mul3A_842 : vector<16xf32>
        %add3A_844 = vector.broadcast %mul3A_796 : f32 to vector<16xf32>
        %add3A_845 = arith.addf %mul3A_843, %add3A_844 : vector<16xf32>
        %mul3A_846 = arith.mulf %add3A_845, %get3A_13 : vector<16xf32>
        %add3A_847 = arith.addf %mul3A_846, %get3A_29 : vector<16xf32>
        %swap3A_848 = arith.index_cast %add3A_647 : i32 to index
        %swap3A_849 = arith.constant 80 : index
        %swap3A_850 = tpu.vector_load %arg18[%swap3A_848, %swap3A_849] {strides = array<i32>} : memref<64x128xf32, #tpu.memory_space<vmem>>, vector<16xf32>,
        tpu.vector_store %arg18[%swap3A_848, %swap3A_849], %add3A_847 {strides = array<i32>} : memref<64x128xf32, #tpu.memory_space<vmem>>, vector<16xf32>,
        %mul3A_851 = vector.broadcast %mul3A_793 : f32 to vector<16xf32>
        %mul3A_852 = arith.mulf %add3A_740, %mul3A_851 : vector<16xf32>
        %add3A_853 = vector.broadcast %mul3A_796 : f32 to vector<16xf32>
        %add3A_854 = arith.addf %mul3A_852, %add3A_853 : vector<16xf32>
        %mul3A_855 = arith.mulf %add3A_854, %get3A_15 : vector<16xf32>
        %add3A_856 = arith.addf %mul3A_855, %get3A_31 : vector<16xf32>
        %swap3A_857 = arith.index_cast %add3A_647 : i32 to index
        %swap3A_858 = arith.constant 96 : index
        %swap3A_859 = tpu.vector_load %arg18[%swap3A_857, %swap3A_858] {strides = array<i32>} : memref<64x128xf32, #tpu.memory_space<vmem>>, vector<16xf32>,
        tpu.vector_store %arg18[%swap3A_857, %swap3A_858], %add3A_856 {strides = array<i32>} : memref<64x128xf32, #tpu.memory_space<vmem>>, vector<16xf32>,
        %mul3A_860 = vector.broadcast %mul3A_793 : f32 to vector<16xf32>
        %mul3A_861 = arith.mulf %add3A_754, %mul3A_860 : vector<16xf32>
        %add3A_862 = vector.broadcast %mul3A_796 : f32 to vector<16xf32>
        %add3A_863 = arith.addf %mul3A_861, %add3A_862 : vector<16xf32>
        %mul3A_864 = arith.mulf %add3A_863, %get3A_17 : vector<16xf32>
        %add3A_865 = arith.addf %mul3A_864, %get3A_33 : vector<16xf32>
        %swap3A_866 = arith.index_cast %add3A_647 : i32 to index
        %swap3A_867 = arith.constant 112 : index
        %swap3A_868 = tpu.vector_load %arg18[%swap3A_866, %swap3A_867] {strides = array<i32>} : memref<64x128xf32, #tpu.memory_space<vmem>>, vector<16xf32>,
        tpu.vector_store %arg18[%swap3A_866, %swap3A_867], %add3A_865 {strides = array<i32>} : memref<64x128xf32, #tpu.memory_space<vmem>>, vector<16xf32>,
        %slice3A_869 = vector.extract_strided_slice %get3A_180 {offsets = [3], sizes = [1], strides = [1]} : vector<16xi32> to vector<1xi32>
        %squeeze3A_870 = vector.extract %slice3A_869[0] : i32 from vector<1xi32>
        %shift_right_logical3A_871 = arith.constant 17 : i32
        %shift_right_logical3A_872 = arith.shrui %squeeze3A_870, %shift_right_logical3A_871 : i32
        %and3A_873 = arith.andi %shift_right_logical3A_872, %scan3A_63 : i32
        %shift_right_logical3A_874 = arith.constant 26 : i32
        %shift_right_logical3A_875 = arith.shrui %squeeze3A_870, %shift_right_logical3A_874 : i32
        %mul3A_876 = arith.constant 8 : i32
        %mul3A_877 = arith.muli %scan3A_175, %mul3A_876 : i32
        %add3A_878 = arith.constant 3 : i32
        %add3A_879 = arith.addi %mul3A_877, %add3A_878 : i32
        %get3A_880 = arith.index_cast %add3A_879 : i32 to index
        %get3A_881 = arith.constant 0 : index
        %get3A_882 = tpu.vector_load %arg16[%get3A_880, %get3A_881] {strides = array<i32>} : memref<64x128xf32, #tpu.memory_space<vmem>>, vector<16xf32>,
        %get3A_883 = arith.index_cast %and3A_873 : i32 to index
        %get3A_884 = arith.constant 0 : index
        %get3A_885 = tpu.vector_load %arg9[%get3A_883, %get3A_884] {strides = array<i32>} : memref<512x128xf32, #tpu.memory_space<vmem>>, vector<16xf32>,
        %add3A_886 = arith.addf %get3A_882, %get3A_885 : vector<16xf32>
        %get3A_887 = arith.index_cast %shift_right_logical3A_875 : i32 to index
        %get3A_888 = arith.constant 0 : index
        %get3A_889 = tpu.vector_load %arg10[%get3A_887, %get3A_888] {strides = array<i32>} : memref<16x128xf32, #tpu.memory_space<vmem>>, vector<16xf32>,
        %add3A_890 = arith.addf %add3A_886, %get3A_889 : vector<16xf32>
        %mul3A_891 = arith.mulf %add3A_890, %add3A_890 : vector<16xf32>
        %get3A_892 = arith.index_cast %add3A_879 : i32 to index
        %get3A_893 = arith.constant 16 : index
        %get3A_894 = tpu.vector_load %arg16[%get3A_892, %get3A_893] {strides = array<i32>} : memref<64x128xf32, #tpu.memory_space<vmem>>, vector<16xf32>,
        %get3A_895 = arith.index_cast %and3A_873 : i32 to index
        %get3A_896 = arith.constant 16 : index
        %get3A_897 = tpu.vector_load %arg9[%get3A_895, %get3A_896] {strides = array<i32>} : memref<512x128xf32, #tpu.memory_space<vmem>>, vector<16xf32>,
        %add3A_898 = arith.addf %get3A_894, %get3A_897 : vector<16xf32>
        %get3A_899 = arith.index_cast %shift_right_logical3A_875 : i32 to index
        %get3A_900 = arith.constant 16 : index
        %get3A_901 = tpu.vector_load %arg10[%get3A_899, %get3A_900] {strides = array<i32>} : memref<16x128xf32, #tpu.memory_space<vmem>>, vector<16xf32>,
        %add3A_902 = arith.addf %add3A_898, %get3A_901 : vector<16xf32>
        %add3A_903 = arith.addf %add3A_890, %add3A_902 : vector<16xf32>
        %mul3A_904 = arith.mulf %add3A_902, %add3A_902 : vector<16xf32>
        %add3A_905 = arith.addf %mul3A_891, %mul3A_904 : vector<16xf32>
        %get3A_906 = arith.index_cast %add3A_879 : i32 to index
        %get3A_907 = arith.constant 32 : index
        %get3A_908 = tpu.vector_load %arg16[%get3A_906, %get3A_907] {strides = array<i32>} : memref<64x128xf32, #tpu.memory_space<vmem>>, vector<16xf32>,
        %get3A_909 = arith.index_cast %and3A_873 : i32 to index
        %get3A_910 = arith.constant 32 : index
        %get3A_911 = tpu.vector_load %arg9[%get3A_909, %get3A_910] {strides = array<i32>} : memref<512x128xf32, #tpu.memory_space<vmem>>, vector<16xf32>,
        %add3A_912 = arith.addf %get3A_908, %get3A_911 : vector<16xf32>
        %get3A_913 = arith.index_cast %shift_right_logical3A_875 : i32 to index
        %get3A_914 = arith.constant 32 : index
        %get3A_915 = tpu.vector_load %arg10[%get3A_913, %get3A_914] {strides = array<i32>} : memref<16x128xf32, #tpu.memory_space<vmem>>, vector<16xf32>,
        %add3A_916 = arith.addf %add3A_912, %get3A_915 : vector<16xf32>
        %add3A_917 = arith.addf %add3A_903, %add3A_916 : vector<16xf32>
        %mul3A_918 = arith.mulf %add3A_916, %add3A_916 : vector<16xf32>
        %add3A_919 = arith.addf %add3A_905, %mul3A_918 : vector<16xf32>
        %get3A_920 = arith.index_cast %add3A_879 : i32 to index
        %get3A_921 = arith.constant 48 : index
        %get3A_922 = tpu.vector_load %arg16[%get3A_920, %get3A_921] {strides = array<i32>} : memref<64x128xf32, #tpu.memory_space<vmem>>, vector<16xf32>,
        %get3A_923 = arith.index_cast %and3A_873 : i32 to index
        %get3A_924 = arith.constant 48 : index
        %get3A_925 = tpu.vector_load %arg9[%get3A_923, %get3A_924] {strides = array<i32>} : memref<512x128xf32, #tpu.memory_space<vmem>>, vector<16xf32>,
        %add3A_926 = arith.addf %get3A_922, %get3A_925 : vector<16xf32>
        %get3A_927 = arith.index_cast %shift_right_logical3A_875 : i32 to index
        %get3A_928 = arith.constant 48 : index
        %get3A_929 = tpu.vector_load %arg10[%get3A_927, %get3A_928] {strides = array<i32>} : memref<16x128xf32, #tpu.memory_space<vmem>>, vector<16xf32>,
        %add3A_930 = arith.addf %add3A_926, %get3A_929 : vector<16xf32>
        %add3A_931 = arith.addf %add3A_917, %add3A_930 : vector<16xf32>
        %mul3A_932 = arith.mulf %add3A_930, %add3A_930 : vector<16xf32>
        %add3A_933 = arith.addf %add3A_919, %mul3A_932 : vector<16xf32>
        %get3A_934 = arith.index_cast %add3A_879 : i32 to index
        %get3A_935 = arith.constant 64 : index
        %get3A_936 = tpu.vector_load %arg16[%get3A_934, %get3A_935] {strides = array<i32>} : memref<64x128xf32, #tpu.memory_space<vmem>>, vector<16xf32>,
        %get3A_937 = arith.index_cast %and3A_873 : i32 to index
        %get3A_938 = arith.constant 64 : index
        %get3A_939 = tpu.vector_load %arg9[%get3A_937, %get3A_938] {strides = array<i32>} : memref<512x128xf32, #tpu.memory_space<vmem>>, vector<16xf32>,
        %add3A_940 = arith.addf %get3A_936, %get3A_939 : vector<16xf32>
        %get3A_941 = arith.index_cast %shift_right_logical3A_875 : i32 to index
        %get3A_942 = arith.constant 64 : index
        %get3A_943 = tpu.vector_load %arg10[%get3A_941, %get3A_942] {strides = array<i32>} : memref<16x128xf32, #tpu.memory_space<vmem>>, vector<16xf32>,
        %add3A_944 = arith.addf %add3A_940, %get3A_943 : vector<16xf32>
        %add3A_945 = arith.addf %add3A_931, %add3A_944 : vector<16xf32>
        %mul3A_946 = arith.mulf %add3A_944, %add3A_944 : vector<16xf32>
        %add3A_947 = arith.addf %add3A_933, %mul3A_946 : vector<16xf32>
        %get3A_948 = arith.index_cast %add3A_879 : i32 to index
        %get3A_949 = arith.constant 80 : index
        %get3A_950 = tpu.vector_load %arg16[%get3A_948, %get3A_949] {strides = array<i32>} : memref<64x128xf32, #tpu.memory_space<vmem>>, vector<16xf32>,
        %get3A_951 = arith.index_cast %and3A_873 : i32 to index
        %get3A_952 = arith.constant 80 : index
        %get3A_953 = tpu.vector_load %arg9[%get3A_951, %get3A_952] {strides = array<i32>} : memref<512x128xf32, #tpu.memory_space<vmem>>, vector<16xf32>,
        %add3A_954 = arith.addf %get3A_950, %get3A_953 : vector<16xf32>
        %get3A_955 = arith.index_cast %shift_right_logical3A_875 : i32 to index
        %get3A_956 = arith.constant 80 : index
        %get3A_957 = tpu.vector_load %arg10[%get3A_955, %get3A_956] {strides = array<i32>} : memref<16x128xf32, #tpu.memory_space<vmem>>, vector<16xf32>,
        %add3A_958 = arith.addf %add3A_954, %get3A_957 : vector<16xf32>
        %add3A_959 = arith.addf %add3A_945, %add3A_958 : vector<16xf32>
        %mul3A_960 = arith.mulf %add3A_958, %add3A_958 : vector<16xf32>
        %add3A_961 = arith.addf %add3A_947, %mul3A_960 : vector<16xf32>
        %get3A_962 = arith.index_cast %add3A_879 : i32 to index
        %get3A_963 = arith.constant 96 : index
        %get3A_964 = tpu.vector_load %arg16[%get3A_962, %get3A_963] {strides = array<i32>} : memref<64x128xf32, #tpu.memory_space<vmem>>, vector<16xf32>,
        %get3A_965 = arith.index_cast %and3A_873 : i32 to index
        %get3A_966 = arith.constant 96 : index
        %get3A_967 = tpu.vector_load %arg9[%get3A_965, %get3A_966] {strides = array<i32>} : memref<512x128xf32, #tpu.memory_space<vmem>>, vector<16xf32>,
        %add3A_968 = arith.addf %get3A_964, %get3A_967 : vector<16xf32>
        %get3A_969 = arith.index_cast %shift_right_logical3A_875 : i32 to index
        %get3A_970 = arith.constant 96 : index
        %get3A_971 = tpu.vector_load %arg10[%get3A_969, %get3A_970] {strides = array<i32>} : memref<16x128xf32, #tpu.memory_space<vmem>>, vector<16xf32>,
        %add3A_972 = arith.addf %add3A_968, %get3A_971 : vector<16xf32>
        %add3A_973 = arith.addf %add3A_959, %add3A_972 : vector<16xf32>
        %mul3A_974 = arith.mulf %add3A_972, %add3A_972 : vector<16xf32>
        %add3A_975 = arith.addf %add3A_961, %mul3A_974 : vector<16xf32>
        %get3A_976 = arith.index_cast %add3A_879 : i32 to index
        %get3A_977 = arith.constant 112 : index
        %get3A_978 = tpu.vector_load %arg16[%get3A_976, %get3A_977] {strides = array<i32>} : memref<64x128xf32, #tpu.memory_space<vmem>>, vector<16xf32>,
        %get3A_979 = arith.index_cast %and3A_873 : i32 to index
        %get3A_980 = arith.constant 112 : index
        %get3A_981 = tpu.vector_load %arg9[%get3A_979, %get3A_980] {strides = array<i32>} : memref<512x128xf32, #tpu.memory_space<vmem>>, vector<16xf32>,
        %add3A_982 = arith.addf %get3A_978, %get3A_981 : vector<16xf32>
        %get3A_983 = arith.index_cast %shift_right_logical3A_875 : i32 to index
        %get3A_984 = arith.constant 112 : index
        %get3A_985 = tpu.vector_load %arg10[%get3A_983, %get3A_984] {strides = array<i32>} : memref<16x128xf32, #tpu.memory_space<vmem>>, vector<16xf32>,
        %add3A_986 = arith.addf %add3A_982, %get3A_985 : vector<16xf32>
        %add3A_987 = arith.addf %add3A_973, %add3A_986 : vector<16xf32>
        %mul3A_988 = arith.mulf %add3A_986, %add3A_986 : vector<16xf32>
        %add3A_989 = arith.addf %add3A_975, %mul3A_988 : vector<16xf32>
        %reduce_sum3A_990 = arith.constant true
        %reduce_sum3A_991 = vector.broadcast %reduce_sum3A_990 : i1 to vector<16xi1>
        %reduce_sum3A_992 = tpu.scan <sum>, %add3A_987 masked %reduce_sum3A_991 : vector<16xf32>, vector<16xi1> -> vector<16xf32>
        %reduce_sum3A_993 = vector.extract %reduce_sum3A_992[15] : f32 from vector<16xf32>
        %reduce_sum3A_994 = arith.constant true
        %reduce_sum3A_995 = vector.broadcast %reduce_sum3A_994 : i1 to vector<16xi1>
        %reduce_sum3A_996 = tpu.scan <sum>, %add3A_989 masked %reduce_sum3A_995 : vector<16xf32>, vector<16xi1> -> vector<16xf32>
        %reduce_sum3A_997 = vector.extract %reduce_sum3A_996[15] : f32 from vector<16xf32>
        %mul3A_998 = arith.mulf %reduce_sum3A_993, %scan3A_64 : f32
        %mul3A_999 = arith.mulf %reduce_sum3A_997, %scan3A_64 : f32
        %mul3A_1000 = arith.mulf %mul3A_998, %mul3A_998 : f32
        %sub3A_1001 = arith.subf %mul3A_999, %mul3A_1000 : f32
        %add3A_1002 = arith.addf %sub3A_1001, %scan3A_65 : f32
        %bitcast_convert_type3A_1003 = arith.bitcast %add3A_1002 : f32 to i32
        %shift_right_arithmetic3A_1004 = arith.constant 1 : i32
        %shift_right_arithmetic3A_1005 = arith.shrsi %bitcast_convert_type3A_1003, %shift_right_arithmetic3A_1004 : i32
        %sub3A_1006 = arith.constant 1597463007 : i32
        %sub3A_1007 = arith.subi %sub3A_1006, %shift_right_arithmetic3A_1005 : i32
        %bitcast_convert_type3A_1008 = arith.bitcast %sub3A_1007 : i32 to f32
        %mul3A_1009 = arith.constant 5.000000e-01 : f32
        %mul3A_1010 = arith.mulf %mul3A_1009, %add3A_1002 : f32
        %mul3A_1011 = arith.mulf %mul3A_1010, %bitcast_convert_type3A_1008 : f32
        %mul3A_1012 = arith.mulf %mul3A_1011, %bitcast_convert_type3A_1008 : f32
        %sub3A_1013 = arith.constant 1.500000e+00 : f32
        %sub3A_1014 = arith.subf %sub3A_1013, %mul3A_1012 : f32
        %mul3A_1015 = arith.mulf %bitcast_convert_type3A_1008, %sub3A_1014 : f32
        %mul3A_1016 = arith.mulf %mul3A_1010, %mul3A_1015 : f32
        %mul3A_1017 = arith.mulf %mul3A_1016, %mul3A_1015 : f32
        %sub3A_1018 = arith.constant 1.500000e+00 : f32
        %sub3A_1019 = arith.subf %sub3A_1018, %mul3A_1017 : f32
        %mul3A_1020 = arith.mulf %mul3A_1015, %sub3A_1019 : f32
        %mul3A_1021 = arith.mulf %mul3A_1010, %mul3A_1020 : f32
        %mul3A_1022 = arith.mulf %mul3A_1021, %mul3A_1020 : f32
        %sub3A_1023 = arith.constant 1.500000e+00 : f32
        %sub3A_1024 = arith.subf %sub3A_1023, %mul3A_1022 : f32
        %mul3A_1025 = arith.mulf %mul3A_1020, %sub3A_1024 : f32
        %neg3A_1026 = arith.constant 0.000000e+00 : f32
        %neg3A_1027 = arith.subf %neg3A_1026, %mul3A_998 : f32
        %mul3A_1028 = arith.mulf %neg3A_1027, %mul3A_1025 : f32
        %mul3A_1029 = vector.broadcast %mul3A_1025 : f32 to vector<16xf32>
        %mul3A_1030 = arith.mulf %add3A_890, %mul3A_1029 : vector<16xf32>
        %add3A_1031 = vector.broadcast %mul3A_1028 : f32 to vector<16xf32>
        %add3A_1032 = arith.addf %mul3A_1030, %add3A_1031 : vector<16xf32>
        %mul3A_1033 = arith.mulf %add3A_1032, %get3A_3 : vector<16xf32>
        %add3A_1034 = arith.addf %mul3A_1033, %get3A_19 : vector<16xf32>
        %swap3A_1035 = arith.index_cast %add3A_879 : i32 to index
        %swap3A_1036 = arith.constant 0 : index
        %swap3A_1037 = tpu.vector_load %arg18[%swap3A_1035, %swap3A_1036] {strides = array<i32>} : memref<64x128xf32, #tpu.memory_space<vmem>>, vector<16xf32>,
        tpu.vector_store %arg18[%swap3A_1035, %swap3A_1036], %add3A_1034 {strides = array<i32>} : memref<64x128xf32, #tpu.memory_space<vmem>>, vector<16xf32>,
        %mul3A_1038 = vector.broadcast %mul3A_1025 : f32 to vector<16xf32>
        %mul3A_1039 = arith.mulf %add3A_902, %mul3A_1038 : vector<16xf32>
        %add3A_1040 = vector.broadcast %mul3A_1028 : f32 to vector<16xf32>
        %add3A_1041 = arith.addf %mul3A_1039, %add3A_1040 : vector<16xf32>
        %mul3A_1042 = arith.mulf %add3A_1041, %get3A_5 : vector<16xf32>
        %add3A_1043 = arith.addf %mul3A_1042, %get3A_21 : vector<16xf32>
        %swap3A_1044 = arith.index_cast %add3A_879 : i32 to index
        %swap3A_1045 = arith.constant 16 : index
        %swap3A_1046 = tpu.vector_load %arg18[%swap3A_1044, %swap3A_1045] {strides = array<i32>} : memref<64x128xf32, #tpu.memory_space<vmem>>, vector<16xf32>,
        tpu.vector_store %arg18[%swap3A_1044, %swap3A_1045], %add3A_1043 {strides = array<i32>} : memref<64x128xf32, #tpu.memory_space<vmem>>, vector<16xf32>,
        %mul3A_1047 = vector.broadcast %mul3A_1025 : f32 to vector<16xf32>
        %mul3A_1048 = arith.mulf %add3A_916, %mul3A_1047 : vector<16xf32>
        %add3A_1049 = vector.broadcast %mul3A_1028 : f32 to vector<16xf32>
        %add3A_1050 = arith.addf %mul3A_1048, %add3A_1049 : vector<16xf32>
        %mul3A_1051 = arith.mulf %add3A_1050, %get3A_7 : vector<16xf32>
        %add3A_1052 = arith.addf %mul3A_1051, %get3A_23 : vector<16xf32>
        %swap3A_1053 = arith.index_cast %add3A_879 : i32 to index
        %swap3A_1054 = arith.constant 32 : index
        %swap3A_1055 = tpu.vector_load %arg18[%swap3A_1053, %swap3A_1054] {strides = array<i32>} : memref<64x128xf32, #tpu.memory_space<vmem>>, vector<16xf32>,
        tpu.vector_store %arg18[%swap3A_1053, %swap3A_1054], %add3A_1052 {strides = array<i32>} : memref<64x128xf32, #tpu.memory_space<vmem>>, vector<16xf32>,
        %mul3A_1056 = vector.broadcast %mul3A_1025 : f32 to vector<16xf32>
        %mul3A_1057 = arith.mulf %add3A_930, %mul3A_1056 : vector<16xf32>
        %add3A_1058 = vector.broadcast %mul3A_1028 : f32 to vector<16xf32>
        %add3A_1059 = arith.addf %mul3A_1057, %add3A_1058 : vector<16xf32>
        %mul3A_1060 = arith.mulf %add3A_1059, %get3A_9 : vector<16xf32>
        %add3A_1061 = arith.addf %mul3A_1060, %get3A_25 : vector<16xf32>
        %swap3A_1062 = arith.index_cast %add3A_879 : i32 to index
        %swap3A_1063 = arith.constant 48 : index
        %swap3A_1064 = tpu.vector_load %arg18[%swap3A_1062, %swap3A_1063] {strides = array<i32>} : memref<64x128xf32, #tpu.memory_space<vmem>>, vector<16xf32>,
        tpu.vector_store %arg18[%swap3A_1062, %swap3A_1063], %add3A_1061 {strides = array<i32>} : memref<64x128xf32, #tpu.memory_space<vmem>>, vector<16xf32>,
        %mul3A_1065 = vector.broadcast %mul3A_1025 : f32 to vector<16xf32>
        %mul3A_1066 = arith.mulf %add3A_944, %mul3A_1065 : vector<16xf32>
        %add3A_1067 = vector.broadcast %mul3A_1028 : f32 to vector<16xf32>
        %add3A_1068 = arith.addf %mul3A_1066, %add3A_1067 : vector<16xf32>
        %mul3A_1069 = arith.mulf %add3A_1068, %get3A_11 : vector<16xf32>
        %add3A_1070 = arith.addf %mul3A_1069, %get3A_27 : vector<16xf32>
        %swap3A_1071 = arith.index_cast %add3A_879 : i32 to index
        %swap3A_1072 = arith.constant 64 : index
        %swap3A_1073 = tpu.vector_load %arg18[%swap3A_1071, %swap3A_1072] {strides = array<i32>} : memref<64x128xf32, #tpu.memory_space<vmem>>, vector<16xf32>,
        tpu.vector_store %arg18[%swap3A_1071, %swap3A_1072], %add3A_1070 {strides = array<i32>} : memref<64x128xf32, #tpu.memory_space<vmem>>, vector<16xf32>,
        %mul3A_1074 = vector.broadcast %mul3A_1025 : f32 to vector<16xf32>
        %mul3A_1075 = arith.mulf %add3A_958, %mul3A_1074 : vector<16xf32>
        %add3A_1076 = vector.broadcast %mul3A_1028 : f32 to vector<16xf32>
        %add3A_1077 = arith.addf %mul3A_1075, %add3A_1076 : vector<16xf32>
        %mul3A_1078 = arith.mulf %add3A_1077, %get3A_13 : vector<16xf32>
        %add3A_1079 = arith.addf %mul3A_1078, %get3A_29 : vector<16xf32>
        %swap3A_1080 = arith.index_cast %add3A_879 : i32 to index
        %swap3A_1081 = arith.constant 80 : index
        %swap3A_1082 = tpu.vector_load %arg18[%swap3A_1080, %swap3A_1081] {strides = array<i32>} : memref<64x128xf32, #tpu.memory_space<vmem>>, vector<16xf32>,
        tpu.vector_store %arg18[%swap3A_1080, %swap3A_1081], %add3A_1079 {strides = array<i32>} : memref<64x128xf32, #tpu.memory_space<vmem>>, vector<16xf32>,
        %mul3A_1083 = vector.broadcast %mul3A_1025 : f32 to vector<16xf32>
        %mul3A_1084 = arith.mulf %add3A_972, %mul3A_1083 : vector<16xf32>
        %add3A_1085 = vector.broadcast %mul3A_1028 : f32 to vector<16xf32>
        %add3A_1086 = arith.addf %mul3A_1084, %add3A_1085 : vector<16xf32>
        %mul3A_1087 = arith.mulf %add3A_1086, %get3A_15 : vector<16xf32>
        %add3A_1088 = arith.addf %mul3A_1087, %get3A_31 : vector<16xf32>
        %swap3A_1089 = arith.index_cast %add3A_879 : i32 to index
        %swap3A_1090 = arith.constant 96 : index
        %swap3A_1091 = tpu.vector_load %arg18[%swap3A_1089, %swap3A_1090] {strides = array<i32>} : memref<64x128xf32, #tpu.memory_space<vmem>>, vector<16xf32>,
        tpu.vector_store %arg18[%swap3A_1089, %swap3A_1090], %add3A_1088 {strides = array<i32>} : memref<64x128xf32, #tpu.memory_space<vmem>>, vector<16xf32>,
        %mul3A_1092 = vector.broadcast %mul3A_1025 : f32 to vector<16xf32>
        %mul3A_1093 = arith.mulf %add3A_986, %mul3A_1092 : vector<16xf32>
        %add3A_1094 = vector.broadcast %mul3A_1028 : f32 to vector<16xf32>
        %add3A_1095 = arith.addf %mul3A_1093, %add3A_1094 : vector<16xf32>
        %mul3A_1096 = arith.mulf %add3A_1095, %get3A_17 : vector<16xf32>
        %add3A_1097 = arith.addf %mul3A_1096, %get3A_33 : vector<16xf32>
        %swap3A_1098 = arith.index_cast %add3A_879 : i32 to index
        %swap3A_1099 = arith.constant 112 : index
        %swap3A_1100 = tpu.vector_load %arg18[%swap3A_1098, %swap3A_1099] {strides = array<i32>} : memref<64x128xf32, #tpu.memory_space<vmem>>, vector<16xf32>,
        tpu.vector_store %arg18[%swap3A_1098, %swap3A_1099], %add3A_1097 {strides = array<i32>} : memref<64x128xf32, #tpu.memory_space<vmem>>, vector<16xf32>,
        %slice3A_1101 = vector.extract_strided_slice %get3A_180 {offsets = [4], sizes = [1], strides = [1]} : vector<16xi32> to vector<1xi32>
        %squeeze3A_1102 = vector.extract %slice3A_1101[0] : i32 from vector<1xi32>
        %shift_right_logical3A_1103 = arith.constant 17 : i32
        %shift_right_logical3A_1104 = arith.shrui %squeeze3A_1102, %shift_right_logical3A_1103 : i32
        %and3A_1105 = arith.andi %shift_right_logical3A_1104, %scan3A_63 : i32
        %shift_right_logical3A_1106 = arith.constant 26 : i32
        %shift_right_logical3A_1107 = arith.shrui %squeeze3A_1102, %shift_right_logical3A_1106 : i32
        %mul3A_1108 = arith.constant 8 : i32
        %mul3A_1109 = arith.muli %scan3A_175, %mul3A_1108 : i32
        %add3A_1110 = arith.constant 4 : i32
        %add3A_1111 = arith.addi %mul3A_1109, %add3A_1110 : i32
        %get3A_1112 = arith.index_cast %add3A_1111 : i32 to index
        %get3A_1113 = arith.constant 0 : index
        %get3A_1114 = tpu.vector_load %arg16[%get3A_1112, %get3A_1113] {strides = array<i32>} : memref<64x128xf32, #tpu.memory_space<vmem>>, vector<16xf32>,
        %get3A_1115 = arith.index_cast %and3A_1105 : i32 to index
        %get3A_1116 = arith.constant 0 : index
        %get3A_1117 = tpu.vector_load %arg9[%get3A_1115, %get3A_1116] {strides = array<i32>} : memref<512x128xf32, #tpu.memory_space<vmem>>, vector<16xf32>,
        %add3A_1118 = arith.addf %get3A_1114, %get3A_1117 : vector<16xf32>
        %get3A_1119 = arith.index_cast %shift_right_logical3A_1107 : i32 to index
        %get3A_1120 = arith.constant 0 : index
        %get3A_1121 = tpu.vector_load %arg10[%get3A_1119, %get3A_1120] {strides = array<i32>} : memref<16x128xf32, #tpu.memory_space<vmem>>, vector<16xf32>,
        %add3A_1122 = arith.addf %add3A_1118, %get3A_1121 : vector<16xf32>
        %mul3A_1123 = arith.mulf %add3A_1122, %add3A_1122 : vector<16xf32>
        %get3A_1124 = arith.index_cast %add3A_1111 : i32 to index
        %get3A_1125 = arith.constant 16 : index
        %get3A_1126 = tpu.vector_load %arg16[%get3A_1124, %get3A_1125] {strides = array<i32>} : memref<64x128xf32, #tpu.memory_space<vmem>>, vector<16xf32>,
        %get3A_1127 = arith.index_cast %and3A_1105 : i32 to index
        %get3A_1128 = arith.constant 16 : index
        %get3A_1129 = tpu.vector_load %arg9[%get3A_1127, %get3A_1128] {strides = array<i32>} : memref<512x128xf32, #tpu.memory_space<vmem>>, vector<16xf32>,
        %add3A_1130 = arith.addf %get3A_1126, %get3A_1129 : vector<16xf32>
        %get3A_1131 = arith.index_cast %shift_right_logical3A_1107 : i32 to index
        %get3A_1132 = arith.constant 16 : index
        %get3A_1133 = tpu.vector_load %arg10[%get3A_1131, %get3A_1132] {strides = array<i32>} : memref<16x128xf32, #tpu.memory_space<vmem>>, vector<16xf32>,
        %add3A_1134 = arith.addf %add3A_1130, %get3A_1133 : vector<16xf32>
        %add3A_1135 = arith.addf %add3A_1122, %add3A_1134 : vector<16xf32>
        %mul3A_1136 = arith.mulf %add3A_1134, %add3A_1134 : vector<16xf32>
        %add3A_1137 = arith.addf %mul3A_1123, %mul3A_1136 : vector<16xf32>
        %get3A_1138 = arith.index_cast %add3A_1111 : i32 to index
        %get3A_1139 = arith.constant 32 : index
        %get3A_1140 = tpu.vector_load %arg16[%get3A_1138, %get3A_1139] {strides = array<i32>} : memref<64x128xf32, #tpu.memory_space<vmem>>, vector<16xf32>,
        %get3A_1141 = arith.index_cast %and3A_1105 : i32 to index
        %get3A_1142 = arith.constant 32 : index
        %get3A_1143 = tpu.vector_load %arg9[%get3A_1141, %get3A_1142] {strides = array<i32>} : memref<512x128xf32, #tpu.memory_space<vmem>>, vector<16xf32>,
        %add3A_1144 = arith.addf %get3A_1140, %get3A_1143 : vector<16xf32>
        %get3A_1145 = arith.index_cast %shift_right_logical3A_1107 : i32 to index
        %get3A_1146 = arith.constant 32 : index
        %get3A_1147 = tpu.vector_load %arg10[%get3A_1145, %get3A_1146] {strides = array<i32>} : memref<16x128xf32, #tpu.memory_space<vmem>>, vector<16xf32>,
        %add3A_1148 = arith.addf %add3A_1144, %get3A_1147 : vector<16xf32>
        %add3A_1149 = arith.addf %add3A_1135, %add3A_1148 : vector<16xf32>
        %mul3A_1150 = arith.mulf %add3A_1148, %add3A_1148 : vector<16xf32>
        %add3A_1151 = arith.addf %add3A_1137, %mul3A_1150 : vector<16xf32>
        %get3A_1152 = arith.index_cast %add3A_1111 : i32 to index
        %get3A_1153 = arith.constant 48 : index
        %get3A_1154 = tpu.vector_load %arg16[%get3A_1152, %get3A_1153] {strides = array<i32>} : memref<64x128xf32, #tpu.memory_space<vmem>>, vector<16xf32>,
        %get3A_1155 = arith.index_cast %and3A_1105 : i32 to index
        %get3A_1156 = arith.constant 48 : index
        %get3A_1157 = tpu.vector_load %arg9[%get3A_1155, %get3A_1156] {strides = array<i32>} : memref<512x128xf32, #tpu.memory_space<vmem>>, vector<16xf32>,
        %add3A_1158 = arith.addf %get3A_1154, %get3A_1157 : vector<16xf32>
        %get3A_1159 = arith.index_cast %shift_right_logical3A_1107 : i32 to index
        %get3A_1160 = arith.constant 48 : index
        %get3A_1161 = tpu.vector_load %arg10[%get3A_1159, %get3A_1160] {strides = array<i32>} : memref<16x128xf32, #tpu.memory_space<vmem>>, vector<16xf32>,
        %add3A_1162 = arith.addf %add3A_1158, %get3A_1161 : vector<16xf32>
        %add3A_1163 = arith.addf %add3A_1149, %add3A_1162 : vector<16xf32>
        %mul3A_1164 = arith.mulf %add3A_1162, %add3A_1162 : vector<16xf32>
        %add3A_1165 = arith.addf %add3A_1151, %mul3A_1164 : vector<16xf32>
        %get3A_1166 = arith.index_cast %add3A_1111 : i32 to index
        %get3A_1167 = arith.constant 64 : index
        %get3A_1168 = tpu.vector_load %arg16[%get3A_1166, %get3A_1167] {strides = array<i32>} : memref<64x128xf32, #tpu.memory_space<vmem>>, vector<16xf32>,
        %get3A_1169 = arith.index_cast %and3A_1105 : i32 to index
        %get3A_1170 = arith.constant 64 : index
        %get3A_1171 = tpu.vector_load %arg9[%get3A_1169, %get3A_1170] {strides = array<i32>} : memref<512x128xf32, #tpu.memory_space<vmem>>, vector<16xf32>,
        %add3A_1172 = arith.addf %get3A_1168, %get3A_1171 : vector<16xf32>
        %get3A_1173 = arith.index_cast %shift_right_logical3A_1107 : i32 to index
        %get3A_1174 = arith.constant 64 : index
        %get3A_1175 = tpu.vector_load %arg10[%get3A_1173, %get3A_1174] {strides = array<i32>} : memref<16x128xf32, #tpu.memory_space<vmem>>, vector<16xf32>,
        %add3A_1176 = arith.addf %add3A_1172, %get3A_1175 : vector<16xf32>
        %add3A_1177 = arith.addf %add3A_1163, %add3A_1176 : vector<16xf32>
        %mul3A_1178 = arith.mulf %add3A_1176, %add3A_1176 : vector<16xf32>
        %add3A_1179 = arith.addf %add3A_1165, %mul3A_1178 : vector<16xf32>
        %get3A_1180 = arith.index_cast %add3A_1111 : i32 to index
        %get3A_1181 = arith.constant 80 : index
        %get3A_1182 = tpu.vector_load %arg16[%get3A_1180, %get3A_1181] {strides = array<i32>} : memref<64x128xf32, #tpu.memory_space<vmem>>, vector<16xf32>,
        %get3A_1183 = arith.index_cast %and3A_1105 : i32 to index
        %get3A_1184 = arith.constant 80 : index
        %get3A_1185 = tpu.vector_load %arg9[%get3A_1183, %get3A_1184] {strides = array<i32>} : memref<512x128xf32, #tpu.memory_space<vmem>>, vector<16xf32>,
        %add3A_1186 = arith.addf %get3A_1182, %get3A_1185 : vector<16xf32>
        %get3A_1187 = arith.index_cast %shift_right_logical3A_1107 : i32 to index
        %get3A_1188 = arith.constant 80 : index
        %get3A_1189 = tpu.vector_load %arg10[%get3A_1187, %get3A_1188] {strides = array<i32>} : memref<16x128xf32, #tpu.memory_space<vmem>>, vector<16xf32>,
        %add3A_1190 = arith.addf %add3A_1186, %get3A_1189 : vector<16xf32>
        %add3A_1191 = arith.addf %add3A_1177, %add3A_1190 : vector<16xf32>
        %mul3A_1192 = arith.mulf %add3A_1190, %add3A_1190 : vector<16xf32>
        %add3A_1193 = arith.addf %add3A_1179, %mul3A_1192 : vector<16xf32>
        %get3A_1194 = arith.index_cast %add3A_1111 : i32 to index
        %get3A_1195 = arith.constant 96 : index
        %get3A_1196 = tpu.vector_load %arg16[%get3A_1194, %get3A_1195] {strides = array<i32>} : memref<64x128xf32, #tpu.memory_space<vmem>>, vector<16xf32>,
        %get3A_1197 = arith.index_cast %and3A_1105 : i32 to index
        %get3A_1198 = arith.constant 96 : index
        %get3A_1199 = tpu.vector_load %arg9[%get3A_1197, %get3A_1198] {strides = array<i32>} : memref<512x128xf32, #tpu.memory_space<vmem>>, vector<16xf32>,
        %add3A_1200 = arith.addf %get3A_1196, %get3A_1199 : vector<16xf32>
        %get3A_1201 = arith.index_cast %shift_right_logical3A_1107 : i32 to index
        %get3A_1202 = arith.constant 96 : index
        %get3A_1203 = tpu.vector_load %arg10[%get3A_1201, %get3A_1202] {strides = array<i32>} : memref<16x128xf32, #tpu.memory_space<vmem>>, vector<16xf32>,
        %add3A_1204 = arith.addf %add3A_1200, %get3A_1203 : vector<16xf32>
        %add3A_1205 = arith.addf %add3A_1191, %add3A_1204 : vector<16xf32>
        %mul3A_1206 = arith.mulf %add3A_1204, %add3A_1204 : vector<16xf32>
        %add3A_1207 = arith.addf %add3A_1193, %mul3A_1206 : vector<16xf32>
        %get3A_1208 = arith.index_cast %add3A_1111 : i32 to index
        %get3A_1209 = arith.constant 112 : index
        %get3A_1210 = tpu.vector_load %arg16[%get3A_1208, %get3A_1209] {strides = array<i32>} : memref<64x128xf32, #tpu.memory_space<vmem>>, vector<16xf32>,
        %get3A_1211 = arith.index_cast %and3A_1105 : i32 to index
        %get3A_1212 = arith.constant 112 : index
        %get3A_1213 = tpu.vector_load %arg9[%get3A_1211, %get3A_1212] {strides = array<i32>} : memref<512x128xf32, #tpu.memory_space<vmem>>, vector<16xf32>,
        %add3A_1214 = arith.addf %get3A_1210, %get3A_1213 : vector<16xf32>
        %get3A_1215 = arith.index_cast %shift_right_logical3A_1107 : i32 to index
        %get3A_1216 = arith.constant 112 : index
        %get3A_1217 = tpu.vector_load %arg10[%get3A_1215, %get3A_1216] {strides = array<i32>} : memref<16x128xf32, #tpu.memory_space<vmem>>, vector<16xf32>,
        %add3A_1218 = arith.addf %add3A_1214, %get3A_1217 : vector<16xf32>
        %add3A_1219 = arith.addf %add3A_1205, %add3A_1218 : vector<16xf32>
        %mul3A_1220 = arith.mulf %add3A_1218, %add3A_1218 : vector<16xf32>
        %add3A_1221 = arith.addf %add3A_1207, %mul3A_1220 : vector<16xf32>
        %reduce_sum3A_1222 = arith.constant true
        %reduce_sum3A_1223 = vector.broadcast %reduce_sum3A_1222 : i1 to vector<16xi1>
        %reduce_sum3A_1224 = tpu.scan <sum>, %add3A_1219 masked %reduce_sum3A_1223 : vector<16xf32>, vector<16xi1> -> vector<16xf32>
        %reduce_sum3A_1225 = vector.extract %reduce_sum3A_1224[15] : f32 from vector<16xf32>
        %reduce_sum3A_1226 = arith.constant true
        %reduce_sum3A_1227 = vector.broadcast %reduce_sum3A_1226 : i1 to vector<16xi1>
        %reduce_sum3A_1228 = tpu.scan <sum>, %add3A_1221 masked %reduce_sum3A_1227 : vector<16xf32>, vector<16xi1> -> vector<16xf32>
        %reduce_sum3A_1229 = vector.extract %reduce_sum3A_1228[15] : f32 from vector<16xf32>
        %mul3A_1230 = arith.mulf %reduce_sum3A_1225, %scan3A_64 : f32
        %mul3A_1231 = arith.mulf %reduce_sum3A_1229, %scan3A_64 : f32
        %mul3A_1232 = arith.mulf %mul3A_1230, %mul3A_1230 : f32
        %sub3A_1233 = arith.subf %mul3A_1231, %mul3A_1232 : f32
        %add3A_1234 = arith.addf %sub3A_1233, %scan3A_65 : f32
        %bitcast_convert_type3A_1235 = arith.bitcast %add3A_1234 : f32 to i32
        %shift_right_arithmetic3A_1236 = arith.constant 1 : i32
        %shift_right_arithmetic3A_1237 = arith.shrsi %bitcast_convert_type3A_1235, %shift_right_arithmetic3A_1236 : i32
        %sub3A_1238 = arith.constant 1597463007 : i32
        %sub3A_1239 = arith.subi %sub3A_1238, %shift_right_arithmetic3A_1237 : i32
        %bitcast_convert_type3A_1240 = arith.bitcast %sub3A_1239 : i32 to f32
        %mul3A_1241 = arith.constant 5.000000e-01 : f32
        %mul3A_1242 = arith.mulf %mul3A_1241, %add3A_1234 : f32
        %mul3A_1243 = arith.mulf %mul3A_1242, %bitcast_convert_type3A_1240 : f32
        %mul3A_1244 = arith.mulf %mul3A_1243, %bitcast_convert_type3A_1240 : f32
        %sub3A_1245 = arith.constant 1.500000e+00 : f32
        %sub3A_1246 = arith.subf %sub3A_1245, %mul3A_1244 : f32
        %mul3A_1247 = arith.mulf %bitcast_convert_type3A_1240, %sub3A_1246 : f32
        %mul3A_1248 = arith.mulf %mul3A_1242, %mul3A_1247 : f32
        %mul3A_1249 = arith.mulf %mul3A_1248, %mul3A_1247 : f32
        %sub3A_1250 = arith.constant 1.500000e+00 : f32
        %sub3A_1251 = arith.subf %sub3A_1250, %mul3A_1249 : f32
        %mul3A_1252 = arith.mulf %mul3A_1247, %sub3A_1251 : f32
        %mul3A_1253 = arith.mulf %mul3A_1242, %mul3A_1252 : f32
        %mul3A_1254 = arith.mulf %mul3A_1253, %mul3A_1252 : f32
        %sub3A_1255 = arith.constant 1.500000e+00 : f32
        %sub3A_1256 = arith.subf %sub3A_1255, %mul3A_1254 : f32
        %mul3A_1257 = arith.mulf %mul3A_1252, %sub3A_1256 : f32
        %neg3A_1258 = arith.constant 0.000000e+00 : f32
        %neg3A_1259 = arith.subf %neg3A_1258, %mul3A_1230 : f32
        %mul3A_1260 = arith.mulf %neg3A_1259, %mul3A_1257 : f32
        %mul3A_1261 = vector.broadcast %mul3A_1257 : f32 to vector<16xf32>
        %mul3A_1262 = arith.mulf %add3A_1122, %mul3A_1261 : vector<16xf32>
        %add3A_1263 = vector.broadcast %mul3A_1260 : f32 to vector<16xf32>
        %add3A_1264 = arith.addf %mul3A_1262, %add3A_1263 : vector<16xf32>
        %mul3A_1265 = arith.mulf %add3A_1264, %get3A_3 : vector<16xf32>
        %add3A_1266 = arith.addf %mul3A_1265, %get3A_19 : vector<16xf32>
        %swap3A_1267 = arith.index_cast %add3A_1111 : i32 to index
        %swap3A_1268 = arith.constant 0 : index
        %swap3A_1269 = tpu.vector_load %arg18[%swap3A_1267, %swap3A_1268] {strides = array<i32>} : memref<64x128xf32, #tpu.memory_space<vmem>>, vector<16xf32>,
        tpu.vector_store %arg18[%swap3A_1267, %swap3A_1268], %add3A_1266 {strides = array<i32>} : memref<64x128xf32, #tpu.memory_space<vmem>>, vector<16xf32>,
        %mul3A_1270 = vector.broadcast %mul3A_1257 : f32 to vector<16xf32>
        %mul3A_1271 = arith.mulf %add3A_1134, %mul3A_1270 : vector<16xf32>
        %add3A_1272 = vector.broadcast %mul3A_1260 : f32 to vector<16xf32>
        %add3A_1273 = arith.addf %mul3A_1271, %add3A_1272 : vector<16xf32>
        %mul3A_1274 = arith.mulf %add3A_1273, %get3A_5 : vector<16xf32>
        %add3A_1275 = arith.addf %mul3A_1274, %get3A_21 : vector<16xf32>
        %swap3A_1276 = arith.index_cast %add3A_1111 : i32 to index
        %swap3A_1277 = arith.constant 16 : index
        %swap3A_1278 = tpu.vector_load %arg18[%swap3A_1276, %swap3A_1277] {strides = array<i32>} : memref<64x128xf32, #tpu.memory_space<vmem>>, vector<16xf32>,
        tpu.vector_store %arg18[%swap3A_1276, %swap3A_1277], %add3A_1275 {strides = array<i32>} : memref<64x128xf32, #tpu.memory_space<vmem>>, vector<16xf32>,
        %mul3A_1279 = vector.broadcast %mul3A_1257 : f32 to vector<16xf32>
        %mul3A_1280 = arith.mulf %add3A_1148, %mul3A_1279 : vector<16xf32>
        %add3A_1281 = vector.broadcast %mul3A_1260 : f32 to vector<16xf32>
        %add3A_1282 = arith.addf %mul3A_1280, %add3A_1281 : vector<16xf32>
        %mul3A_1283 = arith.mulf %add3A_1282, %get3A_7 : vector<16xf32>
        %add3A_1284 = arith.addf %mul3A_1283, %get3A_23 : vector<16xf32>
        %swap3A_1285 = arith.index_cast %add3A_1111 : i32 to index
        %swap3A_1286 = arith.constant 32 : index
        %swap3A_1287 = tpu.vector_load %arg18[%swap3A_1285, %swap3A_1286] {strides = array<i32>} : memref<64x128xf32, #tpu.memory_space<vmem>>, vector<16xf32>,
        tpu.vector_store %arg18[%swap3A_1285, %swap3A_1286], %add3A_1284 {strides = array<i32>} : memref<64x128xf32, #tpu.memory_space<vmem>>, vector<16xf32>,
        %mul3A_1288 = vector.broadcast %mul3A_1257 : f32 to vector<16xf32>
        %mul3A_1289 = arith.mulf %add3A_1162, %mul3A_1288 : vector<16xf32>
        %add3A_1290 = vector.broadcast %mul3A_1260 : f32 to vector<16xf32>
        %add3A_1291 = arith.addf %mul3A_1289, %add3A_1290 : vector<16xf32>
        %mul3A_1292 = arith.mulf %add3A_1291, %get3A_9 : vector<16xf32>
        %add3A_1293 = arith.addf %mul3A_1292, %get3A_25 : vector<16xf32>
        %swap3A_1294 = arith.index_cast %add3A_1111 : i32 to index
        %swap3A_1295 = arith.constant 48 : index
        %swap3A_1296 = tpu.vector_load %arg18[%swap3A_1294, %swap3A_1295] {strides = array<i32>} : memref<64x128xf32, #tpu.memory_space<vmem>>, vector<16xf32>,
        tpu.vector_store %arg18[%swap3A_1294, %swap3A_1295], %add3A_1293 {strides = array<i32>} : memref<64x128xf32, #tpu.memory_space<vmem>>, vector<16xf32>,
        %mul3A_1297 = vector.broadcast %mul3A_1257 : f32 to vector<16xf32>
        %mul3A_1298 = arith.mulf %add3A_1176, %mul3A_1297 : vector<16xf32>
        %add3A_1299 = vector.broadcast %mul3A_1260 : f32 to vector<16xf32>
        %add3A_1300 = arith.addf %mul3A_1298, %add3A_1299 : vector<16xf32>
        %mul3A_1301 = arith.mulf %add3A_1300, %get3A_11 : vector<16xf32>
        %add3A_1302 = arith.addf %mul3A_1301, %get3A_27 : vector<16xf32>
        %swap3A_1303 = arith.index_cast %add3A_1111 : i32 to index
        %swap3A_1304 = arith.constant 64 : index
        %swap3A_1305 = tpu.vector_load %arg18[%swap3A_1303, %swap3A_1304] {strides = array<i32>} : memref<64x128xf32, #tpu.memory_space<vmem>>, vector<16xf32>,
        tpu.vector_store %arg18[%swap3A_1303, %swap3A_1304], %add3A_1302 {strides = array<i32>} : memref<64x128xf32, #tpu.memory_space<vmem>>, vector<16xf32>,
        %mul3A_1306 = vector.broadcast %mul3A_1257 : f32 to vector<16xf32>
        %mul3A_1307 = arith.mulf %add3A_1190, %mul3A_1306 : vector<16xf32>
        %add3A_1308 = vector.broadcast %mul3A_1260 : f32 to vector<16xf32>
        %add3A_1309 = arith.addf %mul3A_1307, %add3A_1308 : vector<16xf32>
        %mul3A_1310 = arith.mulf %add3A_1309, %get3A_13 : vector<16xf32>
        %add3A_1311 = arith.addf %mul3A_1310, %get3A_29 : vector<16xf32>
        %swap3A_1312 = arith.index_cast %add3A_1111 : i32 to index
        %swap3A_1313 = arith.constant 80 : index
        %swap3A_1314 = tpu.vector_load %arg18[%swap3A_1312, %swap3A_1313] {strides = array<i32>} : memref<64x128xf32, #tpu.memory_space<vmem>>, vector<16xf32>,
        tpu.vector_store %arg18[%swap3A_1312, %swap3A_1313], %add3A_1311 {strides = array<i32>} : memref<64x128xf32, #tpu.memory_space<vmem>>, vector<16xf32>,
        %mul3A_1315 = vector.broadcast %mul3A_1257 : f32 to vector<16xf32>
        %mul3A_1316 = arith.mulf %add3A_1204, %mul3A_1315 : vector<16xf32>
        %add3A_1317 = vector.broadcast %mul3A_1260 : f32 to vector<16xf32>
        %add3A_1318 = arith.addf %mul3A_1316, %add3A_1317 : vector<16xf32>
        %mul3A_1319 = arith.mulf %add3A_1318, %get3A_15 : vector<16xf32>
        %add3A_1320 = arith.addf %mul3A_1319, %get3A_31 : vector<16xf32>
        %swap3A_1321 = arith.index_cast %add3A_1111 : i32 to index
        %swap3A_1322 = arith.constant 96 : index
        %swap3A_1323 = tpu.vector_load %arg18[%swap3A_1321, %swap3A_1322] {strides = array<i32>} : memref<64x128xf32, #tpu.memory_space<vmem>>, vector<16xf32>,
        tpu.vector_store %arg18[%swap3A_1321, %swap3A_1322], %add3A_1320 {strides = array<i32>} : memref<64x128xf32, #tpu.memory_space<vmem>>, vector<16xf32>,
        %mul3A_1324 = vector.broadcast %mul3A_1257 : f32 to vector<16xf32>
        %mul3A_1325 = arith.mulf %add3A_1218, %mul3A_1324 : vector<16xf32>
        %add3A_1326 = vector.broadcast %mul3A_1260 : f32 to vector<16xf32>
        %add3A_1327 = arith.addf %mul3A_1325, %add3A_1326 : vector<16xf32>
        %mul3A_1328 = arith.mulf %add3A_1327, %get3A_17 : vector<16xf32>
        %add3A_1329 = arith.addf %mul3A_1328, %get3A_33 : vector<16xf32>
        %swap3A_1330 = arith.index_cast %add3A_1111 : i32 to index
        %swap3A_1331 = arith.constant 112 : index
        %swap3A_1332 = tpu.vector_load %arg18[%swap3A_1330, %swap3A_1331] {strides = array<i32>} : memref<64x128xf32, #tpu.memory_space<vmem>>, vector<16xf32>,
        tpu.vector_store %arg18[%swap3A_1330, %swap3A_1331], %add3A_1329 {strides = array<i32>} : memref<64x128xf32, #tpu.memory_space<vmem>>, vector<16xf32>,
        %slice3A_1333 = vector.extract_strided_slice %get3A_180 {offsets = [5], sizes = [1], strides = [1]} : vector<16xi32> to vector<1xi32>
        %squeeze3A_1334 = vector.extract %slice3A_1333[0] : i32 from vector<1xi32>
        %shift_right_logical3A_1335 = arith.constant 17 : i32
        %shift_right_logical3A_1336 = arith.shrui %squeeze3A_1334, %shift_right_logical3A_1335 : i32
        %and3A_1337 = arith.andi %shift_right_logical3A_1336, %scan3A_63 : i32
        %shift_right_logical3A_1338 = arith.constant 26 : i32
        %shift_right_logical3A_1339 = arith.shrui %squeeze3A_1334, %shift_right_logical3A_1338 : i32
        %mul3A_1340 = arith.constant 8 : i32
        %mul3A_1341 = arith.muli %scan3A_175, %mul3A_1340 : i32
        %add3A_1342 = arith.constant 5 : i32
        %add3A_1343 = arith.addi %mul3A_1341, %add3A_1342 : i32
        %get3A_1344 = arith.index_cast %add3A_1343 : i32 to index
        %get3A_1345 = arith.constant 0 : index
        %get3A_1346 = tpu.vector_load %arg16[%get3A_1344, %get3A_1345] {strides = array<i32>} : memref<64x128xf32, #tpu.memory_space<vmem>>, vector<16xf32>,
        %get3A_1347 = arith.index_cast %and3A_1337 : i32 to index
        %get3A_1348 = arith.constant 0 : index
        %get3A_1349 = tpu.vector_load %arg9[%get3A_1347, %get3A_1348] {strides = array<i32>} : memref<512x128xf32, #tpu.memory_space<vmem>>, vector<16xf32>,
        %add3A_1350 = arith.addf %get3A_1346, %get3A_1349 : vector<16xf32>
        %get3A_1351 = arith.index_cast %shift_right_logical3A_1339 : i32 to index
        %get3A_1352 = arith.constant 0 : index
        %get3A_1353 = tpu.vector_load %arg10[%get3A_1351, %get3A_1352] {strides = array<i32>} : memref<16x128xf32, #tpu.memory_space<vmem>>, vector<16xf32>,
        %add3A_1354 = arith.addf %add3A_1350, %get3A_1353 : vector<16xf32>
        %mul3A_1355 = arith.mulf %add3A_1354, %add3A_1354 : vector<16xf32>
        %get3A_1356 = arith.index_cast %add3A_1343 : i32 to index
        %get3A_1357 = arith.constant 16 : index
        %get3A_1358 = tpu.vector_load %arg16[%get3A_1356, %get3A_1357] {strides = array<i32>} : memref<64x128xf32, #tpu.memory_space<vmem>>, vector<16xf32>,
        %get3A_1359 = arith.index_cast %and3A_1337 : i32 to index
        %get3A_1360 = arith.constant 16 : index
        %get3A_1361 = tpu.vector_load %arg9[%get3A_1359, %get3A_1360] {strides = array<i32>} : memref<512x128xf32, #tpu.memory_space<vmem>>, vector<16xf32>,
        %add3A_1362 = arith.addf %get3A_1358, %get3A_1361 : vector<16xf32>
        %get3A_1363 = arith.index_cast %shift_right_logical3A_1339 : i32 to index
        %get3A_1364 = arith.constant 16 : index
        %get3A_1365 = tpu.vector_load %arg10[%get3A_1363, %get3A_1364] {strides = array<i32>} : memref<16x128xf32, #tpu.memory_space<vmem>>, vector<16xf32>,
        %add3A_1366 = arith.addf %add3A_1362, %get3A_1365 : vector<16xf32>
        %add3A_1367 = arith.addf %add3A_1354, %add3A_1366 : vector<16xf32>
        %mul3A_1368 = arith.mulf %add3A_1366, %add3A_1366 : vector<16xf32>
        %add3A_1369 = arith.addf %mul3A_1355, %mul3A_1368 : vector<16xf32>
        %get3A_1370 = arith.index_cast %add3A_1343 : i32 to index
        %get3A_1371 = arith.constant 32 : index
        %get3A_1372 = tpu.vector_load %arg16[%get3A_1370, %get3A_1371] {strides = array<i32>} : memref<64x128xf32, #tpu.memory_space<vmem>>, vector<16xf32>,
        %get3A_1373 = arith.index_cast %and3A_1337 : i32 to index
        %get3A_1374 = arith.constant 32 : index
        %get3A_1375 = tpu.vector_load %arg9[%get3A_1373, %get3A_1374] {strides = array<i32>} : memref<512x128xf32, #tpu.memory_space<vmem>>, vector<16xf32>,
        %add3A_1376 = arith.addf %get3A_1372, %get3A_1375 : vector<16xf32>
        %get3A_1377 = arith.index_cast %shift_right_logical3A_1339 : i32 to index
        %get3A_1378 = arith.constant 32 : index
        %get3A_1379 = tpu.vector_load %arg10[%get3A_1377, %get3A_1378] {strides = array<i32>} : memref<16x128xf32, #tpu.memory_space<vmem>>, vector<16xf32>,
        %add3A_1380 = arith.addf %add3A_1376, %get3A_1379 : vector<16xf32>
        %add3A_1381 = arith.addf %add3A_1367, %add3A_1380 : vector<16xf32>
        %mul3A_1382 = arith.mulf %add3A_1380, %add3A_1380 : vector<16xf32>
        %add3A_1383 = arith.addf %add3A_1369, %mul3A_1382 : vector<16xf32>
        %get3A_1384 = arith.index_cast %add3A_1343 : i32 to index
        %get3A_1385 = arith.constant 48 : index
        %get3A_1386 = tpu.vector_load %arg16[%get3A_1384, %get3A_1385] {strides = array<i32>} : memref<64x128xf32, #tpu.memory_space<vmem>>, vector<16xf32>,
        %get3A_1387 = arith.index_cast %and3A_1337 : i32 to index
        %get3A_1388 = arith.constant 48 : index
        %get3A_1389 = tpu.vector_load %arg9[%get3A_1387, %get3A_1388] {strides = array<i32>} : memref<512x128xf32, #tpu.memory_space<vmem>>, vector<16xf32>,
        %add3A_1390 = arith.addf %get3A_1386, %get3A_1389 : vector<16xf32>
        %get3A_1391 = arith.index_cast %shift_right_logical3A_1339 : i32 to index
        %get3A_1392 = arith.constant 48 : index
        %get3A_1393 = tpu.vector_load %arg10[%get3A_1391, %get3A_1392] {strides = array<i32>} : memref<16x128xf32, #tpu.memory_space<vmem>>, vector<16xf32>,
        %add3A_1394 = arith.addf %add3A_1390, %get3A_1393 : vector<16xf32>
        %add3A_1395 = arith.addf %add3A_1381, %add3A_1394 : vector<16xf32>
        %mul3A_1396 = arith.mulf %add3A_1394, %add3A_1394 : vector<16xf32>
        %add3A_1397 = arith.addf %add3A_1383, %mul3A_1396 : vector<16xf32>
        %get3A_1398 = arith.index_cast %add3A_1343 : i32 to index
        %get3A_1399 = arith.constant 64 : index
        %get3A_1400 = tpu.vector_load %arg16[%get3A_1398, %get3A_1399] {strides = array<i32>} : memref<64x128xf32, #tpu.memory_space<vmem>>, vector<16xf32>,
        %get3A_1401 = arith.index_cast %and3A_1337 : i32 to index
        %get3A_1402 = arith.constant 64 : index
        %get3A_1403 = tpu.vector_load %arg9[%get3A_1401, %get3A_1402] {strides = array<i32>} : memref<512x128xf32, #tpu.memory_space<vmem>>, vector<16xf32>,
        %add3A_1404 = arith.addf %get3A_1400, %get3A_1403 : vector<16xf32>
        %get3A_1405 = arith.index_cast %shift_right_logical3A_1339 : i32 to index
        %get3A_1406 = arith.constant 64 : index
        %get3A_1407 = tpu.vector_load %arg10[%get3A_1405, %get3A_1406] {strides = array<i32>} : memref<16x128xf32, #tpu.memory_space<vmem>>, vector<16xf32>,
        %add3A_1408 = arith.addf %add3A_1404, %get3A_1407 : vector<16xf32>
        %add3A_1409 = arith.addf %add3A_1395, %add3A_1408 : vector<16xf32>
        %mul3A_1410 = arith.mulf %add3A_1408, %add3A_1408 : vector<16xf32>
        %add3A_1411 = arith.addf %add3A_1397, %mul3A_1410 : vector<16xf32>
        %get3A_1412 = arith.index_cast %add3A_1343 : i32 to index
        %get3A_1413 = arith.constant 80 : index
        %get3A_1414 = tpu.vector_load %arg16[%get3A_1412, %get3A_1413] {strides = array<i32>} : memref<64x128xf32, #tpu.memory_space<vmem>>, vector<16xf32>,
        %get3A_1415 = arith.index_cast %and3A_1337 : i32 to index
        %get3A_1416 = arith.constant 80 : index
        %get3A_1417 = tpu.vector_load %arg9[%get3A_1415, %get3A_1416] {strides = array<i32>} : memref<512x128xf32, #tpu.memory_space<vmem>>, vector<16xf32>,
        %add3A_1418 = arith.addf %get3A_1414, %get3A_1417 : vector<16xf32>
        %get3A_1419 = arith.index_cast %shift_right_logical3A_1339 : i32 to index
        %get3A_1420 = arith.constant 80 : index
        %get3A_1421 = tpu.vector_load %arg10[%get3A_1419, %get3A_1420] {strides = array<i32>} : memref<16x128xf32, #tpu.memory_space<vmem>>, vector<16xf32>,
        %add3A_1422 = arith.addf %add3A_1418, %get3A_1421 : vector<16xf32>
        %add3A_1423 = arith.addf %add3A_1409, %add3A_1422 : vector<16xf32>
        %mul3A_1424 = arith.mulf %add3A_1422, %add3A_1422 : vector<16xf32>
        %add3A_1425 = arith.addf %add3A_1411, %mul3A_1424 : vector<16xf32>
        %get3A_1426 = arith.index_cast %add3A_1343 : i32 to index
        %get3A_1427 = arith.constant 96 : index
        %get3A_1428 = tpu.vector_load %arg16[%get3A_1426, %get3A_1427] {strides = array<i32>} : memref<64x128xf32, #tpu.memory_space<vmem>>, vector<16xf32>,
        %get3A_1429 = arith.index_cast %and3A_1337 : i32 to index
        %get3A_1430 = arith.constant 96 : index
        %get3A_1431 = tpu.vector_load %arg9[%get3A_1429, %get3A_1430] {strides = array<i32>} : memref<512x128xf32, #tpu.memory_space<vmem>>, vector<16xf32>,
        %add3A_1432 = arith.addf %get3A_1428, %get3A_1431 : vector<16xf32>
        %get3A_1433 = arith.index_cast %shift_right_logical3A_1339 : i32 to index
        %get3A_1434 = arith.constant 96 : index
        %get3A_1435 = tpu.vector_load %arg10[%get3A_1433, %get3A_1434] {strides = array<i32>} : memref<16x128xf32, #tpu.memory_space<vmem>>, vector<16xf32>,
        %add3A_1436 = arith.addf %add3A_1432, %get3A_1435 : vector<16xf32>
        %add3A_1437 = arith.addf %add3A_1423, %add3A_1436 : vector<16xf32>
        %mul3A_1438 = arith.mulf %add3A_1436, %add3A_1436 : vector<16xf32>
        %add3A_1439 = arith.addf %add3A_1425, %mul3A_1438 : vector<16xf32>
        %get3A_1440 = arith.index_cast %add3A_1343 : i32 to index
        %get3A_1441 = arith.constant 112 : index
        %get3A_1442 = tpu.vector_load %arg16[%get3A_1440, %get3A_1441] {strides = array<i32>} : memref<64x128xf32, #tpu.memory_space<vmem>>, vector<16xf32>,
        %get3A_1443 = arith.index_cast %and3A_1337 : i32 to index
        %get3A_1444 = arith.constant 112 : index
        %get3A_1445 = tpu.vector_load %arg9[%get3A_1443, %get3A_1444] {strides = array<i32>} : memref<512x128xf32, #tpu.memory_space<vmem>>, vector<16xf32>,
        %add3A_1446 = arith.addf %get3A_1442, %get3A_1445 : vector<16xf32>
        %get3A_1447 = arith.index_cast %shift_right_logical3A_1339 : i32 to index
        %get3A_1448 = arith.constant 112 : index
        %get3A_1449 = tpu.vector_load %arg10[%get3A_1447, %get3A_1448] {strides = array<i32>} : memref<16x128xf32, #tpu.memory_space<vmem>>, vector<16xf32>,
        %add3A_1450 = arith.addf %add3A_1446, %get3A_1449 : vector<16xf32>
        %add3A_1451 = arith.addf %add3A_1437, %add3A_1450 : vector<16xf32>
        %mul3A_1452 = arith.mulf %add3A_1450, %add3A_1450 : vector<16xf32>
        %add3A_1453 = arith.addf %add3A_1439, %mul3A_1452 : vector<16xf32>
        %reduce_sum3A_1454 = arith.constant true
        %reduce_sum3A_1455 = vector.broadcast %reduce_sum3A_1454 : i1 to vector<16xi1>
        %reduce_sum3A_1456 = tpu.scan <sum>, %add3A_1451 masked %reduce_sum3A_1455 : vector<16xf32>, vector<16xi1> -> vector<16xf32>
        %reduce_sum3A_1457 = vector.extract %reduce_sum3A_1456[15] : f32 from vector<16xf32>
        %reduce_sum3A_1458 = arith.constant true
        %reduce_sum3A_1459 = vector.broadcast %reduce_sum3A_1458 : i1 to vector<16xi1>
        %reduce_sum3A_1460 = tpu.scan <sum>, %add3A_1453 masked %reduce_sum3A_1459 : vector<16xf32>, vector<16xi1> -> vector<16xf32>
        %reduce_sum3A_1461 = vector.extract %reduce_sum3A_1460[15] : f32 from vector<16xf32>
        %mul3A_1462 = arith.mulf %reduce_sum3A_1457, %scan3A_64 : f32
        %mul3A_1463 = arith.mulf %reduce_sum3A_1461, %scan3A_64 : f32
        %mul3A_1464 = arith.mulf %mul3A_1462, %mul3A_1462 : f32
        %sub3A_1465 = arith.subf %mul3A_1463, %mul3A_1464 : f32
        %add3A_1466 = arith.addf %sub3A_1465, %scan3A_65 : f32
        %bitcast_convert_type3A_1467 = arith.bitcast %add3A_1466 : f32 to i32
        %shift_right_arithmetic3A_1468 = arith.constant 1 : i32
        %shift_right_arithmetic3A_1469 = arith.shrsi %bitcast_convert_type3A_1467, %shift_right_arithmetic3A_1468 : i32
        %sub3A_1470 = arith.constant 1597463007 : i32
        %sub3A_1471 = arith.subi %sub3A_1470, %shift_right_arithmetic3A_1469 : i32
        %bitcast_convert_type3A_1472 = arith.bitcast %sub3A_1471 : i32 to f32
        %mul3A_1473 = arith.constant 5.000000e-01 : f32
        %mul3A_1474 = arith.mulf %mul3A_1473, %add3A_1466 : f32
        %mul3A_1475 = arith.mulf %mul3A_1474, %bitcast_convert_type3A_1472 : f32
        %mul3A_1476 = arith.mulf %mul3A_1475, %bitcast_convert_type3A_1472 : f32
        %sub3A_1477 = arith.constant 1.500000e+00 : f32
        %sub3A_1478 = arith.subf %sub3A_1477, %mul3A_1476 : f32
        %mul3A_1479 = arith.mulf %bitcast_convert_type3A_1472, %sub3A_1478 : f32
        %mul3A_1480 = arith.mulf %mul3A_1474, %mul3A_1479 : f32
        %mul3A_1481 = arith.mulf %mul3A_1480, %mul3A_1479 : f32
        %sub3A_1482 = arith.constant 1.500000e+00 : f32
        %sub3A_1483 = arith.subf %sub3A_1482, %mul3A_1481 : f32
        %mul3A_1484 = arith.mulf %mul3A_1479, %sub3A_1483 : f32
        %mul3A_1485 = arith.mulf %mul3A_1474, %mul3A_1484 : f32
        %mul3A_1486 = arith.mulf %mul3A_1485, %mul3A_1484 : f32
        %sub3A_1487 = arith.constant 1.500000e+00 : f32
        %sub3A_1488 = arith.subf %sub3A_1487, %mul3A_1486 : f32
        %mul3A_1489 = arith.mulf %mul3A_1484, %sub3A_1488 : f32
        %neg3A_1490 = arith.constant 0.000000e+00 : f32
        %neg3A_1491 = arith.subf %neg3A_1490, %mul3A_1462 : f32
        %mul3A_1492 = arith.mulf %neg3A_1491, %mul3A_1489 : f32
        %mul3A_1493 = vector.broadcast %mul3A_1489 : f32 to vector<16xf32>
        %mul3A_1494 = arith.mulf %add3A_1354, %mul3A_1493 : vector<16xf32>
        %add3A_1495 = vector.broadcast %mul3A_1492 : f32 to vector<16xf32>
        %add3A_1496 = arith.addf %mul3A_1494, %add3A_1495 : vector<16xf32>
        %mul3A_1497 = arith.mulf %add3A_1496, %get3A_3 : vector<16xf32>
        %add3A_1498 = arith.addf %mul3A_1497, %get3A_19 : vector<16xf32>
        %swap3A_1499 = arith.index_cast %add3A_1343 : i32 to index
        %swap3A_1500 = arith.constant 0 : index
        %swap3A_1501 = tpu.vector_load %arg18[%swap3A_1499, %swap3A_1500] {strides = array<i32>} : memref<64x128xf32, #tpu.memory_space<vmem>>, vector<16xf32>,
        tpu.vector_store %arg18[%swap3A_1499, %swap3A_1500], %add3A_1498 {strides = array<i32>} : memref<64x128xf32, #tpu.memory_space<vmem>>, vector<16xf32>,
        %mul3A_1502 = vector.broadcast %mul3A_1489 : f32 to vector<16xf32>
        %mul3A_1503 = arith.mulf %add3A_1366, %mul3A_1502 : vector<16xf32>
        %add3A_1504 = vector.broadcast %mul3A_1492 : f32 to vector<16xf32>
        %add3A_1505 = arith.addf %mul3A_1503, %add3A_1504 : vector<16xf32>
        %mul3A_1506 = arith.mulf %add3A_1505, %get3A_5 : vector<16xf32>
        %add3A_1507 = arith.addf %mul3A_1506, %get3A_21 : vector<16xf32>
        %swap3A_1508 = arith.index_cast %add3A_1343 : i32 to index
        %swap3A_1509 = arith.constant 16 : index
        %swap3A_1510 = tpu.vector_load %arg18[%swap3A_1508, %swap3A_1509] {strides = array<i32>} : memref<64x128xf32, #tpu.memory_space<vmem>>, vector<16xf32>,
        tpu.vector_store %arg18[%swap3A_1508, %swap3A_1509], %add3A_1507 {strides = array<i32>} : memref<64x128xf32, #tpu.memory_space<vmem>>, vector<16xf32>,
        %mul3A_1511 = vector.broadcast %mul3A_1489 : f32 to vector<16xf32>
        %mul3A_1512 = arith.mulf %add3A_1380, %mul3A_1511 : vector<16xf32>
        %add3A_1513 = vector.broadcast %mul3A_1492 : f32 to vector<16xf32>
        %add3A_1514 = arith.addf %mul3A_1512, %add3A_1513 : vector<16xf32>
        %mul3A_1515 = arith.mulf %add3A_1514, %get3A_7 : vector<16xf32>
        %add3A_1516 = arith.addf %mul3A_1515, %get3A_23 : vector<16xf32>
        %swap3A_1517 = arith.index_cast %add3A_1343 : i32 to index
        %swap3A_1518 = arith.constant 32 : index
        %swap3A_1519 = tpu.vector_load %arg18[%swap3A_1517, %swap3A_1518] {strides = array<i32>} : memref<64x128xf32, #tpu.memory_space<vmem>>, vector<16xf32>,
        tpu.vector_store %arg18[%swap3A_1517, %swap3A_1518], %add3A_1516 {strides = array<i32>} : memref<64x128xf32, #tpu.memory_space<vmem>>, vector<16xf32>,
        %mul3A_1520 = vector.broadcast %mul3A_1489 : f32 to vector<16xf32>
        %mul3A_1521 = arith.mulf %add3A_1394, %mul3A_1520 : vector<16xf32>
        %add3A_1522 = vector.broadcast %mul3A_1492 : f32 to vector<16xf32>
        %add3A_1523 = arith.addf %mul3A_1521, %add3A_1522 : vector<16xf32>
        %mul3A_1524 = arith.mulf %add3A_1523, %get3A_9 : vector<16xf32>
        %add3A_1525 = arith.addf %mul3A_1524, %get3A_25 : vector<16xf32>
        %swap3A_1526 = arith.index_cast %add3A_1343 : i32 to index
        %swap3A_1527 = arith.constant 48 : index
        %swap3A_1528 = tpu.vector_load %arg18[%swap3A_1526, %swap3A_1527] {strides = array<i32>} : memref<64x128xf32, #tpu.memory_space<vmem>>, vector<16xf32>,
        tpu.vector_store %arg18[%swap3A_1526, %swap3A_1527], %add3A_1525 {strides = array<i32>} : memref<64x128xf32, #tpu.memory_space<vmem>>, vector<16xf32>,
        %mul3A_1529 = vector.broadcast %mul3A_1489 : f32 to vector<16xf32>
        %mul3A_1530 = arith.mulf %add3A_1408, %mul3A_1529 : vector<16xf32>
        %add3A_1531 = vector.broadcast %mul3A_1492 : f32 to vector<16xf32>
        %add3A_1532 = arith.addf %mul3A_1530, %add3A_1531 : vector<16xf32>
        %mul3A_1533 = arith.mulf %add3A_1532, %get3A_11 : vector<16xf32>
        %add3A_1534 = arith.addf %mul3A_1533, %get3A_27 : vector<16xf32>
        %swap3A_1535 = arith.index_cast %add3A_1343 : i32 to index
        %swap3A_1536 = arith.constant 64 : index
        %swap3A_1537 = tpu.vector_load %arg18[%swap3A_1535, %swap3A_1536] {strides = array<i32>} : memref<64x128xf32, #tpu.memory_space<vmem>>, vector<16xf32>,
        tpu.vector_store %arg18[%swap3A_1535, %swap3A_1536], %add3A_1534 {strides = array<i32>} : memref<64x128xf32, #tpu.memory_space<vmem>>, vector<16xf32>,
        %mul3A_1538 = vector.broadcast %mul3A_1489 : f32 to vector<16xf32>
        %mul3A_1539 = arith.mulf %add3A_1422, %mul3A_1538 : vector<16xf32>
        %add3A_1540 = vector.broadcast %mul3A_1492 : f32 to vector<16xf32>
        %add3A_1541 = arith.addf %mul3A_1539, %add3A_1540 : vector<16xf32>
        %mul3A_1542 = arith.mulf %add3A_1541, %get3A_13 : vector<16xf32>
        %add3A_1543 = arith.addf %mul3A_1542, %get3A_29 : vector<16xf32>
        %swap3A_1544 = arith.index_cast %add3A_1343 : i32 to index
        %swap3A_1545 = arith.constant 80 : index
        %swap3A_1546 = tpu.vector_load %arg18[%swap3A_1544, %swap3A_1545] {strides = array<i32>} : memref<64x128xf32, #tpu.memory_space<vmem>>, vector<16xf32>,
        tpu.vector_store %arg18[%swap3A_1544, %swap3A_1545], %add3A_1543 {strides = array<i32>} : memref<64x128xf32, #tpu.memory_space<vmem>>, vector<16xf32>,
        %mul3A_1547 = vector.broadcast %mul3A_1489 : f32 to vector<16xf32>
        %mul3A_1548 = arith.mulf %add3A_1436, %mul3A_1547 : vector<16xf32>
        %add3A_1549 = vector.broadcast %mul3A_1492 : f32 to vector<16xf32>
        %add3A_1550 = arith.addf %mul3A_1548, %add3A_1549 : vector<16xf32>
        %mul3A_1551 = arith.mulf %add3A_1550, %get3A_15 : vector<16xf32>
        %add3A_1552 = arith.addf %mul3A_1551, %get3A_31 : vector<16xf32>
        %swap3A_1553 = arith.index_cast %add3A_1343 : i32 to index
        %swap3A_1554 = arith.constant 96 : index
        %swap3A_1555 = tpu.vector_load %arg18[%swap3A_1553, %swap3A_1554] {strides = array<i32>} : memref<64x128xf32, #tpu.memory_space<vmem>>, vector<16xf32>,
        tpu.vector_store %arg18[%swap3A_1553, %swap3A_1554], %add3A_1552 {strides = array<i32>} : memref<64x128xf32, #tpu.memory_space<vmem>>, vector<16xf32>,
        %mul3A_1556 = vector.broadcast %mul3A_1489 : f32 to vector<16xf32>
        %mul3A_1557 = arith.mulf %add3A_1450, %mul3A_1556 : vector<16xf32>
        %add3A_1558 = vector.broadcast %mul3A_1492 : f32 to vector<16xf32>
        %add3A_1559 = arith.addf %mul3A_1557, %add3A_1558 : vector<16xf32>
        %mul3A_1560 = arith.mulf %add3A_1559, %get3A_17 : vector<16xf32>
        %add3A_1561 = arith.addf %mul3A_1560, %get3A_33 : vector<16xf32>
        %swap3A_1562 = arith.index_cast %add3A_1343 : i32 to index
        %swap3A_1563 = arith.constant 112 : index
        %swap3A_1564 = tpu.vector_load %arg18[%swap3A_1562, %swap3A_1563] {strides = array<i32>} : memref<64x128xf32, #tpu.memory_space<vmem>>, vector<16xf32>,
        tpu.vector_store %arg18[%swap3A_1562, %swap3A_1563], %add3A_1561 {strides = array<i32>} : memref<64x128xf32, #tpu.memory_space<vmem>>, vector<16xf32>,
        %slice3A_1565 = vector.extract_strided_slice %get3A_180 {offsets = [6], sizes = [1], strides = [1]} : vector<16xi32> to vector<1xi32>
        %squeeze3A_1566 = vector.extract %slice3A_1565[0] : i32 from vector<1xi32>
        %shift_right_logical3A_1567 = arith.constant 17 : i32
        %shift_right_logical3A_1568 = arith.shrui %squeeze3A_1566, %shift_right_logical3A_1567 : i32
        %and3A_1569 = arith.andi %shift_right_logical3A_1568, %scan3A_63 : i32
        %shift_right_logical3A_1570 = arith.constant 26 : i32
        %shift_right_logical3A_1571 = arith.shrui %squeeze3A_1566, %shift_right_logical3A_1570 : i32
        %mul3A_1572 = arith.constant 8 : i32
        %mul3A_1573 = arith.muli %scan3A_175, %mul3A_1572 : i32
        %add3A_1574 = arith.constant 6 : i32
        %add3A_1575 = arith.addi %mul3A_1573, %add3A_1574 : i32
        %get3A_1576 = arith.index_cast %add3A_1575 : i32 to index
        %get3A_1577 = arith.constant 0 : index
        %get3A_1578 = tpu.vector_load %arg16[%get3A_1576, %get3A_1577] {strides = array<i32>} : memref<64x128xf32, #tpu.memory_space<vmem>>, vector<16xf32>,
        %get3A_1579 = arith.index_cast %and3A_1569 : i32 to index
        %get3A_1580 = arith.constant 0 : index
        %get3A_1581 = tpu.vector_load %arg9[%get3A_1579, %get3A_1580] {strides = array<i32>} : memref<512x128xf32, #tpu.memory_space<vmem>>, vector<16xf32>,
        %add3A_1582 = arith.addf %get3A_1578, %get3A_1581 : vector<16xf32>
        %get3A_1583 = arith.index_cast %shift_right_logical3A_1571 : i32 to index
        %get3A_1584 = arith.constant 0 : index
        %get3A_1585 = tpu.vector_load %arg10[%get3A_1583, %get3A_1584] {strides = array<i32>} : memref<16x128xf32, #tpu.memory_space<vmem>>, vector<16xf32>,
        %add3A_1586 = arith.addf %add3A_1582, %get3A_1585 : vector<16xf32>
        %mul3A_1587 = arith.mulf %add3A_1586, %add3A_1586 : vector<16xf32>
        %get3A_1588 = arith.index_cast %add3A_1575 : i32 to index
        %get3A_1589 = arith.constant 16 : index
        %get3A_1590 = tpu.vector_load %arg16[%get3A_1588, %get3A_1589] {strides = array<i32>} : memref<64x128xf32, #tpu.memory_space<vmem>>, vector<16xf32>,
        %get3A_1591 = arith.index_cast %and3A_1569 : i32 to index
        %get3A_1592 = arith.constant 16 : index
        %get3A_1593 = tpu.vector_load %arg9[%get3A_1591, %get3A_1592] {strides = array<i32>} : memref<512x128xf32, #tpu.memory_space<vmem>>, vector<16xf32>,
        %add3A_1594 = arith.addf %get3A_1590, %get3A_1593 : vector<16xf32>
        %get3A_1595 = arith.index_cast %shift_right_logical3A_1571 : i32 to index
        %get3A_1596 = arith.constant 16 : index
        %get3A_1597 = tpu.vector_load %arg10[%get3A_1595, %get3A_1596] {strides = array<i32>} : memref<16x128xf32, #tpu.memory_space<vmem>>, vector<16xf32>,
        %add3A_1598 = arith.addf %add3A_1594, %get3A_1597 : vector<16xf32>
        %add3A_1599 = arith.addf %add3A_1586, %add3A_1598 : vector<16xf32>
        %mul3A_1600 = arith.mulf %add3A_1598, %add3A_1598 : vector<16xf32>
        %add3A_1601 = arith.addf %mul3A_1587, %mul3A_1600 : vector<16xf32>
        %get3A_1602 = arith.index_cast %add3A_1575 : i32 to index
        %get3A_1603 = arith.constant 32 : index
        %get3A_1604 = tpu.vector_load %arg16[%get3A_1602, %get3A_1603] {strides = array<i32>} : memref<64x128xf32, #tpu.memory_space<vmem>>, vector<16xf32>,
        %get3A_1605 = arith.index_cast %and3A_1569 : i32 to index
        %get3A_1606 = arith.constant 32 : index
        %get3A_1607 = tpu.vector_load %arg9[%get3A_1605, %get3A_1606] {strides = array<i32>} : memref<512x128xf32, #tpu.memory_space<vmem>>, vector<16xf32>,
        %add3A_1608 = arith.addf %get3A_1604, %get3A_1607 : vector<16xf32>
        %get3A_1609 = arith.index_cast %shift_right_logical3A_1571 : i32 to index
        %get3A_1610 = arith.constant 32 : index
        %get3A_1611 = tpu.vector_load %arg10[%get3A_1609, %get3A_1610] {strides = array<i32>} : memref<16x128xf32, #tpu.memory_space<vmem>>, vector<16xf32>,
        %add3A_1612 = arith.addf %add3A_1608, %get3A_1611 : vector<16xf32>
        %add3A_1613 = arith.addf %add3A_1599, %add3A_1612 : vector<16xf32>
        %mul3A_1614 = arith.mulf %add3A_1612, %add3A_1612 : vector<16xf32>
        %add3A_1615 = arith.addf %add3A_1601, %mul3A_1614 : vector<16xf32>
        %get3A_1616 = arith.index_cast %add3A_1575 : i32 to index
        %get3A_1617 = arith.constant 48 : index
        %get3A_1618 = tpu.vector_load %arg16[%get3A_1616, %get3A_1617] {strides = array<i32>} : memref<64x128xf32, #tpu.memory_space<vmem>>, vector<16xf32>,
        %get3A_1619 = arith.index_cast %and3A_1569 : i32 to index
        %get3A_1620 = arith.constant 48 : index
        %get3A_1621 = tpu.vector_load %arg9[%get3A_1619, %get3A_1620] {strides = array<i32>} : memref<512x128xf32, #tpu.memory_space<vmem>>, vector<16xf32>,
        %add3A_1622 = arith.addf %get3A_1618, %get3A_1621 : vector<16xf32>
        %get3A_1623 = arith.index_cast %shift_right_logical3A_1571 : i32 to index
        %get3A_1624 = arith.constant 48 : index
        %get3A_1625 = tpu.vector_load %arg10[%get3A_1623, %get3A_1624] {strides = array<i32>} : memref<16x128xf32, #tpu.memory_space<vmem>>, vector<16xf32>,
        %add3A_1626 = arith.addf %add3A_1622, %get3A_1625 : vector<16xf32>
        %add3A_1627 = arith.addf %add3A_1613, %add3A_1626 : vector<16xf32>
        %mul3A_1628 = arith.mulf %add3A_1626, %add3A_1626 : vector<16xf32>
        %add3A_1629 = arith.addf %add3A_1615, %mul3A_1628 : vector<16xf32>
        %get3A_1630 = arith.index_cast %add3A_1575 : i32 to index
        %get3A_1631 = arith.constant 64 : index
        %get3A_1632 = tpu.vector_load %arg16[%get3A_1630, %get3A_1631] {strides = array<i32>} : memref<64x128xf32, #tpu.memory_space<vmem>>, vector<16xf32>,
        %get3A_1633 = arith.index_cast %and3A_1569 : i32 to index
        %get3A_1634 = arith.constant 64 : index
        %get3A_1635 = tpu.vector_load %arg9[%get3A_1633, %get3A_1634] {strides = array<i32>} : memref<512x128xf32, #tpu.memory_space<vmem>>, vector<16xf32>,
        %add3A_1636 = arith.addf %get3A_1632, %get3A_1635 : vector<16xf32>
        %get3A_1637 = arith.index_cast %shift_right_logical3A_1571 : i32 to index
        %get3A_1638 = arith.constant 64 : index
        %get3A_1639 = tpu.vector_load %arg10[%get3A_1637, %get3A_1638] {strides = array<i32>} : memref<16x128xf32, #tpu.memory_space<vmem>>, vector<16xf32>,
        %add3A_1640 = arith.addf %add3A_1636, %get3A_1639 : vector<16xf32>
        %add3A_1641 = arith.addf %add3A_1627, %add3A_1640 : vector<16xf32>
        %mul3A_1642 = arith.mulf %add3A_1640, %add3A_1640 : vector<16xf32>
        %add3A_1643 = arith.addf %add3A_1629, %mul3A_1642 : vector<16xf32>
        %get3A_1644 = arith.index_cast %add3A_1575 : i32 to index
        %get3A_1645 = arith.constant 80 : index
        %get3A_1646 = tpu.vector_load %arg16[%get3A_1644, %get3A_1645] {strides = array<i32>} : memref<64x128xf32, #tpu.memory_space<vmem>>, vector<16xf32>,
        %get3A_1647 = arith.index_cast %and3A_1569 : i32 to index
        %get3A_1648 = arith.constant 80 : index
        %get3A_1649 = tpu.vector_load %arg9[%get3A_1647, %get3A_1648] {strides = array<i32>} : memref<512x128xf32, #tpu.memory_space<vmem>>, vector<16xf32>,
        %add3A_1650 = arith.addf %get3A_1646, %get3A_1649 : vector<16xf32>
        %get3A_1651 = arith.index_cast %shift_right_logical3A_1571 : i32 to index
        %get3A_1652 = arith.constant 80 : index
        %get3A_1653 = tpu.vector_load %arg10[%get3A_1651, %get3A_1652] {strides = array<i32>} : memref<16x128xf32, #tpu.memory_space<vmem>>, vector<16xf32>,
        %add3A_1654 = arith.addf %add3A_1650, %get3A_1653 : vector<16xf32>
        %add3A_1655 = arith.addf %add3A_1641, %add3A_1654 : vector<16xf32>
        %mul3A_1656 = arith.mulf %add3A_1654, %add3A_1654 : vector<16xf32>
        %add3A_1657 = arith.addf %add3A_1643, %mul3A_1656 : vector<16xf32>
        %get3A_1658 = arith.index_cast %add3A_1575 : i32 to index
        %get3A_1659 = arith.constant 96 : index
        %get3A_1660 = tpu.vector_load %arg16[%get3A_1658, %get3A_1659] {strides = array<i32>} : memref<64x128xf32, #tpu.memory_space<vmem>>, vector<16xf32>,
        %get3A_1661 = arith.index_cast %and3A_1569 : i32 to index
        %get3A_1662 = arith.constant 96 : index
        %get3A_1663 = tpu.vector_load %arg9[%get3A_1661, %get3A_1662] {strides = array<i32>} : memref<512x128xf32, #tpu.memory_space<vmem>>, vector<16xf32>,
        %add3A_1664 = arith.addf %get3A_1660, %get3A_1663 : vector<16xf32>
        %get3A_1665 = arith.index_cast %shift_right_logical3A_1571 : i32 to index
        %get3A_1666 = arith.constant 96 : index
        %get3A_1667 = tpu.vector_load %arg10[%get3A_1665, %get3A_1666] {strides = array<i32>} : memref<16x128xf32, #tpu.memory_space<vmem>>, vector<16xf32>,
        %add3A_1668 = arith.addf %add3A_1664, %get3A_1667 : vector<16xf32>
        %add3A_1669 = arith.addf %add3A_1655, %add3A_1668 : vector<16xf32>
        %mul3A_1670 = arith.mulf %add3A_1668, %add3A_1668 : vector<16xf32>
        %add3A_1671 = arith.addf %add3A_1657, %mul3A_1670 : vector<16xf32>
        %get3A_1672 = arith.index_cast %add3A_1575 : i32 to index
        %get3A_1673 = arith.constant 112 : index
        %get3A_1674 = tpu.vector_load %arg16[%get3A_1672, %get3A_1673] {strides = array<i32>} : memref<64x128xf32, #tpu.memory_space<vmem>>, vector<16xf32>,
        %get3A_1675 = arith.index_cast %and3A_1569 : i32 to index
        %get3A_1676 = arith.constant 112 : index
        %get3A_1677 = tpu.vector_load %arg9[%get3A_1675, %get3A_1676] {strides = array<i32>} : memref<512x128xf32, #tpu.memory_space<vmem>>, vector<16xf32>,
        %add3A_1678 = arith.addf %get3A_1674, %get3A_1677 : vector<16xf32>
        %get3A_1679 = arith.index_cast %shift_right_logical3A_1571 : i32 to index
        %get3A_1680 = arith.constant 112 : index
        %get3A_1681 = tpu.vector_load %arg10[%get3A_1679, %get3A_1680] {strides = array<i32>} : memref<16x128xf32, #tpu.memory_space<vmem>>, vector<16xf32>,
        %add3A_1682 = arith.addf %add3A_1678, %get3A_1681 : vector<16xf32>
        %add3A_1683 = arith.addf %add3A_1669, %add3A_1682 : vector<16xf32>
        %mul3A_1684 = arith.mulf %add3A_1682, %add3A_1682 : vector<16xf32>
        %add3A_1685 = arith.addf %add3A_1671, %mul3A_1684 : vector<16xf32>
        %reduce_sum3A_1686 = arith.constant true
        %reduce_sum3A_1687 = vector.broadcast %reduce_sum3A_1686 : i1 to vector<16xi1>
        %reduce_sum3A_1688 = tpu.scan <sum>, %add3A_1683 masked %reduce_sum3A_1687 : vector<16xf32>, vector<16xi1> -> vector<16xf32>
        %reduce_sum3A_1689 = vector.extract %reduce_sum3A_1688[15] : f32 from vector<16xf32>
        %reduce_sum3A_1690 = arith.constant true
        %reduce_sum3A_1691 = vector.broadcast %reduce_sum3A_1690 : i1 to vector<16xi1>
        %reduce_sum3A_1692 = tpu.scan <sum>, %add3A_1685 masked %reduce_sum3A_1691 : vector<16xf32>, vector<16xi1> -> vector<16xf32>
        %reduce_sum3A_1693 = vector.extract %reduce_sum3A_1692[15] : f32 from vector<16xf32>
        %mul3A_1694 = arith.mulf %reduce_sum3A_1689, %scan3A_64 : f32
        %mul3A_1695 = arith.mulf %reduce_sum3A_1693, %scan3A_64 : f32
        %mul3A_1696 = arith.mulf %mul3A_1694, %mul3A_1694 : f32
        %sub3A_1697 = arith.subf %mul3A_1695, %mul3A_1696 : f32
        %add3A_1698 = arith.addf %sub3A_1697, %scan3A_65 : f32
        %bitcast_convert_type3A_1699 = arith.bitcast %add3A_1698 : f32 to i32
        %shift_right_arithmetic3A_1700 = arith.constant 1 : i32
        %shift_right_arithmetic3A_1701 = arith.shrsi %bitcast_convert_type3A_1699, %shift_right_arithmetic3A_1700 : i32
        %sub3A_1702 = arith.constant 1597463007 : i32
        %sub3A_1703 = arith.subi %sub3A_1702, %shift_right_arithmetic3A_1701 : i32
        %bitcast_convert_type3A_1704 = arith.bitcast %sub3A_1703 : i32 to f32
        %mul3A_1705 = arith.constant 5.000000e-01 : f32
        %mul3A_1706 = arith.mulf %mul3A_1705, %add3A_1698 : f32
        %mul3A_1707 = arith.mulf %mul3A_1706, %bitcast_convert_type3A_1704 : f32
        %mul3A_1708 = arith.mulf %mul3A_1707, %bitcast_convert_type3A_1704 : f32
        %sub3A_1709 = arith.constant 1.500000e+00 : f32
        %sub3A_1710 = arith.subf %sub3A_1709, %mul3A_1708 : f32
        %mul3A_1711 = arith.mulf %bitcast_convert_type3A_1704, %sub3A_1710 : f32
        %mul3A_1712 = arith.mulf %mul3A_1706, %mul3A_1711 : f32
        %mul3A_1713 = arith.mulf %mul3A_1712, %mul3A_1711 : f32
        %sub3A_1714 = arith.constant 1.500000e+00 : f32
        %sub3A_1715 = arith.subf %sub3A_1714, %mul3A_1713 : f32
        %mul3A_1716 = arith.mulf %mul3A_1711, %sub3A_1715 : f32
        %mul3A_1717 = arith.mulf %mul3A_1706, %mul3A_1716 : f32
        %mul3A_1718 = arith.mulf %mul3A_1717, %mul3A_1716 : f32
        %sub3A_1719 = arith.constant 1.500000e+00 : f32
        %sub3A_1720 = arith.subf %sub3A_1719, %mul3A_1718 : f32
        %mul3A_1721 = arith.mulf %mul3A_1716, %sub3A_1720 : f32
        %neg3A_1722 = arith.constant 0.000000e+00 : f32
        %neg3A_1723 = arith.subf %neg3A_1722, %mul3A_1694 : f32
        %mul3A_1724 = arith.mulf %neg3A_1723, %mul3A_1721 : f32
        %mul3A_1725 = vector.broadcast %mul3A_1721 : f32 to vector<16xf32>
        %mul3A_1726 = arith.mulf %add3A_1586, %mul3A_1725 : vector<16xf32>
        %add3A_1727 = vector.broadcast %mul3A_1724 : f32 to vector<16xf32>
        %add3A_1728 = arith.addf %mul3A_1726, %add3A_1727 : vector<16xf32>
        %mul3A_1729 = arith.mulf %add3A_1728, %get3A_3 : vector<16xf32>
        %add3A_1730 = arith.addf %mul3A_1729, %get3A_19 : vector<16xf32>
        %swap3A_1731 = arith.index_cast %add3A_1575 : i32 to index
        %swap3A_1732 = arith.constant 0 : index
        %swap3A_1733 = tpu.vector_load %arg18[%swap3A_1731, %swap3A_1732] {strides = array<i32>} : memref<64x128xf32, #tpu.memory_space<vmem>>, vector<16xf32>,
        tpu.vector_store %arg18[%swap3A_1731, %swap3A_1732], %add3A_1730 {strides = array<i32>} : memref<64x128xf32, #tpu.memory_space<vmem>>, vector<16xf32>,
        %mul3A_1734 = vector.broadcast %mul3A_1721 : f32 to vector<16xf32>
        %mul3A_1735 = arith.mulf %add3A_1598, %mul3A_1734 : vector<16xf32>
        %add3A_1736 = vector.broadcast %mul3A_1724 : f32 to vector<16xf32>
        %add3A_1737 = arith.addf %mul3A_1735, %add3A_1736 : vector<16xf32>
        %mul3A_1738 = arith.mulf %add3A_1737, %get3A_5 : vector<16xf32>
        %add3A_1739 = arith.addf %mul3A_1738, %get3A_21 : vector<16xf32>
        %swap3A_1740 = arith.index_cast %add3A_1575 : i32 to index
        %swap3A_1741 = arith.constant 16 : index
        %swap3A_1742 = tpu.vector_load %arg18[%swap3A_1740, %swap3A_1741] {strides = array<i32>} : memref<64x128xf32, #tpu.memory_space<vmem>>, vector<16xf32>,
        tpu.vector_store %arg18[%swap3A_1740, %swap3A_1741], %add3A_1739 {strides = array<i32>} : memref<64x128xf32, #tpu.memory_space<vmem>>, vector<16xf32>,
        %mul3A_1743 = vector.broadcast %mul3A_1721 : f32 to vector<16xf32>
        %mul3A_1744 = arith.mulf %add3A_1612, %mul3A_1743 : vector<16xf32>
        %add3A_1745 = vector.broadcast %mul3A_1724 : f32 to vector<16xf32>
        %add3A_1746 = arith.addf %mul3A_1744, %add3A_1745 : vector<16xf32>
        %mul3A_1747 = arith.mulf %add3A_1746, %get3A_7 : vector<16xf32>
        %add3A_1748 = arith.addf %mul3A_1747, %get3A_23 : vector<16xf32>
        %swap3A_1749 = arith.index_cast %add3A_1575 : i32 to index
        %swap3A_1750 = arith.constant 32 : index
        %swap3A_1751 = tpu.vector_load %arg18[%swap3A_1749, %swap3A_1750] {strides = array<i32>} : memref<64x128xf32, #tpu.memory_space<vmem>>, vector<16xf32>,
        tpu.vector_store %arg18[%swap3A_1749, %swap3A_1750], %add3A_1748 {strides = array<i32>} : memref<64x128xf32, #tpu.memory_space<vmem>>, vector<16xf32>,
        %mul3A_1752 = vector.broadcast %mul3A_1721 : f32 to vector<16xf32>
        %mul3A_1753 = arith.mulf %add3A_1626, %mul3A_1752 : vector<16xf32>
        %add3A_1754 = vector.broadcast %mul3A_1724 : f32 to vector<16xf32>
        %add3A_1755 = arith.addf %mul3A_1753, %add3A_1754 : vector<16xf32>
        %mul3A_1756 = arith.mulf %add3A_1755, %get3A_9 : vector<16xf32>
        %add3A_1757 = arith.addf %mul3A_1756, %get3A_25 : vector<16xf32>
        %swap3A_1758 = arith.index_cast %add3A_1575 : i32 to index
        %swap3A_1759 = arith.constant 48 : index
        %swap3A_1760 = tpu.vector_load %arg18[%swap3A_1758, %swap3A_1759] {strides = array<i32>} : memref<64x128xf32, #tpu.memory_space<vmem>>, vector<16xf32>,
        tpu.vector_store %arg18[%swap3A_1758, %swap3A_1759], %add3A_1757 {strides = array<i32>} : memref<64x128xf32, #tpu.memory_space<vmem>>, vector<16xf32>,
        %mul3A_1761 = vector.broadcast %mul3A_1721 : f32 to vector<16xf32>
        %mul3A_1762 = arith.mulf %add3A_1640, %mul3A_1761 : vector<16xf32>
        %add3A_1763 = vector.broadcast %mul3A_1724 : f32 to vector<16xf32>
        %add3A_1764 = arith.addf %mul3A_1762, %add3A_1763 : vector<16xf32>
        %mul3A_1765 = arith.mulf %add3A_1764, %get3A_11 : vector<16xf32>
        %add3A_1766 = arith.addf %mul3A_1765, %get3A_27 : vector<16xf32>
        %swap3A_1767 = arith.index_cast %add3A_1575 : i32 to index
        %swap3A_1768 = arith.constant 64 : index
        %swap3A_1769 = tpu.vector_load %arg18[%swap3A_1767, %swap3A_1768] {strides = array<i32>} : memref<64x128xf32, #tpu.memory_space<vmem>>, vector<16xf32>,
        tpu.vector_store %arg18[%swap3A_1767, %swap3A_1768], %add3A_1766 {strides = array<i32>} : memref<64x128xf32, #tpu.memory_space<vmem>>, vector<16xf32>,
        %mul3A_1770 = vector.broadcast %mul3A_1721 : f32 to vector<16xf32>
        %mul3A_1771 = arith.mulf %add3A_1654, %mul3A_1770 : vector<16xf32>
        %add3A_1772 = vector.broadcast %mul3A_1724 : f32 to vector<16xf32>
        %add3A_1773 = arith.addf %mul3A_1771, %add3A_1772 : vector<16xf32>
        %mul3A_1774 = arith.mulf %add3A_1773, %get3A_13 : vector<16xf32>
        %add3A_1775 = arith.addf %mul3A_1774, %get3A_29 : vector<16xf32>
        %swap3A_1776 = arith.index_cast %add3A_1575 : i32 to index
        %swap3A_1777 = arith.constant 80 : index
        %swap3A_1778 = tpu.vector_load %arg18[%swap3A_1776, %swap3A_1777] {strides = array<i32>} : memref<64x128xf32, #tpu.memory_space<vmem>>, vector<16xf32>,
        tpu.vector_store %arg18[%swap3A_1776, %swap3A_1777], %add3A_1775 {strides = array<i32>} : memref<64x128xf32, #tpu.memory_space<vmem>>, vector<16xf32>,
        %mul3A_1779 = vector.broadcast %mul3A_1721 : f32 to vector<16xf32>
        %mul3A_1780 = arith.mulf %add3A_1668, %mul3A_1779 : vector<16xf32>
        %add3A_1781 = vector.broadcast %mul3A_1724 : f32 to vector<16xf32>
        %add3A_1782 = arith.addf %mul3A_1780, %add3A_1781 : vector<16xf32>
        %mul3A_1783 = arith.mulf %add3A_1782, %get3A_15 : vector<16xf32>
        %add3A_1784 = arith.addf %mul3A_1783, %get3A_31 : vector<16xf32>
        %swap3A_1785 = arith.index_cast %add3A_1575 : i32 to index
        %swap3A_1786 = arith.constant 96 : index
        %swap3A_1787 = tpu.vector_load %arg18[%swap3A_1785, %swap3A_1786] {strides = array<i32>} : memref<64x128xf32, #tpu.memory_space<vmem>>, vector<16xf32>,
        tpu.vector_store %arg18[%swap3A_1785, %swap3A_1786], %add3A_1784 {strides = array<i32>} : memref<64x128xf32, #tpu.memory_space<vmem>>, vector<16xf32>,
        %mul3A_1788 = vector.broadcast %mul3A_1721 : f32 to vector<16xf32>
        %mul3A_1789 = arith.mulf %add3A_1682, %mul3A_1788 : vector<16xf32>
        %add3A_1790 = vector.broadcast %mul3A_1724 : f32 to vector<16xf32>
        %add3A_1791 = arith.addf %mul3A_1789, %add3A_1790 : vector<16xf32>
        %mul3A_1792 = arith.mulf %add3A_1791, %get3A_17 : vector<16xf32>
        %add3A_1793 = arith.addf %mul3A_1792, %get3A_33 : vector<16xf32>
        %swap3A_1794 = arith.index_cast %add3A_1575 : i32 to index
        %swap3A_1795 = arith.constant 112 : index
        %swap3A_1796 = tpu.vector_load %arg18[%swap3A_1794, %swap3A_1795] {strides = array<i32>} : memref<64x128xf32, #tpu.memory_space<vmem>>, vector<16xf32>,
        tpu.vector_store %arg18[%swap3A_1794, %swap3A_1795], %add3A_1793 {strides = array<i32>} : memref<64x128xf32, #tpu.memory_space<vmem>>, vector<16xf32>,
        %slice3A_1797 = vector.extract_strided_slice %get3A_180 {offsets = [7], sizes = [1], strides = [1]} : vector<16xi32> to vector<1xi32>
        %squeeze3A_1798 = vector.extract %slice3A_1797[0] : i32 from vector<1xi32>
        %shift_right_logical3A_1799 = arith.constant 17 : i32
        %shift_right_logical3A_1800 = arith.shrui %squeeze3A_1798, %shift_right_logical3A_1799 : i32
        %and3A_1801 = arith.andi %shift_right_logical3A_1800, %scan3A_63 : i32
        %shift_right_logical3A_1802 = arith.constant 26 : i32
        %shift_right_logical3A_1803 = arith.shrui %squeeze3A_1798, %shift_right_logical3A_1802 : i32
        %mul3A_1804 = arith.constant 8 : i32
        %mul3A_1805 = arith.muli %scan3A_175, %mul3A_1804 : i32
        %add3A_1806 = arith.constant 7 : i32
        %add3A_1807 = arith.addi %mul3A_1805, %add3A_1806 : i32
        %get3A_1808 = arith.index_cast %add3A_1807 : i32 to index
        %get3A_1809 = arith.constant 0 : index
        %get3A_1810 = tpu.vector_load %arg16[%get3A_1808, %get3A_1809] {strides = array<i32>} : memref<64x128xf32, #tpu.memory_space<vmem>>, vector<16xf32>,
        %get3A_1811 = arith.index_cast %and3A_1801 : i32 to index
        %get3A_1812 = arith.constant 0 : index
        %get3A_1813 = tpu.vector_load %arg9[%get3A_1811, %get3A_1812] {strides = array<i32>} : memref<512x128xf32, #tpu.memory_space<vmem>>, vector<16xf32>,
        %add3A_1814 = arith.addf %get3A_1810, %get3A_1813 : vector<16xf32>
        %get3A_1815 = arith.index_cast %shift_right_logical3A_1803 : i32 to index
        %get3A_1816 = arith.constant 0 : index
        %get3A_1817 = tpu.vector_load %arg10[%get3A_1815, %get3A_1816] {strides = array<i32>} : memref<16x128xf32, #tpu.memory_space<vmem>>, vector<16xf32>,
        %add3A_1818 = arith.addf %add3A_1814, %get3A_1817 : vector<16xf32>
        %mul3A_1819 = arith.mulf %add3A_1818, %add3A_1818 : vector<16xf32>
        %get3A_1820 = arith.index_cast %add3A_1807 : i32 to index
        %get3A_1821 = arith.constant 16 : index
        %get3A_1822 = tpu.vector_load %arg16[%get3A_1820, %get3A_1821] {strides = array<i32>} : memref<64x128xf32, #tpu.memory_space<vmem>>, vector<16xf32>,
        %get3A_1823 = arith.index_cast %and3A_1801 : i32 to index
        %get3A_1824 = arith.constant 16 : index
        %get3A_1825 = tpu.vector_load %arg9[%get3A_1823, %get3A_1824] {strides = array<i32>} : memref<512x128xf32, #tpu.memory_space<vmem>>, vector<16xf32>,
        %add3A_1826 = arith.addf %get3A_1822, %get3A_1825 : vector<16xf32>
        %get3A_1827 = arith.index_cast %shift_right_logical3A_1803 : i32 to index
        %get3A_1828 = arith.constant 16 : index
        %get3A_1829 = tpu.vector_load %arg10[%get3A_1827, %get3A_1828] {strides = array<i32>} : memref<16x128xf32, #tpu.memory_space<vmem>>, vector<16xf32>,
        %add3A_1830 = arith.addf %add3A_1826, %get3A_1829 : vector<16xf32>
        %add3A_1831 = arith.addf %add3A_1818, %add3A_1830 : vector<16xf32>
        %mul3A_1832 = arith.mulf %add3A_1830, %add3A_1830 : vector<16xf32>
        %add3A_1833 = arith.addf %mul3A_1819, %mul3A_1832 : vector<16xf32>
        %get3A_1834 = arith.index_cast %add3A_1807 : i32 to index
        %get3A_1835 = arith.constant 32 : index
        %get3A_1836 = tpu.vector_load %arg16[%get3A_1834, %get3A_1835] {strides = array<i32>} : memref<64x128xf32, #tpu.memory_space<vmem>>, vector<16xf32>,
        %get3A_1837 = arith.index_cast %and3A_1801 : i32 to index
        %get3A_1838 = arith.constant 32 : index
        %get3A_1839 = tpu.vector_load %arg9[%get3A_1837, %get3A_1838] {strides = array<i32>} : memref<512x128xf32, #tpu.memory_space<vmem>>, vector<16xf32>,
        %add3A_1840 = arith.addf %get3A_1836, %get3A_1839 : vector<16xf32>
        %get3A_1841 = arith.index_cast %shift_right_logical3A_1803 : i32 to index
        %get3A_1842 = arith.constant 32 : index
        %get3A_1843 = tpu.vector_load %arg10[%get3A_1841, %get3A_1842] {strides = array<i32>} : memref<16x128xf32, #tpu.memory_space<vmem>>, vector<16xf32>,
        %add3A_1844 = arith.addf %add3A_1840, %get3A_1843 : vector<16xf32>
        %add3A_1845 = arith.addf %add3A_1831, %add3A_1844 : vector<16xf32>
        %mul3A_1846 = arith.mulf %add3A_1844, %add3A_1844 : vector<16xf32>
        %add3A_1847 = arith.addf %add3A_1833, %mul3A_1846 : vector<16xf32>
        %get3A_1848 = arith.index_cast %add3A_1807 : i32 to index
        %get3A_1849 = arith.constant 48 : index
        %get3A_1850 = tpu.vector_load %arg16[%get3A_1848, %get3A_1849] {strides = array<i32>} : memref<64x128xf32, #tpu.memory_space<vmem>>, vector<16xf32>,
        %get3A_1851 = arith.index_cast %and3A_1801 : i32 to index
        %get3A_1852 = arith.constant 48 : index
        %get3A_1853 = tpu.vector_load %arg9[%get3A_1851, %get3A_1852] {strides = array<i32>} : memref<512x128xf32, #tpu.memory_space<vmem>>, vector<16xf32>,
        %add3A_1854 = arith.addf %get3A_1850, %get3A_1853 : vector<16xf32>
        %get3A_1855 = arith.index_cast %shift_right_logical3A_1803 : i32 to index
        %get3A_1856 = arith.constant 48 : index
        %get3A_1857 = tpu.vector_load %arg10[%get3A_1855, %get3A_1856] {strides = array<i32>} : memref<16x128xf32, #tpu.memory_space<vmem>>, vector<16xf32>,
        %add3A_1858 = arith.addf %add3A_1854, %get3A_1857 : vector<16xf32>
        %add3A_1859 = arith.addf %add3A_1845, %add3A_1858 : vector<16xf32>
        %mul3A_1860 = arith.mulf %add3A_1858, %add3A_1858 : vector<16xf32>
        %add3A_1861 = arith.addf %add3A_1847, %mul3A_1860 : vector<16xf32>
        %get3A_1862 = arith.index_cast %add3A_1807 : i32 to index
        %get3A_1863 = arith.constant 64 : index
        %get3A_1864 = tpu.vector_load %arg16[%get3A_1862, %get3A_1863] {strides = array<i32>} : memref<64x128xf32, #tpu.memory_space<vmem>>, vector<16xf32>,
        %get3A_1865 = arith.index_cast %and3A_1801 : i32 to index
        %get3A_1866 = arith.constant 64 : index
        %get3A_1867 = tpu.vector_load %arg9[%get3A_1865, %get3A_1866] {strides = array<i32>} : memref<512x128xf32, #tpu.memory_space<vmem>>, vector<16xf32>,
        %add3A_1868 = arith.addf %get3A_1864, %get3A_1867 : vector<16xf32>
        %get3A_1869 = arith.index_cast %shift_right_logical3A_1803 : i32 to index
        %get3A_1870 = arith.constant 64 : index
        %get3A_1871 = tpu.vector_load %arg10[%get3A_1869, %get3A_1870] {strides = array<i32>} : memref<16x128xf32, #tpu.memory_space<vmem>>, vector<16xf32>,
        %add3A_1872 = arith.addf %add3A_1868, %get3A_1871 : vector<16xf32>
        %add3A_1873 = arith.addf %add3A_1859, %add3A_1872 : vector<16xf32>
        %mul3A_1874 = arith.mulf %add3A_1872, %add3A_1872 : vector<16xf32>
        %add3A_1875 = arith.addf %add3A_1861, %mul3A_1874 : vector<16xf32>
        %get3A_1876 = arith.index_cast %add3A_1807 : i32 to index
        %get3A_1877 = arith.constant 80 : index
        %get3A_1878 = tpu.vector_load %arg16[%get3A_1876, %get3A_1877] {strides = array<i32>} : memref<64x128xf32, #tpu.memory_space<vmem>>, vector<16xf32>,
        %get3A_1879 = arith.index_cast %and3A_1801 : i32 to index
        %get3A_1880 = arith.constant 80 : index
        %get3A_1881 = tpu.vector_load %arg9[%get3A_1879, %get3A_1880] {strides = array<i32>} : memref<512x128xf32, #tpu.memory_space<vmem>>, vector<16xf32>,
        %add3A_1882 = arith.addf %get3A_1878, %get3A_1881 : vector<16xf32>
        %get3A_1883 = arith.index_cast %shift_right_logical3A_1803 : i32 to index
        %get3A_1884 = arith.constant 80 : index
        %get3A_1885 = tpu.vector_load %arg10[%get3A_1883, %get3A_1884] {strides = array<i32>} : memref<16x128xf32, #tpu.memory_space<vmem>>, vector<16xf32>,
        %add3A_1886 = arith.addf %add3A_1882, %get3A_1885 : vector<16xf32>
        %add3A_1887 = arith.addf %add3A_1873, %add3A_1886 : vector<16xf32>
        %mul3A_1888 = arith.mulf %add3A_1886, %add3A_1886 : vector<16xf32>
        %add3A_1889 = arith.addf %add3A_1875, %mul3A_1888 : vector<16xf32>
        %get3A_1890 = arith.index_cast %add3A_1807 : i32 to index
        %get3A_1891 = arith.constant 96 : index
        %get3A_1892 = tpu.vector_load %arg16[%get3A_1890, %get3A_1891] {strides = array<i32>} : memref<64x128xf32, #tpu.memory_space<vmem>>, vector<16xf32>,
        %get3A_1893 = arith.index_cast %and3A_1801 : i32 to index
        %get3A_1894 = arith.constant 96 : index
        %get3A_1895 = tpu.vector_load %arg9[%get3A_1893, %get3A_1894] {strides = array<i32>} : memref<512x128xf32, #tpu.memory_space<vmem>>, vector<16xf32>,
        %add3A_1896 = arith.addf %get3A_1892, %get3A_1895 : vector<16xf32>
        %get3A_1897 = arith.index_cast %shift_right_logical3A_1803 : i32 to index
        %get3A_1898 = arith.constant 96 : index
        %get3A_1899 = tpu.vector_load %arg10[%get3A_1897, %get3A_1898] {strides = array<i32>} : memref<16x128xf32, #tpu.memory_space<vmem>>, vector<16xf32>,
        %add3A_1900 = arith.addf %add3A_1896, %get3A_1899 : vector<16xf32>
        %add3A_1901 = arith.addf %add3A_1887, %add3A_1900 : vector<16xf32>
        %mul3A_1902 = arith.mulf %add3A_1900, %add3A_1900 : vector<16xf32>
        %add3A_1903 = arith.addf %add3A_1889, %mul3A_1902 : vector<16xf32>
        %get3A_1904 = arith.index_cast %add3A_1807 : i32 to index
        %get3A_1905 = arith.constant 112 : index
        %get3A_1906 = tpu.vector_load %arg16[%get3A_1904, %get3A_1905] {strides = array<i32>} : memref<64x128xf32, #tpu.memory_space<vmem>>, vector<16xf32>,
        %get3A_1907 = arith.index_cast %and3A_1801 : i32 to index
        %get3A_1908 = arith.constant 112 : index
        %get3A_1909 = tpu.vector_load %arg9[%get3A_1907, %get3A_1908] {strides = array<i32>} : memref<512x128xf32, #tpu.memory_space<vmem>>, vector<16xf32>,
        %add3A_1910 = arith.addf %get3A_1906, %get3A_1909 : vector<16xf32>
        %get3A_1911 = arith.index_cast %shift_right_logical3A_1803 : i32 to index
        %get3A_1912 = arith.constant 112 : index
        %get3A_1913 = tpu.vector_load %arg10[%get3A_1911, %get3A_1912] {strides = array<i32>} : memref<16x128xf32, #tpu.memory_space<vmem>>, vector<16xf32>,
        %add3A_1914 = arith.addf %add3A_1910, %get3A_1913 : vector<16xf32>
        %add3A_1915 = arith.addf %add3A_1901, %add3A_1914 : vector<16xf32>
        %mul3A_1916 = arith.mulf %add3A_1914, %add3A_1914 : vector<16xf32>
        %add3A_1917 = arith.addf %add3A_1903, %mul3A_1916 : vector<16xf32>
        %reduce_sum3A_1918 = arith.constant true
        %reduce_sum3A_1919 = vector.broadcast %reduce_sum3A_1918 : i1 to vector<16xi1>
        %reduce_sum3A_1920 = tpu.scan <sum>, %add3A_1915 masked %reduce_sum3A_1919 : vector<16xf32>, vector<16xi1> -> vector<16xf32>
        %reduce_sum3A_1921 = vector.extract %reduce_sum3A_1920[15] : f32 from vector<16xf32>
        %reduce_sum3A_1922 = arith.constant true
        %reduce_sum3A_1923 = vector.broadcast %reduce_sum3A_1922 : i1 to vector<16xi1>
        %reduce_sum3A_1924 = tpu.scan <sum>, %add3A_1917 masked %reduce_sum3A_1923 : vector<16xf32>, vector<16xi1> -> vector<16xf32>
        %reduce_sum3A_1925 = vector.extract %reduce_sum3A_1924[15] : f32 from vector<16xf32>
        %mul3A_1926 = arith.mulf %reduce_sum3A_1921, %scan3A_64 : f32
        %mul3A_1927 = arith.mulf %reduce_sum3A_1925, %scan3A_64 : f32
        %mul3A_1928 = arith.mulf %mul3A_1926, %mul3A_1926 : f32
        %sub3A_1929 = arith.subf %mul3A_1927, %mul3A_1928 : f32
        %add3A_1930 = arith.addf %sub3A_1929, %scan3A_65 : f32
        %bitcast_convert_type3A_1931 = arith.bitcast %add3A_1930 : f32 to i32
        %shift_right_arithmetic3A_1932 = arith.constant 1 : i32
        %shift_right_arithmetic3A_1933 = arith.shrsi %bitcast_convert_type3A_1931, %shift_right_arithmetic3A_1932 : i32
        %sub3A_1934 = arith.constant 1597463007 : i32
        %sub3A_1935 = arith.subi %sub3A_1934, %shift_right_arithmetic3A_1933 : i32
        %bitcast_convert_type3A_1936 = arith.bitcast %sub3A_1935 : i32 to f32
        %mul3A_1937 = arith.constant 5.000000e-01 : f32
        %mul3A_1938 = arith.mulf %mul3A_1937, %add3A_1930 : f32
        %mul3A_1939 = arith.mulf %mul3A_1938, %bitcast_convert_type3A_1936 : f32
        %mul3A_1940 = arith.mulf %mul3A_1939, %bitcast_convert_type3A_1936 : f32
        %sub3A_1941 = arith.constant 1.500000e+00 : f32
        %sub3A_1942 = arith.subf %sub3A_1941, %mul3A_1940 : f32
        %mul3A_1943 = arith.mulf %bitcast_convert_type3A_1936, %sub3A_1942 : f32
        %mul3A_1944 = arith.mulf %mul3A_1938, %mul3A_1943 : f32
        %mul3A_1945 = arith.mulf %mul3A_1944, %mul3A_1943 : f32
        %sub3A_1946 = arith.constant 1.500000e+00 : f32
        %sub3A_1947 = arith.subf %sub3A_1946, %mul3A_1945 : f32
        %mul3A_1948 = arith.mulf %mul3A_1943, %sub3A_1947 : f32
        %mul3A_1949 = arith.mulf %mul3A_1938, %mul3A_1948 : f32
        %mul3A_1950 = arith.mulf %mul3A_1949, %mul3A_1948 : f32
        %sub3A_1951 = arith.constant 1.500000e+00 : f32
        %sub3A_1952 = arith.subf %sub3A_1951, %mul3A_1950 : f32
        %mul3A_1953 = arith.mulf %mul3A_1948, %sub3A_1952 : f32
        %neg3A_1954 = arith.constant 0.000000e+00 : f32
        %neg3A_1955 = arith.subf %neg3A_1954, %mul3A_1926 : f32
        %mul3A_1956 = arith.mulf %neg3A_1955, %mul3A_1953 : f32
        %mul3A_1957 = vector.broadcast %mul3A_1953 : f32 to vector<16xf32>
        %mul3A_1958 = arith.mulf %add3A_1818, %mul3A_1957 : vector<16xf32>
        %add3A_1959 = vector.broadcast %mul3A_1956 : f32 to vector<16xf32>
        %add3A_1960 = arith.addf %mul3A_1958, %add3A_1959 : vector<16xf32>
        %mul3A_1961 = arith.mulf %add3A_1960, %get3A_3 : vector<16xf32>
        %add3A_1962 = arith.addf %mul3A_1961, %get3A_19 : vector<16xf32>
        %swap3A_1963 = arith.index_cast %add3A_1807 : i32 to index
        %swap3A_1964 = arith.constant 0 : index
        %swap3A_1965 = tpu.vector_load %arg18[%swap3A_1963, %swap3A_1964] {strides = array<i32>} : memref<64x128xf32, #tpu.memory_space<vmem>>, vector<16xf32>,
        tpu.vector_store %arg18[%swap3A_1963, %swap3A_1964], %add3A_1962 {strides = array<i32>} : memref<64x128xf32, #tpu.memory_space<vmem>>, vector<16xf32>,
        %mul3A_1966 = vector.broadcast %mul3A_1953 : f32 to vector<16xf32>
        %mul3A_1967 = arith.mulf %add3A_1830, %mul3A_1966 : vector<16xf32>
        %add3A_1968 = vector.broadcast %mul3A_1956 : f32 to vector<16xf32>
        %add3A_1969 = arith.addf %mul3A_1967, %add3A_1968 : vector<16xf32>
        %mul3A_1970 = arith.mulf %add3A_1969, %get3A_5 : vector<16xf32>
        %add3A_1971 = arith.addf %mul3A_1970, %get3A_21 : vector<16xf32>
        %swap3A_1972 = arith.index_cast %add3A_1807 : i32 to index
        %swap3A_1973 = arith.constant 16 : index
        %swap3A_1974 = tpu.vector_load %arg18[%swap3A_1972, %swap3A_1973] {strides = array<i32>} : memref<64x128xf32, #tpu.memory_space<vmem>>, vector<16xf32>,
        tpu.vector_store %arg18[%swap3A_1972, %swap3A_1973], %add3A_1971 {strides = array<i32>} : memref<64x128xf32, #tpu.memory_space<vmem>>, vector<16xf32>,
        %mul3A_1975 = vector.broadcast %mul3A_1953 : f32 to vector<16xf32>
        %mul3A_1976 = arith.mulf %add3A_1844, %mul3A_1975 : vector<16xf32>
        %add3A_1977 = vector.broadcast %mul3A_1956 : f32 to vector<16xf32>
        %add3A_1978 = arith.addf %mul3A_1976, %add3A_1977 : vector<16xf32>
        %mul3A_1979 = arith.mulf %add3A_1978, %get3A_7 : vector<16xf32>
        %add3A_1980 = arith.addf %mul3A_1979, %get3A_23 : vector<16xf32>
        %swap3A_1981 = arith.index_cast %add3A_1807 : i32 to index
        %swap3A_1982 = arith.constant 32 : index
        %swap3A_1983 = tpu.vector_load %arg18[%swap3A_1981, %swap3A_1982] {strides = array<i32>} : memref<64x128xf32, #tpu.memory_space<vmem>>, vector<16xf32>,
        tpu.vector_store %arg18[%swap3A_1981, %swap3A_1982], %add3A_1980 {strides = array<i32>} : memref<64x128xf32, #tpu.memory_space<vmem>>, vector<16xf32>,
        %mul3A_1984 = vector.broadcast %mul3A_1953 : f32 to vector<16xf32>
        %mul3A_1985 = arith.mulf %add3A_1858, %mul3A_1984 : vector<16xf32>
        %add3A_1986 = vector.broadcast %mul3A_1956 : f32 to vector<16xf32>
        %add3A_1987 = arith.addf %mul3A_1985, %add3A_1986 : vector<16xf32>
        %mul3A_1988 = arith.mulf %add3A_1987, %get3A_9 : vector<16xf32>
        %add3A_1989 = arith.addf %mul3A_1988, %get3A_25 : vector<16xf32>
        %swap3A_1990 = arith.index_cast %add3A_1807 : i32 to index
        %swap3A_1991 = arith.constant 48 : index
        %swap3A_1992 = tpu.vector_load %arg18[%swap3A_1990, %swap3A_1991] {strides = array<i32>} : memref<64x128xf32, #tpu.memory_space<vmem>>, vector<16xf32>,
        tpu.vector_store %arg18[%swap3A_1990, %swap3A_1991], %add3A_1989 {strides = array<i32>} : memref<64x128xf32, #tpu.memory_space<vmem>>, vector<16xf32>,
        %mul3A_1993 = vector.broadcast %mul3A_1953 : f32 to vector<16xf32>
        %mul3A_1994 = arith.mulf %add3A_1872, %mul3A_1993 : vector<16xf32>
        %add3A_1995 = vector.broadcast %mul3A_1956 : f32 to vector<16xf32>
        %add3A_1996 = arith.addf %mul3A_1994, %add3A_1995 : vector<16xf32>
        %mul3A_1997 = arith.mulf %add3A_1996, %get3A_11 : vector<16xf32>
        %add3A_1998 = arith.addf %mul3A_1997, %get3A_27 : vector<16xf32>
        %swap3A_1999 = arith.index_cast %add3A_1807 : i32 to index
        %swap3A_2000 = arith.constant 64 : index
        %swap3A_2001 = tpu.vector_load %arg18[%swap3A_1999, %swap3A_2000] {strides = array<i32>} : memref<64x128xf32, #tpu.memory_space<vmem>>, vector<16xf32>,
        tpu.vector_store %arg18[%swap3A_1999, %swap3A_2000], %add3A_1998 {strides = array<i32>} : memref<64x128xf32, #tpu.memory_space<vmem>>, vector<16xf32>,
        %mul3A_2002 = vector.broadcast %mul3A_1953 : f32 to vector<16xf32>
        %mul3A_2003 = arith.mulf %add3A_1886, %mul3A_2002 : vector<16xf32>
        %add3A_2004 = vector.broadcast %mul3A_1956 : f32 to vector<16xf32>
        %add3A_2005 = arith.addf %mul3A_2003, %add3A_2004 : vector<16xf32>
        %mul3A_2006 = arith.mulf %add3A_2005, %get3A_13 : vector<16xf32>
        %add3A_2007 = arith.addf %mul3A_2006, %get3A_29 : vector<16xf32>
        %swap3A_2008 = arith.index_cast %add3A_1807 : i32 to index
        %swap3A_2009 = arith.constant 80 : index
        %swap3A_2010 = tpu.vector_load %arg18[%swap3A_2008, %swap3A_2009] {strides = array<i32>} : memref<64x128xf32, #tpu.memory_space<vmem>>, vector<16xf32>,
        tpu.vector_store %arg18[%swap3A_2008, %swap3A_2009], %add3A_2007 {strides = array<i32>} : memref<64x128xf32, #tpu.memory_space<vmem>>, vector<16xf32>,
        %mul3A_2011 = vector.broadcast %mul3A_1953 : f32 to vector<16xf32>
        %mul3A_2012 = arith.mulf %add3A_1900, %mul3A_2011 : vector<16xf32>
        %add3A_2013 = vector.broadcast %mul3A_1956 : f32 to vector<16xf32>
        %add3A_2014 = arith.addf %mul3A_2012, %add3A_2013 : vector<16xf32>
        %mul3A_2015 = arith.mulf %add3A_2014, %get3A_15 : vector<16xf32>
        %add3A_2016 = arith.addf %mul3A_2015, %get3A_31 : vector<16xf32>
        %swap3A_2017 = arith.index_cast %add3A_1807 : i32 to index
        %swap3A_2018 = arith.constant 96 : index
        %swap3A_2019 = tpu.vector_load %arg18[%swap3A_2017, %swap3A_2018] {strides = array<i32>} : memref<64x128xf32, #tpu.memory_space<vmem>>, vector<16xf32>,
        tpu.vector_store %arg18[%swap3A_2017, %swap3A_2018], %add3A_2016 {strides = array<i32>} : memref<64x128xf32, #tpu.memory_space<vmem>>, vector<16xf32>,
        %mul3A_2020 = vector.broadcast %mul3A_1953 : f32 to vector<16xf32>
        %mul3A_2021 = arith.mulf %add3A_1914, %mul3A_2020 : vector<16xf32>
        %add3A_2022 = vector.broadcast %mul3A_1956 : f32 to vector<16xf32>
        %add3A_2023 = arith.addf %mul3A_2021, %add3A_2022 : vector<16xf32>
        %mul3A_2024 = arith.mulf %add3A_2023, %get3A_17 : vector<16xf32>
        %add3A_2025 = arith.addf %mul3A_2024, %get3A_33 : vector<16xf32>
        %swap3A_2026 = arith.index_cast %add3A_1807 : i32 to index
        %swap3A_2027 = arith.constant 112 : index
        %swap3A_2028 = tpu.vector_load %arg18[%swap3A_2026, %swap3A_2027] {strides = array<i32>} : memref<64x128xf32, #tpu.memory_space<vmem>>, vector<16xf32>,
        tpu.vector_store %arg18[%swap3A_2026, %swap3A_2027], %add3A_2025 {strides = array<i32>} : memref<64x128xf32, #tpu.memory_space<vmem>>, vector<16xf32>,
      }
      %scan3A_138 = arith.constant 8 : i32
      %mul3A_139 = arith.constant 64 : i32
      %mul3A_140 = arith.muli %mul3A_84, %mul3A_139 : i32
      %add3A_141 = arith.addi %mul3A_2, %mul3A_140 : i32
      %dma_start3A_142 = arith.constant 0 : i32
      %dma_start3A_143 = tpu.memref_slice %arg8[%add3A_141, %dma_start3A_142] : memref<524288x128xf32, #tpu.memory_space<hbm>> -> memref<64x128xf32, #tpu.memory_space<hbm>>
      %dma_start3A_144 = arith.constant 0 : i32
      %dma_start3A_145 = tpu.memref_slice %arg8[%add3A_141, %dma_start3A_144] : memref<524288x128xf32, #tpu.memory_space<hbm>> -> memref<64x128xf32, #tpu.memory_space<hbm>>
      tpu.enqueue_dma source(%arg18 : memref<64x128xf32, #tpu.memory_space<vmem>>) target(%dma_start3A_145 : memref<64x128xf32, #tpu.memory_space<hbm>>) target_semaphore(%arg22 : memref<!tpu.dma_semaphore, #tpu.memory_space<semaphore_mem>>)
      %add3A_146 = arith.constant 2 : i32
      %add3A_147 = arith.addi %mul3A_84, %add3A_146 : i32
      %lt3A = arith.constant 256 : i32
      %lt3A_148 = arith.cmpi slt, %add3A_147, %lt3A : i32
      %convert_element_type3A_149 = arith.extui %lt3A_148 : i1 to i32
      %cond3A_150 = arith.constant 0 : i32
      %cond3A_151 = arith.cmpi ne, %convert_element_type3A_149, %cond3A_150 : i32
      scf.if %cond3A_151 {
        %add3A_175 = arith.constant 2 : i32
        %add3A_176 = arith.addi %mul3A_84, %add3A_175 : i32
        %mul3A_177 = arith.constant 64 : i32
        %mul3A_178 = arith.muli %add3A_176, %mul3A_177 : i32
        %add3A_179 = arith.constant 0 : i32
        %add3A_180 = arith.addi %mul3A_178, %add3A_179 : i32
        %get3A_181 = arith.index_cast %add3A_180 : i32 to index
        %get3A_182 = tpu.vector_load %arg13[%get3A_181] {strides = array<i32>} : memref<16400xi32, #tpu.memory_space<vmem>>, vector<16xi32>,
        %and3A_183 = vector.broadcast %scan3A_62 : i32 to vector<16xi32>
        %and3A_184 = arith.andi %get3A_182, %and3A_183 : vector<16xi32>
        %swap3A_185 = arith.constant 0 : index
        %swap3A_186 = tpu.vector_load %arg14[%swap3A_185] {strides = array<i32>} : memref<64xi32, #tpu.memory_space<vmem>>, vector<16xi32>,
        tpu.vector_store %arg14[%swap3A_185], %and3A_184 {strides = array<i32>} : memref<64xi32, #tpu.memory_space<vmem>>, vector<16xi32>,
        %add3A_187 = arith.constant 16 : i32
        %add3A_188 = arith.addi %mul3A_178, %add3A_187 : i32
        %get3A_189 = arith.index_cast %add3A_188 : i32 to index
        %get3A_190 = tpu.vector_load %arg13[%get3A_189] {strides = array<i32>} : memref<16400xi32, #tpu.memory_space<vmem>>, vector<16xi32>,
        %and3A_191 = vector.broadcast %scan3A_62 : i32 to vector<16xi32>
        %and3A_192 = arith.andi %get3A_190, %and3A_191 : vector<16xi32>
        %swap3A_193 = arith.constant 16 : index
        %swap3A_194 = tpu.vector_load %arg14[%swap3A_193] {strides = array<i32>} : memref<64xi32, #tpu.memory_space<vmem>>, vector<16xi32>,
        tpu.vector_store %arg14[%swap3A_193], %and3A_192 {strides = array<i32>} : memref<64xi32, #tpu.memory_space<vmem>>, vector<16xi32>,
        %add3A_195 = arith.constant 32 : i32
        %add3A_196 = arith.addi %mul3A_178, %add3A_195 : i32
        %get3A_197 = arith.index_cast %add3A_196 : i32 to index
        %get3A_198 = tpu.vector_load %arg13[%get3A_197] {strides = array<i32>} : memref<16400xi32, #tpu.memory_space<vmem>>, vector<16xi32>,
        %and3A_199 = vector.broadcast %scan3A_62 : i32 to vector<16xi32>
        %and3A_200 = arith.andi %get3A_198, %and3A_199 : vector<16xi32>
        %swap3A_201 = arith.constant 32 : index
        %swap3A_202 = tpu.vector_load %arg14[%swap3A_201] {strides = array<i32>} : memref<64xi32, #tpu.memory_space<vmem>>, vector<16xi32>,
        tpu.vector_store %arg14[%swap3A_201], %and3A_200 {strides = array<i32>} : memref<64xi32, #tpu.memory_space<vmem>>, vector<16xi32>,
        %add3A_203 = arith.constant 48 : i32
        %add3A_204 = arith.addi %mul3A_178, %add3A_203 : i32
        %get3A_205 = arith.index_cast %add3A_204 : i32 to index
        %get3A_206 = tpu.vector_load %arg13[%get3A_205] {strides = array<i32>} : memref<16400xi32, #tpu.memory_space<vmem>>, vector<16xi32>,
        %and3A_207 = vector.broadcast %scan3A_62 : i32 to vector<16xi32>
        %and3A_208 = arith.andi %get3A_206, %and3A_207 : vector<16xi32>
        %swap3A_209 = arith.constant 48 : index
        %swap3A_210 = tpu.vector_load %arg14[%swap3A_209] {strides = array<i32>} : memref<64xi32, #tpu.memory_space<vmem>>, vector<16xi32>,
        tpu.vector_store %arg14[%swap3A_209], %and3A_208 {strides = array<i32>} : memref<64xi32, #tpu.memory_space<vmem>>, vector<16xi32>,
        %dma_start3A_211 = arith.constant 0 : i32
        %dma_start3A_212 = arith.constant 0 : i32
        %dma_start3A_213 = tpu.memref_slice %arg3[%dma_start3A_211, %dma_start3A_212] : memref<100000x128xf32, #tpu.memory_space<hbm>> -> memref<100000x128xf32, #tpu.memory_space<hbm>>
        tpu.enqueue_indirect_dma source(%dma_start3A_213 : memref<100000x128xf32, #tpu.memory_space<hbm>>) target(%arg16 : memref<64x128xf32, #tpu.memory_space<vmem>>) offsets(%arg14 : memref<64xi32, #tpu.memory_space<vmem>>) semaphore(%arg20 : memref<!tpu.dma_semaphore, #tpu.memory_space<semaphore_mem>>)
      } else {
      }
      %dma_wait3A_152 = arith.constant 0 : i32
      %dma_wait3A_153 = arith.constant 0 : i32
      %dma_wait3A_154 = tpu.memref_slice %arg3[%dma_wait3A_152, %dma_wait3A_153] : memref<100000x128xf32, #tpu.memory_space<hbm>> -> memref<100000x128xf32, #tpu.memory_space<hbm>>
      tpu.wait_indirect_dma semaphore(%arg21 : memref<!tpu.dma_semaphore, #tpu.memory_space<semaphore_mem>>) src(%dma_wait3A_154 : memref<100000x128xf32, #tpu.memory_space<hbm>>) dst(%arg17 : memref<64x128xf32, #tpu.memory_space<vmem>>)
      %gt3A_155 = arith.constant 0 : i32
      %gt3A_156 = arith.cmpi sgt, %scan3A_82, %gt3A_155 : i32
      %convert_element_type3A_157 = arith.extui %gt3A_156 : i1 to i32
      %cond3A_158 = arith.constant 0 : i32
      %cond3A_159 = arith.cmpi ne, %convert_element_type3A_157, %cond3A_158 : i32
      scf.if %cond3A_159 {
        %mul3A_175 = arith.constant 64 : i32
        %mul3A_176 = arith.muli %add3A_88, %mul3A_175 : i32
        %add3A_177 = arith.addi %mul3A_2, %mul3A_176 : i32
        %dma_wait3A_178 = arith.constant 0 : i32
        %dma_wait3A_179 = tpu.memref_slice %arg8[%add3A_177, %dma_wait3A_178] : memref<524288x128xf32, #tpu.memory_space<hbm>> -> memref<64x128xf32, #tpu.memory_space<hbm>>
        %dma_wait3A_180 = arith.constant 0 : i32
        %dma_wait3A_181 = tpu.memref_slice %arg8[%add3A_177, %dma_wait3A_180] : memref<524288x128xf32, #tpu.memory_space<hbm>> -> memref<64x128xf32, #tpu.memory_space<hbm>>
        tpu.wait_dma2 semaphore(%arg23 : memref<!tpu.dma_semaphore, #tpu.memory_space<semaphore_mem>>) src(%arg19 : memref<64x128xf32, #tpu.memory_space<vmem>>) dst(%dma_wait3A_181 : memref<64x128xf32, #tpu.memory_space<hbm>>)
      } else {
      }
      %mul3A_160 = arith.constant 64 : i32
      %mul3A_161 = arith.muli %add3A_88, %mul3A_160 : i32
      %scan3A_162 = arith.constant 0 : i32
      %scan3A_163 = arith.constant 0 : i32
      %scan3A_164 = arith.constant 8 : i32
      %scan3A_165 = arith.addi %scan3A_163, %scan3A_164 : i32
      %scan3A_166 = arith.constant 1 : i32
      scf.for %scan3A_175 = %scan3A_163 to %scan3A_165 step %scan3A_166  : i32 {
        %mul3A_176 = arith.constant 8 : i32
        %mul3A_177 = arith.muli %scan3A_175, %mul3A_176 : i32
        %add3A_178 = arith.addi %mul3A_161, %mul3A_177 : i32
        %get3A_179 = arith.index_cast %add3A_178 : i32 to index
        %get3A_180 = tpu.vector_load %arg13[%get3A_179] {strides = array<i32>} : memref<16400xi32, #tpu.memory_space<vmem>>, vector<16xi32>,
        %slice3A = vector.extract_strided_slice %get3A_180 {offsets = [0], sizes = [1], strides = [1]} : vector<16xi32> to vector<1xi32>
        %squeeze3A = vector.extract %slice3A[0] : i32 from vector<1xi32>
        %shift_right_logical3A = arith.constant 17 : i32
        %shift_right_logical3A_181 = arith.shrui %squeeze3A, %shift_right_logical3A : i32
        %and3A_182 = arith.andi %shift_right_logical3A_181, %scan3A_63 : i32
        %shift_right_logical3A_183 = arith.constant 26 : i32
        %shift_right_logical3A_184 = arith.shrui %squeeze3A, %shift_right_logical3A_183 : i32
        %mul3A_185 = arith.constant 8 : i32
        %mul3A_186 = arith.muli %scan3A_175, %mul3A_185 : i32
        %add3A_187 = arith.constant 0 : i32
        %add3A_188 = arith.addi %mul3A_186, %add3A_187 : i32
        %get3A_189 = arith.index_cast %add3A_188 : i32 to index
        %get3A_190 = arith.constant 0 : index
        %get3A_191 = tpu.vector_load %arg17[%get3A_189, %get3A_190] {strides = array<i32>} : memref<64x128xf32, #tpu.memory_space<vmem>>, vector<16xf32>,
        %get3A_192 = arith.index_cast %and3A_182 : i32 to index
        %get3A_193 = arith.constant 0 : index
        %get3A_194 = tpu.vector_load %arg9[%get3A_192, %get3A_193] {strides = array<i32>} : memref<512x128xf32, #tpu.memory_space<vmem>>, vector<16xf32>,
        %add3A_195 = arith.addf %get3A_191, %get3A_194 : vector<16xf32>
        %get3A_196 = arith.index_cast %shift_right_logical3A_184 : i32 to index
        %get3A_197 = arith.constant 0 : index
        %get3A_198 = tpu.vector_load %arg10[%get3A_196, %get3A_197] {strides = array<i32>} : memref<16x128xf32, #tpu.memory_space<vmem>>, vector<16xf32>,
        %add3A_199 = arith.addf %add3A_195, %get3A_198 : vector<16xf32>
        %mul3A_200 = arith.mulf %add3A_199, %add3A_199 : vector<16xf32>
        %get3A_201 = arith.index_cast %add3A_188 : i32 to index
        %get3A_202 = arith.constant 16 : index
        %get3A_203 = tpu.vector_load %arg17[%get3A_201, %get3A_202] {strides = array<i32>} : memref<64x128xf32, #tpu.memory_space<vmem>>, vector<16xf32>,
        %get3A_204 = arith.index_cast %and3A_182 : i32 to index
        %get3A_205 = arith.constant 16 : index
        %get3A_206 = tpu.vector_load %arg9[%get3A_204, %get3A_205] {strides = array<i32>} : memref<512x128xf32, #tpu.memory_space<vmem>>, vector<16xf32>,
        %add3A_207 = arith.addf %get3A_203, %get3A_206 : vector<16xf32>
        %get3A_208 = arith.index_cast %shift_right_logical3A_184 : i32 to index
        %get3A_209 = arith.constant 16 : index
        %get3A_210 = tpu.vector_load %arg10[%get3A_208, %get3A_209] {strides = array<i32>} : memref<16x128xf32, #tpu.memory_space<vmem>>, vector<16xf32>,
        %add3A_211 = arith.addf %add3A_207, %get3A_210 : vector<16xf32>
        %add3A_212 = arith.addf %add3A_199, %add3A_211 : vector<16xf32>
        %mul3A_213 = arith.mulf %add3A_211, %add3A_211 : vector<16xf32>
        %add3A_214 = arith.addf %mul3A_200, %mul3A_213 : vector<16xf32>
        %get3A_215 = arith.index_cast %add3A_188 : i32 to index
        %get3A_216 = arith.constant 32 : index
        %get3A_217 = tpu.vector_load %arg17[%get3A_215, %get3A_216] {strides = array<i32>} : memref<64x128xf32, #tpu.memory_space<vmem>>, vector<16xf32>,
        %get3A_218 = arith.index_cast %and3A_182 : i32 to index
        %get3A_219 = arith.constant 32 : index
        %get3A_220 = tpu.vector_load %arg9[%get3A_218, %get3A_219] {strides = array<i32>} : memref<512x128xf32, #tpu.memory_space<vmem>>, vector<16xf32>,
        %add3A_221 = arith.addf %get3A_217, %get3A_220 : vector<16xf32>
        %get3A_222 = arith.index_cast %shift_right_logical3A_184 : i32 to index
        %get3A_223 = arith.constant 32 : index
        %get3A_224 = tpu.vector_load %arg10[%get3A_222, %get3A_223] {strides = array<i32>} : memref<16x128xf32, #tpu.memory_space<vmem>>, vector<16xf32>,
        %add3A_225 = arith.addf %add3A_221, %get3A_224 : vector<16xf32>
        %add3A_226 = arith.addf %add3A_212, %add3A_225 : vector<16xf32>
        %mul3A_227 = arith.mulf %add3A_225, %add3A_225 : vector<16xf32>
        %add3A_228 = arith.addf %add3A_214, %mul3A_227 : vector<16xf32>
        %get3A_229 = arith.index_cast %add3A_188 : i32 to index
        %get3A_230 = arith.constant 48 : index
        %get3A_231 = tpu.vector_load %arg17[%get3A_229, %get3A_230] {strides = array<i32>} : memref<64x128xf32, #tpu.memory_space<vmem>>, vector<16xf32>,
        %get3A_232 = arith.index_cast %and3A_182 : i32 to index
        %get3A_233 = arith.constant 48 : index
        %get3A_234 = tpu.vector_load %arg9[%get3A_232, %get3A_233] {strides = array<i32>} : memref<512x128xf32, #tpu.memory_space<vmem>>, vector<16xf32>,
        %add3A_235 = arith.addf %get3A_231, %get3A_234 : vector<16xf32>
        %get3A_236 = arith.index_cast %shift_right_logical3A_184 : i32 to index
        %get3A_237 = arith.constant 48 : index
        %get3A_238 = tpu.vector_load %arg10[%get3A_236, %get3A_237] {strides = array<i32>} : memref<16x128xf32, #tpu.memory_space<vmem>>, vector<16xf32>,
        %add3A_239 = arith.addf %add3A_235, %get3A_238 : vector<16xf32>
        %add3A_240 = arith.addf %add3A_226, %add3A_239 : vector<16xf32>
        %mul3A_241 = arith.mulf %add3A_239, %add3A_239 : vector<16xf32>
        %add3A_242 = arith.addf %add3A_228, %mul3A_241 : vector<16xf32>
        %get3A_243 = arith.index_cast %add3A_188 : i32 to index
        %get3A_244 = arith.constant 64 : index
        %get3A_245 = tpu.vector_load %arg17[%get3A_243, %get3A_244] {strides = array<i32>} : memref<64x128xf32, #tpu.memory_space<vmem>>, vector<16xf32>,
        %get3A_246 = arith.index_cast %and3A_182 : i32 to index
        %get3A_247 = arith.constant 64 : index
        %get3A_248 = tpu.vector_load %arg9[%get3A_246, %get3A_247] {strides = array<i32>} : memref<512x128xf32, #tpu.memory_space<vmem>>, vector<16xf32>,
        %add3A_249 = arith.addf %get3A_245, %get3A_248 : vector<16xf32>
        %get3A_250 = arith.index_cast %shift_right_logical3A_184 : i32 to index
        %get3A_251 = arith.constant 64 : index
        %get3A_252 = tpu.vector_load %arg10[%get3A_250, %get3A_251] {strides = array<i32>} : memref<16x128xf32, #tpu.memory_space<vmem>>, vector<16xf32>,
        %add3A_253 = arith.addf %add3A_249, %get3A_252 : vector<16xf32>
        %add3A_254 = arith.addf %add3A_240, %add3A_253 : vector<16xf32>
        %mul3A_255 = arith.mulf %add3A_253, %add3A_253 : vector<16xf32>
        %add3A_256 = arith.addf %add3A_242, %mul3A_255 : vector<16xf32>
        %get3A_257 = arith.index_cast %add3A_188 : i32 to index
        %get3A_258 = arith.constant 80 : index
        %get3A_259 = tpu.vector_load %arg17[%get3A_257, %get3A_258] {strides = array<i32>} : memref<64x128xf32, #tpu.memory_space<vmem>>, vector<16xf32>,
        %get3A_260 = arith.index_cast %and3A_182 : i32 to index
        %get3A_261 = arith.constant 80 : index
        %get3A_262 = tpu.vector_load %arg9[%get3A_260, %get3A_261] {strides = array<i32>} : memref<512x128xf32, #tpu.memory_space<vmem>>, vector<16xf32>,
        %add3A_263 = arith.addf %get3A_259, %get3A_262 : vector<16xf32>
        %get3A_264 = arith.index_cast %shift_right_logical3A_184 : i32 to index
        %get3A_265 = arith.constant 80 : index
        %get3A_266 = tpu.vector_load %arg10[%get3A_264, %get3A_265] {strides = array<i32>} : memref<16x128xf32, #tpu.memory_space<vmem>>, vector<16xf32>,
        %add3A_267 = arith.addf %add3A_263, %get3A_266 : vector<16xf32>
        %add3A_268 = arith.addf %add3A_254, %add3A_267 : vector<16xf32>
        %mul3A_269 = arith.mulf %add3A_267, %add3A_267 : vector<16xf32>
        %add3A_270 = arith.addf %add3A_256, %mul3A_269 : vector<16xf32>
        %get3A_271 = arith.index_cast %add3A_188 : i32 to index
        %get3A_272 = arith.constant 96 : index
        %get3A_273 = tpu.vector_load %arg17[%get3A_271, %get3A_272] {strides = array<i32>} : memref<64x128xf32, #tpu.memory_space<vmem>>, vector<16xf32>,
        %get3A_274 = arith.index_cast %and3A_182 : i32 to index
        %get3A_275 = arith.constant 96 : index
        %get3A_276 = tpu.vector_load %arg9[%get3A_274, %get3A_275] {strides = array<i32>} : memref<512x128xf32, #tpu.memory_space<vmem>>, vector<16xf32>,
        %add3A_277 = arith.addf %get3A_273, %get3A_276 : vector<16xf32>
        %get3A_278 = arith.index_cast %shift_right_logical3A_184 : i32 to index
        %get3A_279 = arith.constant 96 : index
        %get3A_280 = tpu.vector_load %arg10[%get3A_278, %get3A_279] {strides = array<i32>} : memref<16x128xf32, #tpu.memory_space<vmem>>, vector<16xf32>,
        %add3A_281 = arith.addf %add3A_277, %get3A_280 : vector<16xf32>
        %add3A_282 = arith.addf %add3A_268, %add3A_281 : vector<16xf32>
        %mul3A_283 = arith.mulf %add3A_281, %add3A_281 : vector<16xf32>
        %add3A_284 = arith.addf %add3A_270, %mul3A_283 : vector<16xf32>
        %get3A_285 = arith.index_cast %add3A_188 : i32 to index
        %get3A_286 = arith.constant 112 : index
        %get3A_287 = tpu.vector_load %arg17[%get3A_285, %get3A_286] {strides = array<i32>} : memref<64x128xf32, #tpu.memory_space<vmem>>, vector<16xf32>,
        %get3A_288 = arith.index_cast %and3A_182 : i32 to index
        %get3A_289 = arith.constant 112 : index
        %get3A_290 = tpu.vector_load %arg9[%get3A_288, %get3A_289] {strides = array<i32>} : memref<512x128xf32, #tpu.memory_space<vmem>>, vector<16xf32>,
        %add3A_291 = arith.addf %get3A_287, %get3A_290 : vector<16xf32>
        %get3A_292 = arith.index_cast %shift_right_logical3A_184 : i32 to index
        %get3A_293 = arith.constant 112 : index
        %get3A_294 = tpu.vector_load %arg10[%get3A_292, %get3A_293] {strides = array<i32>} : memref<16x128xf32, #tpu.memory_space<vmem>>, vector<16xf32>,
        %add3A_295 = arith.addf %add3A_291, %get3A_294 : vector<16xf32>
        %add3A_296 = arith.addf %add3A_282, %add3A_295 : vector<16xf32>
        %mul3A_297 = arith.mulf %add3A_295, %add3A_295 : vector<16xf32>
        %add3A_298 = arith.addf %add3A_284, %mul3A_297 : vector<16xf32>
        %reduce_sum3A = arith.constant true
        %reduce_sum3A_299 = vector.broadcast %reduce_sum3A : i1 to vector<16xi1>
        %reduce_sum3A_300 = tpu.scan <sum>, %add3A_296 masked %reduce_sum3A_299 : vector<16xf32>, vector<16xi1> -> vector<16xf32>
        %reduce_sum3A_301 = vector.extract %reduce_sum3A_300[15] : f32 from vector<16xf32>
        %reduce_sum3A_302 = arith.constant true
        %reduce_sum3A_303 = vector.broadcast %reduce_sum3A_302 : i1 to vector<16xi1>
        %reduce_sum3A_304 = tpu.scan <sum>, %add3A_298 masked %reduce_sum3A_303 : vector<16xf32>, vector<16xi1> -> vector<16xf32>
        %reduce_sum3A_305 = vector.extract %reduce_sum3A_304[15] : f32 from vector<16xf32>
        %mul3A_306 = arith.mulf %reduce_sum3A_301, %scan3A_64 : f32
        %mul3A_307 = arith.mulf %reduce_sum3A_305, %scan3A_64 : f32
        %mul3A_308 = arith.mulf %mul3A_306, %mul3A_306 : f32
        %sub3A = arith.subf %mul3A_307, %mul3A_308 : f32
        %add3A_309 = arith.addf %sub3A, %scan3A_65 : f32
        %bitcast_convert_type3A = arith.bitcast %add3A_309 : f32 to i32
        %shift_right_arithmetic3A = arith.constant 1 : i32
        %shift_right_arithmetic3A_310 = arith.shrsi %bitcast_convert_type3A, %shift_right_arithmetic3A : i32
        %sub3A_311 = arith.constant 1597463007 : i32
        %sub3A_312 = arith.subi %sub3A_311, %shift_right_arithmetic3A_310 : i32
        %bitcast_convert_type3A_313 = arith.bitcast %sub3A_312 : i32 to f32
        %mul3A_314 = arith.constant 5.000000e-01 : f32
        %mul3A_315 = arith.mulf %mul3A_314, %add3A_309 : f32
        %mul3A_316 = arith.mulf %mul3A_315, %bitcast_convert_type3A_313 : f32
        %mul3A_317 = arith.mulf %mul3A_316, %bitcast_convert_type3A_313 : f32
        %sub3A_318 = arith.constant 1.500000e+00 : f32
        %sub3A_319 = arith.subf %sub3A_318, %mul3A_317 : f32
        %mul3A_320 = arith.mulf %bitcast_convert_type3A_313, %sub3A_319 : f32
        %mul3A_321 = arith.mulf %mul3A_315, %mul3A_320 : f32
        %mul3A_322 = arith.mulf %mul3A_321, %mul3A_320 : f32
        %sub3A_323 = arith.constant 1.500000e+00 : f32
        %sub3A_324 = arith.subf %sub3A_323, %mul3A_322 : f32
        %mul3A_325 = arith.mulf %mul3A_320, %sub3A_324 : f32
        %mul3A_326 = arith.mulf %mul3A_315, %mul3A_325 : f32
        %mul3A_327 = arith.mulf %mul3A_326, %mul3A_325 : f32
        %sub3A_328 = arith.constant 1.500000e+00 : f32
        %sub3A_329 = arith.subf %sub3A_328, %mul3A_327 : f32
        %mul3A_330 = arith.mulf %mul3A_325, %sub3A_329 : f32
        %neg3A = arith.constant 0.000000e+00 : f32
        %neg3A_331 = arith.subf %neg3A, %mul3A_306 : f32
        %mul3A_332 = arith.mulf %neg3A_331, %mul3A_330 : f32
        %mul3A_333 = vector.broadcast %mul3A_330 : f32 to vector<16xf32>
        %mul3A_334 = arith.mulf %add3A_199, %mul3A_333 : vector<16xf32>
        %add3A_335 = vector.broadcast %mul3A_332 : f32 to vector<16xf32>
        %add3A_336 = arith.addf %mul3A_334, %add3A_335 : vector<16xf32>
        %mul3A_337 = arith.mulf %add3A_336, %get3A_3 : vector<16xf32>
        %add3A_338 = arith.addf %mul3A_337, %get3A_19 : vector<16xf32>
        %swap3A_339 = arith.index_cast %add3A_188 : i32 to index
        %swap3A_340 = arith.constant 0 : index
        %swap3A_341 = tpu.vector_load %arg19[%swap3A_339, %swap3A_340] {strides = array<i32>} : memref<64x128xf32, #tpu.memory_space<vmem>>, vector<16xf32>,
        tpu.vector_store %arg19[%swap3A_339, %swap3A_340], %add3A_338 {strides = array<i32>} : memref<64x128xf32, #tpu.memory_space<vmem>>, vector<16xf32>,
        %mul3A_342 = vector.broadcast %mul3A_330 : f32 to vector<16xf32>
        %mul3A_343 = arith.mulf %add3A_211, %mul3A_342 : vector<16xf32>
        %add3A_344 = vector.broadcast %mul3A_332 : f32 to vector<16xf32>
        %add3A_345 = arith.addf %mul3A_343, %add3A_344 : vector<16xf32>
        %mul3A_346 = arith.mulf %add3A_345, %get3A_5 : vector<16xf32>
        %add3A_347 = arith.addf %mul3A_346, %get3A_21 : vector<16xf32>
        %swap3A_348 = arith.index_cast %add3A_188 : i32 to index
        %swap3A_349 = arith.constant 16 : index
        %swap3A_350 = tpu.vector_load %arg19[%swap3A_348, %swap3A_349] {strides = array<i32>} : memref<64x128xf32, #tpu.memory_space<vmem>>, vector<16xf32>,
        tpu.vector_store %arg19[%swap3A_348, %swap3A_349], %add3A_347 {strides = array<i32>} : memref<64x128xf32, #tpu.memory_space<vmem>>, vector<16xf32>,
        %mul3A_351 = vector.broadcast %mul3A_330 : f32 to vector<16xf32>
        %mul3A_352 = arith.mulf %add3A_225, %mul3A_351 : vector<16xf32>
        %add3A_353 = vector.broadcast %mul3A_332 : f32 to vector<16xf32>
        %add3A_354 = arith.addf %mul3A_352, %add3A_353 : vector<16xf32>
        %mul3A_355 = arith.mulf %add3A_354, %get3A_7 : vector<16xf32>
        %add3A_356 = arith.addf %mul3A_355, %get3A_23 : vector<16xf32>
        %swap3A_357 = arith.index_cast %add3A_188 : i32 to index
        %swap3A_358 = arith.constant 32 : index
        %swap3A_359 = tpu.vector_load %arg19[%swap3A_357, %swap3A_358] {strides = array<i32>} : memref<64x128xf32, #tpu.memory_space<vmem>>, vector<16xf32>,
        tpu.vector_store %arg19[%swap3A_357, %swap3A_358], %add3A_356 {strides = array<i32>} : memref<64x128xf32, #tpu.memory_space<vmem>>, vector<16xf32>,
        %mul3A_360 = vector.broadcast %mul3A_330 : f32 to vector<16xf32>
        %mul3A_361 = arith.mulf %add3A_239, %mul3A_360 : vector<16xf32>
        %add3A_362 = vector.broadcast %mul3A_332 : f32 to vector<16xf32>
        %add3A_363 = arith.addf %mul3A_361, %add3A_362 : vector<16xf32>
        %mul3A_364 = arith.mulf %add3A_363, %get3A_9 : vector<16xf32>
        %add3A_365 = arith.addf %mul3A_364, %get3A_25 : vector<16xf32>
        %swap3A_366 = arith.index_cast %add3A_188 : i32 to index
        %swap3A_367 = arith.constant 48 : index
        %swap3A_368 = tpu.vector_load %arg19[%swap3A_366, %swap3A_367] {strides = array<i32>} : memref<64x128xf32, #tpu.memory_space<vmem>>, vector<16xf32>,
        tpu.vector_store %arg19[%swap3A_366, %swap3A_367], %add3A_365 {strides = array<i32>} : memref<64x128xf32, #tpu.memory_space<vmem>>, vector<16xf32>,
        %mul3A_369 = vector.broadcast %mul3A_330 : f32 to vector<16xf32>
        %mul3A_370 = arith.mulf %add3A_253, %mul3A_369 : vector<16xf32>
        %add3A_371 = vector.broadcast %mul3A_332 : f32 to vector<16xf32>
        %add3A_372 = arith.addf %mul3A_370, %add3A_371 : vector<16xf32>
        %mul3A_373 = arith.mulf %add3A_372, %get3A_11 : vector<16xf32>
        %add3A_374 = arith.addf %mul3A_373, %get3A_27 : vector<16xf32>
        %swap3A_375 = arith.index_cast %add3A_188 : i32 to index
        %swap3A_376 = arith.constant 64 : index
        %swap3A_377 = tpu.vector_load %arg19[%swap3A_375, %swap3A_376] {strides = array<i32>} : memref<64x128xf32, #tpu.memory_space<vmem>>, vector<16xf32>,
        tpu.vector_store %arg19[%swap3A_375, %swap3A_376], %add3A_374 {strides = array<i32>} : memref<64x128xf32, #tpu.memory_space<vmem>>, vector<16xf32>,
        %mul3A_378 = vector.broadcast %mul3A_330 : f32 to vector<16xf32>
        %mul3A_379 = arith.mulf %add3A_267, %mul3A_378 : vector<16xf32>
        %add3A_380 = vector.broadcast %mul3A_332 : f32 to vector<16xf32>
        %add3A_381 = arith.addf %mul3A_379, %add3A_380 : vector<16xf32>
        %mul3A_382 = arith.mulf %add3A_381, %get3A_13 : vector<16xf32>
        %add3A_383 = arith.addf %mul3A_382, %get3A_29 : vector<16xf32>
        %swap3A_384 = arith.index_cast %add3A_188 : i32 to index
        %swap3A_385 = arith.constant 80 : index
        %swap3A_386 = tpu.vector_load %arg19[%swap3A_384, %swap3A_385] {strides = array<i32>} : memref<64x128xf32, #tpu.memory_space<vmem>>, vector<16xf32>,
        tpu.vector_store %arg19[%swap3A_384, %swap3A_385], %add3A_383 {strides = array<i32>} : memref<64x128xf32, #tpu.memory_space<vmem>>, vector<16xf32>,
        %mul3A_387 = vector.broadcast %mul3A_330 : f32 to vector<16xf32>
        %mul3A_388 = arith.mulf %add3A_281, %mul3A_387 : vector<16xf32>
        %add3A_389 = vector.broadcast %mul3A_332 : f32 to vector<16xf32>
        %add3A_390 = arith.addf %mul3A_388, %add3A_389 : vector<16xf32>
        %mul3A_391 = arith.mulf %add3A_390, %get3A_15 : vector<16xf32>
        %add3A_392 = arith.addf %mul3A_391, %get3A_31 : vector<16xf32>
        %swap3A_393 = arith.index_cast %add3A_188 : i32 to index
        %swap3A_394 = arith.constant 96 : index
        %swap3A_395 = tpu.vector_load %arg19[%swap3A_393, %swap3A_394] {strides = array<i32>} : memref<64x128xf32, #tpu.memory_space<vmem>>, vector<16xf32>,
        tpu.vector_store %arg19[%swap3A_393, %swap3A_394], %add3A_392 {strides = array<i32>} : memref<64x128xf32, #tpu.memory_space<vmem>>, vector<16xf32>,
        %mul3A_396 = vector.broadcast %mul3A_330 : f32 to vector<16xf32>
        %mul3A_397 = arith.mulf %add3A_295, %mul3A_396 : vector<16xf32>
        %add3A_398 = vector.broadcast %mul3A_332 : f32 to vector<16xf32>
        %add3A_399 = arith.addf %mul3A_397, %add3A_398 : vector<16xf32>
        %mul3A_400 = arith.mulf %add3A_399, %get3A_17 : vector<16xf32>
        %add3A_401 = arith.addf %mul3A_400, %get3A_33 : vector<16xf32>
        %swap3A_402 = arith.index_cast %add3A_188 : i32 to index
        %swap3A_403 = arith.constant 112 : index
        %swap3A_404 = tpu.vector_load %arg19[%swap3A_402, %swap3A_403] {strides = array<i32>} : memref<64x128xf32, #tpu.memory_space<vmem>>, vector<16xf32>,
        tpu.vector_store %arg19[%swap3A_402, %swap3A_403], %add3A_401 {strides = array<i32>} : memref<64x128xf32, #tpu.memory_space<vmem>>, vector<16xf32>,
        %slice3A_405 = vector.extract_strided_slice %get3A_180 {offsets = [1], sizes = [1], strides = [1]} : vector<16xi32> to vector<1xi32>
        %squeeze3A_406 = vector.extract %slice3A_405[0] : i32 from vector<1xi32>
        %shift_right_logical3A_407 = arith.constant 17 : i32
        %shift_right_logical3A_408 = arith.shrui %squeeze3A_406, %shift_right_logical3A_407 : i32
        %and3A_409 = arith.andi %shift_right_logical3A_408, %scan3A_63 : i32
        %shift_right_logical3A_410 = arith.constant 26 : i32
        %shift_right_logical3A_411 = arith.shrui %squeeze3A_406, %shift_right_logical3A_410 : i32
        %mul3A_412 = arith.constant 8 : i32
        %mul3A_413 = arith.muli %scan3A_175, %mul3A_412 : i32
        %add3A_414 = arith.constant 1 : i32
        %add3A_415 = arith.addi %mul3A_413, %add3A_414 : i32
        %get3A_416 = arith.index_cast %add3A_415 : i32 to index
        %get3A_417 = arith.constant 0 : index
        %get3A_418 = tpu.vector_load %arg17[%get3A_416, %get3A_417] {strides = array<i32>} : memref<64x128xf32, #tpu.memory_space<vmem>>, vector<16xf32>,
        %get3A_419 = arith.index_cast %and3A_409 : i32 to index
        %get3A_420 = arith.constant 0 : index
        %get3A_421 = tpu.vector_load %arg9[%get3A_419, %get3A_420] {strides = array<i32>} : memref<512x128xf32, #tpu.memory_space<vmem>>, vector<16xf32>,
        %add3A_422 = arith.addf %get3A_418, %get3A_421 : vector<16xf32>
        %get3A_423 = arith.index_cast %shift_right_logical3A_411 : i32 to index
        %get3A_424 = arith.constant 0 : index
        %get3A_425 = tpu.vector_load %arg10[%get3A_423, %get3A_424] {strides = array<i32>} : memref<16x128xf32, #tpu.memory_space<vmem>>, vector<16xf32>,
        %add3A_426 = arith.addf %add3A_422, %get3A_425 : vector<16xf32>
        %mul3A_427 = arith.mulf %add3A_426, %add3A_426 : vector<16xf32>
        %get3A_428 = arith.index_cast %add3A_415 : i32 to index
        %get3A_429 = arith.constant 16 : index
        %get3A_430 = tpu.vector_load %arg17[%get3A_428, %get3A_429] {strides = array<i32>} : memref<64x128xf32, #tpu.memory_space<vmem>>, vector<16xf32>,
        %get3A_431 = arith.index_cast %and3A_409 : i32 to index
        %get3A_432 = arith.constant 16 : index
        %get3A_433 = tpu.vector_load %arg9[%get3A_431, %get3A_432] {strides = array<i32>} : memref<512x128xf32, #tpu.memory_space<vmem>>, vector<16xf32>,
        %add3A_434 = arith.addf %get3A_430, %get3A_433 : vector<16xf32>
        %get3A_435 = arith.index_cast %shift_right_logical3A_411 : i32 to index
        %get3A_436 = arith.constant 16 : index
        %get3A_437 = tpu.vector_load %arg10[%get3A_435, %get3A_436] {strides = array<i32>} : memref<16x128xf32, #tpu.memory_space<vmem>>, vector<16xf32>,
        %add3A_438 = arith.addf %add3A_434, %get3A_437 : vector<16xf32>
        %add3A_439 = arith.addf %add3A_426, %add3A_438 : vector<16xf32>
        %mul3A_440 = arith.mulf %add3A_438, %add3A_438 : vector<16xf32>
        %add3A_441 = arith.addf %mul3A_427, %mul3A_440 : vector<16xf32>
        %get3A_442 = arith.index_cast %add3A_415 : i32 to index
        %get3A_443 = arith.constant 32 : index
        %get3A_444 = tpu.vector_load %arg17[%get3A_442, %get3A_443] {strides = array<i32>} : memref<64x128xf32, #tpu.memory_space<vmem>>, vector<16xf32>,
        %get3A_445 = arith.index_cast %and3A_409 : i32 to index
        %get3A_446 = arith.constant 32 : index
        %get3A_447 = tpu.vector_load %arg9[%get3A_445, %get3A_446] {strides = array<i32>} : memref<512x128xf32, #tpu.memory_space<vmem>>, vector<16xf32>,
        %add3A_448 = arith.addf %get3A_444, %get3A_447 : vector<16xf32>
        %get3A_449 = arith.index_cast %shift_right_logical3A_411 : i32 to index
        %get3A_450 = arith.constant 32 : index
        %get3A_451 = tpu.vector_load %arg10[%get3A_449, %get3A_450] {strides = array<i32>} : memref<16x128xf32, #tpu.memory_space<vmem>>, vector<16xf32>,
        %add3A_452 = arith.addf %add3A_448, %get3A_451 : vector<16xf32>
        %add3A_453 = arith.addf %add3A_439, %add3A_452 : vector<16xf32>
        %mul3A_454 = arith.mulf %add3A_452, %add3A_452 : vector<16xf32>
        %add3A_455 = arith.addf %add3A_441, %mul3A_454 : vector<16xf32>
        %get3A_456 = arith.index_cast %add3A_415 : i32 to index
        %get3A_457 = arith.constant 48 : index
        %get3A_458 = tpu.vector_load %arg17[%get3A_456, %get3A_457] {strides = array<i32>} : memref<64x128xf32, #tpu.memory_space<vmem>>, vector<16xf32>,
        %get3A_459 = arith.index_cast %and3A_409 : i32 to index
        %get3A_460 = arith.constant 48 : index
        %get3A_461 = tpu.vector_load %arg9[%get3A_459, %get3A_460] {strides = array<i32>} : memref<512x128xf32, #tpu.memory_space<vmem>>, vector<16xf32>,
        %add3A_462 = arith.addf %get3A_458, %get3A_461 : vector<16xf32>
        %get3A_463 = arith.index_cast %shift_right_logical3A_411 : i32 to index
        %get3A_464 = arith.constant 48 : index
        %get3A_465 = tpu.vector_load %arg10[%get3A_463, %get3A_464] {strides = array<i32>} : memref<16x128xf32, #tpu.memory_space<vmem>>, vector<16xf32>,
        %add3A_466 = arith.addf %add3A_462, %get3A_465 : vector<16xf32>
        %add3A_467 = arith.addf %add3A_453, %add3A_466 : vector<16xf32>
        %mul3A_468 = arith.mulf %add3A_466, %add3A_466 : vector<16xf32>
        %add3A_469 = arith.addf %add3A_455, %mul3A_468 : vector<16xf32>
        %get3A_470 = arith.index_cast %add3A_415 : i32 to index
        %get3A_471 = arith.constant 64 : index
        %get3A_472 = tpu.vector_load %arg17[%get3A_470, %get3A_471] {strides = array<i32>} : memref<64x128xf32, #tpu.memory_space<vmem>>, vector<16xf32>,
        %get3A_473 = arith.index_cast %and3A_409 : i32 to index
        %get3A_474 = arith.constant 64 : index
        %get3A_475 = tpu.vector_load %arg9[%get3A_473, %get3A_474] {strides = array<i32>} : memref<512x128xf32, #tpu.memory_space<vmem>>, vector<16xf32>,
        %add3A_476 = arith.addf %get3A_472, %get3A_475 : vector<16xf32>
        %get3A_477 = arith.index_cast %shift_right_logical3A_411 : i32 to index
        %get3A_478 = arith.constant 64 : index
        %get3A_479 = tpu.vector_load %arg10[%get3A_477, %get3A_478] {strides = array<i32>} : memref<16x128xf32, #tpu.memory_space<vmem>>, vector<16xf32>,
        %add3A_480 = arith.addf %add3A_476, %get3A_479 : vector<16xf32>
        %add3A_481 = arith.addf %add3A_467, %add3A_480 : vector<16xf32>
        %mul3A_482 = arith.mulf %add3A_480, %add3A_480 : vector<16xf32>
        %add3A_483 = arith.addf %add3A_469, %mul3A_482 : vector<16xf32>
        %get3A_484 = arith.index_cast %add3A_415 : i32 to index
        %get3A_485 = arith.constant 80 : index
        %get3A_486 = tpu.vector_load %arg17[%get3A_484, %get3A_485] {strides = array<i32>} : memref<64x128xf32, #tpu.memory_space<vmem>>, vector<16xf32>,
        %get3A_487 = arith.index_cast %and3A_409 : i32 to index
        %get3A_488 = arith.constant 80 : index
        %get3A_489 = tpu.vector_load %arg9[%get3A_487, %get3A_488] {strides = array<i32>} : memref<512x128xf32, #tpu.memory_space<vmem>>, vector<16xf32>,
        %add3A_490 = arith.addf %get3A_486, %get3A_489 : vector<16xf32>
        %get3A_491 = arith.index_cast %shift_right_logical3A_411 : i32 to index
        %get3A_492 = arith.constant 80 : index
        %get3A_493 = tpu.vector_load %arg10[%get3A_491, %get3A_492] {strides = array<i32>} : memref<16x128xf32, #tpu.memory_space<vmem>>, vector<16xf32>,
        %add3A_494 = arith.addf %add3A_490, %get3A_493 : vector<16xf32>
        %add3A_495 = arith.addf %add3A_481, %add3A_494 : vector<16xf32>
        %mul3A_496 = arith.mulf %add3A_494, %add3A_494 : vector<16xf32>
        %add3A_497 = arith.addf %add3A_483, %mul3A_496 : vector<16xf32>
        %get3A_498 = arith.index_cast %add3A_415 : i32 to index
        %get3A_499 = arith.constant 96 : index
        %get3A_500 = tpu.vector_load %arg17[%get3A_498, %get3A_499] {strides = array<i32>} : memref<64x128xf32, #tpu.memory_space<vmem>>, vector<16xf32>,
        %get3A_501 = arith.index_cast %and3A_409 : i32 to index
        %get3A_502 = arith.constant 96 : index
        %get3A_503 = tpu.vector_load %arg9[%get3A_501, %get3A_502] {strides = array<i32>} : memref<512x128xf32, #tpu.memory_space<vmem>>, vector<16xf32>,
        %add3A_504 = arith.addf %get3A_500, %get3A_503 : vector<16xf32>
        %get3A_505 = arith.index_cast %shift_right_logical3A_411 : i32 to index
        %get3A_506 = arith.constant 96 : index
        %get3A_507 = tpu.vector_load %arg10[%get3A_505, %get3A_506] {strides = array<i32>} : memref<16x128xf32, #tpu.memory_space<vmem>>, vector<16xf32>,
        %add3A_508 = arith.addf %add3A_504, %get3A_507 : vector<16xf32>
        %add3A_509 = arith.addf %add3A_495, %add3A_508 : vector<16xf32>
        %mul3A_510 = arith.mulf %add3A_508, %add3A_508 : vector<16xf32>
        %add3A_511 = arith.addf %add3A_497, %mul3A_510 : vector<16xf32>
        %get3A_512 = arith.index_cast %add3A_415 : i32 to index
        %get3A_513 = arith.constant 112 : index
        %get3A_514 = tpu.vector_load %arg17[%get3A_512, %get3A_513] {strides = array<i32>} : memref<64x128xf32, #tpu.memory_space<vmem>>, vector<16xf32>,
        %get3A_515 = arith.index_cast %and3A_409 : i32 to index
        %get3A_516 = arith.constant 112 : index
        %get3A_517 = tpu.vector_load %arg9[%get3A_515, %get3A_516] {strides = array<i32>} : memref<512x128xf32, #tpu.memory_space<vmem>>, vector<16xf32>,
        %add3A_518 = arith.addf %get3A_514, %get3A_517 : vector<16xf32>
        %get3A_519 = arith.index_cast %shift_right_logical3A_411 : i32 to index
        %get3A_520 = arith.constant 112 : index
        %get3A_521 = tpu.vector_load %arg10[%get3A_519, %get3A_520] {strides = array<i32>} : memref<16x128xf32, #tpu.memory_space<vmem>>, vector<16xf32>,
        %add3A_522 = arith.addf %add3A_518, %get3A_521 : vector<16xf32>
        %add3A_523 = arith.addf %add3A_509, %add3A_522 : vector<16xf32>
        %mul3A_524 = arith.mulf %add3A_522, %add3A_522 : vector<16xf32>
        %add3A_525 = arith.addf %add3A_511, %mul3A_524 : vector<16xf32>
        %reduce_sum3A_526 = arith.constant true
        %reduce_sum3A_527 = vector.broadcast %reduce_sum3A_526 : i1 to vector<16xi1>
        %reduce_sum3A_528 = tpu.scan <sum>, %add3A_523 masked %reduce_sum3A_527 : vector<16xf32>, vector<16xi1> -> vector<16xf32>
        %reduce_sum3A_529 = vector.extract %reduce_sum3A_528[15] : f32 from vector<16xf32>
        %reduce_sum3A_530 = arith.constant true
        %reduce_sum3A_531 = vector.broadcast %reduce_sum3A_530 : i1 to vector<16xi1>
        %reduce_sum3A_532 = tpu.scan <sum>, %add3A_525 masked %reduce_sum3A_531 : vector<16xf32>, vector<16xi1> -> vector<16xf32>
        %reduce_sum3A_533 = vector.extract %reduce_sum3A_532[15] : f32 from vector<16xf32>
        %mul3A_534 = arith.mulf %reduce_sum3A_529, %scan3A_64 : f32
        %mul3A_535 = arith.mulf %reduce_sum3A_533, %scan3A_64 : f32
        %mul3A_536 = arith.mulf %mul3A_534, %mul3A_534 : f32
        %sub3A_537 = arith.subf %mul3A_535, %mul3A_536 : f32
        %add3A_538 = arith.addf %sub3A_537, %scan3A_65 : f32
        %bitcast_convert_type3A_539 = arith.bitcast %add3A_538 : f32 to i32
        %shift_right_arithmetic3A_540 = arith.constant 1 : i32
        %shift_right_arithmetic3A_541 = arith.shrsi %bitcast_convert_type3A_539, %shift_right_arithmetic3A_540 : i32
        %sub3A_542 = arith.constant 1597463007 : i32
        %sub3A_543 = arith.subi %sub3A_542, %shift_right_arithmetic3A_541 : i32
        %bitcast_convert_type3A_544 = arith.bitcast %sub3A_543 : i32 to f32
        %mul3A_545 = arith.constant 5.000000e-01 : f32
        %mul3A_546 = arith.mulf %mul3A_545, %add3A_538 : f32
        %mul3A_547 = arith.mulf %mul3A_546, %bitcast_convert_type3A_544 : f32
        %mul3A_548 = arith.mulf %mul3A_547, %bitcast_convert_type3A_544 : f32
        %sub3A_549 = arith.constant 1.500000e+00 : f32
        %sub3A_550 = arith.subf %sub3A_549, %mul3A_548 : f32
        %mul3A_551 = arith.mulf %bitcast_convert_type3A_544, %sub3A_550 : f32
        %mul3A_552 = arith.mulf %mul3A_546, %mul3A_551 : f32
        %mul3A_553 = arith.mulf %mul3A_552, %mul3A_551 : f32
        %sub3A_554 = arith.constant 1.500000e+00 : f32
        %sub3A_555 = arith.subf %sub3A_554, %mul3A_553 : f32
        %mul3A_556 = arith.mulf %mul3A_551, %sub3A_555 : f32
        %mul3A_557 = arith.mulf %mul3A_546, %mul3A_556 : f32
        %mul3A_558 = arith.mulf %mul3A_557, %mul3A_556 : f32
        %sub3A_559 = arith.constant 1.500000e+00 : f32
        %sub3A_560 = arith.subf %sub3A_559, %mul3A_558 : f32
        %mul3A_561 = arith.mulf %mul3A_556, %sub3A_560 : f32
        %neg3A_562 = arith.constant 0.000000e+00 : f32
        %neg3A_563 = arith.subf %neg3A_562, %mul3A_534 : f32
        %mul3A_564 = arith.mulf %neg3A_563, %mul3A_561 : f32
        %mul3A_565 = vector.broadcast %mul3A_561 : f32 to vector<16xf32>
        %mul3A_566 = arith.mulf %add3A_426, %mul3A_565 : vector<16xf32>
        %add3A_567 = vector.broadcast %mul3A_564 : f32 to vector<16xf32>
        %add3A_568 = arith.addf %mul3A_566, %add3A_567 : vector<16xf32>
        %mul3A_569 = arith.mulf %add3A_568, %get3A_3 : vector<16xf32>
        %add3A_570 = arith.addf %mul3A_569, %get3A_19 : vector<16xf32>
        %swap3A_571 = arith.index_cast %add3A_415 : i32 to index
        %swap3A_572 = arith.constant 0 : index
        %swap3A_573 = tpu.vector_load %arg19[%swap3A_571, %swap3A_572] {strides = array<i32>} : memref<64x128xf32, #tpu.memory_space<vmem>>, vector<16xf32>,
        tpu.vector_store %arg19[%swap3A_571, %swap3A_572], %add3A_570 {strides = array<i32>} : memref<64x128xf32, #tpu.memory_space<vmem>>, vector<16xf32>,
        %mul3A_574 = vector.broadcast %mul3A_561 : f32 to vector<16xf32>
        %mul3A_575 = arith.mulf %add3A_438, %mul3A_574 : vector<16xf32>
        %add3A_576 = vector.broadcast %mul3A_564 : f32 to vector<16xf32>
        %add3A_577 = arith.addf %mul3A_575, %add3A_576 : vector<16xf32>
        %mul3A_578 = arith.mulf %add3A_577, %get3A_5 : vector<16xf32>
        %add3A_579 = arith.addf %mul3A_578, %get3A_21 : vector<16xf32>
        %swap3A_580 = arith.index_cast %add3A_415 : i32 to index
        %swap3A_581 = arith.constant 16 : index
        %swap3A_582 = tpu.vector_load %arg19[%swap3A_580, %swap3A_581] {strides = array<i32>} : memref<64x128xf32, #tpu.memory_space<vmem>>, vector<16xf32>,
        tpu.vector_store %arg19[%swap3A_580, %swap3A_581], %add3A_579 {strides = array<i32>} : memref<64x128xf32, #tpu.memory_space<vmem>>, vector<16xf32>,
        %mul3A_583 = vector.broadcast %mul3A_561 : f32 to vector<16xf32>
        %mul3A_584 = arith.mulf %add3A_452, %mul3A_583 : vector<16xf32>
        %add3A_585 = vector.broadcast %mul3A_564 : f32 to vector<16xf32>
        %add3A_586 = arith.addf %mul3A_584, %add3A_585 : vector<16xf32>
        %mul3A_587 = arith.mulf %add3A_586, %get3A_7 : vector<16xf32>
        %add3A_588 = arith.addf %mul3A_587, %get3A_23 : vector<16xf32>
        %swap3A_589 = arith.index_cast %add3A_415 : i32 to index
        %swap3A_590 = arith.constant 32 : index
        %swap3A_591 = tpu.vector_load %arg19[%swap3A_589, %swap3A_590] {strides = array<i32>} : memref<64x128xf32, #tpu.memory_space<vmem>>, vector<16xf32>,
        tpu.vector_store %arg19[%swap3A_589, %swap3A_590], %add3A_588 {strides = array<i32>} : memref<64x128xf32, #tpu.memory_space<vmem>>, vector<16xf32>,
        %mul3A_592 = vector.broadcast %mul3A_561 : f32 to vector<16xf32>
        %mul3A_593 = arith.mulf %add3A_466, %mul3A_592 : vector<16xf32>
        %add3A_594 = vector.broadcast %mul3A_564 : f32 to vector<16xf32>
        %add3A_595 = arith.addf %mul3A_593, %add3A_594 : vector<16xf32>
        %mul3A_596 = arith.mulf %add3A_595, %get3A_9 : vector<16xf32>
        %add3A_597 = arith.addf %mul3A_596, %get3A_25 : vector<16xf32>
        %swap3A_598 = arith.index_cast %add3A_415 : i32 to index
        %swap3A_599 = arith.constant 48 : index
        %swap3A_600 = tpu.vector_load %arg19[%swap3A_598, %swap3A_599] {strides = array<i32>} : memref<64x128xf32, #tpu.memory_space<vmem>>, vector<16xf32>,
        tpu.vector_store %arg19[%swap3A_598, %swap3A_599], %add3A_597 {strides = array<i32>} : memref<64x128xf32, #tpu.memory_space<vmem>>, vector<16xf32>,
        %mul3A_601 = vector.broadcast %mul3A_561 : f32 to vector<16xf32>
        %mul3A_602 = arith.mulf %add3A_480, %mul3A_601 : vector<16xf32>
        %add3A_603 = vector.broadcast %mul3A_564 : f32 to vector<16xf32>
        %add3A_604 = arith.addf %mul3A_602, %add3A_603 : vector<16xf32>
        %mul3A_605 = arith.mulf %add3A_604, %get3A_11 : vector<16xf32>
        %add3A_606 = arith.addf %mul3A_605, %get3A_27 : vector<16xf32>
        %swap3A_607 = arith.index_cast %add3A_415 : i32 to index
        %swap3A_608 = arith.constant 64 : index
        %swap3A_609 = tpu.vector_load %arg19[%swap3A_607, %swap3A_608] {strides = array<i32>} : memref<64x128xf32, #tpu.memory_space<vmem>>, vector<16xf32>,
        tpu.vector_store %arg19[%swap3A_607, %swap3A_608], %add3A_606 {strides = array<i32>} : memref<64x128xf32, #tpu.memory_space<vmem>>, vector<16xf32>,
        %mul3A_610 = vector.broadcast %mul3A_561 : f32 to vector<16xf32>
        %mul3A_611 = arith.mulf %add3A_494, %mul3A_610 : vector<16xf32>
        %add3A_612 = vector.broadcast %mul3A_564 : f32 to vector<16xf32>
        %add3A_613 = arith.addf %mul3A_611, %add3A_612 : vector<16xf32>
        %mul3A_614 = arith.mulf %add3A_613, %get3A_13 : vector<16xf32>
        %add3A_615 = arith.addf %mul3A_614, %get3A_29 : vector<16xf32>
        %swap3A_616 = arith.index_cast %add3A_415 : i32 to index
        %swap3A_617 = arith.constant 80 : index
        %swap3A_618 = tpu.vector_load %arg19[%swap3A_616, %swap3A_617] {strides = array<i32>} : memref<64x128xf32, #tpu.memory_space<vmem>>, vector<16xf32>,
        tpu.vector_store %arg19[%swap3A_616, %swap3A_617], %add3A_615 {strides = array<i32>} : memref<64x128xf32, #tpu.memory_space<vmem>>, vector<16xf32>,
        %mul3A_619 = vector.broadcast %mul3A_561 : f32 to vector<16xf32>
        %mul3A_620 = arith.mulf %add3A_508, %mul3A_619 : vector<16xf32>
        %add3A_621 = vector.broadcast %mul3A_564 : f32 to vector<16xf32>
        %add3A_622 = arith.addf %mul3A_620, %add3A_621 : vector<16xf32>
        %mul3A_623 = arith.mulf %add3A_622, %get3A_15 : vector<16xf32>
        %add3A_624 = arith.addf %mul3A_623, %get3A_31 : vector<16xf32>
        %swap3A_625 = arith.index_cast %add3A_415 : i32 to index
        %swap3A_626 = arith.constant 96 : index
        %swap3A_627 = tpu.vector_load %arg19[%swap3A_625, %swap3A_626] {strides = array<i32>} : memref<64x128xf32, #tpu.memory_space<vmem>>, vector<16xf32>,
        tpu.vector_store %arg19[%swap3A_625, %swap3A_626], %add3A_624 {strides = array<i32>} : memref<64x128xf32, #tpu.memory_space<vmem>>, vector<16xf32>,
        %mul3A_628 = vector.broadcast %mul3A_561 : f32 to vector<16xf32>
        %mul3A_629 = arith.mulf %add3A_522, %mul3A_628 : vector<16xf32>
        %add3A_630 = vector.broadcast %mul3A_564 : f32 to vector<16xf32>
        %add3A_631 = arith.addf %mul3A_629, %add3A_630 : vector<16xf32>
        %mul3A_632 = arith.mulf %add3A_631, %get3A_17 : vector<16xf32>
        %add3A_633 = arith.addf %mul3A_632, %get3A_33 : vector<16xf32>
        %swap3A_634 = arith.index_cast %add3A_415 : i32 to index
        %swap3A_635 = arith.constant 112 : index
        %swap3A_636 = tpu.vector_load %arg19[%swap3A_634, %swap3A_635] {strides = array<i32>} : memref<64x128xf32, #tpu.memory_space<vmem>>, vector<16xf32>,
        tpu.vector_store %arg19[%swap3A_634, %swap3A_635], %add3A_633 {strides = array<i32>} : memref<64x128xf32, #tpu.memory_space<vmem>>, vector<16xf32>,
        %slice3A_637 = vector.extract_strided_slice %get3A_180 {offsets = [2], sizes = [1], strides = [1]} : vector<16xi32> to vector<1xi32>
        %squeeze3A_638 = vector.extract %slice3A_637[0] : i32 from vector<1xi32>
        %shift_right_logical3A_639 = arith.constant 17 : i32
        %shift_right_logical3A_640 = arith.shrui %squeeze3A_638, %shift_right_logical3A_639 : i32
        %and3A_641 = arith.andi %shift_right_logical3A_640, %scan3A_63 : i32
        %shift_right_logical3A_642 = arith.constant 26 : i32
        %shift_right_logical3A_643 = arith.shrui %squeeze3A_638, %shift_right_logical3A_642 : i32
        %mul3A_644 = arith.constant 8 : i32
        %mul3A_645 = arith.muli %scan3A_175, %mul3A_644 : i32
        %add3A_646 = arith.constant 2 : i32
        %add3A_647 = arith.addi %mul3A_645, %add3A_646 : i32
        %get3A_648 = arith.index_cast %add3A_647 : i32 to index
        %get3A_649 = arith.constant 0 : index
        %get3A_650 = tpu.vector_load %arg17[%get3A_648, %get3A_649] {strides = array<i32>} : memref<64x128xf32, #tpu.memory_space<vmem>>, vector<16xf32>,
        %get3A_651 = arith.index_cast %and3A_641 : i32 to index
        %get3A_652 = arith.constant 0 : index
        %get3A_653 = tpu.vector_load %arg9[%get3A_651, %get3A_652] {strides = array<i32>} : memref<512x128xf32, #tpu.memory_space<vmem>>, vector<16xf32>,
        %add3A_654 = arith.addf %get3A_650, %get3A_653 : vector<16xf32>
        %get3A_655 = arith.index_cast %shift_right_logical3A_643 : i32 to index
        %get3A_656 = arith.constant 0 : index
        %get3A_657 = tpu.vector_load %arg10[%get3A_655, %get3A_656] {strides = array<i32>} : memref<16x128xf32, #tpu.memory_space<vmem>>, vector<16xf32>,
        %add3A_658 = arith.addf %add3A_654, %get3A_657 : vector<16xf32>
        %mul3A_659 = arith.mulf %add3A_658, %add3A_658 : vector<16xf32>
        %get3A_660 = arith.index_cast %add3A_647 : i32 to index
        %get3A_661 = arith.constant 16 : index
        %get3A_662 = tpu.vector_load %arg17[%get3A_660, %get3A_661] {strides = array<i32>} : memref<64x128xf32, #tpu.memory_space<vmem>>, vector<16xf32>,
        %get3A_663 = arith.index_cast %and3A_641 : i32 to index
        %get3A_664 = arith.constant 16 : index
        %get3A_665 = tpu.vector_load %arg9[%get3A_663, %get3A_664] {strides = array<i32>} : memref<512x128xf32, #tpu.memory_space<vmem>>, vector<16xf32>,
        %add3A_666 = arith.addf %get3A_662, %get3A_665 : vector<16xf32>
        %get3A_667 = arith.index_cast %shift_right_logical3A_643 : i32 to index
        %get3A_668 = arith.constant 16 : index
        %get3A_669 = tpu.vector_load %arg10[%get3A_667, %get3A_668] {strides = array<i32>} : memref<16x128xf32, #tpu.memory_space<vmem>>, vector<16xf32>,
        %add3A_670 = arith.addf %add3A_666, %get3A_669 : vector<16xf32>
        %add3A_671 = arith.addf %add3A_658, %add3A_670 : vector<16xf32>
        %mul3A_672 = arith.mulf %add3A_670, %add3A_670 : vector<16xf32>
        %add3A_673 = arith.addf %mul3A_659, %mul3A_672 : vector<16xf32>
        %get3A_674 = arith.index_cast %add3A_647 : i32 to index
        %get3A_675 = arith.constant 32 : index
        %get3A_676 = tpu.vector_load %arg17[%get3A_674, %get3A_675] {strides = array<i32>} : memref<64x128xf32, #tpu.memory_space<vmem>>, vector<16xf32>,
        %get3A_677 = arith.index_cast %and3A_641 : i32 to index
        %get3A_678 = arith.constant 32 : index
        %get3A_679 = tpu.vector_load %arg9[%get3A_677, %get3A_678] {strides = array<i32>} : memref<512x128xf32, #tpu.memory_space<vmem>>, vector<16xf32>,
        %add3A_680 = arith.addf %get3A_676, %get3A_679 : vector<16xf32>
        %get3A_681 = arith.index_cast %shift_right_logical3A_643 : i32 to index
        %get3A_682 = arith.constant 32 : index
        %get3A_683 = tpu.vector_load %arg10[%get3A_681, %get3A_682] {strides = array<i32>} : memref<16x128xf32, #tpu.memory_space<vmem>>, vector<16xf32>,
        %add3A_684 = arith.addf %add3A_680, %get3A_683 : vector<16xf32>
        %add3A_685 = arith.addf %add3A_671, %add3A_684 : vector<16xf32>
        %mul3A_686 = arith.mulf %add3A_684, %add3A_684 : vector<16xf32>
        %add3A_687 = arith.addf %add3A_673, %mul3A_686 : vector<16xf32>
        %get3A_688 = arith.index_cast %add3A_647 : i32 to index
        %get3A_689 = arith.constant 48 : index
        %get3A_690 = tpu.vector_load %arg17[%get3A_688, %get3A_689] {strides = array<i32>} : memref<64x128xf32, #tpu.memory_space<vmem>>, vector<16xf32>,
        %get3A_691 = arith.index_cast %and3A_641 : i32 to index
        %get3A_692 = arith.constant 48 : index
        %get3A_693 = tpu.vector_load %arg9[%get3A_691, %get3A_692] {strides = array<i32>} : memref<512x128xf32, #tpu.memory_space<vmem>>, vector<16xf32>,
        %add3A_694 = arith.addf %get3A_690, %get3A_693 : vector<16xf32>
        %get3A_695 = arith.index_cast %shift_right_logical3A_643 : i32 to index
        %get3A_696 = arith.constant 48 : index
        %get3A_697 = tpu.vector_load %arg10[%get3A_695, %get3A_696] {strides = array<i32>} : memref<16x128xf32, #tpu.memory_space<vmem>>, vector<16xf32>,
        %add3A_698 = arith.addf %add3A_694, %get3A_697 : vector<16xf32>
        %add3A_699 = arith.addf %add3A_685, %add3A_698 : vector<16xf32>
        %mul3A_700 = arith.mulf %add3A_698, %add3A_698 : vector<16xf32>
        %add3A_701 = arith.addf %add3A_687, %mul3A_700 : vector<16xf32>
        %get3A_702 = arith.index_cast %add3A_647 : i32 to index
        %get3A_703 = arith.constant 64 : index
        %get3A_704 = tpu.vector_load %arg17[%get3A_702, %get3A_703] {strides = array<i32>} : memref<64x128xf32, #tpu.memory_space<vmem>>, vector<16xf32>,
        %get3A_705 = arith.index_cast %and3A_641 : i32 to index
        %get3A_706 = arith.constant 64 : index
        %get3A_707 = tpu.vector_load %arg9[%get3A_705, %get3A_706] {strides = array<i32>} : memref<512x128xf32, #tpu.memory_space<vmem>>, vector<16xf32>,
        %add3A_708 = arith.addf %get3A_704, %get3A_707 : vector<16xf32>
        %get3A_709 = arith.index_cast %shift_right_logical3A_643 : i32 to index
        %get3A_710 = arith.constant 64 : index
        %get3A_711 = tpu.vector_load %arg10[%get3A_709, %get3A_710] {strides = array<i32>} : memref<16x128xf32, #tpu.memory_space<vmem>>, vector<16xf32>,
        %add3A_712 = arith.addf %add3A_708, %get3A_711 : vector<16xf32>
        %add3A_713 = arith.addf %add3A_699, %add3A_712 : vector<16xf32>
        %mul3A_714 = arith.mulf %add3A_712, %add3A_712 : vector<16xf32>
        %add3A_715 = arith.addf %add3A_701, %mul3A_714 : vector<16xf32>
        %get3A_716 = arith.index_cast %add3A_647 : i32 to index
        %get3A_717 = arith.constant 80 : index
        %get3A_718 = tpu.vector_load %arg17[%get3A_716, %get3A_717] {strides = array<i32>} : memref<64x128xf32, #tpu.memory_space<vmem>>, vector<16xf32>,
        %get3A_719 = arith.index_cast %and3A_641 : i32 to index
        %get3A_720 = arith.constant 80 : index
        %get3A_721 = tpu.vector_load %arg9[%get3A_719, %get3A_720] {strides = array<i32>} : memref<512x128xf32, #tpu.memory_space<vmem>>, vector<16xf32>,
        %add3A_722 = arith.addf %get3A_718, %get3A_721 : vector<16xf32>
        %get3A_723 = arith.index_cast %shift_right_logical3A_643 : i32 to index
        %get3A_724 = arith.constant 80 : index
        %get3A_725 = tpu.vector_load %arg10[%get3A_723, %get3A_724] {strides = array<i32>} : memref<16x128xf32, #tpu.memory_space<vmem>>, vector<16xf32>,
        %add3A_726 = arith.addf %add3A_722, %get3A_725 : vector<16xf32>
        %add3A_727 = arith.addf %add3A_713, %add3A_726 : vector<16xf32>
        %mul3A_728 = arith.mulf %add3A_726, %add3A_726 : vector<16xf32>
        %add3A_729 = arith.addf %add3A_715, %mul3A_728 : vector<16xf32>
        %get3A_730 = arith.index_cast %add3A_647 : i32 to index
        %get3A_731 = arith.constant 96 : index
        %get3A_732 = tpu.vector_load %arg17[%get3A_730, %get3A_731] {strides = array<i32>} : memref<64x128xf32, #tpu.memory_space<vmem>>, vector<16xf32>,
        %get3A_733 = arith.index_cast %and3A_641 : i32 to index
        %get3A_734 = arith.constant 96 : index
        %get3A_735 = tpu.vector_load %arg9[%get3A_733, %get3A_734] {strides = array<i32>} : memref<512x128xf32, #tpu.memory_space<vmem>>, vector<16xf32>,
        %add3A_736 = arith.addf %get3A_732, %get3A_735 : vector<16xf32>
        %get3A_737 = arith.index_cast %shift_right_logical3A_643 : i32 to index
        %get3A_738 = arith.constant 96 : index
        %get3A_739 = tpu.vector_load %arg10[%get3A_737, %get3A_738] {strides = array<i32>} : memref<16x128xf32, #tpu.memory_space<vmem>>, vector<16xf32>,
        %add3A_740 = arith.addf %add3A_736, %get3A_739 : vector<16xf32>
        %add3A_741 = arith.addf %add3A_727, %add3A_740 : vector<16xf32>
        %mul3A_742 = arith.mulf %add3A_740, %add3A_740 : vector<16xf32>
        %add3A_743 = arith.addf %add3A_729, %mul3A_742 : vector<16xf32>
        %get3A_744 = arith.index_cast %add3A_647 : i32 to index
        %get3A_745 = arith.constant 112 : index
        %get3A_746 = tpu.vector_load %arg17[%get3A_744, %get3A_745] {strides = array<i32>} : memref<64x128xf32, #tpu.memory_space<vmem>>, vector<16xf32>,
        %get3A_747 = arith.index_cast %and3A_641 : i32 to index
        %get3A_748 = arith.constant 112 : index
        %get3A_749 = tpu.vector_load %arg9[%get3A_747, %get3A_748] {strides = array<i32>} : memref<512x128xf32, #tpu.memory_space<vmem>>, vector<16xf32>,
        %add3A_750 = arith.addf %get3A_746, %get3A_749 : vector<16xf32>
        %get3A_751 = arith.index_cast %shift_right_logical3A_643 : i32 to index
        %get3A_752 = arith.constant 112 : index
        %get3A_753 = tpu.vector_load %arg10[%get3A_751, %get3A_752] {strides = array<i32>} : memref<16x128xf32, #tpu.memory_space<vmem>>, vector<16xf32>,
        %add3A_754 = arith.addf %add3A_750, %get3A_753 : vector<16xf32>
        %add3A_755 = arith.addf %add3A_741, %add3A_754 : vector<16xf32>
        %mul3A_756 = arith.mulf %add3A_754, %add3A_754 : vector<16xf32>
        %add3A_757 = arith.addf %add3A_743, %mul3A_756 : vector<16xf32>
        %reduce_sum3A_758 = arith.constant true
        %reduce_sum3A_759 = vector.broadcast %reduce_sum3A_758 : i1 to vector<16xi1>
        %reduce_sum3A_760 = tpu.scan <sum>, %add3A_755 masked %reduce_sum3A_759 : vector<16xf32>, vector<16xi1> -> vector<16xf32>
        %reduce_sum3A_761 = vector.extract %reduce_sum3A_760[15] : f32 from vector<16xf32>
        %reduce_sum3A_762 = arith.constant true
        %reduce_sum3A_763 = vector.broadcast %reduce_sum3A_762 : i1 to vector<16xi1>
        %reduce_sum3A_764 = tpu.scan <sum>, %add3A_757 masked %reduce_sum3A_763 : vector<16xf32>, vector<16xi1> -> vector<16xf32>
        %reduce_sum3A_765 = vector.extract %reduce_sum3A_764[15] : f32 from vector<16xf32>
        %mul3A_766 = arith.mulf %reduce_sum3A_761, %scan3A_64 : f32
        %mul3A_767 = arith.mulf %reduce_sum3A_765, %scan3A_64 : f32
        %mul3A_768 = arith.mulf %mul3A_766, %mul3A_766 : f32
        %sub3A_769 = arith.subf %mul3A_767, %mul3A_768 : f32
        %add3A_770 = arith.addf %sub3A_769, %scan3A_65 : f32
        %bitcast_convert_type3A_771 = arith.bitcast %add3A_770 : f32 to i32
        %shift_right_arithmetic3A_772 = arith.constant 1 : i32
        %shift_right_arithmetic3A_773 = arith.shrsi %bitcast_convert_type3A_771, %shift_right_arithmetic3A_772 : i32
        %sub3A_774 = arith.constant 1597463007 : i32
        %sub3A_775 = arith.subi %sub3A_774, %shift_right_arithmetic3A_773 : i32
        %bitcast_convert_type3A_776 = arith.bitcast %sub3A_775 : i32 to f32
        %mul3A_777 = arith.constant 5.000000e-01 : f32
        %mul3A_778 = arith.mulf %mul3A_777, %add3A_770 : f32
        %mul3A_779 = arith.mulf %mul3A_778, %bitcast_convert_type3A_776 : f32
        %mul3A_780 = arith.mulf %mul3A_779, %bitcast_convert_type3A_776 : f32
        %sub3A_781 = arith.constant 1.500000e+00 : f32
        %sub3A_782 = arith.subf %sub3A_781, %mul3A_780 : f32
        %mul3A_783 = arith.mulf %bitcast_convert_type3A_776, %sub3A_782 : f32
        %mul3A_784 = arith.mulf %mul3A_778, %mul3A_783 : f32
        %mul3A_785 = arith.mulf %mul3A_784, %mul3A_783 : f32
        %sub3A_786 = arith.constant 1.500000e+00 : f32
        %sub3A_787 = arith.subf %sub3A_786, %mul3A_785 : f32
        %mul3A_788 = arith.mulf %mul3A_783, %sub3A_787 : f32
        %mul3A_789 = arith.mulf %mul3A_778, %mul3A_788 : f32
        %mul3A_790 = arith.mulf %mul3A_789, %mul3A_788 : f32
        %sub3A_791 = arith.constant 1.500000e+00 : f32
        %sub3A_792 = arith.subf %sub3A_791, %mul3A_790 : f32
        %mul3A_793 = arith.mulf %mul3A_788, %sub3A_792 : f32
        %neg3A_794 = arith.constant 0.000000e+00 : f32
        %neg3A_795 = arith.subf %neg3A_794, %mul3A_766 : f32
        %mul3A_796 = arith.mulf %neg3A_795, %mul3A_793 : f32
        %mul3A_797 = vector.broadcast %mul3A_793 : f32 to vector<16xf32>
        %mul3A_798 = arith.mulf %add3A_658, %mul3A_797 : vector<16xf32>
        %add3A_799 = vector.broadcast %mul3A_796 : f32 to vector<16xf32>
        %add3A_800 = arith.addf %mul3A_798, %add3A_799 : vector<16xf32>
        %mul3A_801 = arith.mulf %add3A_800, %get3A_3 : vector<16xf32>
        %add3A_802 = arith.addf %mul3A_801, %get3A_19 : vector<16xf32>
        %swap3A_803 = arith.index_cast %add3A_647 : i32 to index
        %swap3A_804 = arith.constant 0 : index
        %swap3A_805 = tpu.vector_load %arg19[%swap3A_803, %swap3A_804] {strides = array<i32>} : memref<64x128xf32, #tpu.memory_space<vmem>>, vector<16xf32>,
        tpu.vector_store %arg19[%swap3A_803, %swap3A_804], %add3A_802 {strides = array<i32>} : memref<64x128xf32, #tpu.memory_space<vmem>>, vector<16xf32>,
        %mul3A_806 = vector.broadcast %mul3A_793 : f32 to vector<16xf32>
        %mul3A_807 = arith.mulf %add3A_670, %mul3A_806 : vector<16xf32>
        %add3A_808 = vector.broadcast %mul3A_796 : f32 to vector<16xf32>
        %add3A_809 = arith.addf %mul3A_807, %add3A_808 : vector<16xf32>
        %mul3A_810 = arith.mulf %add3A_809, %get3A_5 : vector<16xf32>
        %add3A_811 = arith.addf %mul3A_810, %get3A_21 : vector<16xf32>
        %swap3A_812 = arith.index_cast %add3A_647 : i32 to index
        %swap3A_813 = arith.constant 16 : index
        %swap3A_814 = tpu.vector_load %arg19[%swap3A_812, %swap3A_813] {strides = array<i32>} : memref<64x128xf32, #tpu.memory_space<vmem>>, vector<16xf32>,
        tpu.vector_store %arg19[%swap3A_812, %swap3A_813], %add3A_811 {strides = array<i32>} : memref<64x128xf32, #tpu.memory_space<vmem>>, vector<16xf32>,
        %mul3A_815 = vector.broadcast %mul3A_793 : f32 to vector<16xf32>
        %mul3A_816 = arith.mulf %add3A_684, %mul3A_815 : vector<16xf32>
        %add3A_817 = vector.broadcast %mul3A_796 : f32 to vector<16xf32>
        %add3A_818 = arith.addf %mul3A_816, %add3A_817 : vector<16xf32>
        %mul3A_819 = arith.mulf %add3A_818, %get3A_7 : vector<16xf32>
        %add3A_820 = arith.addf %mul3A_819, %get3A_23 : vector<16xf32>
        %swap3A_821 = arith.index_cast %add3A_647 : i32 to index
        %swap3A_822 = arith.constant 32 : index
        %swap3A_823 = tpu.vector_load %arg19[%swap3A_821, %swap3A_822] {strides = array<i32>} : memref<64x128xf32, #tpu.memory_space<vmem>>, vector<16xf32>,
        tpu.vector_store %arg19[%swap3A_821, %swap3A_822], %add3A_820 {strides = array<i32>} : memref<64x128xf32, #tpu.memory_space<vmem>>, vector<16xf32>,
        %mul3A_824 = vector.broadcast %mul3A_793 : f32 to vector<16xf32>
        %mul3A_825 = arith.mulf %add3A_698, %mul3A_824 : vector<16xf32>
        %add3A_826 = vector.broadcast %mul3A_796 : f32 to vector<16xf32>
        %add3A_827 = arith.addf %mul3A_825, %add3A_826 : vector<16xf32>
        %mul3A_828 = arith.mulf %add3A_827, %get3A_9 : vector<16xf32>
        %add3A_829 = arith.addf %mul3A_828, %get3A_25 : vector<16xf32>
        %swap3A_830 = arith.index_cast %add3A_647 : i32 to index
        %swap3A_831 = arith.constant 48 : index
        %swap3A_832 = tpu.vector_load %arg19[%swap3A_830, %swap3A_831] {strides = array<i32>} : memref<64x128xf32, #tpu.memory_space<vmem>>, vector<16xf32>,
        tpu.vector_store %arg19[%swap3A_830, %swap3A_831], %add3A_829 {strides = array<i32>} : memref<64x128xf32, #tpu.memory_space<vmem>>, vector<16xf32>,
        %mul3A_833 = vector.broadcast %mul3A_793 : f32 to vector<16xf32>
        %mul3A_834 = arith.mulf %add3A_712, %mul3A_833 : vector<16xf32>
        %add3A_835 = vector.broadcast %mul3A_796 : f32 to vector<16xf32>
        %add3A_836 = arith.addf %mul3A_834, %add3A_835 : vector<16xf32>
        %mul3A_837 = arith.mulf %add3A_836, %get3A_11 : vector<16xf32>
        %add3A_838 = arith.addf %mul3A_837, %get3A_27 : vector<16xf32>
        %swap3A_839 = arith.index_cast %add3A_647 : i32 to index
        %swap3A_840 = arith.constant 64 : index
        %swap3A_841 = tpu.vector_load %arg19[%swap3A_839, %swap3A_840] {strides = array<i32>} : memref<64x128xf32, #tpu.memory_space<vmem>>, vector<16xf32>,
        tpu.vector_store %arg19[%swap3A_839, %swap3A_840], %add3A_838 {strides = array<i32>} : memref<64x128xf32, #tpu.memory_space<vmem>>, vector<16xf32>,
        %mul3A_842 = vector.broadcast %mul3A_793 : f32 to vector<16xf32>
        %mul3A_843 = arith.mulf %add3A_726, %mul3A_842 : vector<16xf32>
        %add3A_844 = vector.broadcast %mul3A_796 : f32 to vector<16xf32>
        %add3A_845 = arith.addf %mul3A_843, %add3A_844 : vector<16xf32>
        %mul3A_846 = arith.mulf %add3A_845, %get3A_13 : vector<16xf32>
        %add3A_847 = arith.addf %mul3A_846, %get3A_29 : vector<16xf32>
        %swap3A_848 = arith.index_cast %add3A_647 : i32 to index
        %swap3A_849 = arith.constant 80 : index
        %swap3A_850 = tpu.vector_load %arg19[%swap3A_848, %swap3A_849] {strides = array<i32>} : memref<64x128xf32, #tpu.memory_space<vmem>>, vector<16xf32>,
        tpu.vector_store %arg19[%swap3A_848, %swap3A_849], %add3A_847 {strides = array<i32>} : memref<64x128xf32, #tpu.memory_space<vmem>>, vector<16xf32>,
        %mul3A_851 = vector.broadcast %mul3A_793 : f32 to vector<16xf32>
        %mul3A_852 = arith.mulf %add3A_740, %mul3A_851 : vector<16xf32>
        %add3A_853 = vector.broadcast %mul3A_796 : f32 to vector<16xf32>
        %add3A_854 = arith.addf %mul3A_852, %add3A_853 : vector<16xf32>
        %mul3A_855 = arith.mulf %add3A_854, %get3A_15 : vector<16xf32>
        %add3A_856 = arith.addf %mul3A_855, %get3A_31 : vector<16xf32>
        %swap3A_857 = arith.index_cast %add3A_647 : i32 to index
        %swap3A_858 = arith.constant 96 : index
        %swap3A_859 = tpu.vector_load %arg19[%swap3A_857, %swap3A_858] {strides = array<i32>} : memref<64x128xf32, #tpu.memory_space<vmem>>, vector<16xf32>,
        tpu.vector_store %arg19[%swap3A_857, %swap3A_858], %add3A_856 {strides = array<i32>} : memref<64x128xf32, #tpu.memory_space<vmem>>, vector<16xf32>,
        %mul3A_860 = vector.broadcast %mul3A_793 : f32 to vector<16xf32>
        %mul3A_861 = arith.mulf %add3A_754, %mul3A_860 : vector<16xf32>
        %add3A_862 = vector.broadcast %mul3A_796 : f32 to vector<16xf32>
        %add3A_863 = arith.addf %mul3A_861, %add3A_862 : vector<16xf32>
        %mul3A_864 = arith.mulf %add3A_863, %get3A_17 : vector<16xf32>
        %add3A_865 = arith.addf %mul3A_864, %get3A_33 : vector<16xf32>
        %swap3A_866 = arith.index_cast %add3A_647 : i32 to index
        %swap3A_867 = arith.constant 112 : index
        %swap3A_868 = tpu.vector_load %arg19[%swap3A_866, %swap3A_867] {strides = array<i32>} : memref<64x128xf32, #tpu.memory_space<vmem>>, vector<16xf32>,
        tpu.vector_store %arg19[%swap3A_866, %swap3A_867], %add3A_865 {strides = array<i32>} : memref<64x128xf32, #tpu.memory_space<vmem>>, vector<16xf32>,
        %slice3A_869 = vector.extract_strided_slice %get3A_180 {offsets = [3], sizes = [1], strides = [1]} : vector<16xi32> to vector<1xi32>
        %squeeze3A_870 = vector.extract %slice3A_869[0] : i32 from vector<1xi32>
        %shift_right_logical3A_871 = arith.constant 17 : i32
        %shift_right_logical3A_872 = arith.shrui %squeeze3A_870, %shift_right_logical3A_871 : i32
        %and3A_873 = arith.andi %shift_right_logical3A_872, %scan3A_63 : i32
        %shift_right_logical3A_874 = arith.constant 26 : i32
        %shift_right_logical3A_875 = arith.shrui %squeeze3A_870, %shift_right_logical3A_874 : i32
        %mul3A_876 = arith.constant 8 : i32
        %mul3A_877 = arith.muli %scan3A_175, %mul3A_876 : i32
        %add3A_878 = arith.constant 3 : i32
        %add3A_879 = arith.addi %mul3A_877, %add3A_878 : i32
        %get3A_880 = arith.index_cast %add3A_879 : i32 to index
        %get3A_881 = arith.constant 0 : index
        %get3A_882 = tpu.vector_load %arg17[%get3A_880, %get3A_881] {strides = array<i32>} : memref<64x128xf32, #tpu.memory_space<vmem>>, vector<16xf32>,
        %get3A_883 = arith.index_cast %and3A_873 : i32 to index
        %get3A_884 = arith.constant 0 : index
        %get3A_885 = tpu.vector_load %arg9[%get3A_883, %get3A_884] {strides = array<i32>} : memref<512x128xf32, #tpu.memory_space<vmem>>, vector<16xf32>,
        %add3A_886 = arith.addf %get3A_882, %get3A_885 : vector<16xf32>
        %get3A_887 = arith.index_cast %shift_right_logical3A_875 : i32 to index
        %get3A_888 = arith.constant 0 : index
        %get3A_889 = tpu.vector_load %arg10[%get3A_887, %get3A_888] {strides = array<i32>} : memref<16x128xf32, #tpu.memory_space<vmem>>, vector<16xf32>,
        %add3A_890 = arith.addf %add3A_886, %get3A_889 : vector<16xf32>
        %mul3A_891 = arith.mulf %add3A_890, %add3A_890 : vector<16xf32>
        %get3A_892 = arith.index_cast %add3A_879 : i32 to index
        %get3A_893 = arith.constant 16 : index
        %get3A_894 = tpu.vector_load %arg17[%get3A_892, %get3A_893] {strides = array<i32>} : memref<64x128xf32, #tpu.memory_space<vmem>>, vector<16xf32>,
        %get3A_895 = arith.index_cast %and3A_873 : i32 to index
        %get3A_896 = arith.constant 16 : index
        %get3A_897 = tpu.vector_load %arg9[%get3A_895, %get3A_896] {strides = array<i32>} : memref<512x128xf32, #tpu.memory_space<vmem>>, vector<16xf32>,
        %add3A_898 = arith.addf %get3A_894, %get3A_897 : vector<16xf32>
        %get3A_899 = arith.index_cast %shift_right_logical3A_875 : i32 to index
        %get3A_900 = arith.constant 16 : index
        %get3A_901 = tpu.vector_load %arg10[%get3A_899, %get3A_900] {strides = array<i32>} : memref<16x128xf32, #tpu.memory_space<vmem>>, vector<16xf32>,
        %add3A_902 = arith.addf %add3A_898, %get3A_901 : vector<16xf32>
        %add3A_903 = arith.addf %add3A_890, %add3A_902 : vector<16xf32>
        %mul3A_904 = arith.mulf %add3A_902, %add3A_902 : vector<16xf32>
        %add3A_905 = arith.addf %mul3A_891, %mul3A_904 : vector<16xf32>
        %get3A_906 = arith.index_cast %add3A_879 : i32 to index
        %get3A_907 = arith.constant 32 : index
        %get3A_908 = tpu.vector_load %arg17[%get3A_906, %get3A_907] {strides = array<i32>} : memref<64x128xf32, #tpu.memory_space<vmem>>, vector<16xf32>,
        %get3A_909 = arith.index_cast %and3A_873 : i32 to index
        %get3A_910 = arith.constant 32 : index
        %get3A_911 = tpu.vector_load %arg9[%get3A_909, %get3A_910] {strides = array<i32>} : memref<512x128xf32, #tpu.memory_space<vmem>>, vector<16xf32>,
        %add3A_912 = arith.addf %get3A_908, %get3A_911 : vector<16xf32>
        %get3A_913 = arith.index_cast %shift_right_logical3A_875 : i32 to index
        %get3A_914 = arith.constant 32 : index
        %get3A_915 = tpu.vector_load %arg10[%get3A_913, %get3A_914] {strides = array<i32>} : memref<16x128xf32, #tpu.memory_space<vmem>>, vector<16xf32>,
        %add3A_916 = arith.addf %add3A_912, %get3A_915 : vector<16xf32>
        %add3A_917 = arith.addf %add3A_903, %add3A_916 : vector<16xf32>
        %mul3A_918 = arith.mulf %add3A_916, %add3A_916 : vector<16xf32>
        %add3A_919 = arith.addf %add3A_905, %mul3A_918 : vector<16xf32>
        %get3A_920 = arith.index_cast %add3A_879 : i32 to index
        %get3A_921 = arith.constant 48 : index
        %get3A_922 = tpu.vector_load %arg17[%get3A_920, %get3A_921] {strides = array<i32>} : memref<64x128xf32, #tpu.memory_space<vmem>>, vector<16xf32>,
        %get3A_923 = arith.index_cast %and3A_873 : i32 to index
        %get3A_924 = arith.constant 48 : index
        %get3A_925 = tpu.vector_load %arg9[%get3A_923, %get3A_924] {strides = array<i32>} : memref<512x128xf32, #tpu.memory_space<vmem>>, vector<16xf32>,
        %add3A_926 = arith.addf %get3A_922, %get3A_925 : vector<16xf32>
        %get3A_927 = arith.index_cast %shift_right_logical3A_875 : i32 to index
        %get3A_928 = arith.constant 48 : index
        %get3A_929 = tpu.vector_load %arg10[%get3A_927, %get3A_928] {strides = array<i32>} : memref<16x128xf32, #tpu.memory_space<vmem>>, vector<16xf32>,
        %add3A_930 = arith.addf %add3A_926, %get3A_929 : vector<16xf32>
        %add3A_931 = arith.addf %add3A_917, %add3A_930 : vector<16xf32>
        %mul3A_932 = arith.mulf %add3A_930, %add3A_930 : vector<16xf32>
        %add3A_933 = arith.addf %add3A_919, %mul3A_932 : vector<16xf32>
        %get3A_934 = arith.index_cast %add3A_879 : i32 to index
        %get3A_935 = arith.constant 64 : index
        %get3A_936 = tpu.vector_load %arg17[%get3A_934, %get3A_935] {strides = array<i32>} : memref<64x128xf32, #tpu.memory_space<vmem>>, vector<16xf32>,
        %get3A_937 = arith.index_cast %and3A_873 : i32 to index
        %get3A_938 = arith.constant 64 : index
        %get3A_939 = tpu.vector_load %arg9[%get3A_937, %get3A_938] {strides = array<i32>} : memref<512x128xf32, #tpu.memory_space<vmem>>, vector<16xf32>,
        %add3A_940 = arith.addf %get3A_936, %get3A_939 : vector<16xf32>
        %get3A_941 = arith.index_cast %shift_right_logical3A_875 : i32 to index
        %get3A_942 = arith.constant 64 : index
        %get3A_943 = tpu.vector_load %arg10[%get3A_941, %get3A_942] {strides = array<i32>} : memref<16x128xf32, #tpu.memory_space<vmem>>, vector<16xf32>,
        %add3A_944 = arith.addf %add3A_940, %get3A_943 : vector<16xf32>
        %add3A_945 = arith.addf %add3A_931, %add3A_944 : vector<16xf32>
        %mul3A_946 = arith.mulf %add3A_944, %add3A_944 : vector<16xf32>
        %add3A_947 = arith.addf %add3A_933, %mul3A_946 : vector<16xf32>
        %get3A_948 = arith.index_cast %add3A_879 : i32 to index
        %get3A_949 = arith.constant 80 : index
        %get3A_950 = tpu.vector_load %arg17[%get3A_948, %get3A_949] {strides = array<i32>} : memref<64x128xf32, #tpu.memory_space<vmem>>, vector<16xf32>,
        %get3A_951 = arith.index_cast %and3A_873 : i32 to index
        %get3A_952 = arith.constant 80 : index
        %get3A_953 = tpu.vector_load %arg9[%get3A_951, %get3A_952] {strides = array<i32>} : memref<512x128xf32, #tpu.memory_space<vmem>>, vector<16xf32>,
        %add3A_954 = arith.addf %get3A_950, %get3A_953 : vector<16xf32>
        %get3A_955 = arith.index_cast %shift_right_logical3A_875 : i32 to index
        %get3A_956 = arith.constant 80 : index
        %get3A_957 = tpu.vector_load %arg10[%get3A_955, %get3A_956] {strides = array<i32>} : memref<16x128xf32, #tpu.memory_space<vmem>>, vector<16xf32>,
        %add3A_958 = arith.addf %add3A_954, %get3A_957 : vector<16xf32>
        %add3A_959 = arith.addf %add3A_945, %add3A_958 : vector<16xf32>
        %mul3A_960 = arith.mulf %add3A_958, %add3A_958 : vector<16xf32>
        %add3A_961 = arith.addf %add3A_947, %mul3A_960 : vector<16xf32>
        %get3A_962 = arith.index_cast %add3A_879 : i32 to index
        %get3A_963 = arith.constant 96 : index
        %get3A_964 = tpu.vector_load %arg17[%get3A_962, %get3A_963] {strides = array<i32>} : memref<64x128xf32, #tpu.memory_space<vmem>>, vector<16xf32>,
        %get3A_965 = arith.index_cast %and3A_873 : i32 to index
        %get3A_966 = arith.constant 96 : index
        %get3A_967 = tpu.vector_load %arg9[%get3A_965, %get3A_966] {strides = array<i32>} : memref<512x128xf32, #tpu.memory_space<vmem>>, vector<16xf32>,
        %add3A_968 = arith.addf %get3A_964, %get3A_967 : vector<16xf32>
        %get3A_969 = arith.index_cast %shift_right_logical3A_875 : i32 to index
        %get3A_970 = arith.constant 96 : index
        %get3A_971 = tpu.vector_load %arg10[%get3A_969, %get3A_970] {strides = array<i32>} : memref<16x128xf32, #tpu.memory_space<vmem>>, vector<16xf32>,
        %add3A_972 = arith.addf %add3A_968, %get3A_971 : vector<16xf32>
        %add3A_973 = arith.addf %add3A_959, %add3A_972 : vector<16xf32>
        %mul3A_974 = arith.mulf %add3A_972, %add3A_972 : vector<16xf32>
        %add3A_975 = arith.addf %add3A_961, %mul3A_974 : vector<16xf32>
        %get3A_976 = arith.index_cast %add3A_879 : i32 to index
        %get3A_977 = arith.constant 112 : index
        %get3A_978 = tpu.vector_load %arg17[%get3A_976, %get3A_977] {strides = array<i32>} : memref<64x128xf32, #tpu.memory_space<vmem>>, vector<16xf32>,
        %get3A_979 = arith.index_cast %and3A_873 : i32 to index
        %get3A_980 = arith.constant 112 : index
        %get3A_981 = tpu.vector_load %arg9[%get3A_979, %get3A_980] {strides = array<i32>} : memref<512x128xf32, #tpu.memory_space<vmem>>, vector<16xf32>,
        %add3A_982 = arith.addf %get3A_978, %get3A_981 : vector<16xf32>
        %get3A_983 = arith.index_cast %shift_right_logical3A_875 : i32 to index
        %get3A_984 = arith.constant 112 : index
        %get3A_985 = tpu.vector_load %arg10[%get3A_983, %get3A_984] {strides = array<i32>} : memref<16x128xf32, #tpu.memory_space<vmem>>, vector<16xf32>,
        %add3A_986 = arith.addf %add3A_982, %get3A_985 : vector<16xf32>
        %add3A_987 = arith.addf %add3A_973, %add3A_986 : vector<16xf32>
        %mul3A_988 = arith.mulf %add3A_986, %add3A_986 : vector<16xf32>
        %add3A_989 = arith.addf %add3A_975, %mul3A_988 : vector<16xf32>
        %reduce_sum3A_990 = arith.constant true
        %reduce_sum3A_991 = vector.broadcast %reduce_sum3A_990 : i1 to vector<16xi1>
        %reduce_sum3A_992 = tpu.scan <sum>, %add3A_987 masked %reduce_sum3A_991 : vector<16xf32>, vector<16xi1> -> vector<16xf32>
        %reduce_sum3A_993 = vector.extract %reduce_sum3A_992[15] : f32 from vector<16xf32>
        %reduce_sum3A_994 = arith.constant true
        %reduce_sum3A_995 = vector.broadcast %reduce_sum3A_994 : i1 to vector<16xi1>
        %reduce_sum3A_996 = tpu.scan <sum>, %add3A_989 masked %reduce_sum3A_995 : vector<16xf32>, vector<16xi1> -> vector<16xf32>
        %reduce_sum3A_997 = vector.extract %reduce_sum3A_996[15] : f32 from vector<16xf32>
        %mul3A_998 = arith.mulf %reduce_sum3A_993, %scan3A_64 : f32
        %mul3A_999 = arith.mulf %reduce_sum3A_997, %scan3A_64 : f32
        %mul3A_1000 = arith.mulf %mul3A_998, %mul3A_998 : f32
        %sub3A_1001 = arith.subf %mul3A_999, %mul3A_1000 : f32
        %add3A_1002 = arith.addf %sub3A_1001, %scan3A_65 : f32
        %bitcast_convert_type3A_1003 = arith.bitcast %add3A_1002 : f32 to i32
        %shift_right_arithmetic3A_1004 = arith.constant 1 : i32
        %shift_right_arithmetic3A_1005 = arith.shrsi %bitcast_convert_type3A_1003, %shift_right_arithmetic3A_1004 : i32
        %sub3A_1006 = arith.constant 1597463007 : i32
        %sub3A_1007 = arith.subi %sub3A_1006, %shift_right_arithmetic3A_1005 : i32
        %bitcast_convert_type3A_1008 = arith.bitcast %sub3A_1007 : i32 to f32
        %mul3A_1009 = arith.constant 5.000000e-01 : f32
        %mul3A_1010 = arith.mulf %mul3A_1009, %add3A_1002 : f32
        %mul3A_1011 = arith.mulf %mul3A_1010, %bitcast_convert_type3A_1008 : f32
        %mul3A_1012 = arith.mulf %mul3A_1011, %bitcast_convert_type3A_1008 : f32
        %sub3A_1013 = arith.constant 1.500000e+00 : f32
        %sub3A_1014 = arith.subf %sub3A_1013, %mul3A_1012 : f32
        %mul3A_1015 = arith.mulf %bitcast_convert_type3A_1008, %sub3A_1014 : f32
        %mul3A_1016 = arith.mulf %mul3A_1010, %mul3A_1015 : f32
        %mul3A_1017 = arith.mulf %mul3A_1016, %mul3A_1015 : f32
        %sub3A_1018 = arith.constant 1.500000e+00 : f32
        %sub3A_1019 = arith.subf %sub3A_1018, %mul3A_1017 : f32
        %mul3A_1020 = arith.mulf %mul3A_1015, %sub3A_1019 : f32
        %mul3A_1021 = arith.mulf %mul3A_1010, %mul3A_1020 : f32
        %mul3A_1022 = arith.mulf %mul3A_1021, %mul3A_1020 : f32
        %sub3A_1023 = arith.constant 1.500000e+00 : f32
        %sub3A_1024 = arith.subf %sub3A_1023, %mul3A_1022 : f32
        %mul3A_1025 = arith.mulf %mul3A_1020, %sub3A_1024 : f32
        %neg3A_1026 = arith.constant 0.000000e+00 : f32
        %neg3A_1027 = arith.subf %neg3A_1026, %mul3A_998 : f32
        %mul3A_1028 = arith.mulf %neg3A_1027, %mul3A_1025 : f32
        %mul3A_1029 = vector.broadcast %mul3A_1025 : f32 to vector<16xf32>
        %mul3A_1030 = arith.mulf %add3A_890, %mul3A_1029 : vector<16xf32>
        %add3A_1031 = vector.broadcast %mul3A_1028 : f32 to vector<16xf32>
        %add3A_1032 = arith.addf %mul3A_1030, %add3A_1031 : vector<16xf32>
        %mul3A_1033 = arith.mulf %add3A_1032, %get3A_3 : vector<16xf32>
        %add3A_1034 = arith.addf %mul3A_1033, %get3A_19 : vector<16xf32>
        %swap3A_1035 = arith.index_cast %add3A_879 : i32 to index
        %swap3A_1036 = arith.constant 0 : index
        %swap3A_1037 = tpu.vector_load %arg19[%swap3A_1035, %swap3A_1036] {strides = array<i32>} : memref<64x128xf32, #tpu.memory_space<vmem>>, vector<16xf32>,
        tpu.vector_store %arg19[%swap3A_1035, %swap3A_1036], %add3A_1034 {strides = array<i32>} : memref<64x128xf32, #tpu.memory_space<vmem>>, vector<16xf32>,
        %mul3A_1038 = vector.broadcast %mul3A_1025 : f32 to vector<16xf32>
        %mul3A_1039 = arith.mulf %add3A_902, %mul3A_1038 : vector<16xf32>
        %add3A_1040 = vector.broadcast %mul3A_1028 : f32 to vector<16xf32>
        %add3A_1041 = arith.addf %mul3A_1039, %add3A_1040 : vector<16xf32>
        %mul3A_1042 = arith.mulf %add3A_1041, %get3A_5 : vector<16xf32>
        %add3A_1043 = arith.addf %mul3A_1042, %get3A_21 : vector<16xf32>
        %swap3A_1044 = arith.index_cast %add3A_879 : i32 to index
        %swap3A_1045 = arith.constant 16 : index
        %swap3A_1046 = tpu.vector_load %arg19[%swap3A_1044, %swap3A_1045] {strides = array<i32>} : memref<64x128xf32, #tpu.memory_space<vmem>>, vector<16xf32>,
        tpu.vector_store %arg19[%swap3A_1044, %swap3A_1045], %add3A_1043 {strides = array<i32>} : memref<64x128xf32, #tpu.memory_space<vmem>>, vector<16xf32>,
        %mul3A_1047 = vector.broadcast %mul3A_1025 : f32 to vector<16xf32>
        %mul3A_1048 = arith.mulf %add3A_916, %mul3A_1047 : vector<16xf32>
        %add3A_1049 = vector.broadcast %mul3A_1028 : f32 to vector<16xf32>
        %add3A_1050 = arith.addf %mul3A_1048, %add3A_1049 : vector<16xf32>
        %mul3A_1051 = arith.mulf %add3A_1050, %get3A_7 : vector<16xf32>
        %add3A_1052 = arith.addf %mul3A_1051, %get3A_23 : vector<16xf32>
        %swap3A_1053 = arith.index_cast %add3A_879 : i32 to index
        %swap3A_1054 = arith.constant 32 : index
        %swap3A_1055 = tpu.vector_load %arg19[%swap3A_1053, %swap3A_1054] {strides = array<i32>} : memref<64x128xf32, #tpu.memory_space<vmem>>, vector<16xf32>,
        tpu.vector_store %arg19[%swap3A_1053, %swap3A_1054], %add3A_1052 {strides = array<i32>} : memref<64x128xf32, #tpu.memory_space<vmem>>, vector<16xf32>,
        %mul3A_1056 = vector.broadcast %mul3A_1025 : f32 to vector<16xf32>
        %mul3A_1057 = arith.mulf %add3A_930, %mul3A_1056 : vector<16xf32>
        %add3A_1058 = vector.broadcast %mul3A_1028 : f32 to vector<16xf32>
        %add3A_1059 = arith.addf %mul3A_1057, %add3A_1058 : vector<16xf32>
        %mul3A_1060 = arith.mulf %add3A_1059, %get3A_9 : vector<16xf32>
        %add3A_1061 = arith.addf %mul3A_1060, %get3A_25 : vector<16xf32>
        %swap3A_1062 = arith.index_cast %add3A_879 : i32 to index
        %swap3A_1063 = arith.constant 48 : index
        %swap3A_1064 = tpu.vector_load %arg19[%swap3A_1062, %swap3A_1063] {strides = array<i32>} : memref<64x128xf32, #tpu.memory_space<vmem>>, vector<16xf32>,
        tpu.vector_store %arg19[%swap3A_1062, %swap3A_1063], %add3A_1061 {strides = array<i32>} : memref<64x128xf32, #tpu.memory_space<vmem>>, vector<16xf32>,
        %mul3A_1065 = vector.broadcast %mul3A_1025 : f32 to vector<16xf32>
        %mul3A_1066 = arith.mulf %add3A_944, %mul3A_1065 : vector<16xf32>
        %add3A_1067 = vector.broadcast %mul3A_1028 : f32 to vector<16xf32>
        %add3A_1068 = arith.addf %mul3A_1066, %add3A_1067 : vector<16xf32>
        %mul3A_1069 = arith.mulf %add3A_1068, %get3A_11 : vector<16xf32>
        %add3A_1070 = arith.addf %mul3A_1069, %get3A_27 : vector<16xf32>
        %swap3A_1071 = arith.index_cast %add3A_879 : i32 to index
        %swap3A_1072 = arith.constant 64 : index
        %swap3A_1073 = tpu.vector_load %arg19[%swap3A_1071, %swap3A_1072] {strides = array<i32>} : memref<64x128xf32, #tpu.memory_space<vmem>>, vector<16xf32>,
        tpu.vector_store %arg19[%swap3A_1071, %swap3A_1072], %add3A_1070 {strides = array<i32>} : memref<64x128xf32, #tpu.memory_space<vmem>>, vector<16xf32>,
        %mul3A_1074 = vector.broadcast %mul3A_1025 : f32 to vector<16xf32>
        %mul3A_1075 = arith.mulf %add3A_958, %mul3A_1074 : vector<16xf32>
        %add3A_1076 = vector.broadcast %mul3A_1028 : f32 to vector<16xf32>
        %add3A_1077 = arith.addf %mul3A_1075, %add3A_1076 : vector<16xf32>
        %mul3A_1078 = arith.mulf %add3A_1077, %get3A_13 : vector<16xf32>
        %add3A_1079 = arith.addf %mul3A_1078, %get3A_29 : vector<16xf32>
        %swap3A_1080 = arith.index_cast %add3A_879 : i32 to index
        %swap3A_1081 = arith.constant 80 : index
        %swap3A_1082 = tpu.vector_load %arg19[%swap3A_1080, %swap3A_1081] {strides = array<i32>} : memref<64x128xf32, #tpu.memory_space<vmem>>, vector<16xf32>,
        tpu.vector_store %arg19[%swap3A_1080, %swap3A_1081], %add3A_1079 {strides = array<i32>} : memref<64x128xf32, #tpu.memory_space<vmem>>, vector<16xf32>,
        %mul3A_1083 = vector.broadcast %mul3A_1025 : f32 to vector<16xf32>
        %mul3A_1084 = arith.mulf %add3A_972, %mul3A_1083 : vector<16xf32>
        %add3A_1085 = vector.broadcast %mul3A_1028 : f32 to vector<16xf32>
        %add3A_1086 = arith.addf %mul3A_1084, %add3A_1085 : vector<16xf32>
        %mul3A_1087 = arith.mulf %add3A_1086, %get3A_15 : vector<16xf32>
        %add3A_1088 = arith.addf %mul3A_1087, %get3A_31 : vector<16xf32>
        %swap3A_1089 = arith.index_cast %add3A_879 : i32 to index
        %swap3A_1090 = arith.constant 96 : index
        %swap3A_1091 = tpu.vector_load %arg19[%swap3A_1089, %swap3A_1090] {strides = array<i32>} : memref<64x128xf32, #tpu.memory_space<vmem>>, vector<16xf32>,
        tpu.vector_store %arg19[%swap3A_1089, %swap3A_1090], %add3A_1088 {strides = array<i32>} : memref<64x128xf32, #tpu.memory_space<vmem>>, vector<16xf32>,
        %mul3A_1092 = vector.broadcast %mul3A_1025 : f32 to vector<16xf32>
        %mul3A_1093 = arith.mulf %add3A_986, %mul3A_1092 : vector<16xf32>
        %add3A_1094 = vector.broadcast %mul3A_1028 : f32 to vector<16xf32>
        %add3A_1095 = arith.addf %mul3A_1093, %add3A_1094 : vector<16xf32>
        %mul3A_1096 = arith.mulf %add3A_1095, %get3A_17 : vector<16xf32>
        %add3A_1097 = arith.addf %mul3A_1096, %get3A_33 : vector<16xf32>
        %swap3A_1098 = arith.index_cast %add3A_879 : i32 to index
        %swap3A_1099 = arith.constant 112 : index
        %swap3A_1100 = tpu.vector_load %arg19[%swap3A_1098, %swap3A_1099] {strides = array<i32>} : memref<64x128xf32, #tpu.memory_space<vmem>>, vector<16xf32>,
        tpu.vector_store %arg19[%swap3A_1098, %swap3A_1099], %add3A_1097 {strides = array<i32>} : memref<64x128xf32, #tpu.memory_space<vmem>>, vector<16xf32>,
        %slice3A_1101 = vector.extract_strided_slice %get3A_180 {offsets = [4], sizes = [1], strides = [1]} : vector<16xi32> to vector<1xi32>
        %squeeze3A_1102 = vector.extract %slice3A_1101[0] : i32 from vector<1xi32>
        %shift_right_logical3A_1103 = arith.constant 17 : i32
        %shift_right_logical3A_1104 = arith.shrui %squeeze3A_1102, %shift_right_logical3A_1103 : i32
        %and3A_1105 = arith.andi %shift_right_logical3A_1104, %scan3A_63 : i32
        %shift_right_logical3A_1106 = arith.constant 26 : i32
        %shift_right_logical3A_1107 = arith.shrui %squeeze3A_1102, %shift_right_logical3A_1106 : i32
        %mul3A_1108 = arith.constant 8 : i32
        %mul3A_1109 = arith.muli %scan3A_175, %mul3A_1108 : i32
        %add3A_1110 = arith.constant 4 : i32
        %add3A_1111 = arith.addi %mul3A_1109, %add3A_1110 : i32
        %get3A_1112 = arith.index_cast %add3A_1111 : i32 to index
        %get3A_1113 = arith.constant 0 : index
        %get3A_1114 = tpu.vector_load %arg17[%get3A_1112, %get3A_1113] {strides = array<i32>} : memref<64x128xf32, #tpu.memory_space<vmem>>, vector<16xf32>,
        %get3A_1115 = arith.index_cast %and3A_1105 : i32 to index
        %get3A_1116 = arith.constant 0 : index
        %get3A_1117 = tpu.vector_load %arg9[%get3A_1115, %get3A_1116] {strides = array<i32>} : memref<512x128xf32, #tpu.memory_space<vmem>>, vector<16xf32>,
        %add3A_1118 = arith.addf %get3A_1114, %get3A_1117 : vector<16xf32>
        %get3A_1119 = arith.index_cast %shift_right_logical3A_1107 : i32 to index
        %get3A_1120 = arith.constant 0 : index
        %get3A_1121 = tpu.vector_load %arg10[%get3A_1119, %get3A_1120] {strides = array<i32>} : memref<16x128xf32, #tpu.memory_space<vmem>>, vector<16xf32>,
        %add3A_1122 = arith.addf %add3A_1118, %get3A_1121 : vector<16xf32>
        %mul3A_1123 = arith.mulf %add3A_1122, %add3A_1122 : vector<16xf32>
        %get3A_1124 = arith.index_cast %add3A_1111 : i32 to index
        %get3A_1125 = arith.constant 16 : index
        %get3A_1126 = tpu.vector_load %arg17[%get3A_1124, %get3A_1125] {strides = array<i32>} : memref<64x128xf32, #tpu.memory_space<vmem>>, vector<16xf32>,
        %get3A_1127 = arith.index_cast %and3A_1105 : i32 to index
        %get3A_1128 = arith.constant 16 : index
        %get3A_1129 = tpu.vector_load %arg9[%get3A_1127, %get3A_1128] {strides = array<i32>} : memref<512x128xf32, #tpu.memory_space<vmem>>, vector<16xf32>,
        %add3A_1130 = arith.addf %get3A_1126, %get3A_1129 : vector<16xf32>
        %get3A_1131 = arith.index_cast %shift_right_logical3A_1107 : i32 to index
        %get3A_1132 = arith.constant 16 : index
        %get3A_1133 = tpu.vector_load %arg10[%get3A_1131, %get3A_1132] {strides = array<i32>} : memref<16x128xf32, #tpu.memory_space<vmem>>, vector<16xf32>,
        %add3A_1134 = arith.addf %add3A_1130, %get3A_1133 : vector<16xf32>
        %add3A_1135 = arith.addf %add3A_1122, %add3A_1134 : vector<16xf32>
        %mul3A_1136 = arith.mulf %add3A_1134, %add3A_1134 : vector<16xf32>
        %add3A_1137 = arith.addf %mul3A_1123, %mul3A_1136 : vector<16xf32>
        %get3A_1138 = arith.index_cast %add3A_1111 : i32 to index
        %get3A_1139 = arith.constant 32 : index
        %get3A_1140 = tpu.vector_load %arg17[%get3A_1138, %get3A_1139] {strides = array<i32>} : memref<64x128xf32, #tpu.memory_space<vmem>>, vector<16xf32>,
        %get3A_1141 = arith.index_cast %and3A_1105 : i32 to index
        %get3A_1142 = arith.constant 32 : index
        %get3A_1143 = tpu.vector_load %arg9[%get3A_1141, %get3A_1142] {strides = array<i32>} : memref<512x128xf32, #tpu.memory_space<vmem>>, vector<16xf32>,
        %add3A_1144 = arith.addf %get3A_1140, %get3A_1143 : vector<16xf32>
        %get3A_1145 = arith.index_cast %shift_right_logical3A_1107 : i32 to index
        %get3A_1146 = arith.constant 32 : index
        %get3A_1147 = tpu.vector_load %arg10[%get3A_1145, %get3A_1146] {strides = array<i32>} : memref<16x128xf32, #tpu.memory_space<vmem>>, vector<16xf32>,
        %add3A_1148 = arith.addf %add3A_1144, %get3A_1147 : vector<16xf32>
        %add3A_1149 = arith.addf %add3A_1135, %add3A_1148 : vector<16xf32>
        %mul3A_1150 = arith.mulf %add3A_1148, %add3A_1148 : vector<16xf32>
        %add3A_1151 = arith.addf %add3A_1137, %mul3A_1150 : vector<16xf32>
        %get3A_1152 = arith.index_cast %add3A_1111 : i32 to index
        %get3A_1153 = arith.constant 48 : index
        %get3A_1154 = tpu.vector_load %arg17[%get3A_1152, %get3A_1153] {strides = array<i32>} : memref<64x128xf32, #tpu.memory_space<vmem>>, vector<16xf32>,
        %get3A_1155 = arith.index_cast %and3A_1105 : i32 to index
        %get3A_1156 = arith.constant 48 : index
        %get3A_1157 = tpu.vector_load %arg9[%get3A_1155, %get3A_1156] {strides = array<i32>} : memref<512x128xf32, #tpu.memory_space<vmem>>, vector<16xf32>,
        %add3A_1158 = arith.addf %get3A_1154, %get3A_1157 : vector<16xf32>
        %get3A_1159 = arith.index_cast %shift_right_logical3A_1107 : i32 to index
        %get3A_1160 = arith.constant 48 : index
        %get3A_1161 = tpu.vector_load %arg10[%get3A_1159, %get3A_1160] {strides = array<i32>} : memref<16x128xf32, #tpu.memory_space<vmem>>, vector<16xf32>,
        %add3A_1162 = arith.addf %add3A_1158, %get3A_1161 : vector<16xf32>
        %add3A_1163 = arith.addf %add3A_1149, %add3A_1162 : vector<16xf32>
        %mul3A_1164 = arith.mulf %add3A_1162, %add3A_1162 : vector<16xf32>
        %add3A_1165 = arith.addf %add3A_1151, %mul3A_1164 : vector<16xf32>
        %get3A_1166 = arith.index_cast %add3A_1111 : i32 to index
        %get3A_1167 = arith.constant 64 : index
        %get3A_1168 = tpu.vector_load %arg17[%get3A_1166, %get3A_1167] {strides = array<i32>} : memref<64x128xf32, #tpu.memory_space<vmem>>, vector<16xf32>,
        %get3A_1169 = arith.index_cast %and3A_1105 : i32 to index
        %get3A_1170 = arith.constant 64 : index
        %get3A_1171 = tpu.vector_load %arg9[%get3A_1169, %get3A_1170] {strides = array<i32>} : memref<512x128xf32, #tpu.memory_space<vmem>>, vector<16xf32>,
        %add3A_1172 = arith.addf %get3A_1168, %get3A_1171 : vector<16xf32>
        %get3A_1173 = arith.index_cast %shift_right_logical3A_1107 : i32 to index
        %get3A_1174 = arith.constant 64 : index
        %get3A_1175 = tpu.vector_load %arg10[%get3A_1173, %get3A_1174] {strides = array<i32>} : memref<16x128xf32, #tpu.memory_space<vmem>>, vector<16xf32>,
        %add3A_1176 = arith.addf %add3A_1172, %get3A_1175 : vector<16xf32>
        %add3A_1177 = arith.addf %add3A_1163, %add3A_1176 : vector<16xf32>
        %mul3A_1178 = arith.mulf %add3A_1176, %add3A_1176 : vector<16xf32>
        %add3A_1179 = arith.addf %add3A_1165, %mul3A_1178 : vector<16xf32>
        %get3A_1180 = arith.index_cast %add3A_1111 : i32 to index
        %get3A_1181 = arith.constant 80 : index
        %get3A_1182 = tpu.vector_load %arg17[%get3A_1180, %get3A_1181] {strides = array<i32>} : memref<64x128xf32, #tpu.memory_space<vmem>>, vector<16xf32>,
        %get3A_1183 = arith.index_cast %and3A_1105 : i32 to index
        %get3A_1184 = arith.constant 80 : index
        %get3A_1185 = tpu.vector_load %arg9[%get3A_1183, %get3A_1184] {strides = array<i32>} : memref<512x128xf32, #tpu.memory_space<vmem>>, vector<16xf32>,
        %add3A_1186 = arith.addf %get3A_1182, %get3A_1185 : vector<16xf32>
        %get3A_1187 = arith.index_cast %shift_right_logical3A_1107 : i32 to index
        %get3A_1188 = arith.constant 80 : index
        %get3A_1189 = tpu.vector_load %arg10[%get3A_1187, %get3A_1188] {strides = array<i32>} : memref<16x128xf32, #tpu.memory_space<vmem>>, vector<16xf32>,
        %add3A_1190 = arith.addf %add3A_1186, %get3A_1189 : vector<16xf32>
        %add3A_1191 = arith.addf %add3A_1177, %add3A_1190 : vector<16xf32>
        %mul3A_1192 = arith.mulf %add3A_1190, %add3A_1190 : vector<16xf32>
        %add3A_1193 = arith.addf %add3A_1179, %mul3A_1192 : vector<16xf32>
        %get3A_1194 = arith.index_cast %add3A_1111 : i32 to index
        %get3A_1195 = arith.constant 96 : index
        %get3A_1196 = tpu.vector_load %arg17[%get3A_1194, %get3A_1195] {strides = array<i32>} : memref<64x128xf32, #tpu.memory_space<vmem>>, vector<16xf32>,
        %get3A_1197 = arith.index_cast %and3A_1105 : i32 to index
        %get3A_1198 = arith.constant 96 : index
        %get3A_1199 = tpu.vector_load %arg9[%get3A_1197, %get3A_1198] {strides = array<i32>} : memref<512x128xf32, #tpu.memory_space<vmem>>, vector<16xf32>,
        %add3A_1200 = arith.addf %get3A_1196, %get3A_1199 : vector<16xf32>
        %get3A_1201 = arith.index_cast %shift_right_logical3A_1107 : i32 to index
        %get3A_1202 = arith.constant 96 : index
        %get3A_1203 = tpu.vector_load %arg10[%get3A_1201, %get3A_1202] {strides = array<i32>} : memref<16x128xf32, #tpu.memory_space<vmem>>, vector<16xf32>,
        %add3A_1204 = arith.addf %add3A_1200, %get3A_1203 : vector<16xf32>
        %add3A_1205 = arith.addf %add3A_1191, %add3A_1204 : vector<16xf32>
        %mul3A_1206 = arith.mulf %add3A_1204, %add3A_1204 : vector<16xf32>
        %add3A_1207 = arith.addf %add3A_1193, %mul3A_1206 : vector<16xf32>
        %get3A_1208 = arith.index_cast %add3A_1111 : i32 to index
        %get3A_1209 = arith.constant 112 : index
        %get3A_1210 = tpu.vector_load %arg17[%get3A_1208, %get3A_1209] {strides = array<i32>} : memref<64x128xf32, #tpu.memory_space<vmem>>, vector<16xf32>,
        %get3A_1211 = arith.index_cast %and3A_1105 : i32 to index
        %get3A_1212 = arith.constant 112 : index
        %get3A_1213 = tpu.vector_load %arg9[%get3A_1211, %get3A_1212] {strides = array<i32>} : memref<512x128xf32, #tpu.memory_space<vmem>>, vector<16xf32>,
        %add3A_1214 = arith.addf %get3A_1210, %get3A_1213 : vector<16xf32>
        %get3A_1215 = arith.index_cast %shift_right_logical3A_1107 : i32 to index
        %get3A_1216 = arith.constant 112 : index
        %get3A_1217 = tpu.vector_load %arg10[%get3A_1215, %get3A_1216] {strides = array<i32>} : memref<16x128xf32, #tpu.memory_space<vmem>>, vector<16xf32>,
        %add3A_1218 = arith.addf %add3A_1214, %get3A_1217 : vector<16xf32>
        %add3A_1219 = arith.addf %add3A_1205, %add3A_1218 : vector<16xf32>
        %mul3A_1220 = arith.mulf %add3A_1218, %add3A_1218 : vector<16xf32>
        %add3A_1221 = arith.addf %add3A_1207, %mul3A_1220 : vector<16xf32>
        %reduce_sum3A_1222 = arith.constant true
        %reduce_sum3A_1223 = vector.broadcast %reduce_sum3A_1222 : i1 to vector<16xi1>
        %reduce_sum3A_1224 = tpu.scan <sum>, %add3A_1219 masked %reduce_sum3A_1223 : vector<16xf32>, vector<16xi1> -> vector<16xf32>
        %reduce_sum3A_1225 = vector.extract %reduce_sum3A_1224[15] : f32 from vector<16xf32>
        %reduce_sum3A_1226 = arith.constant true
        %reduce_sum3A_1227 = vector.broadcast %reduce_sum3A_1226 : i1 to vector<16xi1>
        %reduce_sum3A_1228 = tpu.scan <sum>, %add3A_1221 masked %reduce_sum3A_1227 : vector<16xf32>, vector<16xi1> -> vector<16xf32>
        %reduce_sum3A_1229 = vector.extract %reduce_sum3A_1228[15] : f32 from vector<16xf32>
        %mul3A_1230 = arith.mulf %reduce_sum3A_1225, %scan3A_64 : f32
        %mul3A_1231 = arith.mulf %reduce_sum3A_1229, %scan3A_64 : f32
        %mul3A_1232 = arith.mulf %mul3A_1230, %mul3A_1230 : f32
        %sub3A_1233 = arith.subf %mul3A_1231, %mul3A_1232 : f32
        %add3A_1234 = arith.addf %sub3A_1233, %scan3A_65 : f32
        %bitcast_convert_type3A_1235 = arith.bitcast %add3A_1234 : f32 to i32
        %shift_right_arithmetic3A_1236 = arith.constant 1 : i32
        %shift_right_arithmetic3A_1237 = arith.shrsi %bitcast_convert_type3A_1235, %shift_right_arithmetic3A_1236 : i32
        %sub3A_1238 = arith.constant 1597463007 : i32
        %sub3A_1239 = arith.subi %sub3A_1238, %shift_right_arithmetic3A_1237 : i32
        %bitcast_convert_type3A_1240 = arith.bitcast %sub3A_1239 : i32 to f32
        %mul3A_1241 = arith.constant 5.000000e-01 : f32
        %mul3A_1242 = arith.mulf %mul3A_1241, %add3A_1234 : f32
        %mul3A_1243 = arith.mulf %mul3A_1242, %bitcast_convert_type3A_1240 : f32
        %mul3A_1244 = arith.mulf %mul3A_1243, %bitcast_convert_type3A_1240 : f32
        %sub3A_1245 = arith.constant 1.500000e+00 : f32
        %sub3A_1246 = arith.subf %sub3A_1245, %mul3A_1244 : f32
        %mul3A_1247 = arith.mulf %bitcast_convert_type3A_1240, %sub3A_1246 : f32
        %mul3A_1248 = arith.mulf %mul3A_1242, %mul3A_1247 : f32
        %mul3A_1249 = arith.mulf %mul3A_1248, %mul3A_1247 : f32
        %sub3A_1250 = arith.constant 1.500000e+00 : f32
        %sub3A_1251 = arith.subf %sub3A_1250, %mul3A_1249 : f32
        %mul3A_1252 = arith.mulf %mul3A_1247, %sub3A_1251 : f32
        %mul3A_1253 = arith.mulf %mul3A_1242, %mul3A_1252 : f32
        %mul3A_1254 = arith.mulf %mul3A_1253, %mul3A_1252 : f32
        %sub3A_1255 = arith.constant 1.500000e+00 : f32
        %sub3A_1256 = arith.subf %sub3A_1255, %mul3A_1254 : f32
        %mul3A_1257 = arith.mulf %mul3A_1252, %sub3A_1256 : f32
        %neg3A_1258 = arith.constant 0.000000e+00 : f32
        %neg3A_1259 = arith.subf %neg3A_1258, %mul3A_1230 : f32
        %mul3A_1260 = arith.mulf %neg3A_1259, %mul3A_1257 : f32
        %mul3A_1261 = vector.broadcast %mul3A_1257 : f32 to vector<16xf32>
        %mul3A_1262 = arith.mulf %add3A_1122, %mul3A_1261 : vector<16xf32>
        %add3A_1263 = vector.broadcast %mul3A_1260 : f32 to vector<16xf32>
        %add3A_1264 = arith.addf %mul3A_1262, %add3A_1263 : vector<16xf32>
        %mul3A_1265 = arith.mulf %add3A_1264, %get3A_3 : vector<16xf32>
        %add3A_1266 = arith.addf %mul3A_1265, %get3A_19 : vector<16xf32>
        %swap3A_1267 = arith.index_cast %add3A_1111 : i32 to index
        %swap3A_1268 = arith.constant 0 : index
        %swap3A_1269 = tpu.vector_load %arg19[%swap3A_1267, %swap3A_1268] {strides = array<i32>} : memref<64x128xf32, #tpu.memory_space<vmem>>, vector<16xf32>,
        tpu.vector_store %arg19[%swap3A_1267, %swap3A_1268], %add3A_1266 {strides = array<i32>} : memref<64x128xf32, #tpu.memory_space<vmem>>, vector<16xf32>,
        %mul3A_1270 = vector.broadcast %mul3A_1257 : f32 to vector<16xf32>
        %mul3A_1271 = arith.mulf %add3A_1134, %mul3A_1270 : vector<16xf32>
        %add3A_1272 = vector.broadcast %mul3A_1260 : f32 to vector<16xf32>
        %add3A_1273 = arith.addf %mul3A_1271, %add3A_1272 : vector<16xf32>
        %mul3A_1274 = arith.mulf %add3A_1273, %get3A_5 : vector<16xf32>
        %add3A_1275 = arith.addf %mul3A_1274, %get3A_21 : vector<16xf32>
        %swap3A_1276 = arith.index_cast %add3A_1111 : i32 to index
        %swap3A_1277 = arith.constant 16 : index
        %swap3A_1278 = tpu.vector_load %arg19[%swap3A_1276, %swap3A_1277] {strides = array<i32>} : memref<64x128xf32, #tpu.memory_space<vmem>>, vector<16xf32>,
        tpu.vector_store %arg19[%swap3A_1276, %swap3A_1277], %add3A_1275 {strides = array<i32>} : memref<64x128xf32, #tpu.memory_space<vmem>>, vector<16xf32>,
        %mul3A_1279 = vector.broadcast %mul3A_1257 : f32 to vector<16xf32>
        %mul3A_1280 = arith.mulf %add3A_1148, %mul3A_1279 : vector<16xf32>
        %add3A_1281 = vector.broadcast %mul3A_1260 : f32 to vector<16xf32>
        %add3A_1282 = arith.addf %mul3A_1280, %add3A_1281 : vector<16xf32>
        %mul3A_1283 = arith.mulf %add3A_1282, %get3A_7 : vector<16xf32>
        %add3A_1284 = arith.addf %mul3A_1283, %get3A_23 : vector<16xf32>
        %swap3A_1285 = arith.index_cast %add3A_1111 : i32 to index
        %swap3A_1286 = arith.constant 32 : index
        %swap3A_1287 = tpu.vector_load %arg19[%swap3A_1285, %swap3A_1286] {strides = array<i32>} : memref<64x128xf32, #tpu.memory_space<vmem>>, vector<16xf32>,
        tpu.vector_store %arg19[%swap3A_1285, %swap3A_1286], %add3A_1284 {strides = array<i32>} : memref<64x128xf32, #tpu.memory_space<vmem>>, vector<16xf32>,
        %mul3A_1288 = vector.broadcast %mul3A_1257 : f32 to vector<16xf32>
        %mul3A_1289 = arith.mulf %add3A_1162, %mul3A_1288 : vector<16xf32>
        %add3A_1290 = vector.broadcast %mul3A_1260 : f32 to vector<16xf32>
        %add3A_1291 = arith.addf %mul3A_1289, %add3A_1290 : vector<16xf32>
        %mul3A_1292 = arith.mulf %add3A_1291, %get3A_9 : vector<16xf32>
        %add3A_1293 = arith.addf %mul3A_1292, %get3A_25 : vector<16xf32>
        %swap3A_1294 = arith.index_cast %add3A_1111 : i32 to index
        %swap3A_1295 = arith.constant 48 : index
        %swap3A_1296 = tpu.vector_load %arg19[%swap3A_1294, %swap3A_1295] {strides = array<i32>} : memref<64x128xf32, #tpu.memory_space<vmem>>, vector<16xf32>,
        tpu.vector_store %arg19[%swap3A_1294, %swap3A_1295], %add3A_1293 {strides = array<i32>} : memref<64x128xf32, #tpu.memory_space<vmem>>, vector<16xf32>,
        %mul3A_1297 = vector.broadcast %mul3A_1257 : f32 to vector<16xf32>
        %mul3A_1298 = arith.mulf %add3A_1176, %mul3A_1297 : vector<16xf32>
        %add3A_1299 = vector.broadcast %mul3A_1260 : f32 to vector<16xf32>
        %add3A_1300 = arith.addf %mul3A_1298, %add3A_1299 : vector<16xf32>
        %mul3A_1301 = arith.mulf %add3A_1300, %get3A_11 : vector<16xf32>
        %add3A_1302 = arith.addf %mul3A_1301, %get3A_27 : vector<16xf32>
        %swap3A_1303 = arith.index_cast %add3A_1111 : i32 to index
        %swap3A_1304 = arith.constant 64 : index
        %swap3A_1305 = tpu.vector_load %arg19[%swap3A_1303, %swap3A_1304] {strides = array<i32>} : memref<64x128xf32, #tpu.memory_space<vmem>>, vector<16xf32>,
        tpu.vector_store %arg19[%swap3A_1303, %swap3A_1304], %add3A_1302 {strides = array<i32>} : memref<64x128xf32, #tpu.memory_space<vmem>>, vector<16xf32>,
        %mul3A_1306 = vector.broadcast %mul3A_1257 : f32 to vector<16xf32>
        %mul3A_1307 = arith.mulf %add3A_1190, %mul3A_1306 : vector<16xf32>
        %add3A_1308 = vector.broadcast %mul3A_1260 : f32 to vector<16xf32>
        %add3A_1309 = arith.addf %mul3A_1307, %add3A_1308 : vector<16xf32>
        %mul3A_1310 = arith.mulf %add3A_1309, %get3A_13 : vector<16xf32>
        %add3A_1311 = arith.addf %mul3A_1310, %get3A_29 : vector<16xf32>
        %swap3A_1312 = arith.index_cast %add3A_1111 : i32 to index
        %swap3A_1313 = arith.constant 80 : index
        %swap3A_1314 = tpu.vector_load %arg19[%swap3A_1312, %swap3A_1313] {strides = array<i32>} : memref<64x128xf32, #tpu.memory_space<vmem>>, vector<16xf32>,
        tpu.vector_store %arg19[%swap3A_1312, %swap3A_1313], %add3A_1311 {strides = array<i32>} : memref<64x128xf32, #tpu.memory_space<vmem>>, vector<16xf32>,
        %mul3A_1315 = vector.broadcast %mul3A_1257 : f32 to vector<16xf32>
        %mul3A_1316 = arith.mulf %add3A_1204, %mul3A_1315 : vector<16xf32>
        %add3A_1317 = vector.broadcast %mul3A_1260 : f32 to vector<16xf32>
        %add3A_1318 = arith.addf %mul3A_1316, %add3A_1317 : vector<16xf32>
        %mul3A_1319 = arith.mulf %add3A_1318, %get3A_15 : vector<16xf32>
        %add3A_1320 = arith.addf %mul3A_1319, %get3A_31 : vector<16xf32>
        %swap3A_1321 = arith.index_cast %add3A_1111 : i32 to index
        %swap3A_1322 = arith.constant 96 : index
        %swap3A_1323 = tpu.vector_load %arg19[%swap3A_1321, %swap3A_1322] {strides = array<i32>} : memref<64x128xf32, #tpu.memory_space<vmem>>, vector<16xf32>,
        tpu.vector_store %arg19[%swap3A_1321, %swap3A_1322], %add3A_1320 {strides = array<i32>} : memref<64x128xf32, #tpu.memory_space<vmem>>, vector<16xf32>,
        %mul3A_1324 = vector.broadcast %mul3A_1257 : f32 to vector<16xf32>
        %mul3A_1325 = arith.mulf %add3A_1218, %mul3A_1324 : vector<16xf32>
        %add3A_1326 = vector.broadcast %mul3A_1260 : f32 to vector<16xf32>
        %add3A_1327 = arith.addf %mul3A_1325, %add3A_1326 : vector<16xf32>
        %mul3A_1328 = arith.mulf %add3A_1327, %get3A_17 : vector<16xf32>
        %add3A_1329 = arith.addf %mul3A_1328, %get3A_33 : vector<16xf32>
        %swap3A_1330 = arith.index_cast %add3A_1111 : i32 to index
        %swap3A_1331 = arith.constant 112 : index
        %swap3A_1332 = tpu.vector_load %arg19[%swap3A_1330, %swap3A_1331] {strides = array<i32>} : memref<64x128xf32, #tpu.memory_space<vmem>>, vector<16xf32>,
        tpu.vector_store %arg19[%swap3A_1330, %swap3A_1331], %add3A_1329 {strides = array<i32>} : memref<64x128xf32, #tpu.memory_space<vmem>>, vector<16xf32>,
        %slice3A_1333 = vector.extract_strided_slice %get3A_180 {offsets = [5], sizes = [1], strides = [1]} : vector<16xi32> to vector<1xi32>
        %squeeze3A_1334 = vector.extract %slice3A_1333[0] : i32 from vector<1xi32>
        %shift_right_logical3A_1335 = arith.constant 17 : i32
        %shift_right_logical3A_1336 = arith.shrui %squeeze3A_1334, %shift_right_logical3A_1335 : i32
        %and3A_1337 = arith.andi %shift_right_logical3A_1336, %scan3A_63 : i32
        %shift_right_logical3A_1338 = arith.constant 26 : i32
        %shift_right_logical3A_1339 = arith.shrui %squeeze3A_1334, %shift_right_logical3A_1338 : i32
        %mul3A_1340 = arith.constant 8 : i32
        %mul3A_1341 = arith.muli %scan3A_175, %mul3A_1340 : i32
        %add3A_1342 = arith.constant 5 : i32
        %add3A_1343 = arith.addi %mul3A_1341, %add3A_1342 : i32
        %get3A_1344 = arith.index_cast %add3A_1343 : i32 to index
        %get3A_1345 = arith.constant 0 : index
        %get3A_1346 = tpu.vector_load %arg17[%get3A_1344, %get3A_1345] {strides = array<i32>} : memref<64x128xf32, #tpu.memory_space<vmem>>, vector<16xf32>,
        %get3A_1347 = arith.index_cast %and3A_1337 : i32 to index
        %get3A_1348 = arith.constant 0 : index
        %get3A_1349 = tpu.vector_load %arg9[%get3A_1347, %get3A_1348] {strides = array<i32>} : memref<512x128xf32, #tpu.memory_space<vmem>>, vector<16xf32>,
        %add3A_1350 = arith.addf %get3A_1346, %get3A_1349 : vector<16xf32>
        %get3A_1351 = arith.index_cast %shift_right_logical3A_1339 : i32 to index
        %get3A_1352 = arith.constant 0 : index
        %get3A_1353 = tpu.vector_load %arg10[%get3A_1351, %get3A_1352] {strides = array<i32>} : memref<16x128xf32, #tpu.memory_space<vmem>>, vector<16xf32>,
        %add3A_1354 = arith.addf %add3A_1350, %get3A_1353 : vector<16xf32>
        %mul3A_1355 = arith.mulf %add3A_1354, %add3A_1354 : vector<16xf32>
        %get3A_1356 = arith.index_cast %add3A_1343 : i32 to index
        %get3A_1357 = arith.constant 16 : index
        %get3A_1358 = tpu.vector_load %arg17[%get3A_1356, %get3A_1357] {strides = array<i32>} : memref<64x128xf32, #tpu.memory_space<vmem>>, vector<16xf32>,
        %get3A_1359 = arith.index_cast %and3A_1337 : i32 to index
        %get3A_1360 = arith.constant 16 : index
        %get3A_1361 = tpu.vector_load %arg9[%get3A_1359, %get3A_1360] {strides = array<i32>} : memref<512x128xf32, #tpu.memory_space<vmem>>, vector<16xf32>,
        %add3A_1362 = arith.addf %get3A_1358, %get3A_1361 : vector<16xf32>
        %get3A_1363 = arith.index_cast %shift_right_logical3A_1339 : i32 to index
        %get3A_1364 = arith.constant 16 : index
        %get3A_1365 = tpu.vector_load %arg10[%get3A_1363, %get3A_1364] {strides = array<i32>} : memref<16x128xf32, #tpu.memory_space<vmem>>, vector<16xf32>,
        %add3A_1366 = arith.addf %add3A_1362, %get3A_1365 : vector<16xf32>
        %add3A_1367 = arith.addf %add3A_1354, %add3A_1366 : vector<16xf32>
        %mul3A_1368 = arith.mulf %add3A_1366, %add3A_1366 : vector<16xf32>
        %add3A_1369 = arith.addf %mul3A_1355, %mul3A_1368 : vector<16xf32>
        %get3A_1370 = arith.index_cast %add3A_1343 : i32 to index
        %get3A_1371 = arith.constant 32 : index
        %get3A_1372 = tpu.vector_load %arg17[%get3A_1370, %get3A_1371] {strides = array<i32>} : memref<64x128xf32, #tpu.memory_space<vmem>>, vector<16xf32>,
        %get3A_1373 = arith.index_cast %and3A_1337 : i32 to index
        %get3A_1374 = arith.constant 32 : index
        %get3A_1375 = tpu.vector_load %arg9[%get3A_1373, %get3A_1374] {strides = array<i32>} : memref<512x128xf32, #tpu.memory_space<vmem>>, vector<16xf32>,
        %add3A_1376 = arith.addf %get3A_1372, %get3A_1375 : vector<16xf32>
        %get3A_1377 = arith.index_cast %shift_right_logical3A_1339 : i32 to index
        %get3A_1378 = arith.constant 32 : index
        %get3A_1379 = tpu.vector_load %arg10[%get3A_1377, %get3A_1378] {strides = array<i32>} : memref<16x128xf32, #tpu.memory_space<vmem>>, vector<16xf32>,
        %add3A_1380 = arith.addf %add3A_1376, %get3A_1379 : vector<16xf32>
        %add3A_1381 = arith.addf %add3A_1367, %add3A_1380 : vector<16xf32>
        %mul3A_1382 = arith.mulf %add3A_1380, %add3A_1380 : vector<16xf32>
        %add3A_1383 = arith.addf %add3A_1369, %mul3A_1382 : vector<16xf32>
        %get3A_1384 = arith.index_cast %add3A_1343 : i32 to index
        %get3A_1385 = arith.constant 48 : index
        %get3A_1386 = tpu.vector_load %arg17[%get3A_1384, %get3A_1385] {strides = array<i32>} : memref<64x128xf32, #tpu.memory_space<vmem>>, vector<16xf32>,
        %get3A_1387 = arith.index_cast %and3A_1337 : i32 to index
        %get3A_1388 = arith.constant 48 : index
        %get3A_1389 = tpu.vector_load %arg9[%get3A_1387, %get3A_1388] {strides = array<i32>} : memref<512x128xf32, #tpu.memory_space<vmem>>, vector<16xf32>,
        %add3A_1390 = arith.addf %get3A_1386, %get3A_1389 : vector<16xf32>
        %get3A_1391 = arith.index_cast %shift_right_logical3A_1339 : i32 to index
        %get3A_1392 = arith.constant 48 : index
        %get3A_1393 = tpu.vector_load %arg10[%get3A_1391, %get3A_1392] {strides = array<i32>} : memref<16x128xf32, #tpu.memory_space<vmem>>, vector<16xf32>,
        %add3A_1394 = arith.addf %add3A_1390, %get3A_1393 : vector<16xf32>
        %add3A_1395 = arith.addf %add3A_1381, %add3A_1394 : vector<16xf32>
        %mul3A_1396 = arith.mulf %add3A_1394, %add3A_1394 : vector<16xf32>
        %add3A_1397 = arith.addf %add3A_1383, %mul3A_1396 : vector<16xf32>
        %get3A_1398 = arith.index_cast %add3A_1343 : i32 to index
        %get3A_1399 = arith.constant 64 : index
        %get3A_1400 = tpu.vector_load %arg17[%get3A_1398, %get3A_1399] {strides = array<i32>} : memref<64x128xf32, #tpu.memory_space<vmem>>, vector<16xf32>,
        %get3A_1401 = arith.index_cast %and3A_1337 : i32 to index
        %get3A_1402 = arith.constant 64 : index
        %get3A_1403 = tpu.vector_load %arg9[%get3A_1401, %get3A_1402] {strides = array<i32>} : memref<512x128xf32, #tpu.memory_space<vmem>>, vector<16xf32>,
        %add3A_1404 = arith.addf %get3A_1400, %get3A_1403 : vector<16xf32>
        %get3A_1405 = arith.index_cast %shift_right_logical3A_1339 : i32 to index
        %get3A_1406 = arith.constant 64 : index
        %get3A_1407 = tpu.vector_load %arg10[%get3A_1405, %get3A_1406] {strides = array<i32>} : memref<16x128xf32, #tpu.memory_space<vmem>>, vector<16xf32>,
        %add3A_1408 = arith.addf %add3A_1404, %get3A_1407 : vector<16xf32>
        %add3A_1409 = arith.addf %add3A_1395, %add3A_1408 : vector<16xf32>
        %mul3A_1410 = arith.mulf %add3A_1408, %add3A_1408 : vector<16xf32>
        %add3A_1411 = arith.addf %add3A_1397, %mul3A_1410 : vector<16xf32>
        %get3A_1412 = arith.index_cast %add3A_1343 : i32 to index
        %get3A_1413 = arith.constant 80 : index
        %get3A_1414 = tpu.vector_load %arg17[%get3A_1412, %get3A_1413] {strides = array<i32>} : memref<64x128xf32, #tpu.memory_space<vmem>>, vector<16xf32>,
        %get3A_1415 = arith.index_cast %and3A_1337 : i32 to index
        %get3A_1416 = arith.constant 80 : index
        %get3A_1417 = tpu.vector_load %arg9[%get3A_1415, %get3A_1416] {strides = array<i32>} : memref<512x128xf32, #tpu.memory_space<vmem>>, vector<16xf32>,
        %add3A_1418 = arith.addf %get3A_1414, %get3A_1417 : vector<16xf32>
        %get3A_1419 = arith.index_cast %shift_right_logical3A_1339 : i32 to index
        %get3A_1420 = arith.constant 80 : index
        %get3A_1421 = tpu.vector_load %arg10[%get3A_1419, %get3A_1420] {strides = array<i32>} : memref<16x128xf32, #tpu.memory_space<vmem>>, vector<16xf32>,
        %add3A_1422 = arith.addf %add3A_1418, %get3A_1421 : vector<16xf32>
        %add3A_1423 = arith.addf %add3A_1409, %add3A_1422 : vector<16xf32>
        %mul3A_1424 = arith.mulf %add3A_1422, %add3A_1422 : vector<16xf32>
        %add3A_1425 = arith.addf %add3A_1411, %mul3A_1424 : vector<16xf32>
        %get3A_1426 = arith.index_cast %add3A_1343 : i32 to index
        %get3A_1427 = arith.constant 96 : index
        %get3A_1428 = tpu.vector_load %arg17[%get3A_1426, %get3A_1427] {strides = array<i32>} : memref<64x128xf32, #tpu.memory_space<vmem>>, vector<16xf32>,
        %get3A_1429 = arith.index_cast %and3A_1337 : i32 to index
        %get3A_1430 = arith.constant 96 : index
        %get3A_1431 = tpu.vector_load %arg9[%get3A_1429, %get3A_1430] {strides = array<i32>} : memref<512x128xf32, #tpu.memory_space<vmem>>, vector<16xf32>,
        %add3A_1432 = arith.addf %get3A_1428, %get3A_1431 : vector<16xf32>
        %get3A_1433 = arith.index_cast %shift_right_logical3A_1339 : i32 to index
        %get3A_1434 = arith.constant 96 : index
        %get3A_1435 = tpu.vector_load %arg10[%get3A_1433, %get3A_1434] {strides = array<i32>} : memref<16x128xf32, #tpu.memory_space<vmem>>, vector<16xf32>,
        %add3A_1436 = arith.addf %add3A_1432, %get3A_1435 : vector<16xf32>
        %add3A_1437 = arith.addf %add3A_1423, %add3A_1436 : vector<16xf32>
        %mul3A_1438 = arith.mulf %add3A_1436, %add3A_1436 : vector<16xf32>
        %add3A_1439 = arith.addf %add3A_1425, %mul3A_1438 : vector<16xf32>
        %get3A_1440 = arith.index_cast %add3A_1343 : i32 to index
        %get3A_1441 = arith.constant 112 : index
        %get3A_1442 = tpu.vector_load %arg17[%get3A_1440, %get3A_1441] {strides = array<i32>} : memref<64x128xf32, #tpu.memory_space<vmem>>, vector<16xf32>,
        %get3A_1443 = arith.index_cast %and3A_1337 : i32 to index
        %get3A_1444 = arith.constant 112 : index
        %get3A_1445 = tpu.vector_load %arg9[%get3A_1443, %get3A_1444] {strides = array<i32>} : memref<512x128xf32, #tpu.memory_space<vmem>>, vector<16xf32>,
        %add3A_1446 = arith.addf %get3A_1442, %get3A_1445 : vector<16xf32>
        %get3A_1447 = arith.index_cast %shift_right_logical3A_1339 : i32 to index
        %get3A_1448 = arith.constant 112 : index
        %get3A_1449 = tpu.vector_load %arg10[%get3A_1447, %get3A_1448] {strides = array<i32>} : memref<16x128xf32, #tpu.memory_space<vmem>>, vector<16xf32>,
        %add3A_1450 = arith.addf %add3A_1446, %get3A_1449 : vector<16xf32>
        %add3A_1451 = arith.addf %add3A_1437, %add3A_1450 : vector<16xf32>
        %mul3A_1452 = arith.mulf %add3A_1450, %add3A_1450 : vector<16xf32>
        %add3A_1453 = arith.addf %add3A_1439, %mul3A_1452 : vector<16xf32>
        %reduce_sum3A_1454 = arith.constant true
        %reduce_sum3A_1455 = vector.broadcast %reduce_sum3A_1454 : i1 to vector<16xi1>
        %reduce_sum3A_1456 = tpu.scan <sum>, %add3A_1451 masked %reduce_sum3A_1455 : vector<16xf32>, vector<16xi1> -> vector<16xf32>
        %reduce_sum3A_1457 = vector.extract %reduce_sum3A_1456[15] : f32 from vector<16xf32>
        %reduce_sum3A_1458 = arith.constant true
        %reduce_sum3A_1459 = vector.broadcast %reduce_sum3A_1458 : i1 to vector<16xi1>
        %reduce_sum3A_1460 = tpu.scan <sum>, %add3A_1453 masked %reduce_sum3A_1459 : vector<16xf32>, vector<16xi1> -> vector<16xf32>
        %reduce_sum3A_1461 = vector.extract %reduce_sum3A_1460[15] : f32 from vector<16xf32>
        %mul3A_1462 = arith.mulf %reduce_sum3A_1457, %scan3A_64 : f32
        %mul3A_1463 = arith.mulf %reduce_sum3A_1461, %scan3A_64 : f32
        %mul3A_1464 = arith.mulf %mul3A_1462, %mul3A_1462 : f32
        %sub3A_1465 = arith.subf %mul3A_1463, %mul3A_1464 : f32
        %add3A_1466 = arith.addf %sub3A_1465, %scan3A_65 : f32
        %bitcast_convert_type3A_1467 = arith.bitcast %add3A_1466 : f32 to i32
        %shift_right_arithmetic3A_1468 = arith.constant 1 : i32
        %shift_right_arithmetic3A_1469 = arith.shrsi %bitcast_convert_type3A_1467, %shift_right_arithmetic3A_1468 : i32
        %sub3A_1470 = arith.constant 1597463007 : i32
        %sub3A_1471 = arith.subi %sub3A_1470, %shift_right_arithmetic3A_1469 : i32
        %bitcast_convert_type3A_1472 = arith.bitcast %sub3A_1471 : i32 to f32
        %mul3A_1473 = arith.constant 5.000000e-01 : f32
        %mul3A_1474 = arith.mulf %mul3A_1473, %add3A_1466 : f32
        %mul3A_1475 = arith.mulf %mul3A_1474, %bitcast_convert_type3A_1472 : f32
        %mul3A_1476 = arith.mulf %mul3A_1475, %bitcast_convert_type3A_1472 : f32
        %sub3A_1477 = arith.constant 1.500000e+00 : f32
        %sub3A_1478 = arith.subf %sub3A_1477, %mul3A_1476 : f32
        %mul3A_1479 = arith.mulf %bitcast_convert_type3A_1472, %sub3A_1478 : f32
        %mul3A_1480 = arith.mulf %mul3A_1474, %mul3A_1479 : f32
        %mul3A_1481 = arith.mulf %mul3A_1480, %mul3A_1479 : f32
        %sub3A_1482 = arith.constant 1.500000e+00 : f32
        %sub3A_1483 = arith.subf %sub3A_1482, %mul3A_1481 : f32
        %mul3A_1484 = arith.mulf %mul3A_1479, %sub3A_1483 : f32
        %mul3A_1485 = arith.mulf %mul3A_1474, %mul3A_1484 : f32
        %mul3A_1486 = arith.mulf %mul3A_1485, %mul3A_1484 : f32
        %sub3A_1487 = arith.constant 1.500000e+00 : f32
        %sub3A_1488 = arith.subf %sub3A_1487, %mul3A_1486 : f32
        %mul3A_1489 = arith.mulf %mul3A_1484, %sub3A_1488 : f32
        %neg3A_1490 = arith.constant 0.000000e+00 : f32
        %neg3A_1491 = arith.subf %neg3A_1490, %mul3A_1462 : f32
        %mul3A_1492 = arith.mulf %neg3A_1491, %mul3A_1489 : f32
        %mul3A_1493 = vector.broadcast %mul3A_1489 : f32 to vector<16xf32>
        %mul3A_1494 = arith.mulf %add3A_1354, %mul3A_1493 : vector<16xf32>
        %add3A_1495 = vector.broadcast %mul3A_1492 : f32 to vector<16xf32>
        %add3A_1496 = arith.addf %mul3A_1494, %add3A_1495 : vector<16xf32>
        %mul3A_1497 = arith.mulf %add3A_1496, %get3A_3 : vector<16xf32>
        %add3A_1498 = arith.addf %mul3A_1497, %get3A_19 : vector<16xf32>
        %swap3A_1499 = arith.index_cast %add3A_1343 : i32 to index
        %swap3A_1500 = arith.constant 0 : index
        %swap3A_1501 = tpu.vector_load %arg19[%swap3A_1499, %swap3A_1500] {strides = array<i32>} : memref<64x128xf32, #tpu.memory_space<vmem>>, vector<16xf32>,
        tpu.vector_store %arg19[%swap3A_1499, %swap3A_1500], %add3A_1498 {strides = array<i32>} : memref<64x128xf32, #tpu.memory_space<vmem>>, vector<16xf32>,
        %mul3A_1502 = vector.broadcast %mul3A_1489 : f32 to vector<16xf32>
        %mul3A_1503 = arith.mulf %add3A_1366, %mul3A_1502 : vector<16xf32>
        %add3A_1504 = vector.broadcast %mul3A_1492 : f32 to vector<16xf32>
        %add3A_1505 = arith.addf %mul3A_1503, %add3A_1504 : vector<16xf32>
        %mul3A_1506 = arith.mulf %add3A_1505, %get3A_5 : vector<16xf32>
        %add3A_1507 = arith.addf %mul3A_1506, %get3A_21 : vector<16xf32>
        %swap3A_1508 = arith.index_cast %add3A_1343 : i32 to index
        %swap3A_1509 = arith.constant 16 : index
        %swap3A_1510 = tpu.vector_load %arg19[%swap3A_1508, %swap3A_1509] {strides = array<i32>} : memref<64x128xf32, #tpu.memory_space<vmem>>, vector<16xf32>,
        tpu.vector_store %arg19[%swap3A_1508, %swap3A_1509], %add3A_1507 {strides = array<i32>} : memref<64x128xf32, #tpu.memory_space<vmem>>, vector<16xf32>,
        %mul3A_1511 = vector.broadcast %mul3A_1489 : f32 to vector<16xf32>
        %mul3A_1512 = arith.mulf %add3A_1380, %mul3A_1511 : vector<16xf32>
        %add3A_1513 = vector.broadcast %mul3A_1492 : f32 to vector<16xf32>
        %add3A_1514 = arith.addf %mul3A_1512, %add3A_1513 : vector<16xf32>
        %mul3A_1515 = arith.mulf %add3A_1514, %get3A_7 : vector<16xf32>
        %add3A_1516 = arith.addf %mul3A_1515, %get3A_23 : vector<16xf32>
        %swap3A_1517 = arith.index_cast %add3A_1343 : i32 to index
        %swap3A_1518 = arith.constant 32 : index
        %swap3A_1519 = tpu.vector_load %arg19[%swap3A_1517, %swap3A_1518] {strides = array<i32>} : memref<64x128xf32, #tpu.memory_space<vmem>>, vector<16xf32>,
        tpu.vector_store %arg19[%swap3A_1517, %swap3A_1518], %add3A_1516 {strides = array<i32>} : memref<64x128xf32, #tpu.memory_space<vmem>>, vector<16xf32>,
        %mul3A_1520 = vector.broadcast %mul3A_1489 : f32 to vector<16xf32>
        %mul3A_1521 = arith.mulf %add3A_1394, %mul3A_1520 : vector<16xf32>
        %add3A_1522 = vector.broadcast %mul3A_1492 : f32 to vector<16xf32>
        %add3A_1523 = arith.addf %mul3A_1521, %add3A_1522 : vector<16xf32>
        %mul3A_1524 = arith.mulf %add3A_1523, %get3A_9 : vector<16xf32>
        %add3A_1525 = arith.addf %mul3A_1524, %get3A_25 : vector<16xf32>
        %swap3A_1526 = arith.index_cast %add3A_1343 : i32 to index
        %swap3A_1527 = arith.constant 48 : index
        %swap3A_1528 = tpu.vector_load %arg19[%swap3A_1526, %swap3A_1527] {strides = array<i32>} : memref<64x128xf32, #tpu.memory_space<vmem>>, vector<16xf32>,
        tpu.vector_store %arg19[%swap3A_1526, %swap3A_1527], %add3A_1525 {strides = array<i32>} : memref<64x128xf32, #tpu.memory_space<vmem>>, vector<16xf32>,
        %mul3A_1529 = vector.broadcast %mul3A_1489 : f32 to vector<16xf32>
        %mul3A_1530 = arith.mulf %add3A_1408, %mul3A_1529 : vector<16xf32>
        %add3A_1531 = vector.broadcast %mul3A_1492 : f32 to vector<16xf32>
        %add3A_1532 = arith.addf %mul3A_1530, %add3A_1531 : vector<16xf32>
        %mul3A_1533 = arith.mulf %add3A_1532, %get3A_11 : vector<16xf32>
        %add3A_1534 = arith.addf %mul3A_1533, %get3A_27 : vector<16xf32>
        %swap3A_1535 = arith.index_cast %add3A_1343 : i32 to index
        %swap3A_1536 = arith.constant 64 : index
        %swap3A_1537 = tpu.vector_load %arg19[%swap3A_1535, %swap3A_1536] {strides = array<i32>} : memref<64x128xf32, #tpu.memory_space<vmem>>, vector<16xf32>,
        tpu.vector_store %arg19[%swap3A_1535, %swap3A_1536], %add3A_1534 {strides = array<i32>} : memref<64x128xf32, #tpu.memory_space<vmem>>, vector<16xf32>,
        %mul3A_1538 = vector.broadcast %mul3A_1489 : f32 to vector<16xf32>
        %mul3A_1539 = arith.mulf %add3A_1422, %mul3A_1538 : vector<16xf32>
        %add3A_1540 = vector.broadcast %mul3A_1492 : f32 to vector<16xf32>
        %add3A_1541 = arith.addf %mul3A_1539, %add3A_1540 : vector<16xf32>
        %mul3A_1542 = arith.mulf %add3A_1541, %get3A_13 : vector<16xf32>
        %add3A_1543 = arith.addf %mul3A_1542, %get3A_29 : vector<16xf32>
        %swap3A_1544 = arith.index_cast %add3A_1343 : i32 to index
        %swap3A_1545 = arith.constant 80 : index
        %swap3A_1546 = tpu.vector_load %arg19[%swap3A_1544, %swap3A_1545] {strides = array<i32>} : memref<64x128xf32, #tpu.memory_space<vmem>>, vector<16xf32>,
        tpu.vector_store %arg19[%swap3A_1544, %swap3A_1545], %add3A_1543 {strides = array<i32>} : memref<64x128xf32, #tpu.memory_space<vmem>>, vector<16xf32>,
        %mul3A_1547 = vector.broadcast %mul3A_1489 : f32 to vector<16xf32>
        %mul3A_1548 = arith.mulf %add3A_1436, %mul3A_1547 : vector<16xf32>
        %add3A_1549 = vector.broadcast %mul3A_1492 : f32 to vector<16xf32>
        %add3A_1550 = arith.addf %mul3A_1548, %add3A_1549 : vector<16xf32>
        %mul3A_1551 = arith.mulf %add3A_1550, %get3A_15 : vector<16xf32>
        %add3A_1552 = arith.addf %mul3A_1551, %get3A_31 : vector<16xf32>
        %swap3A_1553 = arith.index_cast %add3A_1343 : i32 to index
        %swap3A_1554 = arith.constant 96 : index
        %swap3A_1555 = tpu.vector_load %arg19[%swap3A_1553, %swap3A_1554] {strides = array<i32>} : memref<64x128xf32, #tpu.memory_space<vmem>>, vector<16xf32>,
        tpu.vector_store %arg19[%swap3A_1553, %swap3A_1554], %add3A_1552 {strides = array<i32>} : memref<64x128xf32, #tpu.memory_space<vmem>>, vector<16xf32>,
        %mul3A_1556 = vector.broadcast %mul3A_1489 : f32 to vector<16xf32>
        %mul3A_1557 = arith.mulf %add3A_1450, %mul3A_1556 : vector<16xf32>
        %add3A_1558 = vector.broadcast %mul3A_1492 : f32 to vector<16xf32>
        %add3A_1559 = arith.addf %mul3A_1557, %add3A_1558 : vector<16xf32>
        %mul3A_1560 = arith.mulf %add3A_1559, %get3A_17 : vector<16xf32>
        %add3A_1561 = arith.addf %mul3A_1560, %get3A_33 : vector<16xf32>
        %swap3A_1562 = arith.index_cast %add3A_1343 : i32 to index
        %swap3A_1563 = arith.constant 112 : index
        %swap3A_1564 = tpu.vector_load %arg19[%swap3A_1562, %swap3A_1563] {strides = array<i32>} : memref<64x128xf32, #tpu.memory_space<vmem>>, vector<16xf32>,
        tpu.vector_store %arg19[%swap3A_1562, %swap3A_1563], %add3A_1561 {strides = array<i32>} : memref<64x128xf32, #tpu.memory_space<vmem>>, vector<16xf32>,
        %slice3A_1565 = vector.extract_strided_slice %get3A_180 {offsets = [6], sizes = [1], strides = [1]} : vector<16xi32> to vector<1xi32>
        %squeeze3A_1566 = vector.extract %slice3A_1565[0] : i32 from vector<1xi32>
        %shift_right_logical3A_1567 = arith.constant 17 : i32
        %shift_right_logical3A_1568 = arith.shrui %squeeze3A_1566, %shift_right_logical3A_1567 : i32
        %and3A_1569 = arith.andi %shift_right_logical3A_1568, %scan3A_63 : i32
        %shift_right_logical3A_1570 = arith.constant 26 : i32
        %shift_right_logical3A_1571 = arith.shrui %squeeze3A_1566, %shift_right_logical3A_1570 : i32
        %mul3A_1572 = arith.constant 8 : i32
        %mul3A_1573 = arith.muli %scan3A_175, %mul3A_1572 : i32
        %add3A_1574 = arith.constant 6 : i32
        %add3A_1575 = arith.addi %mul3A_1573, %add3A_1574 : i32
        %get3A_1576 = arith.index_cast %add3A_1575 : i32 to index
        %get3A_1577 = arith.constant 0 : index
        %get3A_1578 = tpu.vector_load %arg17[%get3A_1576, %get3A_1577] {strides = array<i32>} : memref<64x128xf32, #tpu.memory_space<vmem>>, vector<16xf32>,
        %get3A_1579 = arith.index_cast %and3A_1569 : i32 to index
        %get3A_1580 = arith.constant 0 : index
        %get3A_1581 = tpu.vector_load %arg9[%get3A_1579, %get3A_1580] {strides = array<i32>} : memref<512x128xf32, #tpu.memory_space<vmem>>, vector<16xf32>,
        %add3A_1582 = arith.addf %get3A_1578, %get3A_1581 : vector<16xf32>
        %get3A_1583 = arith.index_cast %shift_right_logical3A_1571 : i32 to index
        %get3A_1584 = arith.constant 0 : index
        %get3A_1585 = tpu.vector_load %arg10[%get3A_1583, %get3A_1584] {strides = array<i32>} : memref<16x128xf32, #tpu.memory_space<vmem>>, vector<16xf32>,
        %add3A_1586 = arith.addf %add3A_1582, %get3A_1585 : vector<16xf32>
        %mul3A_1587 = arith.mulf %add3A_1586, %add3A_1586 : vector<16xf32>
        %get3A_1588 = arith.index_cast %add3A_1575 : i32 to index
        %get3A_1589 = arith.constant 16 : index
        %get3A_1590 = tpu.vector_load %arg17[%get3A_1588, %get3A_1589] {strides = array<i32>} : memref<64x128xf32, #tpu.memory_space<vmem>>, vector<16xf32>,
        %get3A_1591 = arith.index_cast %and3A_1569 : i32 to index
        %get3A_1592 = arith.constant 16 : index
        %get3A_1593 = tpu.vector_load %arg9[%get3A_1591, %get3A_1592] {strides = array<i32>} : memref<512x128xf32, #tpu.memory_space<vmem>>, vector<16xf32>,
        %add3A_1594 = arith.addf %get3A_1590, %get3A_1593 : vector<16xf32>
        %get3A_1595 = arith.index_cast %shift_right_logical3A_1571 : i32 to index
        %get3A_1596 = arith.constant 16 : index
        %get3A_1597 = tpu.vector_load %arg10[%get3A_1595, %get3A_1596] {strides = array<i32>} : memref<16x128xf32, #tpu.memory_space<vmem>>, vector<16xf32>,
        %add3A_1598 = arith.addf %add3A_1594, %get3A_1597 : vector<16xf32>
        %add3A_1599 = arith.addf %add3A_1586, %add3A_1598 : vector<16xf32>
        %mul3A_1600 = arith.mulf %add3A_1598, %add3A_1598 : vector<16xf32>
        %add3A_1601 = arith.addf %mul3A_1587, %mul3A_1600 : vector<16xf32>
        %get3A_1602 = arith.index_cast %add3A_1575 : i32 to index
        %get3A_1603 = arith.constant 32 : index
        %get3A_1604 = tpu.vector_load %arg17[%get3A_1602, %get3A_1603] {strides = array<i32>} : memref<64x128xf32, #tpu.memory_space<vmem>>, vector<16xf32>,
        %get3A_1605 = arith.index_cast %and3A_1569 : i32 to index
        %get3A_1606 = arith.constant 32 : index
        %get3A_1607 = tpu.vector_load %arg9[%get3A_1605, %get3A_1606] {strides = array<i32>} : memref<512x128xf32, #tpu.memory_space<vmem>>, vector<16xf32>,
        %add3A_1608 = arith.addf %get3A_1604, %get3A_1607 : vector<16xf32>
        %get3A_1609 = arith.index_cast %shift_right_logical3A_1571 : i32 to index
        %get3A_1610 = arith.constant 32 : index
        %get3A_1611 = tpu.vector_load %arg10[%get3A_1609, %get3A_1610] {strides = array<i32>} : memref<16x128xf32, #tpu.memory_space<vmem>>, vector<16xf32>,
        %add3A_1612 = arith.addf %add3A_1608, %get3A_1611 : vector<16xf32>
        %add3A_1613 = arith.addf %add3A_1599, %add3A_1612 : vector<16xf32>
        %mul3A_1614 = arith.mulf %add3A_1612, %add3A_1612 : vector<16xf32>
        %add3A_1615 = arith.addf %add3A_1601, %mul3A_1614 : vector<16xf32>
        %get3A_1616 = arith.index_cast %add3A_1575 : i32 to index
        %get3A_1617 = arith.constant 48 : index
        %get3A_1618 = tpu.vector_load %arg17[%get3A_1616, %get3A_1617] {strides = array<i32>} : memref<64x128xf32, #tpu.memory_space<vmem>>, vector<16xf32>,
        %get3A_1619 = arith.index_cast %and3A_1569 : i32 to index
        %get3A_1620 = arith.constant 48 : index
        %get3A_1621 = tpu.vector_load %arg9[%get3A_1619, %get3A_1620] {strides = array<i32>} : memref<512x128xf32, #tpu.memory_space<vmem>>, vector<16xf32>,
        %add3A_1622 = arith.addf %get3A_1618, %get3A_1621 : vector<16xf32>
        %get3A_1623 = arith.index_cast %shift_right_logical3A_1571 : i32 to index
        %get3A_1624 = arith.constant 48 : index
        %get3A_1625 = tpu.vector_load %arg10[%get3A_1623, %get3A_1624] {strides = array<i32>} : memref<16x128xf32, #tpu.memory_space<vmem>>, vector<16xf32>,
        %add3A_1626 = arith.addf %add3A_1622, %get3A_1625 : vector<16xf32>
        %add3A_1627 = arith.addf %add3A_1613, %add3A_1626 : vector<16xf32>
        %mul3A_1628 = arith.mulf %add3A_1626, %add3A_1626 : vector<16xf32>
        %add3A_1629 = arith.addf %add3A_1615, %mul3A_1628 : vector<16xf32>
        %get3A_1630 = arith.index_cast %add3A_1575 : i32 to index
        %get3A_1631 = arith.constant 64 : index
        %get3A_1632 = tpu.vector_load %arg17[%get3A_1630, %get3A_1631] {strides = array<i32>} : memref<64x128xf32, #tpu.memory_space<vmem>>, vector<16xf32>,
        %get3A_1633 = arith.index_cast %and3A_1569 : i32 to index
        %get3A_1634 = arith.constant 64 : index
        %get3A_1635 = tpu.vector_load %arg9[%get3A_1633, %get3A_1634] {strides = array<i32>} : memref<512x128xf32, #tpu.memory_space<vmem>>, vector<16xf32>,
        %add3A_1636 = arith.addf %get3A_1632, %get3A_1635 : vector<16xf32>
        %get3A_1637 = arith.index_cast %shift_right_logical3A_1571 : i32 to index
        %get3A_1638 = arith.constant 64 : index
        %get3A_1639 = tpu.vector_load %arg10[%get3A_1637, %get3A_1638] {strides = array<i32>} : memref<16x128xf32, #tpu.memory_space<vmem>>, vector<16xf32>,
        %add3A_1640 = arith.addf %add3A_1636, %get3A_1639 : vector<16xf32>
        %add3A_1641 = arith.addf %add3A_1627, %add3A_1640 : vector<16xf32>
        %mul3A_1642 = arith.mulf %add3A_1640, %add3A_1640 : vector<16xf32>
        %add3A_1643 = arith.addf %add3A_1629, %mul3A_1642 : vector<16xf32>
        %get3A_1644 = arith.index_cast %add3A_1575 : i32 to index
        %get3A_1645 = arith.constant 80 : index
        %get3A_1646 = tpu.vector_load %arg17[%get3A_1644, %get3A_1645] {strides = array<i32>} : memref<64x128xf32, #tpu.memory_space<vmem>>, vector<16xf32>,
        %get3A_1647 = arith.index_cast %and3A_1569 : i32 to index
        %get3A_1648 = arith.constant 80 : index
        %get3A_1649 = tpu.vector_load %arg9[%get3A_1647, %get3A_1648] {strides = array<i32>} : memref<512x128xf32, #tpu.memory_space<vmem>>, vector<16xf32>,
        %add3A_1650 = arith.addf %get3A_1646, %get3A_1649 : vector<16xf32>
        %get3A_1651 = arith.index_cast %shift_right_logical3A_1571 : i32 to index
        %get3A_1652 = arith.constant 80 : index
        %get3A_1653 = tpu.vector_load %arg10[%get3A_1651, %get3A_1652] {strides = array<i32>} : memref<16x128xf32, #tpu.memory_space<vmem>>, vector<16xf32>,
        %add3A_1654 = arith.addf %add3A_1650, %get3A_1653 : vector<16xf32>
        %add3A_1655 = arith.addf %add3A_1641, %add3A_1654 : vector<16xf32>
        %mul3A_1656 = arith.mulf %add3A_1654, %add3A_1654 : vector<16xf32>
        %add3A_1657 = arith.addf %add3A_1643, %mul3A_1656 : vector<16xf32>
        %get3A_1658 = arith.index_cast %add3A_1575 : i32 to index
        %get3A_1659 = arith.constant 96 : index
        %get3A_1660 = tpu.vector_load %arg17[%get3A_1658, %get3A_1659] {strides = array<i32>} : memref<64x128xf32, #tpu.memory_space<vmem>>, vector<16xf32>,
        %get3A_1661 = arith.index_cast %and3A_1569 : i32 to index
        %get3A_1662 = arith.constant 96 : index
        %get3A_1663 = tpu.vector_load %arg9[%get3A_1661, %get3A_1662] {strides = array<i32>} : memref<512x128xf32, #tpu.memory_space<vmem>>, vector<16xf32>,
        %add3A_1664 = arith.addf %get3A_1660, %get3A_1663 : vector<16xf32>
        %get3A_1665 = arith.index_cast %shift_right_logical3A_1571 : i32 to index
        %get3A_1666 = arith.constant 96 : index
        %get3A_1667 = tpu.vector_load %arg10[%get3A_1665, %get3A_1666] {strides = array<i32>} : memref<16x128xf32, #tpu.memory_space<vmem>>, vector<16xf32>,
        %add3A_1668 = arith.addf %add3A_1664, %get3A_1667 : vector<16xf32>
        %add3A_1669 = arith.addf %add3A_1655, %add3A_1668 : vector<16xf32>
        %mul3A_1670 = arith.mulf %add3A_1668, %add3A_1668 : vector<16xf32>
        %add3A_1671 = arith.addf %add3A_1657, %mul3A_1670 : vector<16xf32>
        %get3A_1672 = arith.index_cast %add3A_1575 : i32 to index
        %get3A_1673 = arith.constant 112 : index
        %get3A_1674 = tpu.vector_load %arg17[%get3A_1672, %get3A_1673] {strides = array<i32>} : memref<64x128xf32, #tpu.memory_space<vmem>>, vector<16xf32>,
        %get3A_1675 = arith.index_cast %and3A_1569 : i32 to index
        %get3A_1676 = arith.constant 112 : index
        %get3A_1677 = tpu.vector_load %arg9[%get3A_1675, %get3A_1676] {strides = array<i32>} : memref<512x128xf32, #tpu.memory_space<vmem>>, vector<16xf32>,
        %add3A_1678 = arith.addf %get3A_1674, %get3A_1677 : vector<16xf32>
        %get3A_1679 = arith.index_cast %shift_right_logical3A_1571 : i32 to index
        %get3A_1680 = arith.constant 112 : index
        %get3A_1681 = tpu.vector_load %arg10[%get3A_1679, %get3A_1680] {strides = array<i32>} : memref<16x128xf32, #tpu.memory_space<vmem>>, vector<16xf32>,
        %add3A_1682 = arith.addf %add3A_1678, %get3A_1681 : vector<16xf32>
        %add3A_1683 = arith.addf %add3A_1669, %add3A_1682 : vector<16xf32>
        %mul3A_1684 = arith.mulf %add3A_1682, %add3A_1682 : vector<16xf32>
        %add3A_1685 = arith.addf %add3A_1671, %mul3A_1684 : vector<16xf32>
        %reduce_sum3A_1686 = arith.constant true
        %reduce_sum3A_1687 = vector.broadcast %reduce_sum3A_1686 : i1 to vector<16xi1>
        %reduce_sum3A_1688 = tpu.scan <sum>, %add3A_1683 masked %reduce_sum3A_1687 : vector<16xf32>, vector<16xi1> -> vector<16xf32>
        %reduce_sum3A_1689 = vector.extract %reduce_sum3A_1688[15] : f32 from vector<16xf32>
        %reduce_sum3A_1690 = arith.constant true
        %reduce_sum3A_1691 = vector.broadcast %reduce_sum3A_1690 : i1 to vector<16xi1>
        %reduce_sum3A_1692 = tpu.scan <sum>, %add3A_1685 masked %reduce_sum3A_1691 : vector<16xf32>, vector<16xi1> -> vector<16xf32>
        %reduce_sum3A_1693 = vector.extract %reduce_sum3A_1692[15] : f32 from vector<16xf32>
        %mul3A_1694 = arith.mulf %reduce_sum3A_1689, %scan3A_64 : f32
        %mul3A_1695 = arith.mulf %reduce_sum3A_1693, %scan3A_64 : f32
        %mul3A_1696 = arith.mulf %mul3A_1694, %mul3A_1694 : f32
        %sub3A_1697 = arith.subf %mul3A_1695, %mul3A_1696 : f32
        %add3A_1698 = arith.addf %sub3A_1697, %scan3A_65 : f32
        %bitcast_convert_type3A_1699 = arith.bitcast %add3A_1698 : f32 to i32
        %shift_right_arithmetic3A_1700 = arith.constant 1 : i32
        %shift_right_arithmetic3A_1701 = arith.shrsi %bitcast_convert_type3A_1699, %shift_right_arithmetic3A_1700 : i32
        %sub3A_1702 = arith.constant 1597463007 : i32
        %sub3A_1703 = arith.subi %sub3A_1702, %shift_right_arithmetic3A_1701 : i32
        %bitcast_convert_type3A_1704 = arith.bitcast %sub3A_1703 : i32 to f32
        %mul3A_1705 = arith.constant 5.000000e-01 : f32
        %mul3A_1706 = arith.mulf %mul3A_1705, %add3A_1698 : f32
        %mul3A_1707 = arith.mulf %mul3A_1706, %bitcast_convert_type3A_1704 : f32
        %mul3A_1708 = arith.mulf %mul3A_1707, %bitcast_convert_type3A_1704 : f32
        %sub3A_1709 = arith.constant 1.500000e+00 : f32
        %sub3A_1710 = arith.subf %sub3A_1709, %mul3A_1708 : f32
        %mul3A_1711 = arith.mulf %bitcast_convert_type3A_1704, %sub3A_1710 : f32
        %mul3A_1712 = arith.mulf %mul3A_1706, %mul3A_1711 : f32
        %mul3A_1713 = arith.mulf %mul3A_1712, %mul3A_1711 : f32
        %sub3A_1714 = arith.constant 1.500000e+00 : f32
        %sub3A_1715 = arith.subf %sub3A_1714, %mul3A_1713 : f32
        %mul3A_1716 = arith.mulf %mul3A_1711, %sub3A_1715 : f32
        %mul3A_1717 = arith.mulf %mul3A_1706, %mul3A_1716 : f32
        %mul3A_1718 = arith.mulf %mul3A_1717, %mul3A_1716 : f32
        %sub3A_1719 = arith.constant 1.500000e+00 : f32
        %sub3A_1720 = arith.subf %sub3A_1719, %mul3A_1718 : f32
        %mul3A_1721 = arith.mulf %mul3A_1716, %sub3A_1720 : f32
        %neg3A_1722 = arith.constant 0.000000e+00 : f32
        %neg3A_1723 = arith.subf %neg3A_1722, %mul3A_1694 : f32
        %mul3A_1724 = arith.mulf %neg3A_1723, %mul3A_1721 : f32
        %mul3A_1725 = vector.broadcast %mul3A_1721 : f32 to vector<16xf32>
        %mul3A_1726 = arith.mulf %add3A_1586, %mul3A_1725 : vector<16xf32>
        %add3A_1727 = vector.broadcast %mul3A_1724 : f32 to vector<16xf32>
        %add3A_1728 = arith.addf %mul3A_1726, %add3A_1727 : vector<16xf32>
        %mul3A_1729 = arith.mulf %add3A_1728, %get3A_3 : vector<16xf32>
        %add3A_1730 = arith.addf %mul3A_1729, %get3A_19 : vector<16xf32>
        %swap3A_1731 = arith.index_cast %add3A_1575 : i32 to index
        %swap3A_1732 = arith.constant 0 : index
        %swap3A_1733 = tpu.vector_load %arg19[%swap3A_1731, %swap3A_1732] {strides = array<i32>} : memref<64x128xf32, #tpu.memory_space<vmem>>, vector<16xf32>,
        tpu.vector_store %arg19[%swap3A_1731, %swap3A_1732], %add3A_1730 {strides = array<i32>} : memref<64x128xf32, #tpu.memory_space<vmem>>, vector<16xf32>,
        %mul3A_1734 = vector.broadcast %mul3A_1721 : f32 to vector<16xf32>
        %mul3A_1735 = arith.mulf %add3A_1598, %mul3A_1734 : vector<16xf32>
        %add3A_1736 = vector.broadcast %mul3A_1724 : f32 to vector<16xf32>
        %add3A_1737 = arith.addf %mul3A_1735, %add3A_1736 : vector<16xf32>
        %mul3A_1738 = arith.mulf %add3A_1737, %get3A_5 : vector<16xf32>
        %add3A_1739 = arith.addf %mul3A_1738, %get3A_21 : vector<16xf32>
        %swap3A_1740 = arith.index_cast %add3A_1575 : i32 to index
        %swap3A_1741 = arith.constant 16 : index
        %swap3A_1742 = tpu.vector_load %arg19[%swap3A_1740, %swap3A_1741] {strides = array<i32>} : memref<64x128xf32, #tpu.memory_space<vmem>>, vector<16xf32>,
        tpu.vector_store %arg19[%swap3A_1740, %swap3A_1741], %add3A_1739 {strides = array<i32>} : memref<64x128xf32, #tpu.memory_space<vmem>>, vector<16xf32>,
        %mul3A_1743 = vector.broadcast %mul3A_1721 : f32 to vector<16xf32>
        %mul3A_1744 = arith.mulf %add3A_1612, %mul3A_1743 : vector<16xf32>
        %add3A_1745 = vector.broadcast %mul3A_1724 : f32 to vector<16xf32>
        %add3A_1746 = arith.addf %mul3A_1744, %add3A_1745 : vector<16xf32>
        %mul3A_1747 = arith.mulf %add3A_1746, %get3A_7 : vector<16xf32>
        %add3A_1748 = arith.addf %mul3A_1747, %get3A_23 : vector<16xf32>
        %swap3A_1749 = arith.index_cast %add3A_1575 : i32 to index
        %swap3A_1750 = arith.constant 32 : index
        %swap3A_1751 = tpu.vector_load %arg19[%swap3A_1749, %swap3A_1750] {strides = array<i32>} : memref<64x128xf32, #tpu.memory_space<vmem>>, vector<16xf32>,
        tpu.vector_store %arg19[%swap3A_1749, %swap3A_1750], %add3A_1748 {strides = array<i32>} : memref<64x128xf32, #tpu.memory_space<vmem>>, vector<16xf32>,
        %mul3A_1752 = vector.broadcast %mul3A_1721 : f32 to vector<16xf32>
        %mul3A_1753 = arith.mulf %add3A_1626, %mul3A_1752 : vector<16xf32>
        %add3A_1754 = vector.broadcast %mul3A_1724 : f32 to vector<16xf32>
        %add3A_1755 = arith.addf %mul3A_1753, %add3A_1754 : vector<16xf32>
        %mul3A_1756 = arith.mulf %add3A_1755, %get3A_9 : vector<16xf32>
        %add3A_1757 = arith.addf %mul3A_1756, %get3A_25 : vector<16xf32>
        %swap3A_1758 = arith.index_cast %add3A_1575 : i32 to index
        %swap3A_1759 = arith.constant 48 : index
        %swap3A_1760 = tpu.vector_load %arg19[%swap3A_1758, %swap3A_1759] {strides = array<i32>} : memref<64x128xf32, #tpu.memory_space<vmem>>, vector<16xf32>,
        tpu.vector_store %arg19[%swap3A_1758, %swap3A_1759], %add3A_1757 {strides = array<i32>} : memref<64x128xf32, #tpu.memory_space<vmem>>, vector<16xf32>,
        %mul3A_1761 = vector.broadcast %mul3A_1721 : f32 to vector<16xf32>
        %mul3A_1762 = arith.mulf %add3A_1640, %mul3A_1761 : vector<16xf32>
        %add3A_1763 = vector.broadcast %mul3A_1724 : f32 to vector<16xf32>
        %add3A_1764 = arith.addf %mul3A_1762, %add3A_1763 : vector<16xf32>
        %mul3A_1765 = arith.mulf %add3A_1764, %get3A_11 : vector<16xf32>
        %add3A_1766 = arith.addf %mul3A_1765, %get3A_27 : vector<16xf32>
        %swap3A_1767 = arith.index_cast %add3A_1575 : i32 to index
        %swap3A_1768 = arith.constant 64 : index
        %swap3A_1769 = tpu.vector_load %arg19[%swap3A_1767, %swap3A_1768] {strides = array<i32>} : memref<64x128xf32, #tpu.memory_space<vmem>>, vector<16xf32>,
        tpu.vector_store %arg19[%swap3A_1767, %swap3A_1768], %add3A_1766 {strides = array<i32>} : memref<64x128xf32, #tpu.memory_space<vmem>>, vector<16xf32>,
        %mul3A_1770 = vector.broadcast %mul3A_1721 : f32 to vector<16xf32>
        %mul3A_1771 = arith.mulf %add3A_1654, %mul3A_1770 : vector<16xf32>
        %add3A_1772 = vector.broadcast %mul3A_1724 : f32 to vector<16xf32>
        %add3A_1773 = arith.addf %mul3A_1771, %add3A_1772 : vector<16xf32>
        %mul3A_1774 = arith.mulf %add3A_1773, %get3A_13 : vector<16xf32>
        %add3A_1775 = arith.addf %mul3A_1774, %get3A_29 : vector<16xf32>
        %swap3A_1776 = arith.index_cast %add3A_1575 : i32 to index
        %swap3A_1777 = arith.constant 80 : index
        %swap3A_1778 = tpu.vector_load %arg19[%swap3A_1776, %swap3A_1777] {strides = array<i32>} : memref<64x128xf32, #tpu.memory_space<vmem>>, vector<16xf32>,
        tpu.vector_store %arg19[%swap3A_1776, %swap3A_1777], %add3A_1775 {strides = array<i32>} : memref<64x128xf32, #tpu.memory_space<vmem>>, vector<16xf32>,
        %mul3A_1779 = vector.broadcast %mul3A_1721 : f32 to vector<16xf32>
        %mul3A_1780 = arith.mulf %add3A_1668, %mul3A_1779 : vector<16xf32>
        %add3A_1781 = vector.broadcast %mul3A_1724 : f32 to vector<16xf32>
        %add3A_1782 = arith.addf %mul3A_1780, %add3A_1781 : vector<16xf32>
        %mul3A_1783 = arith.mulf %add3A_1782, %get3A_15 : vector<16xf32>
        %add3A_1784 = arith.addf %mul3A_1783, %get3A_31 : vector<16xf32>
        %swap3A_1785 = arith.index_cast %add3A_1575 : i32 to index
        %swap3A_1786 = arith.constant 96 : index
        %swap3A_1787 = tpu.vector_load %arg19[%swap3A_1785, %swap3A_1786] {strides = array<i32>} : memref<64x128xf32, #tpu.memory_space<vmem>>, vector<16xf32>,
        tpu.vector_store %arg19[%swap3A_1785, %swap3A_1786], %add3A_1784 {strides = array<i32>} : memref<64x128xf32, #tpu.memory_space<vmem>>, vector<16xf32>,
        %mul3A_1788 = vector.broadcast %mul3A_1721 : f32 to vector<16xf32>
        %mul3A_1789 = arith.mulf %add3A_1682, %mul3A_1788 : vector<16xf32>
        %add3A_1790 = vector.broadcast %mul3A_1724 : f32 to vector<16xf32>
        %add3A_1791 = arith.addf %mul3A_1789, %add3A_1790 : vector<16xf32>
        %mul3A_1792 = arith.mulf %add3A_1791, %get3A_17 : vector<16xf32>
        %add3A_1793 = arith.addf %mul3A_1792, %get3A_33 : vector<16xf32>
        %swap3A_1794 = arith.index_cast %add3A_1575 : i32 to index
        %swap3A_1795 = arith.constant 112 : index
        %swap3A_1796 = tpu.vector_load %arg19[%swap3A_1794, %swap3A_1795] {strides = array<i32>} : memref<64x128xf32, #tpu.memory_space<vmem>>, vector<16xf32>,
        tpu.vector_store %arg19[%swap3A_1794, %swap3A_1795], %add3A_1793 {strides = array<i32>} : memref<64x128xf32, #tpu.memory_space<vmem>>, vector<16xf32>,
        %slice3A_1797 = vector.extract_strided_slice %get3A_180 {offsets = [7], sizes = [1], strides = [1]} : vector<16xi32> to vector<1xi32>
        %squeeze3A_1798 = vector.extract %slice3A_1797[0] : i32 from vector<1xi32>
        %shift_right_logical3A_1799 = arith.constant 17 : i32
        %shift_right_logical3A_1800 = arith.shrui %squeeze3A_1798, %shift_right_logical3A_1799 : i32
        %and3A_1801 = arith.andi %shift_right_logical3A_1800, %scan3A_63 : i32
        %shift_right_logical3A_1802 = arith.constant 26 : i32
        %shift_right_logical3A_1803 = arith.shrui %squeeze3A_1798, %shift_right_logical3A_1802 : i32
        %mul3A_1804 = arith.constant 8 : i32
        %mul3A_1805 = arith.muli %scan3A_175, %mul3A_1804 : i32
        %add3A_1806 = arith.constant 7 : i32
        %add3A_1807 = arith.addi %mul3A_1805, %add3A_1806 : i32
        %get3A_1808 = arith.index_cast %add3A_1807 : i32 to index
        %get3A_1809 = arith.constant 0 : index
        %get3A_1810 = tpu.vector_load %arg17[%get3A_1808, %get3A_1809] {strides = array<i32>} : memref<64x128xf32, #tpu.memory_space<vmem>>, vector<16xf32>,
        %get3A_1811 = arith.index_cast %and3A_1801 : i32 to index
        %get3A_1812 = arith.constant 0 : index
        %get3A_1813 = tpu.vector_load %arg9[%get3A_1811, %get3A_1812] {strides = array<i32>} : memref<512x128xf32, #tpu.memory_space<vmem>>, vector<16xf32>,
        %add3A_1814 = arith.addf %get3A_1810, %get3A_1813 : vector<16xf32>
        %get3A_1815 = arith.index_cast %shift_right_logical3A_1803 : i32 to index
        %get3A_1816 = arith.constant 0 : index
        %get3A_1817 = tpu.vector_load %arg10[%get3A_1815, %get3A_1816] {strides = array<i32>} : memref<16x128xf32, #tpu.memory_space<vmem>>, vector<16xf32>,
        %add3A_1818 = arith.addf %add3A_1814, %get3A_1817 : vector<16xf32>
        %mul3A_1819 = arith.mulf %add3A_1818, %add3A_1818 : vector<16xf32>
        %get3A_1820 = arith.index_cast %add3A_1807 : i32 to index
        %get3A_1821 = arith.constant 16 : index
        %get3A_1822 = tpu.vector_load %arg17[%get3A_1820, %get3A_1821] {strides = array<i32>} : memref<64x128xf32, #tpu.memory_space<vmem>>, vector<16xf32>,
        %get3A_1823 = arith.index_cast %and3A_1801 : i32 to index
        %get3A_1824 = arith.constant 16 : index
        %get3A_1825 = tpu.vector_load %arg9[%get3A_1823, %get3A_1824] {strides = array<i32>} : memref<512x128xf32, #tpu.memory_space<vmem>>, vector<16xf32>,
        %add3A_1826 = arith.addf %get3A_1822, %get3A_1825 : vector<16xf32>
        %get3A_1827 = arith.index_cast %shift_right_logical3A_1803 : i32 to index
        %get3A_1828 = arith.constant 16 : index
        %get3A_1829 = tpu.vector_load %arg10[%get3A_1827, %get3A_1828] {strides = array<i32>} : memref<16x128xf32, #tpu.memory_space<vmem>>, vector<16xf32>,
        %add3A_1830 = arith.addf %add3A_1826, %get3A_1829 : vector<16xf32>
        %add3A_1831 = arith.addf %add3A_1818, %add3A_1830 : vector<16xf32>
        %mul3A_1832 = arith.mulf %add3A_1830, %add3A_1830 : vector<16xf32>
        %add3A_1833 = arith.addf %mul3A_1819, %mul3A_1832 : vector<16xf32>
        %get3A_1834 = arith.index_cast %add3A_1807 : i32 to index
        %get3A_1835 = arith.constant 32 : index
        %get3A_1836 = tpu.vector_load %arg17[%get3A_1834, %get3A_1835] {strides = array<i32>} : memref<64x128xf32, #tpu.memory_space<vmem>>, vector<16xf32>,
        %get3A_1837 = arith.index_cast %and3A_1801 : i32 to index
        %get3A_1838 = arith.constant 32 : index
        %get3A_1839 = tpu.vector_load %arg9[%get3A_1837, %get3A_1838] {strides = array<i32>} : memref<512x128xf32, #tpu.memory_space<vmem>>, vector<16xf32>,
        %add3A_1840 = arith.addf %get3A_1836, %get3A_1839 : vector<16xf32>
        %get3A_1841 = arith.index_cast %shift_right_logical3A_1803 : i32 to index
        %get3A_1842 = arith.constant 32 : index
        %get3A_1843 = tpu.vector_load %arg10[%get3A_1841, %get3A_1842] {strides = array<i32>} : memref<16x128xf32, #tpu.memory_space<vmem>>, vector<16xf32>,
        %add3A_1844 = arith.addf %add3A_1840, %get3A_1843 : vector<16xf32>
        %add3A_1845 = arith.addf %add3A_1831, %add3A_1844 : vector<16xf32>
        %mul3A_1846 = arith.mulf %add3A_1844, %add3A_1844 : vector<16xf32>
        %add3A_1847 = arith.addf %add3A_1833, %mul3A_1846 : vector<16xf32>
        %get3A_1848 = arith.index_cast %add3A_1807 : i32 to index
        %get3A_1849 = arith.constant 48 : index
        %get3A_1850 = tpu.vector_load %arg17[%get3A_1848, %get3A_1849] {strides = array<i32>} : memref<64x128xf32, #tpu.memory_space<vmem>>, vector<16xf32>,
        %get3A_1851 = arith.index_cast %and3A_1801 : i32 to index
        %get3A_1852 = arith.constant 48 : index
        %get3A_1853 = tpu.vector_load %arg9[%get3A_1851, %get3A_1852] {strides = array<i32>} : memref<512x128xf32, #tpu.memory_space<vmem>>, vector<16xf32>,
        %add3A_1854 = arith.addf %get3A_1850, %get3A_1853 : vector<16xf32>
        %get3A_1855 = arith.index_cast %shift_right_logical3A_1803 : i32 to index
        %get3A_1856 = arith.constant 48 : index
        %get3A_1857 = tpu.vector_load %arg10[%get3A_1855, %get3A_1856] {strides = array<i32>} : memref<16x128xf32, #tpu.memory_space<vmem>>, vector<16xf32>,
        %add3A_1858 = arith.addf %add3A_1854, %get3A_1857 : vector<16xf32>
        %add3A_1859 = arith.addf %add3A_1845, %add3A_1858 : vector<16xf32>
        %mul3A_1860 = arith.mulf %add3A_1858, %add3A_1858 : vector<16xf32>
        %add3A_1861 = arith.addf %add3A_1847, %mul3A_1860 : vector<16xf32>
        %get3A_1862 = arith.index_cast %add3A_1807 : i32 to index
        %get3A_1863 = arith.constant 64 : index
        %get3A_1864 = tpu.vector_load %arg17[%get3A_1862, %get3A_1863] {strides = array<i32>} : memref<64x128xf32, #tpu.memory_space<vmem>>, vector<16xf32>,
        %get3A_1865 = arith.index_cast %and3A_1801 : i32 to index
        %get3A_1866 = arith.constant 64 : index
        %get3A_1867 = tpu.vector_load %arg9[%get3A_1865, %get3A_1866] {strides = array<i32>} : memref<512x128xf32, #tpu.memory_space<vmem>>, vector<16xf32>,
        %add3A_1868 = arith.addf %get3A_1864, %get3A_1867 : vector<16xf32>
        %get3A_1869 = arith.index_cast %shift_right_logical3A_1803 : i32 to index
        %get3A_1870 = arith.constant 64 : index
        %get3A_1871 = tpu.vector_load %arg10[%get3A_1869, %get3A_1870] {strides = array<i32>} : memref<16x128xf32, #tpu.memory_space<vmem>>, vector<16xf32>,
        %add3A_1872 = arith.addf %add3A_1868, %get3A_1871 : vector<16xf32>
        %add3A_1873 = arith.addf %add3A_1859, %add3A_1872 : vector<16xf32>
        %mul3A_1874 = arith.mulf %add3A_1872, %add3A_1872 : vector<16xf32>
        %add3A_1875 = arith.addf %add3A_1861, %mul3A_1874 : vector<16xf32>
        %get3A_1876 = arith.index_cast %add3A_1807 : i32 to index
        %get3A_1877 = arith.constant 80 : index
        %get3A_1878 = tpu.vector_load %arg17[%get3A_1876, %get3A_1877] {strides = array<i32>} : memref<64x128xf32, #tpu.memory_space<vmem>>, vector<16xf32>,
        %get3A_1879 = arith.index_cast %and3A_1801 : i32 to index
        %get3A_1880 = arith.constant 80 : index
        %get3A_1881 = tpu.vector_load %arg9[%get3A_1879, %get3A_1880] {strides = array<i32>} : memref<512x128xf32, #tpu.memory_space<vmem>>, vector<16xf32>,
        %add3A_1882 = arith.addf %get3A_1878, %get3A_1881 : vector<16xf32>
        %get3A_1883 = arith.index_cast %shift_right_logical3A_1803 : i32 to index
        %get3A_1884 = arith.constant 80 : index
        %get3A_1885 = tpu.vector_load %arg10[%get3A_1883, %get3A_1884] {strides = array<i32>} : memref<16x128xf32, #tpu.memory_space<vmem>>, vector<16xf32>,
        %add3A_1886 = arith.addf %add3A_1882, %get3A_1885 : vector<16xf32>
        %add3A_1887 = arith.addf %add3A_1873, %add3A_1886 : vector<16xf32>
        %mul3A_1888 = arith.mulf %add3A_1886, %add3A_1886 : vector<16xf32>
        %add3A_1889 = arith.addf %add3A_1875, %mul3A_1888 : vector<16xf32>
        %get3A_1890 = arith.index_cast %add3A_1807 : i32 to index
        %get3A_1891 = arith.constant 96 : index
        %get3A_1892 = tpu.vector_load %arg17[%get3A_1890, %get3A_1891] {strides = array<i32>} : memref<64x128xf32, #tpu.memory_space<vmem>>, vector<16xf32>,
        %get3A_1893 = arith.index_cast %and3A_1801 : i32 to index
        %get3A_1894 = arith.constant 96 : index
        %get3A_1895 = tpu.vector_load %arg9[%get3A_1893, %get3A_1894] {strides = array<i32>} : memref<512x128xf32, #tpu.memory_space<vmem>>, vector<16xf32>,
        %add3A_1896 = arith.addf %get3A_1892, %get3A_1895 : vector<16xf32>
        %get3A_1897 = arith.index_cast %shift_right_logical3A_1803 : i32 to index
        %get3A_1898 = arith.constant 96 : index
        %get3A_1899 = tpu.vector_load %arg10[%get3A_1897, %get3A_1898] {strides = array<i32>} : memref<16x128xf32, #tpu.memory_space<vmem>>, vector<16xf32>,
        %add3A_1900 = arith.addf %add3A_1896, %get3A_1899 : vector<16xf32>
        %add3A_1901 = arith.addf %add3A_1887, %add3A_1900 : vector<16xf32>
        %mul3A_1902 = arith.mulf %add3A_1900, %add3A_1900 : vector<16xf32>
        %add3A_1903 = arith.addf %add3A_1889, %mul3A_1902 : vector<16xf32>
        %get3A_1904 = arith.index_cast %add3A_1807 : i32 to index
        %get3A_1905 = arith.constant 112 : index
        %get3A_1906 = tpu.vector_load %arg17[%get3A_1904, %get3A_1905] {strides = array<i32>} : memref<64x128xf32, #tpu.memory_space<vmem>>, vector<16xf32>,
        %get3A_1907 = arith.index_cast %and3A_1801 : i32 to index
        %get3A_1908 = arith.constant 112 : index
        %get3A_1909 = tpu.vector_load %arg9[%get3A_1907, %get3A_1908] {strides = array<i32>} : memref<512x128xf32, #tpu.memory_space<vmem>>, vector<16xf32>,
        %add3A_1910 = arith.addf %get3A_1906, %get3A_1909 : vector<16xf32>
        %get3A_1911 = arith.index_cast %shift_right_logical3A_1803 : i32 to index
        %get3A_1912 = arith.constant 112 : index
        %get3A_1913 = tpu.vector_load %arg10[%get3A_1911, %get3A_1912] {strides = array<i32>} : memref<16x128xf32, #tpu.memory_space<vmem>>, vector<16xf32>,
        %add3A_1914 = arith.addf %add3A_1910, %get3A_1913 : vector<16xf32>
        %add3A_1915 = arith.addf %add3A_1901, %add3A_1914 : vector<16xf32>
        %mul3A_1916 = arith.mulf %add3A_1914, %add3A_1914 : vector<16xf32>
        %add3A_1917 = arith.addf %add3A_1903, %mul3A_1916 : vector<16xf32>
        %reduce_sum3A_1918 = arith.constant true
        %reduce_sum3A_1919 = vector.broadcast %reduce_sum3A_1918 : i1 to vector<16xi1>
        %reduce_sum3A_1920 = tpu.scan <sum>, %add3A_1915 masked %reduce_sum3A_1919 : vector<16xf32>, vector<16xi1> -> vector<16xf32>
        %reduce_sum3A_1921 = vector.extract %reduce_sum3A_1920[15] : f32 from vector<16xf32>
        %reduce_sum3A_1922 = arith.constant true
        %reduce_sum3A_1923 = vector.broadcast %reduce_sum3A_1922 : i1 to vector<16xi1>
        %reduce_sum3A_1924 = tpu.scan <sum>, %add3A_1917 masked %reduce_sum3A_1923 : vector<16xf32>, vector<16xi1> -> vector<16xf32>
        %reduce_sum3A_1925 = vector.extract %reduce_sum3A_1924[15] : f32 from vector<16xf32>
        %mul3A_1926 = arith.mulf %reduce_sum3A_1921, %scan3A_64 : f32
        %mul3A_1927 = arith.mulf %reduce_sum3A_1925, %scan3A_64 : f32
        %mul3A_1928 = arith.mulf %mul3A_1926, %mul3A_1926 : f32
        %sub3A_1929 = arith.subf %mul3A_1927, %mul3A_1928 : f32
        %add3A_1930 = arith.addf %sub3A_1929, %scan3A_65 : f32
        %bitcast_convert_type3A_1931 = arith.bitcast %add3A_1930 : f32 to i32
        %shift_right_arithmetic3A_1932 = arith.constant 1 : i32
        %shift_right_arithmetic3A_1933 = arith.shrsi %bitcast_convert_type3A_1931, %shift_right_arithmetic3A_1932 : i32
        %sub3A_1934 = arith.constant 1597463007 : i32
        %sub3A_1935 = arith.subi %sub3A_1934, %shift_right_arithmetic3A_1933 : i32
        %bitcast_convert_type3A_1936 = arith.bitcast %sub3A_1935 : i32 to f32
        %mul3A_1937 = arith.constant 5.000000e-01 : f32
        %mul3A_1938 = arith.mulf %mul3A_1937, %add3A_1930 : f32
        %mul3A_1939 = arith.mulf %mul3A_1938, %bitcast_convert_type3A_1936 : f32
        %mul3A_1940 = arith.mulf %mul3A_1939, %bitcast_convert_type3A_1936 : f32
        %sub3A_1941 = arith.constant 1.500000e+00 : f32
        %sub3A_1942 = arith.subf %sub3A_1941, %mul3A_1940 : f32
        %mul3A_1943 = arith.mulf %bitcast_convert_type3A_1936, %sub3A_1942 : f32
        %mul3A_1944 = arith.mulf %mul3A_1938, %mul3A_1943 : f32
        %mul3A_1945 = arith.mulf %mul3A_1944, %mul3A_1943 : f32
        %sub3A_1946 = arith.constant 1.500000e+00 : f32
        %sub3A_1947 = arith.subf %sub3A_1946, %mul3A_1945 : f32
        %mul3A_1948 = arith.mulf %mul3A_1943, %sub3A_1947 : f32
        %mul3A_1949 = arith.mulf %mul3A_1938, %mul3A_1948 : f32
        %mul3A_1950 = arith.mulf %mul3A_1949, %mul3A_1948 : f32
        %sub3A_1951 = arith.constant 1.500000e+00 : f32
        %sub3A_1952 = arith.subf %sub3A_1951, %mul3A_1950 : f32
        %mul3A_1953 = arith.mulf %mul3A_1948, %sub3A_1952 : f32
        %neg3A_1954 = arith.constant 0.000000e+00 : f32
        %neg3A_1955 = arith.subf %neg3A_1954, %mul3A_1926 : f32
        %mul3A_1956 = arith.mulf %neg3A_1955, %mul3A_1953 : f32
        %mul3A_1957 = vector.broadcast %mul3A_1953 : f32 to vector<16xf32>
        %mul3A_1958 = arith.mulf %add3A_1818, %mul3A_1957 : vector<16xf32>
        %add3A_1959 = vector.broadcast %mul3A_1956 : f32 to vector<16xf32>
        %add3A_1960 = arith.addf %mul3A_1958, %add3A_1959 : vector<16xf32>
        %mul3A_1961 = arith.mulf %add3A_1960, %get3A_3 : vector<16xf32>
        %add3A_1962 = arith.addf %mul3A_1961, %get3A_19 : vector<16xf32>
        %swap3A_1963 = arith.index_cast %add3A_1807 : i32 to index
        %swap3A_1964 = arith.constant 0 : index
        %swap3A_1965 = tpu.vector_load %arg19[%swap3A_1963, %swap3A_1964] {strides = array<i32>} : memref<64x128xf32, #tpu.memory_space<vmem>>, vector<16xf32>,
        tpu.vector_store %arg19[%swap3A_1963, %swap3A_1964], %add3A_1962 {strides = array<i32>} : memref<64x128xf32, #tpu.memory_space<vmem>>, vector<16xf32>,
        %mul3A_1966 = vector.broadcast %mul3A_1953 : f32 to vector<16xf32>
        %mul3A_1967 = arith.mulf %add3A_1830, %mul3A_1966 : vector<16xf32>
        %add3A_1968 = vector.broadcast %mul3A_1956 : f32 to vector<16xf32>
        %add3A_1969 = arith.addf %mul3A_1967, %add3A_1968 : vector<16xf32>
        %mul3A_1970 = arith.mulf %add3A_1969, %get3A_5 : vector<16xf32>
        %add3A_1971 = arith.addf %mul3A_1970, %get3A_21 : vector<16xf32>
        %swap3A_1972 = arith.index_cast %add3A_1807 : i32 to index
        %swap3A_1973 = arith.constant 16 : index
        %swap3A_1974 = tpu.vector_load %arg19[%swap3A_1972, %swap3A_1973] {strides = array<i32>} : memref<64x128xf32, #tpu.memory_space<vmem>>, vector<16xf32>,
        tpu.vector_store %arg19[%swap3A_1972, %swap3A_1973], %add3A_1971 {strides = array<i32>} : memref<64x128xf32, #tpu.memory_space<vmem>>, vector<16xf32>,
        %mul3A_1975 = vector.broadcast %mul3A_1953 : f32 to vector<16xf32>
        %mul3A_1976 = arith.mulf %add3A_1844, %mul3A_1975 : vector<16xf32>
        %add3A_1977 = vector.broadcast %mul3A_1956 : f32 to vector<16xf32>
        %add3A_1978 = arith.addf %mul3A_1976, %add3A_1977 : vector<16xf32>
        %mul3A_1979 = arith.mulf %add3A_1978, %get3A_7 : vector<16xf32>
        %add3A_1980 = arith.addf %mul3A_1979, %get3A_23 : vector<16xf32>
        %swap3A_1981 = arith.index_cast %add3A_1807 : i32 to index
        %swap3A_1982 = arith.constant 32 : index
        %swap3A_1983 = tpu.vector_load %arg19[%swap3A_1981, %swap3A_1982] {strides = array<i32>} : memref<64x128xf32, #tpu.memory_space<vmem>>, vector<16xf32>,
        tpu.vector_store %arg19[%swap3A_1981, %swap3A_1982], %add3A_1980 {strides = array<i32>} : memref<64x128xf32, #tpu.memory_space<vmem>>, vector<16xf32>,
        %mul3A_1984 = vector.broadcast %mul3A_1953 : f32 to vector<16xf32>
        %mul3A_1985 = arith.mulf %add3A_1858, %mul3A_1984 : vector<16xf32>
        %add3A_1986 = vector.broadcast %mul3A_1956 : f32 to vector<16xf32>
        %add3A_1987 = arith.addf %mul3A_1985, %add3A_1986 : vector<16xf32>
        %mul3A_1988 = arith.mulf %add3A_1987, %get3A_9 : vector<16xf32>
        %add3A_1989 = arith.addf %mul3A_1988, %get3A_25 : vector<16xf32>
        %swap3A_1990 = arith.index_cast %add3A_1807 : i32 to index
        %swap3A_1991 = arith.constant 48 : index
        %swap3A_1992 = tpu.vector_load %arg19[%swap3A_1990, %swap3A_1991] {strides = array<i32>} : memref<64x128xf32, #tpu.memory_space<vmem>>, vector<16xf32>,
        tpu.vector_store %arg19[%swap3A_1990, %swap3A_1991], %add3A_1989 {strides = array<i32>} : memref<64x128xf32, #tpu.memory_space<vmem>>, vector<16xf32>,
        %mul3A_1993 = vector.broadcast %mul3A_1953 : f32 to vector<16xf32>
        %mul3A_1994 = arith.mulf %add3A_1872, %mul3A_1993 : vector<16xf32>
        %add3A_1995 = vector.broadcast %mul3A_1956 : f32 to vector<16xf32>
        %add3A_1996 = arith.addf %mul3A_1994, %add3A_1995 : vector<16xf32>
        %mul3A_1997 = arith.mulf %add3A_1996, %get3A_11 : vector<16xf32>
        %add3A_1998 = arith.addf %mul3A_1997, %get3A_27 : vector<16xf32>
        %swap3A_1999 = arith.index_cast %add3A_1807 : i32 to index
        %swap3A_2000 = arith.constant 64 : index
        %swap3A_2001 = tpu.vector_load %arg19[%swap3A_1999, %swap3A_2000] {strides = array<i32>} : memref<64x128xf32, #tpu.memory_space<vmem>>, vector<16xf32>,
        tpu.vector_store %arg19[%swap3A_1999, %swap3A_2000], %add3A_1998 {strides = array<i32>} : memref<64x128xf32, #tpu.memory_space<vmem>>, vector<16xf32>,
        %mul3A_2002 = vector.broadcast %mul3A_1953 : f32 to vector<16xf32>
        %mul3A_2003 = arith.mulf %add3A_1886, %mul3A_2002 : vector<16xf32>
        %add3A_2004 = vector.broadcast %mul3A_1956 : f32 to vector<16xf32>
        %add3A_2005 = arith.addf %mul3A_2003, %add3A_2004 : vector<16xf32>
        %mul3A_2006 = arith.mulf %add3A_2005, %get3A_13 : vector<16xf32>
        %add3A_2007 = arith.addf %mul3A_2006, %get3A_29 : vector<16xf32>
        %swap3A_2008 = arith.index_cast %add3A_1807 : i32 to index
        %swap3A_2009 = arith.constant 80 : index
        %swap3A_2010 = tpu.vector_load %arg19[%swap3A_2008, %swap3A_2009] {strides = array<i32>} : memref<64x128xf32, #tpu.memory_space<vmem>>, vector<16xf32>,
        tpu.vector_store %arg19[%swap3A_2008, %swap3A_2009], %add3A_2007 {strides = array<i32>} : memref<64x128xf32, #tpu.memory_space<vmem>>, vector<16xf32>,
        %mul3A_2011 = vector.broadcast %mul3A_1953 : f32 to vector<16xf32>
        %mul3A_2012 = arith.mulf %add3A_1900, %mul3A_2011 : vector<16xf32>
        %add3A_2013 = vector.broadcast %mul3A_1956 : f32 to vector<16xf32>
        %add3A_2014 = arith.addf %mul3A_2012, %add3A_2013 : vector<16xf32>
        %mul3A_2015 = arith.mulf %add3A_2014, %get3A_15 : vector<16xf32>
        %add3A_2016 = arith.addf %mul3A_2015, %get3A_31 : vector<16xf32>
        %swap3A_2017 = arith.index_cast %add3A_1807 : i32 to index
        %swap3A_2018 = arith.constant 96 : index
        %swap3A_2019 = tpu.vector_load %arg19[%swap3A_2017, %swap3A_2018] {strides = array<i32>} : memref<64x128xf32, #tpu.memory_space<vmem>>, vector<16xf32>,
        tpu.vector_store %arg19[%swap3A_2017, %swap3A_2018], %add3A_2016 {strides = array<i32>} : memref<64x128xf32, #tpu.memory_space<vmem>>, vector<16xf32>,
        %mul3A_2020 = vector.broadcast %mul3A_1953 : f32 to vector<16xf32>
        %mul3A_2021 = arith.mulf %add3A_1914, %mul3A_2020 : vector<16xf32>
        %add3A_2022 = vector.broadcast %mul3A_1956 : f32 to vector<16xf32>
        %add3A_2023 = arith.addf %mul3A_2021, %add3A_2022 : vector<16xf32>
        %mul3A_2024 = arith.mulf %add3A_2023, %get3A_17 : vector<16xf32>
        %add3A_2025 = arith.addf %mul3A_2024, %get3A_33 : vector<16xf32>
        %swap3A_2026 = arith.index_cast %add3A_1807 : i32 to index
        %swap3A_2027 = arith.constant 112 : index
        %swap3A_2028 = tpu.vector_load %arg19[%swap3A_2026, %swap3A_2027] {strides = array<i32>} : memref<64x128xf32, #tpu.memory_space<vmem>>, vector<16xf32>,
        tpu.vector_store %arg19[%swap3A_2026, %swap3A_2027], %add3A_2025 {strides = array<i32>} : memref<64x128xf32, #tpu.memory_space<vmem>>, vector<16xf32>,
      }
      %scan3A_167 = arith.constant 8 : i32
      %mul3A_168 = arith.constant 64 : i32
      %mul3A_169 = arith.muli %add3A_88, %mul3A_168 : i32
      %add3A_170 = arith.addi %mul3A_2, %mul3A_169 : i32
      %dma_start3A_171 = arith.constant 0 : i32
      %dma_start3A_172 = tpu.memref_slice %arg8[%add3A_170, %dma_start3A_171] : memref<524288x128xf32, #tpu.memory_space<hbm>> -> memref<64x128xf32, #tpu.memory_space<hbm>>
      %dma_start3A_173 = arith.constant 0 : i32
      %dma_start3A_174 = tpu.memref_slice %arg8[%add3A_170, %dma_start3A_173] : memref<524288x128xf32, #tpu.memory_space<hbm>> -> memref<64x128xf32, #tpu.memory_space<hbm>>
      tpu.enqueue_dma source(%arg19 : memref<64x128xf32, #tpu.memory_space<vmem>>) target(%dma_start3A_174 : memref<64x128xf32, #tpu.memory_space<hbm>>) target_semaphore(%arg23 : memref<!tpu.dma_semaphore, #tpu.memory_space<semaphore_mem>>)
    }
    %scan3A_70 = arith.constant 128 : i32
    %add3A_71 = arith.constant 16256 : i32
    %add3A_72 = arith.addi %mul3A_2, %add3A_71 : i32
    %dma_wait3A = arith.constant 0 : i32
    %dma_wait3A_73 = tpu.memref_slice %arg8[%add3A_72, %dma_wait3A] : memref<524288x128xf32, #tpu.memory_space<hbm>> -> memref<64x128xf32, #tpu.memory_space<hbm>>
    %dma_wait3A_74 = arith.constant 0 : i32
    %dma_wait3A_75 = tpu.memref_slice %arg8[%add3A_72, %dma_wait3A_74] : memref<524288x128xf32, #tpu.memory_space<hbm>> -> memref<64x128xf32, #tpu.memory_space<hbm>>
    tpu.wait_dma2 semaphore(%arg22 : memref<!tpu.dma_semaphore, #tpu.memory_space<semaphore_mem>>) src(%arg18 : memref<64x128xf32, #tpu.memory_space<vmem>>) dst(%dma_wait3A_75 : memref<64x128xf32, #tpu.memory_space<hbm>>)
    %add3A_76 = arith.constant 16320 : i32
    %add3A_77 = arith.addi %mul3A_2, %add3A_76 : i32
    %dma_wait3A_78 = arith.constant 0 : i32
    %dma_wait3A_79 = tpu.memref_slice %arg8[%add3A_77, %dma_wait3A_78] : memref<524288x128xf32, #tpu.memory_space<hbm>> -> memref<64x128xf32, #tpu.memory_space<hbm>>
    %dma_wait3A_80 = arith.constant 0 : i32
    %dma_wait3A_81 = tpu.memref_slice %arg8[%add3A_77, %dma_wait3A_80] : memref<524288x128xf32, #tpu.memory_space<hbm>> -> memref<64x128xf32, #tpu.memory_space<hbm>>
    tpu.wait_dma2 semaphore(%arg23 : memref<!tpu.dma_semaphore, #tpu.memory_space<semaphore_mem>>) src(%arg19 : memref<64x128xf32, #tpu.memory_space<vmem>>) dst(%dma_wait3A_81 : memref<64x128xf32, #tpu.memory_space<hbm>>)
    return
  }
}

</mosaic_0001>

<sc_bundles>
// kernel: kernel.3.cloned.1.call-start
scs
__scs_entry_jumppad:
0x0: {  	(pc) =	sbr.rel $0x88, $3  }
0x1: {  	(tag) =	ssettag $0x0;
	lr =	simm.s32 $0x1  }
0x2: {  	[smem:$0x3F99] =	sst lr;
	_ =	strace $0xD0000000  }
0x3: {  	_ = 	snop  }
0x4: {  	_ = 	snop  }
0x5: {  	_ = 	snop  }
0x6: {  	_ = 	snop  }
0x7: {  	_ = 	snop  }
__scs_overlays_trampoline_lowered:
0x8: {  	[smem:$0x3FA8] =	sst s0  }
0x9: {  	[smem:$0x3FA9] =	sst s1  }
0xa: {  	[smem:$0x3FAA] =	sst s2  }
0xb: {  	[smem:$0x3FAB] =	sst s3  }
0xc: {  	[smem:$0x3FAC] =	sst s4  }
0xd: {  	[smem:$0x3FAD] =	sst s5  }
0xe: {  	[smem:$0x3FAE] =	sst s6  }
0xf: {  	[smem:$0x3FAF] =	sst s7  }
0x10: {  	[smem:$0x3FB0] =	sst s8  }
0x11: {  	[smem:$0x3FB1] =	sst s9;
	s0 =	simm.s32 @!p0 $0x0  }
0x12: {  	s1 =	sld [smem:$0x3F97];
	s0 =	simm.s32 @p0 $0x1  }
0x13: {  	[smem:$0x3FB2] =	sst s0;
	s0 =	simm.s32 @!p1 $0x0  }
0x14: {  	s2 =	sld [smem:$0x3F96];
	s0 =	simm.s32 @p1 $0x1  }
0x15: {  	[smem:$0x3FB3] =	sst s0;
	s0 =	simm.s32 @!p2 $0x0  }
0x16: {  	s3 =	sld [smem:$0x3FDB];
	s0 =	simm.s32 @p2 $0x1  }
0x17: {  	s4 =	simm.s32 $0x1BF5;
	[smem:$0x3FB5] =	sst s0  }
0x18: {  	s0 =	sld [smem:$0x3F98];
	_ =	swait.ge [sflag:s4], $0x0  }
0x19: {  	s7 =	sld [smem:$0x3F99]  }
0x1a: {  	s8 =	sadd.s32 $0xFFFFE003, lr  }
0x1b: {  	s9 =	sadd.s32 $0xFFFFFEF7, lr;
	s5 =	simm.s32 $0xFFFFFFFF;
	p2 =	slt.u32 s8, $0xFFFFF086  }
0x1c: {  	p1 =	slt.u32 s9, $0xF7A;
	s5 =	simm.s32 @!p2 $0x0  }
0x1d: {  	s5 =	simm.s32 @p1 $0x1;
	p0 =	seq.s32 s7, s2  }
0x1e: {  	s7 =	smul.u32 @!p0 $0xF7A, s2;
	p2 =	seq.s32 @!p0 s5, $0x0  }
0x1f: {  	s9 =	smul.u32 $0xF7A, s1;
	s8 =	simm.s32 @!p0 $0x1BF5;
	p2 =	por !p2, p0  }
0x20: {  	[sflag:s8] =	ssyncset.s32 @!p0 $0xFFFFF086;
	s6 =	sadd.s32 @!p0 s3, s7;
	s7 =	simm.s32 @!p0 $0x108  }
0x21: {  	s3 =	sadd.s32 s3, s9;
	s6 =	sadd.s32 @!p0 $0x88, s6;
	s7 =	simm.s32 @p2 $0x1082  }
0x22: {  	[simem:s7], [sflag:s8] =	dma.local @!p0 [hbm:s6], $0xF7A  }
0x23: {  	s9 =	sor.u32 $0xD0000000, s2;
	s6 =	simm.s32 $0x108;
	_ =	swait.ge @!p0 [sflag:s8], $0x0  }
0x24: {  	s3 =	sadd.s32 $0x88, s3;
	s6 =	simm.s32 @!p1 $0x1082;
	[sflag:s4] =	ssyncset.s32 $0xFFFFF086  }
0x25: {  	[simem:s6], [sflag:s4] =	dma.local [hbm:s3], $0xF7A  }
0x26: {  	[smem:$0x3F99] =	sst s1;
	(tag) =	ssettag s2;
	_ =	strace s9  }
0x27: {  	s1 =	sld [smem:$0x3FA9]  }
0x28: {  	s2 =	sld [smem:$0x3FAA]  }
0x29: {  	s4 =	sld [smem:$0x3FAC]  }
0x2a: {  	p0 =	seq.s32 s5, $0x0;
	s5 =	sld [smem:$0x3FAD]  }
0x2b: {  	s6 =	sld [smem:$0x3FAE]  }
0x2c: {  	s7 =	sld [smem:$0x3FAF]  }
0x2d: {  	s3 =	simm.s32 $0x108;
	s8 =	sld [smem:$0x3FB0]  }
0x2e: {  	s3 =	simm.s32 @!p0 $0x1082;
	s9 =	sld [smem:$0x3FB1]  }
0x2f: {  	lr =	sadd.s32 s0, s3;
	s0 =	sld [smem:$0x3FA8]  }
0x30: {  	s3 =	sld [smem:$0x3FAB]  }
0x31: {  	[smem:$0x3FB4] =	sst s10  }
0x32: {  	s10 =	sld [smem:$0x3FB2];
	_ =	sdelay $0x3  }
0x33: {  	p0 =	seq.s32 s10, $0x1;
	s10 =	sld [smem:$0x3FB4];
	_ =	sdelay $0x3  }
0x34: {  	[smem:$0x3FB4] =	sst s10  }
0x35: {  	s10 =	sld [smem:$0x3FB3];
	_ =	sdelay $0x3  }
0x36: {  	p1 =	seq.s32 s10, $0x1;
	s10 =	sld [smem:$0x3FB4];
	_ =	sdelay $0x3  }
0x37: {  	[smem:$0x3FB4] =	sst s10  }
0x38: {  	s10 =	sld [smem:$0x3FB5]  }
0x39: {  	_ = 	snop;
	(pc) =	sbr.ind lr, $3  }
0x3a: {  	_ = 	snop  }
0x3b: {  	_ = 	snop  }
0x3c: {  	p2 =	seq.s32 s10, $0x1;
	s10 =	sld [smem:$0x3FB4]  }
0x3d: {  	_ =	shalt  }
0x3e: {  	_ =	shalt  }
0x3f: {  	_ =	shalt  }
0x40: {  	_ =	shalt  }
0x41: {  	_ =	shalt  }
0x42: {  	_ =	shalt  }
0x43: {  	_ =	shalt  }
0x44: {  	_ =	shalt  }
0x45: {  	_ =	shalt  }
0x46: {  	_ =	shalt  }
0x47: {  	_ =	shalt  }
0x48: {  	_ =	shalt  }
0x49: {  	_ =	shalt  }
0x4a: {  	_ =	shalt  }
0x4b: {  	_ =	shalt  }
0x4c: {  	_ =	shalt  }
0x4d: {  	_ =	shalt  }
0x4e: {  	_ =	shalt  }
0x4f: {  	_ =	shalt  }
0x50: {  	_ =	shalt  }
0x51: {  	_ =	shalt  }
0x52: {  	_ =	shalt  }
0x53: {  	_ =	shalt  }
0x54: {  	_ =	shalt  }
0x55: {  	_ =	shalt  }
0x56: {  	_ =	shalt  }
0x57: {  	_ =	shalt  }
0x58: {  	_ =	shalt  }
0x59: {  	_ =	shalt  }
0x5a: {  	_ =	shalt  }
0x5b: {  	_ =	shalt  }
0x5c: {  	_ =	shalt  }
0x5d: {  	_ =	shalt  }
0x5e: {  	_ =	shalt  }
0x5f: {  	_ =	shalt  }
0x60: {  	_ =	shalt  }
0x61: {  	_ =	shalt  }
0x62: {  	_ =	shalt  }
0x63: {  	_ =	shalt  }
0x64: {  	_ =	shalt  }
0x65: {  	_ =	shalt  }
0x66: {  	_ =	shalt  }
0x67: {  	_ =	shalt  }
0x68: {  	_ =	shalt  }
0x69: {  	_ =	shalt  }
0x6a: {  	_ =	shalt  }
0x6b: {  	_ =	shalt  }
0x6c: {  	_ =	shalt  }
0x6d: {  	_ =	shalt  }
0x6e: {  	_ =	shalt  }
0x6f: {  	_ =	shalt  }
0x70: {  	_ =	shalt  }
0x71: {  	_ =	shalt  }
0x72: {  	_ =	shalt  }
0x73: {  	_ =	shalt  }
0x74: {  	_ =	shalt  }
0x75: {  	_ =	shalt  }
0x76: {  	_ =	shalt  }
0x77: {  	_ =	shalt  }
0x78: {  	_ =	shalt  }
0x79: {  	_ =	shalt  }
0x7a: {  	_ =	shalt  }
0x7b: {  	_ =	shalt  }
0x7c: {  	_ =	shalt  }
0x7d: {  	_ =	shalt  }
0x7e: {  	_ =	shalt  }
0x7f: {  	_ =	shalt  }
0x80: {  	_ =	shalt  }
0x81: {  	_ =	shalt  }
0x82: {  	_ =	shalt  }
0x83: {  	_ =	shalt  }
0x84: {  	_ =	shalt  }
0x85: {  	_ =	shalt  }
0x86: {  	_ =	shalt  }
0x87: {  	_ =	shalt  }
.Lfunc_end0:
.L_simem_size_0:
called_computation_lowered:
.L_overlay_start_0:
0x88: {  	s2 =	sld [smem:$0x3FD9]  }
0x89: {  	s3 =	sld [smem:$0x3FFE];
	_ =	sdelay $0x1  }
0x8a: {  	s1 =	srdreg.scid  }
0x8b: {  	s0 =	sand.u32 $0x1, s1  }
0x8c: {  	s17 =	sshll.u32 s0, $0xA;
	s2 =	sadd.s32 s3, s2  }
0x8d: {  	s2 =	sadd.s32 s2, s17  }
0x8e: {  	[smem:$0x3FC0] =	sst s2  }
0x8f: {  	_ = 	snop  }
0x90: {  	s2 =	sld [smem:$0x3FC6]  }
0x91: {  	s18 =	sld [smem:$0x3FC5]  }
0x92: {  	s4 =	sld [smem:$0x3FC4]  }
0x93: {  	s5 =	sld [smem:$0x3FC3]  }
0x94: {  	s6 =	sld [smem:$0x3FC2]  }
0x95: {  	s7 =	sld [smem:$0x3FD0];
	(tm) =	ssettm $0x1  }
0x96: {  	s8 =	sld [smem:$0x3FFB];
	_ =	sdelay $0x3  }
0x97: {  	_ =	strace s8  }
0x98: {  	s8 =	sld [smem:$0x3FFC];
	_ =	sdelay $0x3  }
0x99: {  	_ =	strace s8  }
0x9a: {  	s8 =	sld [smem:$0x3FFD];
	_ =	sdelay $0x3  }
0x9b: {  	_ =	strace s8  }
0x9c: {  	_ =	strace $0x8FFFFFFF  }
0x9d: {  	s19 =	sld [smem:$0x3FDB];
	_ =	sdelay $0x1  }
0x9e: {  	s9 =	simm.s32 $_scs_section_size  }
0x9f: {  	s10 =	simm.s32 $_size__tile_overlayer_lowered;
	s11 =	simm.s32 $_tile_overlayer_lowered  }
0xa0: {  	s22 =	simm.s32 $0x1BFF;
	s21 =	sshll.u32 s11, $0x1;
	s8 =	sadd.s32 s9, s19  }
0xa1: {  	s12 =	simm.s32 $0x0;
	s20 =	sshll.u32 s10, $0x1;
	s10 =	sadd.s32 s21, s8  }
0xa2: {  	[timem:s12], [sflag:s22] =	dma.local [hbm:s10], s20  }
0xa3: {  	_ =	swait.ge [sflag:s22], s20  }
0xa4: {  	s9 =	ssub.s32 $0x0, s20;
	[sflag:s22] =	ssyncset.done $0x0  }
0xa5: {  	[sflag:s22] =	ssyncadd.s32 s9;
	_ =	sdelay $0x1  }
0xa6: {  	s23 =	simm.s32 $0x1B8B  }
0xa7: {  	_ =	swait.ge [sflag:s23], $0x1  }
0xa8: {  	[sflag:s23] =	ssyncset.done $0x0  }
0xa9: {  	s25 =	simm.s32 $0x1B8E;
	s24 =	sld [smem:$0x3FFE];
	[sflag:s23] =	ssyncadd.s32 $0xFFFFFFFF  }
0xaa: {  	s26 =	simm.s32 $execute0_lowered;
	[smem:$0x3FD2] =	sst s25  }
0xab: {  	s10 =	sshll.u32 s26, $0x1;
	_ =	strace $0x80000046;
	[dreg:$0x1] =	wrdreg $0xFFFFFFFF  }
0xac: {  	s28 =	simm.s32 $_size_execute0_lowered;
	s8 =	sadd.s32 s8, s10;
	[dreg:$0x0] =	wrdreg $0x0  }
0xad: {  	s10 =	sshll.u32 s28, $0x1;
	[dreg:$0x2] =	wrdreg s8  }
0xae: {  	[dreg:$0x3] =	wrdreg s10  }
0xaf: {  	[dreg:$0x4] =	wrdreg $0xC0  }
0xb0: {  	_ =	task [dreg:s12], $0x5FFFF  }
0xb1: {  	[dreg:$0x1] =	wrdreg $0xFFFFFFFF  }
0xb2: {  	[dreg:$0x0] =	wrdreg $0x60  }
0xb3: {  	[dreg:$0x2] =	wrdreg s24  }
0xb4: {  	[dreg:$0x3] =	wrdreg s2  }
0xb5: {  	[dreg:$0x4] =	wrdreg s18  }
0xb6: {  	[dreg:$0x5] =	wrdreg s4  }
0xb7: {  	[dreg:$0x6] =	wrdreg s5  }
0xb8: {  	[dreg:$0x7] =	wrdreg s6  }
0xb9: {  	[dreg:$0x8] =	wrdreg s7  }
0xba: {  	[dreg:$0x9] =	wrdreg $0x9  }
0xbb: {  	_ =	task.clear_ibuf [dreg:s12], $0xAFFFF;
	_ =	strace $0x90000046  }
0xbc: {  	s29 =	simm.s32 $0x9;
	_ =	strace $0x80000048  }
0xbd: {  	_ =	swait.ge [sflag:s29], $0x1  }
0xbe: {  	[sflag:s29] =	ssyncadd.s32 $0xFFFFFFFF  }
0xbf: {  	_ =	strace $0x90000048  }
0xc0: {  	_ =	sfence  }
0xc1: {  	s30 =	sld [smem:$0x0];
	_ =	sdelay $0x2  }
0xc2: {  	s31 =	sshll.u32 s1, $0xD;
	s1 =	sshrl.u32 s1, $0x2  }
0xc3: {  	s3 =	sand.u32 $0x4000, s31;
	s1 =	sadd.s32 s1, s30  }
0xc4: {  	s0 =	sor.u32 s3, s0;
	s1 =	sshll.u32 s1, $0x11  }
0xc5: {  	s0 =	sor.u32 s1, s0  }
0xc6: {  	s0 =	sadd.s32 $0x8F2B, s0  }
0xc7: {  	[sflag:s0] =	ssyncadd.remote.s32 $0x1  }
0xc8: {  	_ =	sfence.sel $0xFFFF  }
0xc9: {  	[dreg:$0x0] =	wrdreg $0xFFFFFFFF;
	(pc) =	sbr.abs _section_cstart, $3  }
0xca: {  	[dreg:$0x1] =	wrdreg $0xFFFFFFFF  }
0xcb: {  	_ =	task.clear_ibuf [dreg:s12], $0x2FFFF;
	_ =	strace $0x9FFFFFFF  }
0xcc: {  	(tm) =	ssettm $0x7FFFFFFF  }
0xcd: {  	_ =	shalt  }
tec
execute0_lowered:
.L_overlay_start_1:
0x0: {  	(tag) =	ssettag $0x1  }
0x1: {  	s1 =	rddreg [dreg:$0x0]  }
0x2: {  	s0 =	rddreg [dreg:$0x1];
	s2 =	srdreg.scid  }
0x3: {  	s7 =	rddreg [dreg:$0x6];
	s4 =	stileid.u32  }
0x4: {  	s8 =	simm.s32 $0x0;
	s12 =	simm.s32 $0x5;
	s16 =	simm.s32 $0x40  }
0x5: {  	s17 =	simm.s32 $0x14980;
	s18 =	simm.s32 $0x14A80;
	s19 =	simm.s32 $0x14A00  }
0x6: {  	s20 =	simm.s32 $0x16A80;
	s21 =	simm.s32 $0x1;
	s22 =	simm.s32 $0x18A80  }
0x7: {  	s23 =	simm.s32 $0x2;
	s24 =	simm.s32 $0x4;
	s2 =	sand.u32 $0x1, s2  }
0x8: {  	s25 =	simm.s32 $0x1AA80;
	s4 =	sshll.u32 s4, $0xE;
	s3 =	sshll.u32 s2, $0x12  }
0x9: {  	s26 =	simm.s32 $0x3;
	s2 =	ssub.s32 $0x2, s2;
	s9 =	sor.u32 s4, s3  }
0xa: {  	s28 =	simm.s32 $0x0;
	s31 =	sshrl.u32 s2, $0x1;
	s3 =	sshrl.u32 s9, $0x3  }
0xb: {  	[smem:$0x7FF] =	sst s8;
	s2 =	ssub.s32 s2, s31;
	s1 =	sadd.s32 s3, s1  }
0xc: {  	_ =	strace $0x80000047;
	s11 =	smax.u32 s2, $0x1;
	s10 =	sadd.s32 $0x400, s1  }
.LBB2_1:
0xd: {  	s1 =	rddreg [dreg:$0x3]  }
0xe: {  	[tilespmem:s8], [sflag:$0x5] =	stream.linear.gather [hbm4b:s1+s8], $0x10000, $0x38;
	[tilespmem:$0x1CA80] =	vst v63  }
0xf: {  	_ =	swait.ge [sflag:s12], $0x10000  }
0x10: {  	[sflag:s12] =	ssyncset.done $0x0  }
0x11: {  	[sflag:s12] =	ssyncadd.s32 $0xFFFF0000  }
0x12: {  	s2 =	simm.s32 $0x10000;
	s6 =	rddreg [dreg:$0x2]  }
0x13: {  	[tilespmem:s2], [sflag:$0x5] =	stream.linear.gather [hbm4b:s6+s8], $0x800, $0x38;
	[tilespmem:$0x1CA80] =	vst v63  }
0x14: {  	_ =	swait.ge [sflag:s12], $0x800  }
0x15: {  	[sflag:s12] =	ssyncset.done $0x0  }
0x16: {  	[sflag:s12] =	ssyncadd.s32 $0xFFFFF800  }
0x17: {  	s14 =	simm.s32 $0x10800;
	s13 =	rddreg [dreg:$0x4]  }
0x18: {  	[tilespmem:s14], [sflag:$0x5] =	stream.linear.gather [hbm4b:s13+s8], $0x80, $0x38;
	[tilespmem:$0x1CA80] =	vst v63  }
0x19: {  	_ =	swait.ge [sflag:s12], $0x80  }
0x1a: {  	[sflag:s12] =	ssyncset.done $0x0  }
0x1b: {  	[sflag:s12] =	ssyncadd.s32 $0xFFFFFF80  }
0x1c: {  	s29 =	simm.s32 $0x10880;
	s15 =	rddreg [dreg:$0x5]  }
0x1d: {  	[tilespmem:s29], [sflag:$0x5] =	stream.linear.gather [hbm4b:s15+s8], $0x80, $0x38;
	[tilespmem:$0x1CA80] =	vst v63  }
0x1e: {  	_ =	swait.ge [sflag:s12], $0x80  }
0x1f: {  	[sflag:s12] =	ssyncset.done $0x0  }
0x20: {  	s2 =	simm.s32 $0x10900;
	[sflag:s12] =	ssyncadd.s32 $0xFFFFFF80  }
0x21: {  	[tilespmem:s2], [sflag:$0x5] =	stream.linear.gather [hbm4b:s10+s8], $0x4000, $0x38;
	[tilespmem:$0x1CA80] =	vst v63  }
0x22: {  	_ =	swait.ge [sflag:s12], $0x4000  }
0x23: {  	[sflag:s12] =	ssyncset.done $0x0  }
0x24: {  	[sflag:s12] =	ssyncadd.s32 $0xFFFFC000  }
0x25: {  	v0 =	vld [tilespmem:$0x10800]  }
0x26: {  	v1 =	vld [tilespmem:$0x10810]  }
0x27: {  	v2 =	vld [tilespmem:$0x10820]  }
0x28: {  	v3 =	vld [tilespmem:$0x10830]  }
0x29: {  	v4 =	vld [tilespmem:$0x10840]  }
0x2a: {  	v5 =	vld [tilespmem:$0x10850]  }
0x2b: {  	v6 =	vld [tilespmem:$0x10860]  }
0x2c: {  	v7 =	vld [tilespmem:$0x10870]  }
0x2d: {  	v8 =	vld [tilespmem:$0x10880]  }
0x2e: {  	v12 =	vld [tilespmem:$0x10900]  }
0x2f: {  	v13 =	vld [tilespmem:$0x10910]  }
0x30: {  	v14 =	vld [tilespmem:$0x10920]  }
0x31: {  	v15 =	vld [tilespmem:$0x10930]  }
0x32: {  	v9 =	vld [tilespmem:$0x10890]  }
0x33: {  	v10 =	vld [tilespmem:$0x108A0];
	v16 =	vand.u32 $0x1FFFF, v12  }
0x34: {  	v11 =	vld [tilespmem:$0x108B0];
	[tilespmem:$0x14980] =	vst v16;
	v16 =	vand.u32 $0x1FFFF, v13  }
0x35: {  	v12 =	vld [tilespmem:$0x108C0];
	[tilespmem:$0x14990] =	vst v16;
	v16 =	vand.u32 $0x1FFFF, v14  }
0x36: {  	v13 =	vld [tilespmem:$0x108D0];
	[tilespmem:$0x149A0] =	vst v16;
	v16 =	vand.u32 $0x1FFFF, v15  }
0x37: {  	s30 =	simm.s32 $0x10940;
	s31 =	simm.s32 $0x0;
	v14 =	vld [tilespmem:$0x108E0];
	[tilespmem:$0x149B0] =	vst v16  }
0x38: {  	v15 =	vld [tilespmem:$0x108F0];
	[tilespmem:s18], [sflag:$0x1] =	stream.indirect.gather [hbm4b:s0+s16], $0x80, s17, s16, $0xb8  }
.LBB2_2:
0x39: {  	s4 =	sshll.u32 s31, $0x7  }
0x3a: {  	s1 =	sand.u32 $0x3FFFFF80, s4  }
0x3b: {  	v16 =	vld [tilespmem:s1+$0x10940];
	_ =	sdelay $0x4  }
0x3c: {  	v16 =	vand.u32 $0x1FFFF, v16  }
0x3d: {  	[tilespmem:$0x14A00] =	vst v16  }
0x3e: {  	v16 =	vld [tilespmem:s1+$0x10950];
	_ =	sdelay $0x4  }
0x3f: {  	v16 =	vand.u32 $0x1FFFF, v16  }
0x40: {  	[tilespmem:$0x14A10] =	vst v16  }
0x41: {  	v16 =	vld [tilespmem:s1+$0x10960];
	_ =	sdelay $0x4  }
0x42: {  	v16 =	vand.u32 $0x1FFFF, v16  }
0x43: {  	[tilespmem:$0x14A20] =	vst v16  }
0x44: {  	v16 =	vld [tilespmem:s1+$0x10970];
	_ =	sdelay $0x4  }
0x45: {  	v16 =	vand.u32 $0x1FFFF, v16  }
0x46: {  	[tilespmem:$0x14A30] =	vst v16  }
0x47: {  	[tilespmem:s20], [sflag:$0x2] =	stream.indirect.gather [hbm4b:s0+s16], $0x80, s19, s16, $0xb8;
	[tilespmem:$0x1CA80] =	vst v63  }
0x48: {  	_ =	swait.ge [sflag:s21], $0x2000  }
0x49: {  	p0 =	seq.s32 s31, $0x0;
	[sflag:s21] =	ssyncset.done $0x0  }
0x4a: {  	s1 =	simm.s32 @!p0 $0x3;
	[sflag:s21] =	ssyncadd.s32 $0xFFFFE000  }
0x4b: {  	_ =	swait.ge @!p0 [sflag:s1], $0x2000  }
0x4c: {  	s29 =	smov.u32 s2;
	[sflag:s1] =	ssyncset.done @!p0 $0x0  }
0x4d: {  	s3 =	sor.u32 $0x40, s4;
	[sflag:s1] =	ssyncadd.s32 @!p0 $0xFFFFE000;
	s1 =	simm.s32 $0x0  }
.LBB2_3:
0x4e: {  	v16 =	vld [tilespmem:s29+$0x0];
	_ =	sdelay $0x4  }
0x4f: {  	(v2sf) =	vpush v16, $0x0;
	_ =	sdelay $0x8  }
0x50: {  	s5 =	sshra.s32 s1, $0x2  }
0x51: {  	v17 =	vld [tilespmem:s5+$0x14A80]  }
0x52: {  	v20 =	vld [tilespmem:s5+$0x14A90]  }
0x53: {  	v23 =	vld [tilespmem:s5+$0x14AA0]  }
0x54: {  	v26 =	vld [tilespmem:s5+$0x14AB0]  }
0x55: {  	v29 =	vld [tilespmem:s5+$0x14AC0]  }
0x56: {  	v46 =	vld [tilespmem:s5+$0x14AD0];
	s6 =	spop (v2sf)  }
0x57: {  	v51 =	vld [tilespmem:s5+$0x14AE0];
	s13 =	sshrl.u32 s6, $0xA  }
0x58: {  	v55 =	vld [tilespmem:s5+$0x14AF0];
	s6 =	sshrl.u32 s6, $0x13;
	s13 =	sand.u32 $0xFF80, s13  }
0x59: {  	s6 =	sand.u32 $0x1F80, s6;
	v18 =	vld [tilespmem:s13+$0x0]  }
0x5a: {  	v19 =	vld [tilespmem:s6+$0x10000]  }
0x5b: {  	v21 =	vld [tilespmem:s13+$0x10]  }
0x5c: {  	v24 =	vld [tilespmem:s13+$0x20]  }
0x5d: {  	v22 =	vld [tilespmem:s6+$0x10010]  }
0x5e: {  	v27 =	vld [tilespmem:s13+$0x30]  }
0x5f: {  	v25 =	vld [tilespmem:s6+$0x10020]  }
0x60: {  	v44 =	vld [tilespmem:s13+$0x40];
	v17 =	vadd.f32 v18, v17;
	v43 =	vadd.f32 v21, v20  }
0x61: {  	v28 =	vld [tilespmem:s6+$0x10030];
	v47 =	vadd.f32 v24, v23  }
0x62: {  	v45 =	vld [tilespmem:s6+$0x10040];
	v17 =	vadd.f32 v19, v17;
	v18 =	vadd.f32 v22, v43  }
0x63: {  	v48 =	vld [tilespmem:s13+$0x50];
	v50 =	vadd.f32 v27, v26  }
0x64: {  	v53 =	vld [tilespmem:s13+$0x60];
	v22 =	vadd.f32 v25, v47;
	v49 =	vmul.f32 v17, v17;
	v30 =	vmul.f32 v18, v18  }
0x65: {  	v31 =	vld [tilespmem:s6+$0x10050];
	v20 =	vadd.f32 v44, v29;
	v52 =	vadd.f32 v18, v17  }
0x66: {  	v57 =	vld [tilespmem:s13+$0x70];
	v25 =	vadd.f32 v28, v50;
	v32 =	vmul.f32 v22, v22;
	v24 =	vadd.f32 v30, v49  }
0x67: {  	v54 =	vld [tilespmem:s6+$0x10060];
	v20 =	vadd.f32 v45, v20;
	v27 =	vadd.f32 v22, v52  }
0x68: {  	v19 =	vadd.f32 v48, v46;
	v56 =	vmul.f32 v25, v25;
	v24 =	vadd.f32 v32, v24  }
0x69: {  	v60 =	vld [tilespmem:s6+$0x10070];
	v26 =	vadd.f32 v53, v51;
	v58 =	vadd.f32 v25, v27  }
0x6a: {  	v59 =	vmul.f32 v20, v20;
	v19 =	vadd.f32 v31, v19;
	v24 =	vadd.f32 v56, v24  }
0x6b: {  	v21 =	vadd.f32 v57, v55;
	v23 =	vadd.f32 v20, v58  }
0x6c: {  	v26 =	vadd.f32 v54, v26;
	v61 =	vmul.f32 v19, v19;
	v24 =	vadd.f32 v59, v24  }
0x6d: {  	v23 =	vadd.f32 v19, v23  }
0x6e: {  	v21 =	vadd.f32 v60, v21;
	v62 =	vmul.f32 v26, v26;
	v24 =	vadd.f32 v61, v24  }
0x6f: {  	v23 =	vadd.f32 v26, v23  }
0x70: {  	v63 =	vmul.f32 v21, v21;
	v24 =	vadd.f32 v62, v24  }
0x71: {  	v23 =	vadd.f32 v21, v23  }
0x72: {  	v24 =	vadd.f32 v63, v24  }
0x73: {  	(xrf2) =	vadd.scan.msk.f32 $0xffff, v23  }
0x74: {  	(xrf2) =	vadd.scan.msk.f32 $0xffff, v24;
	_ =	sdelay $0x8  }
0x75: {  	v23, _, _ =	vpop (xrf2)  }
0x76: {  	(v2sf) =	vpush v23, $0xF;
	v29, _, _ =	vpop (xrf2)  }
0x77: {  	(v2sf) =	vpush v29, $0xF;
	_ =	sdelay $0xd  }
0x78: {  	s13 =	spop (v2sf)  }
0x79: {  	s6 =	smul.f32 $7.812500000e-03, s13;
	s14 =	spop (v2sf)  }
0x7a: {  	s13 =	smul.f32 $7.812500000e-03, s14  }
0x7b: {  	s14 =	smul.f32 s6, s6;
	_ =	sdelay $0x1  }
0x7c: {  	s13 =	ssub.f32 s13, s14;
	_ =	sdelay $0x1  }
0x7d: {  	s13 =	sadd.f32 $1.000000050e-03, s13;
	_ =	sdelay $0x1  }
0x7e: {  	s15 =	sshra.s32 s13, $0x1;
	s13 =	smul.f32 $5.000000000e-01, s13  }
0x7f: {  	s14 =	ssub.s32 $0x5F3759DF, s15  }
0x80: {  	s15 =	smul.f32 s14, s13;
	_ =	sdelay $0x1  }
0x81: {  	s15 =	smul.f32 s14, s15;
	_ =	sdelay $0x1  }
0x82: {  	s15 =	ssub.f32 $1.500000000e+00, s15;
	_ =	sdelay $0x1  }
0x83: {  	s14 =	smul.f32 s14, s15;
	_ =	sdelay $0x1  }
0x84: {  	s15 =	smul.f32 s14, s13;
	_ =	sdelay $0x1  }
0x85: {  	s15 =	smul.f32 s15, s14;
	_ =	sdelay $0x1  }
0x86: {  	s15 =	ssub.f32 $1.500000000e+00, s15;
	_ =	sdelay $0x1  }
0x87: {  	s14 =	smul.f32 s15, s14;
	_ =	sdelay $0x1  }
0x88: {  	s13 =	smul.f32 s14, s13;
	_ =	sdelay $0x1  }
0x89: {  	s13 =	smul.f32 s13, s14;
	_ =	sdelay $0x1  }
0x8a: {  	s13 =	ssub.f32 $1.500000000e+00, s13;
	_ =	sdelay $0x1  }
0x8b: {  	(v2sf) =	vpush v16, $0x1;
	s6 =	ssub.f32 $0.0e+00, s6;
	s13 =	smul.f32 s13, s14  }
0x8c: {  	_ = 	snop  }
0x8d: {  	s6 =	smul.f32 s13, s6;
	v17 =	vmul.f32 s13, v17  }
0x8e: {  	v18 =	vmul.f32 s13, v18  }
0x8f: {  	v22 =	vmul.f32 s13, v22;
	v30 =	vmul.f32 s13, v25;
	v17 =	vadd.f32 s6, v17  }
0x90: {  	v20 =	vmul.f32 s13, v20;
	v19 =	vmul.f32 s13, v19;
	v18 =	vadd.f32 s6, v18  }
0x91: {  	v31 =	vmul.f32 s13, v26;
	v23 =	vadd.f32 s6, v30;
	v17 =	vmul.f32 v17, v0  }
0x92: {  	v21 =	vmul.f32 s13, v21;
	v22 =	vadd.f32 s6, v22;
	v18 =	vmul.f32 v18, v1  }
0x93: {  	v19 =	vadd.f32 s6, v19;
	v23 =	vmul.f32 v23, v3;
	v17 =	vadd.f32 v17, v8  }
0x94: {  	v20 =	vadd.f32 s6, v20;
	v22 =	vmul.f32 v22, v2;
	v18 =	vadd.f32 v18, v9  }
0x95: {  	v39 =	vld [tilespmem:s5+$0x14B10];
	v21 =	vadd.f32 s6, v21;
	v19 =	vmul.f32 v19, v5;
	v33 =	vadd.f32 v23, v11;
	[tilespmem:s5+$0x18A80] =	vst v17  }
0x96: {  	v42 =	vld [tilespmem:s5+$0x14B20];
	v32 =	vadd.f32 s6, v31;
	v20 =	vmul.f32 v20, v4;
	v17 =	vadd.f32 v22, v10;
	[tilespmem:s5+$0x18A90] =	vst v18  }
0x97: {  	v45 =	vld [tilespmem:s5+$0x14B30];
	v36 =	vmul.f32 v21, v7;
	v35 =	vadd.f32 v19, v13;
	[tilespmem:s5+$0x18AB0] =	vst v33  }
0x98: {  	v48 =	vld [tilespmem:s5+$0x14B40];
	v34 =	vmul.f32 v32, v6;
	[tilespmem:s5+$0x18AA0] =	vst v17;
	v17 =	vadd.f32 v20, v12  }
0x99: {  	v52 =	vld [tilespmem:s5+$0x14B50];
	v37 =	vadd.f32 v36, v15;
	[tilespmem:s5+$0x18AD0] =	vst v35  }
0x9a: {  	v59 =	vld [tilespmem:s5+$0x14B60];
	s14 =	spop (v2sf);
	[tilespmem:s5+$0x18AC0] =	vst v17;
	v17 =	vadd.f32 v34, v14  }
0x9b: {  	s15 =	sshrl.u32 s14, $0xA;
	v36 =	vld [tilespmem:s5+$0x14B70];
	[tilespmem:s5+$0x18AF0] =	vst v37  }
0x9c: {  	s13 =	sand.u32 $0xFF80, s15;
	s6 =	sshrl.u32 s14, $0x13;
	[tilespmem:s5+$0x18AE0] =	vst v17;
	v17 =	vld [tilespmem:s5+$0x14B00]  }
0x9d: {  	s6 =	sand.u32 $0x1F80, s6;
	v18 =	vld [tilespmem:s13+$0x0]  }
0x9e: {  	v38 =	vld [tilespmem:s6+$0x10000]  }
0x9f: {  	v40 =	vld [tilespmem:s13+$0x10]  }
0xa0: {  	v43 =	vld [tilespmem:s13+$0x20]  }
0xa1: {  	v41 =	vld [tilespmem:s6+$0x10010]  }
0xa2: {  	v46 =	vld [tilespmem:s13+$0x30]  }
0xa3: {  	v44 =	vld [tilespmem:s6+$0x10020]  }
0xa4: {  	v50 =	vld [tilespmem:s13+$0x40];
	v17 =	vadd.f32 v18, v17;
	v49 =	vadd.f32 v40, v39  }
0xa5: {  	v47 =	vld [tilespmem:s6+$0x10030];
	v53 =	vadd.f32 v43, v42  }
0xa6: {  	v54 =	vld [tilespmem:s13+$0x50];
	v17 =	vadd.f32 v38, v17;
	v18 =	vadd.f32 v41, v49  }
0xa7: {  	v51 =	vld [tilespmem:s6+$0x10040];
	v58 =	vadd.f32 v46, v45  }
0xa8: {  	v61 =	vld [tilespmem:s13+$0x60];
	v22 =	vadd.f32 v44, v53;
	v55 =	vmul.f32 v17, v17;
	v56 =	vmul.f32 v18, v18  }
0xa9: {  	v57 =	vld [tilespmem:s6+$0x10050];
	v20 =	vadd.f32 v50, v48;
	v60 =	vadd.f32 v18, v17  }
0xaa: {  	v63 =	vld [tilespmem:s6+$0x10060];
	v25 =	vadd.f32 v47, v58;
	v62 =	vmul.f32 v22, v22;
	v24 =	vadd.f32 v56, v55  }
0xab: {  	v19 =	vadd.f32 v54, v52;
	v38 =	vld [tilespmem:s13+$0x70];
	v27 =	vadd.f32 v22, v60  }
0xac: {  	v20 =	vadd.f32 v51, v20;
	v37 =	vmul.f32 v25, v25;
	v24 =	vadd.f32 v62, v24  }
0xad: {  	v26 =	vadd.f32 v61, v59;
	v41 =	vld [tilespmem:s6+$0x10070];
	v39 =	vadd.f32 v25, v27  }
0xae: {  	v19 =	vadd.f32 v57, v19;
	v40 =	vmul.f32 v20, v20;
	v24 =	vadd.f32 v37, v24  }
0xaf: {  	v26 =	vadd.f32 v63, v26;
	v23 =	vadd.f32 v20, v39  }
0xb0: {  	v42 =	vmul.f32 v19, v19;
	v21 =	vadd.f32 v38, v36;
	v24 =	vadd.f32 v40, v24  }
0xb1: {  	v23 =	vadd.f32 v19, v23  }
0xb2: {  	v43 =	vmul.f32 v26, v26;
	v21 =	vadd.f32 v41, v21;
	v24 =	vadd.f32 v42, v24  }
0xb3: {  	v23 =	vadd.f32 v26, v23  }
0xb4: {  	v44 =	vmul.f32 v21, v21;
	v24 =	vadd.f32 v43, v24  }
0xb5: {  	v23 =	vadd.f32 v21, v23  }
0xb6: {  	v24 =	vadd.f32 v44, v24  }
0xb7: {  	(xrf2) =	vadd.scan.msk.f32 $0xffff, v23  }
0xb8: {  	(xrf2) =	vadd.scan.msk.f32 $0xffff, v24;
	_ =	sdelay $0x8  }
0xb9: {  	v23, _, _ =	vpop (xrf2)  }
0xba: {  	(v2sf) =	vpush v23, $0xF;
	v45, _, _ =	vpop (xrf2)  }
0xbb: {  	(v2sf) =	vpush v45, $0xF;
	_ =	sdelay $0xd  }
0xbc: {  	s13 =	spop (v2sf)  }
0xbd: {  	s6 =	smul.f32 $7.812500000e-03, s13;
	s14 =	spop (v2sf)  }
0xbe: {  	s13 =	smul.f32 $7.812500000e-03, s14  }
0xbf: {  	s15 =	smul.f32 s6, s6;
	_ =	sdelay $0x1  }
0xc0: {  	s13 =	ssub.f32 s13, s15;
	_ =	sdelay $0x1  }
0xc1: {  	s13 =	sadd.f32 $1.000000050e-03, s13;
	_ =	sdelay $0x1  }
0xc2: {  	s15 =	sshra.s32 s13, $0x1;
	s13 =	smul.f32 $5.000000000e-01, s13  }
0xc3: {  	s14 =	ssub.s32 $0x5F3759DF, s15  }
0xc4: {  	s15 =	smul.f32 s14, s13;
	_ =	sdelay $0x1  }
0xc5: {  	s15 =	smul.f32 s14, s15;
	_ =	sdelay $0x1  }
0xc6: {  	s15 =	ssub.f32 $1.500000000e+00, s15;
	_ =	sdelay $0x1  }
0xc7: {  	s14 =	smul.f32 s14, s15;
	_ =	sdelay $0x1  }
0xc8: {  	s15 =	smul.f32 s14, s13;
	_ =	sdelay $0x1  }
0xc9: {  	s15 =	smul.f32 s15, s14;
	_ =	sdelay $0x1  }
0xca: {  	s15 =	ssub.f32 $1.500000000e+00, s15;
	_ =	sdelay $0x1  }
0xcb: {  	s14 =	smul.f32 s15, s14;
	_ =	sdelay $0x1  }
0xcc: {  	s13 =	smul.f32 s14, s13;
	_ =	sdelay $0x1  }
0xcd: {  	s13 =	smul.f32 s13, s14;
	_ =	sdelay $0x1  }
0xce: {  	s13 =	ssub.f32 $1.500000000e+00, s13;
	_ =	sdelay $0x1  }
0xcf: {  	(v2sf) =	vpush v16, $0x2;
	s6 =	ssub.f32 $0.0e+00, s6;
	s13 =	smul.f32 s13, s14  }
0xd0: {  	_ = 	snop  }
0xd1: {  	s6 =	smul.f32 s13, s6;
	v17 =	vmul.f32 s13, v17  }
0xd2: {  	v18 =	vmul.f32 s13, v18  }
0xd3: {  	v22 =	vmul.f32 s13, v22;
	v46 =	vmul.f32 s13, v25;
	v17 =	vadd.f32 s6, v17  }
0xd4: {  	v20 =	vmul.f32 s13, v20;
	v19 =	vmul.f32 s13, v19;
	v18 =	vadd.f32 s6, v18  }
0xd5: {  	v47 =	vmul.f32 s13, v26;
	v23 =	vadd.f32 s6, v46;
	v17 =	vmul.f32 v17, v0  }
0xd6: {  	v21 =	vmul.f32 s13, v21;
	v22 =	vadd.f32 s6, v22;
	v18 =	vmul.f32 v18, v1  }
0xd7: {  	v19 =	vadd.f32 s6, v19;
	v23 =	vmul.f32 v23, v3;
	v17 =	vadd.f32 v17, v8  }
0xd8: {  	v20 =	vadd.f32 s6, v20;
	v22 =	vmul.f32 v22, v2;
	v18 =	vadd.f32 v18, v9  }
0xd9: {  	v61 =	vld [tilespmem:s5+$0x14BB0];
	v21 =	vadd.f32 s6, v21;
	v19 =	vmul.f32 v19, v5;
	v49 =	vadd.f32 v23, v11;
	[tilespmem:s5+$0x18B00] =	vst v17  }
0xda: {  	v58 =	vld [tilespmem:s5+$0x14BA0];
	v48 =	vadd.f32 s6, v47;
	v20 =	vmul.f32 v20, v4;
	v17 =	vadd.f32 v22, v10;
	[tilespmem:s5+$0x18B10] =	vst v18  }
0xdb: {  	v55 =	vld [tilespmem:s5+$0x14B90];
	v52 =	vmul.f32 v21, v7;
	v51 =	vadd.f32 v19, v13;
	[tilespmem:s5+$0x18B30] =	vst v49  }
0xdc: {  	v36 =	vld [tilespmem:s5+$0x14BC0];
	v50 =	vmul.f32 v48, v6;
	[tilespmem:s5+$0x18B20] =	vst v17;
	v17 =	vadd.f32 v20, v12  }
0xdd: {  	v40 =	vld [tilespmem:s5+$0x14BD0];
	v53 =	vadd.f32 v52, v15;
	[tilespmem:s5+$0x18B50] =	vst v51  }
0xde: {  	s14 =	spop (v2sf);
	v47 =	vld [tilespmem:s5+$0x14BE0];
	[tilespmem:s5+$0x18B40] =	vst v17;
	v17 =	vadd.f32 v50, v14  }
0xdf: {  	s15 =	sshrl.u32 s14, $0xA;
	v52 =	vld [tilespmem:s5+$0x14BF0];
	[tilespmem:s5+$0x18B70] =	vst v53  }
0xe0: {  	s13 =	sand.u32 $0xFF80, s15;
	s6 =	sshrl.u32 s14, $0x13;
	[tilespmem:s5+$0x18B60] =	vst v17;
	v17 =	vld [tilespmem:s5+$0x14B80]  }
0xe1: {  	s6 =	sand.u32 $0x1F80, s6;
	v18 =	vld [tilespmem:s13+$0x0]  }
0xe2: {  	v54 =	vld [tilespmem:s6+$0x10000]  }
0xe3: {  	v56 =	vld [tilespmem:s13+$0x10]  }
0xe4: {  	v59 =	vld [tilespmem:s13+$0x20]  }
0xe5: {  	v57 =	vld [tilespmem:s6+$0x10010]  }
0xe6: {  	v62 =	vld [tilespmem:s13+$0x30]  }
0xe7: {  	v60 =	vld [tilespmem:s6+$0x10020]  }
0xe8: {  	v38 =	vld [tilespmem:s13+$0x40];
	v17 =	vadd.f32 v18, v17;
	v37 =	vadd.f32 v56, v55  }
0xe9: {  	v63 =	vld [tilespmem:s6+$0x10030];
	v41 =	vadd.f32 v59, v58  }
0xea: {  	v42 =	vld [tilespmem:s13+$0x50];
	v17 =	vadd.f32 v54, v17;
	v18 =	vadd.f32 v57, v37  }
0xeb: {  	v39 =	vld [tilespmem:s6+$0x10040];
	v46 =	vadd.f32 v62, v61  }
0xec: {  	v49 =	vld [tilespmem:s13+$0x60];
	v22 =	vadd.f32 v60, v41;
	v43 =	vmul.f32 v17, v17;
	v44 =	vmul.f32 v18, v18  }
0xed: {  	v45 =	vld [tilespmem:s6+$0x10050];
	v20 =	vadd.f32 v38, v36;
	v48 =	vadd.f32 v18, v17  }
0xee: {  	v51 =	vld [tilespmem:s6+$0x10060];
	v25 =	vadd.f32 v63, v46;
	v50 =	vmul.f32 v22, v22;
	v24 =	vadd.f32 v44, v43  }
0xef: {  	v19 =	vadd.f32 v42, v40;
	v54 =	vld [tilespmem:s13+$0x70];
	v27 =	vadd.f32 v22, v48  }
0xf0: {  	v20 =	vadd.f32 v39, v20;
	v53 =	vmul.f32 v25, v25;
	v24 =	vadd.f32 v50, v24  }
0xf1: {  	v26 =	vadd.f32 v49, v47;
	v57 =	vld [tilespmem:s6+$0x10070];
	v55 =	vadd.f32 v25, v27  }
0xf2: {  	v19 =	vadd.f32 v45, v19;
	v56 =	vmul.f32 v20, v20;
	v24 =	vadd.f32 v53, v24  }
0xf3: {  	v26 =	vadd.f32 v51, v26;
	v23 =	vadd.f32 v20, v55  }
0xf4: {  	v58 =	vmul.f32 v19, v19;
	v21 =	vadd.f32 v54, v52;
	v24 =	vadd.f32 v56, v24  }
0xf5: {  	v23 =	vadd.f32 v19, v23  }
0xf6: {  	v59 =	vmul.f32 v26, v26;
	v21 =	vadd.f32 v57, v21;
	v24 =	vadd.f32 v58, v24  }
0xf7: {  	v23 =	vadd.f32 v26, v23  }
0xf8: {  	v60 =	vmul.f32 v21, v21;
	v24 =	vadd.f32 v59, v24  }
0xf9: {  	v23 =	vadd.f32 v21, v23  }
0xfa: {  	v24 =	vadd.f32 v60, v24  }
0xfb: {  	(xrf2) =	vadd.scan.msk.f32 $0xffff, v23  }
0xfc: {  	(xrf2) =	vadd.scan.msk.f32 $0xffff, v24;
	_ =	sdelay $0x8  }
0xfd: {  	v23, _, _ =	vpop (xrf2)  }
0xfe: {  	(v2sf) =	vpush v23, $0xF;
	v61, _, _ =	vpop (xrf2)  }
0xff: {  	(v2sf) =	vpush v61, $0xF;
	_ =	sdelay $0xd  }
0x100: {  	s13 =	spop (v2sf)  }
0x101: {  	s6 =	smul.f32 $7.812500000e-03, s13;
	s14 =	spop (v2sf)  }
0x102: {  	s13 =	smul.f32 $7.812500000e-03, s14  }
0x103: {  	s15 =	smul.f32 s6, s6;
	_ =	sdelay $0x1  }
0x104: {  	s13 =	ssub.f32 s13, s15;
	_ =	sdelay $0x1  }
0x105: {  	s13 =	sadd.f32 $1.000000050e-03, s13;
	_ =	sdelay $0x1  }
0x106: {  	s15 =	sshra.s32 s13, $0x1;
	s13 =	smul.f32 $5.000000000e-01, s13  }
0x107: {  	s14 =	ssub.s32 $0x5F3759DF, s15  }
0x108: {  	s15 =	smul.f32 s14, s13;
	_ =	sdelay $0x1  }
0x109: {  	s15 =	smul.f32 s14, s15;
	_ =	sdelay $0x1  }
0x10a: {  	s15 =	ssub.f32 $1.500000000e+00, s15;
	_ =	sdelay $0x1  }
0x10b: {  	s14 =	smul.f32 s14, s15;
	_ =	sdelay $0x1  }
0x10c: {  	s15 =	smul.f32 s14, s13;
	_ =	sdelay $0x1  }
0x10d: {  	s15 =	smul.f32 s15, s14;
	_ =	sdelay $0x1  }
0x10e: {  	s15 =	ssub.f32 $1.500000000e+00, s15;
	_ =	sdelay $0x1  }
0x10f: {  	s14 =	smul.f32 s15, s14;
	_ =	sdelay $0x1  }
0x110: {  	s13 =	smul.f32 s14, s13;
	_ =	sdelay $0x1  }
0x111: {  	s13 =	smul.f32 s13, s14;
	_ =	sdelay $0x1  }
0x112: {  	s13 =	ssub.f32 $1.500000000e+00, s13;
	_ =	sdelay $0x1  }
0x113: {  	(v2sf) =	vpush v16, $0x3;
	s6 =	ssub.f32 $0.0e+00, s6;
	s13 =	smul.f32 s13, s14  }
0x114: {  	_ = 	snop  }
0x115: {  	s6 =	smul.f32 s13, s6;
	v17 =	vmul.f32 s13, v17  }
0x116: {  	v18 =	vmul.f32 s13, v18  }
0x117: {  	v22 =	vmul.f32 s13, v22;
	v62 =	vmul.f32 s13, v25;
	v17 =	vadd.f32 s6, v17  }
0x118: {  	v20 =	vmul.f32 s13, v20;
	v19 =	vmul.f32 s13, v19;
	v18 =	vadd.f32 s6, v18  }
0x119: {  	v63 =	vmul.f32 s13, v26;
	v23 =	vadd.f32 s6, v62;
	v17 =	vmul.f32 v17, v0  }
0x11a: {  	v21 =	vmul.f32 s13, v21;
	v22 =	vadd.f32 s6, v22;
	v18 =	vmul.f32 v18, v1  }
0x11b: {  	v19 =	vadd.f32 s6, v19;
	v23 =	vmul.f32 v23, v3;
	v17 =	vadd.f32 v17, v8  }
0x11c: {  	v20 =	vadd.f32 s6, v20;
	v22 =	vmul.f32 v22, v2;
	v18 =	vadd.f32 v18, v9  }
0x11d: {  	v33 =	vld [tilespmem:s5+$0x14C10];
	v21 =	vadd.f32 s6, v21;
	v19 =	vmul.f32 v19, v5;
	v27 =	vadd.f32 v23, v11;
	[tilespmem:s5+$0x18B80] =	vst v17  }
0x11e: {  	v36 =	vld [tilespmem:s5+$0x14C20];
	v26 =	vadd.f32 s6, v63;
	v20 =	vmul.f32 v20, v4;
	v17 =	vadd.f32 v22, v10;
	[tilespmem:s5+$0x18B90] =	vst v18  }
0x11f: {  	v42 =	vld [tilespmem:s5+$0x14C40];
	v30 =	vmul.f32 v21, v7;
	v29 =	vadd.f32 v19, v13;
	[tilespmem:s5+$0x18BB0] =	vst v27  }
0x120: {  	v39 =	vld [tilespmem:s5+$0x14C30];
	v28 =	vmul.f32 v26, v6;
	[tilespmem:s5+$0x18BA0] =	vst v17;
	v17 =	vadd.f32 v20, v12  }
0x121: {  	v46 =	vld [tilespmem:s5+$0x14C50];
	v31 =	vadd.f32 v30, v15;
	[tilespmem:s5+$0x18BD0] =	vst v29  }
0x122: {  	v53 =	vld [tilespmem:s5+$0x14C60];
	s14 =	spop (v2sf);
	[tilespmem:s5+$0x18BC0] =	vst v17;
	v17 =	vadd.f32 v28, v14  }
0x123: {  	v58 =	vld [tilespmem:s5+$0x14C70];
	s15 =	sshrl.u32 s14, $0xA;
	[tilespmem:s5+$0x18BF0] =	vst v31  }
0x124: {  	s13 =	sand.u32 $0xFF80, s15;
	s6 =	sshrl.u32 s14, $0x13;
	[tilespmem:s5+$0x18BE0] =	vst v17;
	v17 =	vld [tilespmem:s5+$0x14C00]  }
0x125: {  	s6 =	sand.u32 $0x1F80, s6;
	v18 =	vld [tilespmem:s13+$0x0]  }
0x126: {  	v32 =	vld [tilespmem:s6+$0x10000]  }
0x127: {  	v34 =	vld [tilespmem:s13+$0x10]  }
0x128: {  	v37 =	vld [tilespmem:s13+$0x20]  }
0x129: {  	v35 =	vld [tilespmem:s6+$0x10010]  }
0x12a: {  	v40 =	vld [tilespmem:s13+$0x30]  }
0x12b: {  	v38 =	vld [tilespmem:s6+$0x10020]  }
0x12c: {  	v44 =	vld [tilespmem:s13+$0x40];
	v17 =	vadd.f32 v18, v17;
	v43 =	vadd.f32 v34, v33  }
0x12d: {  	v41 =	vld [tilespmem:s6+$0x10030];
	v47 =	vadd.f32 v37, v36  }
0x12e: {  	v48 =	vld [tilespmem:s13+$0x50];
	v17 =	vadd.f32 v32, v17;
	v18 =	vadd.f32 v35, v43  }
0x12f: {  	v45 =	vld [tilespmem:s6+$0x10040];
	v52 =	vadd.f32 v40, v39  }
0x130: {  	v55 =	vld [tilespmem:s13+$0x60];
	v22 =	vadd.f32 v38, v47;
	v49 =	vmul.f32 v17, v17;
	v50 =	vmul.f32 v18, v18  }
0x131: {  	v51 =	vld [tilespmem:s6+$0x10050];
	v20 =	vadd.f32 v44, v42;
	v54 =	vadd.f32 v18, v17  }
0x132: {  	v60 =	vld [tilespmem:s13+$0x70];
	v25 =	vadd.f32 v41, v52;
	v56 =	vmul.f32 v22, v22;
	v24 =	vadd.f32 v50, v49  }
0x133: {  	v57 =	vld [tilespmem:s6+$0x10060];
	v19 =	vadd.f32 v48, v46;
	v27 =	vadd.f32 v22, v54  }
0x134: {  	v20 =	vadd.f32 v45, v20;
	v59 =	vmul.f32 v25, v25;
	v24 =	vadd.f32 v56, v24  }
0x135: {  	v63 =	vld [tilespmem:s6+$0x10070];
	v26 =	vadd.f32 v55, v53;
	v61 =	vadd.f32 v25, v27  }
0x136: {  	v19 =	vadd.f32 v51, v19;
	v62 =	vmul.f32 v20, v20;
	v24 =	vadd.f32 v59, v24  }
0x137: {  	v21 =	vadd.f32 v60, v58;
	v23 =	vadd.f32 v20, v61  }
0x138: {  	v26 =	vadd.f32 v57, v26;
	v35 =	vmul.f32 v19, v19;
	v24 =	vadd.f32 v62, v24  }
0x139: {  	v23 =	vadd.f32 v19, v23  }
0x13a: {  	v21 =	vadd.f32 v63, v21;
	v36 =	vmul.f32 v26, v26;
	v24 =	vadd.f32 v35, v24  }
0x13b: {  	v23 =	vadd.f32 v26, v23  }
0x13c: {  	v37 =	vmul.f32 v21, v21;
	v24 =	vadd.f32 v36, v24  }
0x13d: {  	v23 =	vadd.f32 v21, v23  }
0x13e: {  	v24 =	vadd.f32 v37, v24  }
0x13f: {  	(xrf2) =	vadd.scan.msk.f32 $0xffff, v23  }
0x140: {  	(xrf2) =	vadd.scan.msk.f32 $0xffff, v24;
	_ =	sdelay $0x8  }
0x141: {  	v23, _, _ =	vpop (xrf2)  }
0x142: {  	(v2sf) =	vpush v23, $0xF;
	v38, _, _ =	vpop (xrf2)  }
0x143: {  	(v2sf) =	vpush v38, $0xF;
	_ =	sdelay $0xd  }
0x144: {  	s13 =	spop (v2sf)  }
0x145: {  	s6 =	smul.f32 $7.812500000e-03, s13;
	s14 =	spop (v2sf)  }
0x146: {  	s13 =	smul.f32 $7.812500000e-03, s14  }
0x147: {  	s15 =	smul.f32 s6, s6;
	_ =	sdelay $0x1  }
0x148: {  	s13 =	ssub.f32 s13, s15;
	_ =	sdelay $0x1  }
0x149: {  	s13 =	sadd.f32 $1.000000050e-03, s13;
	_ =	sdelay $0x1  }
0x14a: {  	s15 =	sshra.s32 s13, $0x1;
	s13 =	smul.f32 $5.000000000e-01, s13  }
0x14b: {  	s14 =	ssub.s32 $0x5F3759DF, s15  }
0x14c: {  	s15 =	smul.f32 s14, s13;
	_ =	sdelay $0x1  }
0x14d: {  	s15 =	smul.f32 s14, s15;
	_ =	sdelay $0x1  }
0x14e: {  	s15 =	ssub.f32 $1.500000000e+00, s15;
	_ =	sdelay $0x1  }
0x14f: {  	s14 =	smul.f32 s14, s15;
	_ =	sdelay $0x1  }
0x150: {  	s15 =	smul.f32 s14, s13;
	_ =	sdelay $0x1  }
0x151: {  	s15 =	smul.f32 s15, s14;
	_ =	sdelay $0x1  }
0x152: {  	s15 =	ssub.f32 $1.500000000e+00, s15;
	_ =	sdelay $0x1  }
0x153: {  	s14 =	smul.f32 s15, s14;
	_ =	sdelay $0x1  }
0x154: {  	s13 =	smul.f32 s14, s13;
	_ =	sdelay $0x1  }
0x155: {  	s13 =	smul.f32 s13, s14;
	_ =	sdelay $0x1  }
0x156: {  	s13 =	ssub.f32 $1.500000000e+00, s13;
	_ =	sdelay $0x1  }
0x157: {  	(v2sf) =	vpush v16, $0x4;
	s6 =	ssub.f32 $0.0e+00, s6;
	s13 =	smul.f32 s13, s14  }
0x158: {  	_ = 	snop  }
0x159: {  	s6 =	smul.f32 s13, s6;
	v17 =	vmul.f32 s13, v17  }
0x15a: {  	v18 =	vmul.f32 s13, v18  }
0x15b: {  	v22 =	vmul.f32 s13, v22;
	v39 =	vmul.f32 s13, v25;
	v17 =	vadd.f32 s6, v17  }
0x15c: {  	v20 =	vmul.f32 s13, v20;
	v19 =	vmul.f32 s13, v19;
	v18 =	vadd.f32 s6, v18  }
0x15d: {  	v40 =	vmul.f32 s13, v26;
	v23 =	vadd.f32 s6, v39;
	v17 =	vmul.f32 v17, v0  }
0x15e: {  	v21 =	vmul.f32 s13, v21;
	v22 =	vadd.f32 s6, v22;
	v18 =	vmul.f32 v18, v1  }
0x15f: {  	v19 =	vadd.f32 s6, v19;
	v23 =	vmul.f32 v23, v3;
	v17 =	vadd.f32 v17, v8  }
0x160: {  	v20 =	vadd.f32 s6, v20;
	v22 =	vmul.f32 v22, v2;
	v18 =	vadd.f32 v18, v9  }
0x161: {  	v48 =	vld [tilespmem:s5+$0x14C90];
	v21 =	vadd.f32 s6, v21;
	v19 =	vmul.f32 v19, v5;
	v42 =	vadd.f32 v23, v11;
	[tilespmem:s5+$0x18C00] =	vst v17  }
0x162: {  	v51 =	vld [tilespmem:s5+$0x14CA0];
	v41 =	vadd.f32 s6, v40;
	v20 =	vmul.f32 v20, v4;
	v17 =	vadd.f32 v22, v10;
	[tilespmem:s5+$0x18C10] =	vst v18  }
0x163: {  	v57 =	vld [tilespmem:s5+$0x14CC0];
	v45 =	vmul.f32 v21, v7;
	v44 =	vadd.f32 v19, v13;
	[tilespmem:s5+$0x18C30] =	vst v42  }
0x164: {  	v54 =	vld [tilespmem:s5+$0x14CB0];
	v43 =	vmul.f32 v41, v6;
	[tilespmem:s5+$0x18C20] =	vst v17;
	v17 =	vadd.f32 v20, v12  }
0x165: {  	v61 =	vld [tilespmem:s5+$0x14CD0];
	v46 =	vadd.f32 v45, v15;
	[tilespmem:s5+$0x18C50] =	vst v44  }
0x166: {  	s14 =	spop (v2sf);
	v39 =	vld [tilespmem:s5+$0x14CE0];
	[tilespmem:s5+$0x18C40] =	vst v17;
	v17 =	vadd.f32 v43, v14  }
0x167: {  	s15 =	sshrl.u32 s14, $0xA;
	[tilespmem:s5+$0x18C70] =	vst v46;
	v44 =	vld [tilespmem:s5+$0x14CF0]  }
0x168: {  	s13 =	sand.u32 $0xFF80, s15;
	s6 =	sshrl.u32 s14, $0x13;
	[tilespmem:s5+$0x18C60] =	vst v17;
	v17 =	vld [tilespmem:s5+$0x14C80]  }
0x169: {  	s6 =	sand.u32 $0x1F80, s6;
	v18 =	vld [tilespmem:s13+$0x0]  }
0x16a: {  	v47 =	vld [tilespmem:s6+$0x10000]  }
0x16b: {  	v49 =	vld [tilespmem:s13+$0x10]  }
0x16c: {  	v52 =	vld [tilespmem:s13+$0x20]  }
0x16d: {  	v50 =	vld [tilespmem:s6+$0x10010]  }
0x16e: {  	v55 =	vld [tilespmem:s13+$0x30]  }
0x16f: {  	v53 =	vld [tilespmem:s6+$0x10020]  }
0x170: {  	v59 =	vld [tilespmem:s13+$0x40];
	v17 =	vadd.f32 v18, v17;
	v58 =	vadd.f32 v49, v48  }
0x171: {  	v56 =	vld [tilespmem:s6+$0x10030];
	v62 =	vadd.f32 v52, v51  }
0x172: {  	v63 =	vld [tilespmem:s13+$0x50];
	v17 =	vadd.f32 v47, v17;
	v18 =	vadd.f32 v50, v58  }
0x173: {  	v60 =	vld [tilespmem:s6+$0x10040];
	v38 =	vadd.f32 v55, v54  }
0x174: {  	v41 =	vld [tilespmem:s13+$0x60];
	v22 =	vadd.f32 v53, v62;
	v35 =	vmul.f32 v17, v17;
	v36 =	vmul.f32 v18, v18  }
0x175: {  	v37 =	vld [tilespmem:s6+$0x10050];
	v20 =	vadd.f32 v59, v57;
	v40 =	vadd.f32 v18, v17  }
0x176: {  	v46 =	vld [tilespmem:s13+$0x70];
	v25 =	vadd.f32 v56, v38;
	v42 =	vmul.f32 v22, v22;
	v24 =	vadd.f32 v36, v35  }
0x177: {  	v43 =	vld [tilespmem:s6+$0x10060];
	v19 =	vadd.f32 v63, v61;
	v27 =	vadd.f32 v22, v40  }
0x178: {  	v20 =	vadd.f32 v60, v20;
	v45 =	vmul.f32 v25, v25;
	v24 =	vadd.f32 v42, v24  }
0x179: {  	v49 =	vld [tilespmem:s6+$0x10070];
	v26 =	vadd.f32 v41, v39;
	v47 =	vadd.f32 v25, v27  }
0x17a: {  	v19 =	vadd.f32 v37, v19;
	v48 =	vmul.f32 v20, v20;
	v24 =	vadd.f32 v45, v24  }
0x17b: {  	v21 =	vadd.f32 v46, v44;
	v23 =	vadd.f32 v20, v47  }
0x17c: {  	v26 =	vadd.f32 v43, v26;
	v50 =	vmul.f32 v19, v19;
	v24 =	vadd.f32 v48, v24  }
0x17d: {  	v23 =	vadd.f32 v19, v23  }
0x17e: {  	v51 =	vmul.f32 v26, v26;
	v21 =	vadd.f32 v49, v21;
	v24 =	vadd.f32 v50, v24  }
0x17f: {  	v23 =	vadd.f32 v26, v23  }
0x180: {  	v52 =	vmul.f32 v21, v21;
	v24 =	vadd.f32 v51, v24  }
0x181: {  	v23 =	vadd.f32 v21, v23  }
0x182: {  	v24 =	vadd.f32 v52, v24  }
0x183: {  	(xrf2) =	vadd.scan.msk.f32 $0xffff, v23  }
0x184: {  	(xrf2) =	vadd.scan.msk.f32 $0xffff, v24;
	_ =	sdelay $0x8  }
0x185: {  	v23, _, _ =	vpop (xrf2)  }
0x186: {  	(v2sf) =	vpush v23, $0xF;
	v53, _, _ =	vpop (xrf2)  }
0x187: {  	(v2sf) =	vpush v53, $0xF;
	_ =	sdelay $0xd  }
0x188: {  	s13 =	spop (v2sf)  }
0x189: {  	s6 =	smul.f32 $7.812500000e-03, s13;
	s14 =	spop (v2sf)  }
0x18a: {  	s13 =	smul.f32 $7.812500000e-03, s14  }
0x18b: {  	s15 =	smul.f32 s6, s6;
	_ =	sdelay $0x1  }
0x18c: {  	s13 =	ssub.f32 s13, s15;
	_ =	sdelay $0x1  }
0x18d: {  	s13 =	sadd.f32 $1.000000050e-03, s13;
	_ =	sdelay $0x1  }
0x18e: {  	s15 =	sshra.s32 s13, $0x1;
	s13 =	smul.f32 $5.000000000e-01, s13  }
0x18f: {  	s14 =	ssub.s32 $0x5F3759DF, s15  }
0x190: {  	s15 =	smul.f32 s14, s13;
	_ =	sdelay $0x1  }
0x191: {  	s15 =	smul.f32 s14, s15;
	_ =	sdelay $0x1  }
0x192: {  	s15 =	ssub.f32 $1.500000000e+00, s15;
	_ =	sdelay $0x1  }
0x193: {  	s14 =	smul.f32 s14, s15;
	_ =	sdelay $0x1  }
0x194: {  	s15 =	smul.f32 s14, s13;
	_ =	sdelay $0x1  }
0x195: {  	s15 =	smul.f32 s15, s14;
	_ =	sdelay $0x1  }
0x196: {  	s15 =	ssub.f32 $1.500000000e+00, s15;
	_ =	sdelay $0x1  }
0x197: {  	s14 =	smul.f32 s15, s14;
	_ =	sdelay $0x1  }
0x198: {  	s13 =	smul.f32 s14, s13;
	_ =	sdelay $0x1  }
0x199: {  	s13 =	smul.f32 s13, s14;
	_ =	sdelay $0x1  }
0x19a: {  	s13 =	ssub.f32 $1.500000000e+00, s13;
	_ =	sdelay $0x1  }
0x19b: {  	(v2sf) =	vpush v16, $0x5;
	s6 =	ssub.f32 $0.0e+00, s6;
	s13 =	smul.f32 s13, s14  }
0x19c: {  	_ = 	snop  }
0x19d: {  	s6 =	smul.f32 s13, s6;
	v17 =	vmul.f32 s13, v17  }
0x19e: {  	v18 =	vmul.f32 s13, v18  }
0x19f: {  	v22 =	vmul.f32 s13, v22;
	v54 =	vmul.f32 s13, v25;
	v17 =	vadd.f32 s6, v17  }
0x1a0: {  	v20 =	vmul.f32 s13, v20;
	v19 =	vmul.f32 s13, v19;
	v18 =	vadd.f32 s6, v18  }
0x1a1: {  	v55 =	vmul.f32 s13, v26;
	v23 =	vadd.f32 s6, v54;
	v17 =	vmul.f32 v17, v0  }
0x1a2: {  	v21 =	vmul.f32 s13, v21;
	v22 =	vadd.f32 s6, v22;
	v18 =	vmul.f32 v18, v1  }
0x1a3: {  	v19 =	vadd.f32 s6, v19;
	v23 =	vmul.f32 v23, v3;
	v17 =	vadd.f32 v17, v8  }
0x1a4: {  	v20 =	vadd.f32 s6, v20;
	v22 =	vmul.f32 v22, v2;
	v18 =	vadd.f32 v18, v9  }
0x1a5: {  	v34 =	vld [tilespmem:s5+$0x14D20];
	v21 =	vadd.f32 s6, v21;
	v19 =	vmul.f32 v19, v5;
	v57 =	vadd.f32 v23, v11;
	[tilespmem:s5+$0x18C80] =	vst v17  }
0x1a6: {  	v63 =	vld [tilespmem:s5+$0x14D10];
	v56 =	vadd.f32 s6, v55;
	v20 =	vmul.f32 v20, v4;
	v17 =	vadd.f32 v22, v10;
	[tilespmem:s5+$0x18C90] =	vst v18  }
0x1a7: {  	v44 =	vld [tilespmem:s5+$0x14D50];
	v60 =	vmul.f32 v21, v7;
	v59 =	vadd.f32 v19, v13;
	[tilespmem:s5+$0x18CB0] =	vst v57  }
0x1a8: {  	v37 =	vld [tilespmem:s5+$0x14D30];
	v58 =	vmul.f32 v56, v6;
	[tilespmem:s5+$0x18CA0] =	vst v17;
	v17 =	vadd.f32 v20, v12  }
0x1a9: {  	v40 =	vld [tilespmem:s5+$0x14D40];
	v61 =	vadd.f32 v60, v15;
	[tilespmem:s5+$0x18CD0] =	vst v59  }
0x1aa: {  	v51 =	vld [tilespmem:s5+$0x14D60];
	s14 =	spop (v2sf);
	[tilespmem:s5+$0x18CC0] =	vst v17;
	v17 =	vadd.f32 v58, v14  }
0x1ab: {  	s15 =	sshrl.u32 s14, $0xA;
	v56 =	vld [tilespmem:s5+$0x14D70];
	[tilespmem:s5+$0x18CF0] =	vst v61  }
0x1ac: {  	s13 =	sand.u32 $0xFF80, s15;
	s6 =	sshrl.u32 s14, $0x13;
	[tilespmem:s5+$0x18CE0] =	vst v17;
	v17 =	vld [tilespmem:s5+$0x14D00]  }
0x1ad: {  	s6 =	sand.u32 $0x1F80, s6;
	v18 =	vld [tilespmem:s13+$0x0]  }
0x1ae: {  	v62 =	vld [tilespmem:s6+$0x10000]  }
0x1af: {  	v32 =	vld [tilespmem:s13+$0x10]  }
0x1b0: {  	v35 =	vld [tilespmem:s13+$0x20]  }
0x1b1: {  	v33 =	vld [tilespmem:s6+$0x10010]  }
0x1b2: {  	v38 =	vld [tilespmem:s13+$0x30]  }
0x1b3: {  	v36 =	vld [tilespmem:s6+$0x10020]  }
0x1b4: {  	v42 =	vld [tilespmem:s13+$0x40];
	v17 =	vadd.f32 v18, v17;
	v41 =	vadd.f32 v32, v63  }
0x1b5: {  	v39 =	vld [tilespmem:s6+$0x10030];
	v45 =	vadd.f32 v35, v34  }
0x1b6: {  	v46 =	vld [tilespmem:s13+$0x50];
	v17 =	vadd.f32 v62, v17;
	v18 =	vadd.f32 v33, v41  }
0x1b7: {  	v43 =	vld [tilespmem:s6+$0x10040];
	v50 =	vadd.f32 v38, v37  }
0x1b8: {  	v53 =	vld [tilespmem:s13+$0x60];
	v22 =	vadd.f32 v36, v45;
	v47 =	vmul.f32 v17, v17;
	v48 =	vmul.f32 v18, v18  }
0x1b9: {  	v49 =	vld [tilespmem:s6+$0x10050];
	v20 =	vadd.f32 v42, v40;
	v52 =	vadd.f32 v18, v17  }
0x1ba: {  	v58 =	vld [tilespmem:s13+$0x70];
	v25 =	vadd.f32 v39, v50;
	v54 =	vmul.f32 v22, v22;
	v24 =	vadd.f32 v48, v47  }
0x1bb: {  	v55 =	vld [tilespmem:s6+$0x10060];
	v19 =	vadd.f32 v46, v44;
	v27 =	vadd.f32 v22, v52  }
0x1bc: {  	v20 =	vadd.f32 v43, v20;
	v57 =	vmul.f32 v25, v25;
	v24 =	vadd.f32 v54, v24  }
0x1bd: {  	v61 =	vld [tilespmem:s6+$0x10070];
	v26 =	vadd.f32 v53, v51;
	v59 =	vadd.f32 v25, v27  }
0x1be: {  	v19 =	vadd.f32 v49, v19;
	v60 =	vmul.f32 v20, v20;
	v24 =	vadd.f32 v57, v24  }
0x1bf: {  	v21 =	vadd.f32 v58, v56;
	v23 =	vadd.f32 v20, v59  }
0x1c0: {  	v26 =	vadd.f32 v55, v26;
	v62 =	vmul.f32 v19, v19;
	v24 =	vadd.f32 v60, v24  }
0x1c1: {  	v23 =	vadd.f32 v19, v23  }
0x1c2: {  	v21 =	vadd.f32 v61, v21;
	v63 =	vmul.f32 v26, v26;
	v24 =	vadd.f32 v62, v24  }
0x1c3: {  	v23 =	vadd.f32 v26, v23  }
0x1c4: {  	v30 =	vmul.f32 v21, v21;
	v24 =	vadd.f32 v63, v24  }
0x1c5: {  	v23 =	vadd.f32 v21, v23  }
0x1c6: {  	v24 =	vadd.f32 v30, v24  }
0x1c7: {  	(xrf2) =	vadd.scan.msk.f32 $0xffff, v23  }
0x1c8: {  	(xrf2) =	vadd.scan.msk.f32 $0xffff, v24;
	_ =	sdelay $0x8  }
0x1c9: {  	v23, _, _ =	vpop (xrf2)  }
0x1ca: {  	(v2sf) =	vpush v23, $0xF;
	v31, _, _ =	vpop (xrf2)  }
0x1cb: {  	(v2sf) =	vpush v31, $0xF;
	_ =	sdelay $0xd  }
0x1cc: {  	s13 =	spop (v2sf)  }
0x1cd: {  	s6 =	smul.f32 $7.812500000e-03, s13;
	s14 =	spop (v2sf)  }
0x1ce: {  	s13 =	smul.f32 $7.812500000e-03, s14  }
0x1cf: {  	s15 =	smul.f32 s6, s6;
	_ =	sdelay $0x1  }
0x1d0: {  	s13 =	ssub.f32 s13, s15;
	_ =	sdelay $0x1  }
0x1d1: {  	s13 =	sadd.f32 $1.000000050e-03, s13;
	_ =	sdelay $0x1  }
0x1d2: {  	s15 =	sshra.s32 s13, $0x1;
	s13 =	smul.f32 $5.000000000e-01, s13  }
0x1d3: {  	s14 =	ssub.s32 $0x5F3759DF, s15  }
0x1d4: {  	s15 =	smul.f32 s14, s13;
	_ =	sdelay $0x1  }
0x1d5: {  	s15 =	smul.f32 s14, s15;
	_ =	sdelay $0x1  }
0x1d6: {  	s15 =	ssub.f32 $1.500000000e+00, s15;
	_ =	sdelay $0x1  }
0x1d7: {  	s14 =	smul.f32 s14, s15;
	_ =	sdelay $0x1  }
0x1d8: {  	s15 =	smul.f32 s14, s13;
	_ =	sdelay $0x1  }
0x1d9: {  	s15 =	smul.f32 s15, s14;
	_ =	sdelay $0x1  }
0x1da: {  	s15 =	ssub.f32 $1.500000000e+00, s15;
	_ =	sdelay $0x1  }
0x1db: {  	s14 =	smul.f32 s15, s14;
	_ =	sdelay $0x1  }
0x1dc: {  	s13 =	smul.f32 s14, s13;
	_ =	sdelay $0x1  }
0x1dd: {  	s13 =	smul.f32 s13, s14;
	_ =	sdelay $0x1  }
0x1de: {  	s13 =	ssub.f32 $1.500000000e+00, s13;
	_ =	sdelay $0x1  }
0x1df: {  	(v2sf) =	vpush v16, $0x6;
	s6 =	ssub.f32 $0.0e+00, s6;
	s13 =	smul.f32 s13, s14  }
0x1e0: {  	_ = 	snop  }
0x1e1: {  	s6 =	smul.f32 s13, s6;
	v17 =	vmul.f32 s13, v17  }
0x1e2: {  	v18 =	vmul.f32 s13, v18  }
0x1e3: {  	v22 =	vmul.f32 s13, v22;
	v32 =	vmul.f32 s13, v25;
	v17 =	vadd.f32 s6, v17  }
0x1e4: {  	v20 =	vmul.f32 s13, v20;
	v19 =	vmul.f32 s13, v19;
	v18 =	vadd.f32 s6, v18  }
0x1e5: {  	v33 =	vmul.f32 s13, v26;
	v23 =	vadd.f32 s6, v32;
	v17 =	vmul.f32 v17, v0  }
0x1e6: {  	v21 =	vmul.f32 s13, v21;
	v22 =	vadd.f32 s6, v22;
	v18 =	vmul.f32 v18, v1  }
0x1e7: {  	v19 =	vadd.f32 s6, v19;
	v23 =	vmul.f32 v23, v3;
	v17 =	vadd.f32 v17, v8  }
0x1e8: {  	v20 =	vadd.f32 s6, v20;
	v22 =	vmul.f32 v22, v2;
	v18 =	vadd.f32 v18, v9  }
0x1e9: {  	v44 =	vld [tilespmem:s5+$0x14DA0];
	v21 =	vadd.f32 s6, v21;
	v19 =	vmul.f32 v19, v5;
	v35 =	vadd.f32 v23, v11;
	[tilespmem:s5+$0x18D00] =	vst v17  }
0x1ea: {  	v41 =	vld [tilespmem:s5+$0x14D90];
	v34 =	vadd.f32 s6, v33;
	v20 =	vmul.f32 v20, v4;
	v17 =	vadd.f32 v22, v10;
	[tilespmem:s5+$0x18D10] =	vst v18  }
0x1eb: {  	v50 =	vld [tilespmem:s5+$0x14DC0];
	v38 =	vmul.f32 v21, v7;
	v37 =	vadd.f32 v19, v13;
	[tilespmem:s5+$0x18D30] =	vst v35  }
0x1ec: {  	v61 =	vld [tilespmem:s5+$0x14DE0];
	v36 =	vmul.f32 v34, v6;
	[tilespmem:s5+$0x18D20] =	vst v17;
	v17 =	vadd.f32 v20, v12  }
0x1ed: {  	v47 =	vld [tilespmem:s5+$0x14DB0];
	v39 =	vadd.f32 v38, v15;
	[tilespmem:s5+$0x18D50] =	vst v37  }
0x1ee: {  	v54 =	vld [tilespmem:s5+$0x14DD0];
	s14 =	spop (v2sf);
	[tilespmem:s5+$0x18D40] =	vst v17;
	v17 =	vadd.f32 v36, v14  }
0x1ef: {  	s15 =	sshrl.u32 s14, $0xA;
	v38 =	vld [tilespmem:s5+$0x14DF0];
	[tilespmem:s5+$0x18D70] =	vst v39  }
0x1f0: {  	s13 =	sand.u32 $0xFF80, s15;
	s6 =	sshrl.u32 s14, $0x13;
	[tilespmem:s5+$0x18D60] =	vst v17;
	v17 =	vld [tilespmem:s5+$0x14D80]  }
0x1f1: {  	s6 =	sand.u32 $0x1F80, s6;
	v18 =	vld [tilespmem:s13+$0x0]  }
0x1f2: {  	v40 =	vld [tilespmem:s6+$0x10000]  }
0x1f3: {  	v42 =	vld [tilespmem:s13+$0x10]  }
0x1f4: {  	v45 =	vld [tilespmem:s13+$0x20]  }
0x1f5: {  	v43 =	vld [tilespmem:s6+$0x10010]  }
0x1f6: {  	v48 =	vld [tilespmem:s13+$0x30]  }
0x1f7: {  	v46 =	vld [tilespmem:s6+$0x10020]  }
0x1f8: {  	v52 =	vld [tilespmem:s13+$0x40];
	v17 =	vadd.f32 v18, v17;
	v51 =	vadd.f32 v42, v41  }
0x1f9: {  	v49 =	vld [tilespmem:s6+$0x10030];
	v55 =	vadd.f32 v45, v44  }
0x1fa: {  	v56 =	vld [tilespmem:s13+$0x50];
	v17 =	vadd.f32 v40, v17;
	v18 =	vadd.f32 v43, v51  }
0x1fb: {  	v53 =	vld [tilespmem:s6+$0x10040];
	v60 =	vadd.f32 v48, v47  }
0x1fc: {  	v63 =	vld [tilespmem:s13+$0x60];
	v22 =	vadd.f32 v46, v55;
	v57 =	vmul.f32 v17, v17;
	v58 =	vmul.f32 v18, v18  }
0x1fd: {  	v59 =	vld [tilespmem:s6+$0x10050];
	v20 =	vadd.f32 v52, v50;
	v62 =	vadd.f32 v18, v17  }
0x1fe: {  	v37 =	vld [tilespmem:s6+$0x10060];
	v25 =	vadd.f32 v49, v60;
	v36 =	vmul.f32 v22, v22;
	v24 =	vadd.f32 v58, v57  }
0x1ff: {  	v19 =	vadd.f32 v56, v54;
	v40 =	vld [tilespmem:s13+$0x70];
	v27 =	vadd.f32 v22, v62  }
0x200: {  	v20 =	vadd.f32 v53, v20;
	v39 =	vmul.f32 v25, v25;
	v24 =	vadd.f32 v36, v24  }
0x201: {  	v26 =	vadd.f32 v63, v61;
	v43 =	vld [tilespmem:s6+$0x10070];
	v41 =	vadd.f32 v25, v27  }
0x202: {  	v19 =	vadd.f32 v59, v19;
	v42 =	vmul.f32 v20, v20;
	v24 =	vadd.f32 v39, v24  }
0x203: {  	v26 =	vadd.f32 v37, v26;
	v23 =	vadd.f32 v20, v41  }
0x204: {  	v44 =	vmul.f32 v19, v19;
	v21 =	vadd.f32 v40, v38;
	v24 =	vadd.f32 v42, v24  }
0x205: {  	v23 =	vadd.f32 v19, v23  }
0x206: {  	v45 =	vmul.f32 v26, v26;
	v21 =	vadd.f32 v43, v21;
	v24 =	vadd.f32 v44, v24  }
0x207: {  	v23 =	vadd.f32 v26, v23  }
0x208: {  	v46 =	vmul.f32 v21, v21;
	v24 =	vadd.f32 v45, v24  }
0x209: {  	v23 =	vadd.f32 v21, v23  }
0x20a: {  	v24 =	vadd.f32 v46, v24  }
0x20b: {  	(xrf2) =	vadd.scan.msk.f32 $0xffff, v23  }
0x20c: {  	(xrf2) =	vadd.scan.msk.f32 $0xffff, v24;
	_ =	sdelay $0x8  }
0x20d: {  	v23, _, _ =	vpop (xrf2)  }
0x20e: {  	(v2sf) =	vpush v23, $0xF;
	v47, _, _ =	vpop (xrf2)  }
0x20f: {  	(v2sf) =	vpush v47, $0xF;
	_ =	sdelay $0xd  }
0x210: {  	s13 =	spop (v2sf)  }
0x211: {  	s6 =	smul.f32 $7.812500000e-03, s13;
	s14 =	spop (v2sf)  }
0x212: {  	s13 =	smul.f32 $7.812500000e-03, s14  }
0x213: {  	s15 =	smul.f32 s6, s6;
	_ =	sdelay $0x1  }
0x214: {  	s13 =	ssub.f32 s13, s15;
	_ =	sdelay $0x1  }
0x215: {  	s13 =	sadd.f32 $1.000000050e-03, s13;
	_ =	sdelay $0x1  }
0x216: {  	s15 =	sshra.s32 s13, $0x1;
	s13 =	smul.f32 $5.000000000e-01, s13  }
0x217: {  	s14 =	ssub.s32 $0x5F3759DF, s15  }
0x218: {  	s15 =	smul.f32 s14, s13;
	_ =	sdelay $0x1  }
0x219: {  	s15 =	smul.f32 s14, s15;
	_ =	sdelay $0x1  }
0x21a: {  	s15 =	ssub.f32 $1.500000000e+00, s15;
	_ =	sdelay $0x1  }
0x21b: {  	s14 =	smul.f32 s14, s15;
	_ =	sdelay $0x1  }
0x21c: {  	s15 =	smul.f32 s14, s13;
	_ =	sdelay $0x1  }
0x21d: {  	s15 =	smul.f32 s15, s14;
	_ =	sdelay $0x1  }
0x21e: {  	s15 =	ssub.f32 $1.500000000e+00, s15;
	_ =	sdelay $0x1  }
0x21f: {  	s14 =	smul.f32 s15, s14;
	_ =	sdelay $0x1  }
0x220: {  	s13 =	smul.f32 s14, s13;
	_ =	sdelay $0x1  }
0x221: {  	s13 =	smul.f32 s13, s14;
	_ =	sdelay $0x1  }
0x222: {  	s13 =	ssub.f32 $1.500000000e+00, s13;
	_ =	sdelay $0x1  }
0x223: {  	(v2sf) =	vpush v16, $0x7;
	s6 =	ssub.f32 $0.0e+00, s6;
	s13 =	smul.f32 s13, s14  }
0x224: {  	_ = 	snop  }
0x225: {  	s6 =	smul.f32 s13, s6;
	v17 =	vmul.f32 s13, v17  }
0x226: {  	v16 =	vmul.f32 s13, v18  }
0x227: {  	v48 =	vmul.f32 s13, v22;
	v49 =	vmul.f32 s13, v25;
	v17 =	vadd.f32 s6, v17  }
0x228: {  	v20 =	vmul.f32 s13, v20;
	v19 =	vmul.f32 s13, v19;
	v16 =	vadd.f32 s6, v16  }
0x229: {  	v50 =	vmul.f32 s13, v26;
	v18 =	vadd.f32 s6, v48;
	v17 =	vmul.f32 v17, v0  }
0x22a: {  	v21 =	vmul.f32 s13, v21;
	v22 =	vadd.f32 s6, v49;
	v16 =	vmul.f32 v16, v1  }
0x22b: {  	v20 =	vadd.f32 s6, v20;
	v18 =	vmul.f32 v18, v2;
	v17 =	vadd.f32 v17, v8  }
0x22c: {  	v19 =	vadd.f32 s6, v19;
	v22 =	vmul.f32 v22, v3;
	v16 =	vadd.f32 v16, v9  }
0x22d: {  	v34 =	vld [tilespmem:s5+$0x14E40];
	v52 =	vadd.f32 s6, v50;
	v51 =	vmul.f32 v20, v4;
	[tilespmem:s5+$0x18D80] =	vst v17;
	v17 =	vadd.f32 v18, v10  }
0x22e: {  	v56 =	vld [tilespmem:s5+$0x14E10];
	v21 =	vadd.f32 s6, v21;
	v19 =	vmul.f32 v19, v5;
	[tilespmem:s5+$0x18D90] =	vst v16;
	v16 =	vadd.f32 v22, v11  }
0x22f: {  	v59 =	vld [tilespmem:s5+$0x14E20];
	v53 =	vmul.f32 v52, v6;
	[tilespmem:s5+$0x18DA0] =	vst v17;
	v17 =	vadd.f32 v51, v12  }
0x230: {  	v37 =	vld [tilespmem:s5+$0x14E50];
	v54 =	vmul.f32 v21, v7;
	[tilespmem:s5+$0x18DB0] =	vst v16;
	v16 =	vadd.f32 v19, v13  }
0x231: {  	v62 =	vld [tilespmem:s5+$0x14E30];
	[tilespmem:s5+$0x18DC0] =	vst v17;
	v17 =	vadd.f32 v53, v14  }
0x232: {  	v44 =	vld [tilespmem:s5+$0x14E60];
	s14 =	spop (v2sf);
	[tilespmem:s5+$0x18DD0] =	vst v16;
	v16 =	vadd.f32 v54, v15  }
0x233: {  	s15 =	sshrl.u32 s14, $0xA;
	v49 =	vld [tilespmem:s5+$0x14E70];
	[tilespmem:s5+$0x18DE0] =	vst v17  }
0x234: {  	s13 =	sand.u32 $0xFF80, s15;
	s6 =	sshrl.u32 s14, $0x13;
	[tilespmem:s5+$0x18DF0] =	vst v16;
	v16 =	vld [tilespmem:s5+$0x14E00]  }
0x235: {  	s6 =	sand.u32 $0x1F80, s6;
	v17 =	vld [tilespmem:s13+$0x0]  }
0x236: {  	v55 =	vld [tilespmem:s6+$0x10000]  }
0x237: {  	v57 =	vld [tilespmem:s13+$0x10]  }
0x238: {  	v60 =	vld [tilespmem:s13+$0x20]  }
0x239: {  	v58 =	vld [tilespmem:s6+$0x10010]  }
0x23a: {  	v63 =	vld [tilespmem:s13+$0x30]  }
0x23b: {  	v61 =	vld [tilespmem:s6+$0x10020]  }
0x23c: {  	v35 =	vld [tilespmem:s13+$0x40];
	v16 =	vadd.f32 v17, v16;
	v17 =	vadd.f32 v57, v56  }
0x23d: {  	v33 =	vld [tilespmem:s6+$0x10030];
	v38 =	vadd.f32 v60, v59  }
0x23e: {  	v39 =	vld [tilespmem:s13+$0x50];
	v16 =	vadd.f32 v55, v16;
	v17 =	vadd.f32 v58, v17  }
0x23f: {  	v36 =	vld [tilespmem:s6+$0x10040];
	v43 =	vadd.f32 v63, v62  }
0x240: {  	v46 =	vld [tilespmem:s13+$0x60];
	v21 =	vadd.f32 v61, v38;
	v40 =	vmul.f32 v16, v16;
	v41 =	vmul.f32 v17, v17  }
0x241: {  	v42 =	vld [tilespmem:s6+$0x10050];
	v19 =	vadd.f32 v35, v34;
	v45 =	vadd.f32 v17, v16  }
0x242: {  	v51 =	vld [tilespmem:s13+$0x70];
	v24 =	vadd.f32 v33, v43;
	v47 =	vmul.f32 v21, v21;
	v23 =	vadd.f32 v41, v40  }
0x243: {  	v48 =	vld [tilespmem:s6+$0x10060];
	v18 =	vadd.f32 v39, v37;
	v26 =	vadd.f32 v21, v45  }
0x244: {  	v19 =	vadd.f32 v36, v19;
	v50 =	vmul.f32 v24, v24;
	v23 =	vadd.f32 v47, v23  }
0x245: {  	v54 =	vld [tilespmem:s6+$0x10070];
	v25 =	vadd.f32 v46, v44;
	v52 =	vadd.f32 v24, v26  }
0x246: {  	v18 =	vadd.f32 v42, v18;
	v53 =	vmul.f32 v19, v19;
	v23 =	vadd.f32 v50, v23  }
0x247: {  	v20 =	vadd.f32 v51, v49;
	v22 =	vadd.f32 v19, v52  }
0x248: {  	v25 =	vadd.f32 v48, v25;
	v55 =	vmul.f32 v18, v18;
	v23 =	vadd.f32 v53, v23  }
0x249: {  	v22 =	vadd.f32 v18, v22  }
0x24a: {  	v20 =	vadd.f32 v54, v20;
	v56 =	vmul.f32 v25, v25;
	v23 =	vadd.f32 v55, v23  }
0x24b: {  	v22 =	vadd.f32 v25, v22  }
0x24c: {  	v57 =	vmul.f32 v20, v20;
	v23 =	vadd.f32 v56, v23  }
0x24d: {  	v22 =	vadd.f32 v20, v22  }
0x24e: {  	v23 =	vadd.f32 v57, v23  }
0x24f: {  	(xrf2) =	vadd.scan.msk.f32 $0xffff, v22  }
0x250: {  	(xrf2) =	vadd.scan.msk.f32 $0xffff, v23;
	_ =	sdelay $0x8  }
0x251: {  	v22, _, _ =	vpop (xrf2)  }
0x252: {  	(v2sf) =	vpush v22, $0xF;
	v58, _, _ =	vpop (xrf2)  }
0x253: {  	(v2sf) =	vpush v58, $0xF;
	_ =	sdelay $0xd  }
0x254: {  	s13 =	spop (v2sf)  }
0x255: {  	s6 =	smul.f32 $7.812500000e-03, s13;
	s14 =	spop (v2sf)  }
0x256: {  	s13 =	smul.f32 $7.812500000e-03, s14  }
0x257: {  	s15 =	smul.f32 s6, s6;
	_ =	sdelay $0x1  }
0x258: {  	s13 =	ssub.f32 s13, s15;
	_ =	sdelay $0x1  }
0x259: {  	s13 =	sadd.f32 $1.000000050e-03, s13;
	_ =	sdelay $0x1  }
0x25a: {  	s15 =	sshra.s32 s13, $0x1;
	s13 =	smul.f32 $5.000000000e-01, s13  }
0x25b: {  	s14 =	ssub.s32 $0x5F3759DF, s15  }
0x25c: {  	s15 =	smul.f32 s14, s13;
	_ =	sdelay $0x1  }
0x25d: {  	s15 =	smul.f32 s14, s15;
	_ =	sdelay $0x1  }
0x25e: {  	s15 =	ssub.f32 $1.500000000e+00, s15;
	_ =	sdelay $0x1  }
0x25f: {  	s14 =	smul.f32 s14, s15;
	_ =	sdelay $0x1  }
0x260: {  	s15 =	smul.f32 s14, s13;
	_ =	sdelay $0x1  }
0x261: {  	s15 =	smul.f32 s15, s14;
	_ =	sdelay $0x1  }
0x262: {  	s15 =	ssub.f32 $1.500000000e+00, s15;
	_ =	sdelay $0x1  }
0x263: {  	s14 =	smul.f32 s15, s14;
	_ =	sdelay $0x1  }
0x264: {  	s13 =	smul.f32 s14, s13;
	_ =	sdelay $0x1  }
0x265: {  	s13 =	smul.f32 s13, s14;
	_ =	sdelay $0x1  }
0x266: {  	s13 =	ssub.f32 $1.500000000e+00, s13;
	_ =	sdelay $0x1  }
0x267: {  	s6 =	ssub.f32 $0.0e+00, s6;
	s13 =	smul.f32 s13, s14  }
0x268: {  	_ = 	snop  }
0x269: {  	s6 =	smul.f32 s13, s6;
	v16 =	vmul.f32 s13, v16  }
0x26a: {  	v17 =	vmul.f32 s13, v17  }
0x26b: {  	v21 =	vmul.f32 s13, v21;
	v59 =	vmul.f32 s13, v24;
	v16 =	vadd.f32 s6, v16  }
0x26c: {  	v19 =	vmul.f32 s13, v19;
	v18 =	vmul.f32 s13, v18;
	v17 =	vadd.f32 s6, v17  }
0x26d: {  	v60 =	vmul.f32 s13, v25;
	v21 =	vadd.f32 s6, v21;
	v16 =	vmul.f32 v16, v0  }
0x26e: {  	v20 =	vmul.f32 s13, v20;
	v22 =	vadd.f32 s6, v59;
	v17 =	vmul.f32 v17, v1  }
0x26f: {  	v19 =	vadd.f32 s6, v19;
	v21 =	vmul.f32 v21, v2;
	v16 =	vadd.f32 v16, v8  }
0x270: {  	v18 =	vadd.f32 s6, v18;
	v22 =	vmul.f32 v22, v3;
	v17 =	vadd.f32 v17, v9  }
0x271: {  	v61 =	vadd.f32 s6, v60;
	v19 =	vmul.f32 v19, v4;
	[tilespmem:s5+$0x18E00] =	vst v16;
	v16 =	vadd.f32 v21, v10  }
0x272: {  	v20 =	vadd.f32 s6, v20;
	v18 =	vmul.f32 v18, v5;
	[tilespmem:s5+$0x18E10] =	vst v17;
	v17 =	vadd.f32 v22, v11  }
0x273: {  	p1 =	sne.s32 s1, $0x7000;
	v62 =	vmul.f32 v61, v6;
	[tilespmem:s5+$0x18E20] =	vst v16;
	v16 =	vadd.f32 v19, v12  }
.Ltmp0:
0x274: {  	v63 =	vmul.f32 v20, v7;
	[tilespmem:s5+$0x18E30] =	vst v17;
	v17 =	vadd.f32 v18, v13;
	(pc) =	sbr.rel @p1 .LBB2_3-.Ltmp0, $4  }
0x275: {  	[tilespmem:s5+$0x18E40] =	vst v16;
	v16 =	vadd.f32 v62, v14  }
0x276: {  	[tilespmem:s5+$0x18E50] =	vst v17;
	v17 =	vadd.f32 v63, v15  }
0x277: {  	[tilespmem:s5+$0x18E60] =	vst v16  }
0x278: {  	s29 =	sadd.s32 $0x8, s29;
	s1 =	sadd.s32 $0x1000, s1;
	[tilespmem:s5+$0x18E70] =	vst v17  }
0x279: {  	p1 =	sne.s32 s31, $0x7F  }
.Ltmp1:
0x27a: {  	_ = 	snop;
	(pc) =	sbr.rel @p1 .LBB2_6-.Ltmp1, $4  }
0x27b: {  	s1 =	sadd.s32 s9, s4  }
0x27c: {  	s1 =	sshll.u32 s1, $0x4  }
0x27d: {  	s1 =	sadd.s32 s7, s1  }
0x27e: {  	[hbm4b:s1+s8] =	stream.linear.scatter [tilespmem:s22], [sflag:$0x3], $0x2000, $0x38;
	[tilespmem:$0x1CA80] =	vst v63  }
.Ltmp2:
0x27f: {  	(pc) =	sbr.rel .LBB2_7-.Ltmp2, $4  }
0x280: {  	_ = 	snop  }
0x281: {  	_ =	swait.ge [sflag:s23], $0x2000  }
0x282: {  	[sflag:s23] =	ssyncset.done $0x0  }
0x283: {  	[sflag:s23] =	ssyncadd.s32 $0xFFFFE000  }
.LBB2_6:
0x284: {  	v16 =	vld [tilespmem:s4+$0x10980];
	_ =	sdelay $0x4  }
0x285: {  	v16 =	vand.u32 $0x1FFFF, v16  }
0x286: {  	[tilespmem:$0x14980] =	vst v16  }
0x287: {  	v16 =	vld [tilespmem:s4+$0x10990];
	_ =	sdelay $0x4  }
0x288: {  	v16 =	vand.u32 $0x1FFFF, v16  }
0x289: {  	[tilespmem:$0x14990] =	vst v16  }
0x28a: {  	v16 =	vld [tilespmem:s4+$0x109A0];
	_ =	sdelay $0x4  }
0x28b: {  	v16 =	vand.u32 $0x1FFFF, v16  }
0x28c: {  	[tilespmem:$0x149A0] =	vst v16  }
0x28d: {  	v16 =	vld [tilespmem:s4+$0x109B0];
	_ =	sdelay $0x4  }
0x28e: {  	v16 =	vand.u32 $0x1FFFF, v16  }
.Ltmp3:
0x28f: {  	[tilespmem:$0x149B0] =	vst v16;
	(pc) =	sbr.rel @p0 .LBB2_8-.Ltmp3, $4  }
0x290: {  	[tilespmem:s18], [sflag:$0x1] =	stream.indirect.gather [hbm4b:s0+s16], $0x80, s17, s16, $0xb8;
	[tilespmem:$0x1CA80] =	vst v63  }
0x291: {  	_ =	swait.ge [sflag:s23], $0x2000  }
0x292: {  	[sflag:s23] =	ssyncset.done $0x0  }
0x293: {  	[sflag:s23] =	ssyncadd.s32 $0xFFFFE000  }
.LBB2_7:
0x294: {  	_ =	swait.ge [sflag:s24], $0x2000  }
0x295: {  	[sflag:s24] =	ssyncset.done $0x0  }
0x296: {  	[sflag:s24] =	ssyncadd.s32 $0xFFFFE000  }
.LBB2_8:
0x297: {  	s1 =	simm.s32 $0x0;
	s4 =	smov.u32 s30  }
.LBB2_9:
0x298: {  	v16 =	vld [tilespmem:s4+$0x0];
	_ =	sdelay $0x4  }
0x299: {  	(v2sf) =	vpush v16, $0x0;
	_ =	sdelay $0x8  }
0x29a: {  	s5 =	sshra.s32 s1, $0x2  }
0x29b: {  	v17 =	vld [tilespmem:s5+$0x16A80]  }
0x29c: {  	v20 =	vld [tilespmem:s5+$0x16A90]  }
0x29d: {  	v23 =	vld [tilespmem:s5+$0x16AA0]  }
0x29e: {  	v26 =	vld [tilespmem:s5+$0x16AB0]  }
0x29f: {  	v29 =	vld [tilespmem:s5+$0x16AC0]  }
0x2a0: {  	v46 =	vld [tilespmem:s5+$0x16AD0];
	s6 =	spop (v2sf)  }
0x2a1: {  	v51 =	vld [tilespmem:s5+$0x16AE0];
	s13 =	sshrl.u32 s6, $0xA  }
0x2a2: {  	v55 =	vld [tilespmem:s5+$0x16AF0];
	s6 =	sshrl.u32 s6, $0x13;
	s13 =	sand.u32 $0xFF80, s13  }
0x2a3: {  	s6 =	sand.u32 $0x1F80, s6;
	v18 =	vld [tilespmem:s13+$0x0]  }
0x2a4: {  	v19 =	vld [tilespmem:s6+$0x10000]  }
0x2a5: {  	v21 =	vld [tilespmem:s13+$0x10]  }
0x2a6: {  	v24 =	vld [tilespmem:s13+$0x20]  }
0x2a7: {  	v22 =	vld [tilespmem:s6+$0x10010]  }
0x2a8: {  	v27 =	vld [tilespmem:s13+$0x30]  }
0x2a9: {  	v25 =	vld [tilespmem:s6+$0x10020]  }
0x2aa: {  	v44 =	vld [tilespmem:s13+$0x40];
	v17 =	vadd.f32 v18, v17;
	v43 =	vadd.f32 v21, v20  }
0x2ab: {  	v28 =	vld [tilespmem:s6+$0x10030];
	v47 =	vadd.f32 v24, v23  }
0x2ac: {  	v45 =	vld [tilespmem:s6+$0x10040];
	v17 =	vadd.f32 v19, v17;
	v18 =	vadd.f32 v22, v43  }
0x2ad: {  	v48 =	vld [tilespmem:s13+$0x50];
	v50 =	vadd.f32 v27, v26  }
0x2ae: {  	v53 =	vld [tilespmem:s13+$0x60];
	v22 =	vadd.f32 v25, v47;
	v49 =	vmul.f32 v17, v17;
	v30 =	vmul.f32 v18, v18  }
0x2af: {  	v31 =	vld [tilespmem:s6+$0x10050];
	v20 =	vadd.f32 v44, v29;
	v52 =	vadd.f32 v18, v17  }
0x2b0: {  	v57 =	vld [tilespmem:s13+$0x70];
	v25 =	vadd.f32 v28, v50;
	v32 =	vmul.f32 v22, v22;
	v24 =	vadd.f32 v30, v49  }
0x2b1: {  	v54 =	vld [tilespmem:s6+$0x10060];
	v20 =	vadd.f32 v45, v20;
	v27 =	vadd.f32 v22, v52  }
0x2b2: {  	v19 =	vadd.f32 v48, v46;
	v56 =	vmul.f32 v25, v25;
	v24 =	vadd.f32 v32, v24  }
0x2b3: {  	v60 =	vld [tilespmem:s6+$0x10070];
	v26 =	vadd.f32 v53, v51;
	v58 =	vadd.f32 v25, v27  }
0x2b4: {  	v59 =	vmul.f32 v20, v20;
	v19 =	vadd.f32 v31, v19;
	v24 =	vadd.f32 v56, v24  }
0x2b5: {  	v21 =	vadd.f32 v57, v55;
	v23 =	vadd.f32 v20, v58  }
0x2b6: {  	v26 =	vadd.f32 v54, v26;
	v61 =	vmul.f32 v19, v19;
	v24 =	vadd.f32 v59, v24  }
0x2b7: {  	v23 =	vadd.f32 v19, v23  }
0x2b8: {  	v21 =	vadd.f32 v60, v21;
	v62 =	vmul.f32 v26, v26;
	v24 =	vadd.f32 v61, v24  }
0x2b9: {  	v23 =	vadd.f32 v26, v23  }
0x2ba: {  	v63 =	vmul.f32 v21, v21;
	v24 =	vadd.f32 v62, v24  }
0x2bb: {  	v23 =	vadd.f32 v21, v23  }
0x2bc: {  	v24 =	vadd.f32 v63, v24  }
0x2bd: {  	(xrf2) =	vadd.scan.msk.f32 $0xffff, v23  }
0x2be: {  	(xrf2) =	vadd.scan.msk.f32 $0xffff, v24;
	_ =	sdelay $0x8  }
0x2bf: {  	v23, _, _ =	vpop (xrf2)  }
0x2c0: {  	(v2sf) =	vpush v23, $0xF;
	v29, _, _ =	vpop (xrf2)  }
0x2c1: {  	(v2sf) =	vpush v29, $0xF;
	_ =	sdelay $0xd  }
0x2c2: {  	s14 =	spop (v2sf)  }
0x2c3: {  	s6 =	smul.f32 $7.812500000e-03, s14;
	s15 =	spop (v2sf)  }
0x2c4: {  	s13 =	smul.f32 $7.812500000e-03, s15  }
0x2c5: {  	s14 =	smul.f32 s6, s6;
	_ =	sdelay $0x1  }
0x2c6: {  	s13 =	ssub.f32 s13, s14;
	_ =	sdelay $0x1  }
0x2c7: {  	s13 =	sadd.f32 $1.000000050e-03, s13;
	_ =	sdelay $0x1  }
0x2c8: {  	s29 =	sshra.s32 s13, $0x1;
	s13 =	smul.f32 $5.000000000e-01, s13  }
0x2c9: {  	s14 =	ssub.s32 $0x5F3759DF, s29  }
0x2ca: {  	s15 =	smul.f32 s14, s13;
	_ =	sdelay $0x1  }
0x2cb: {  	s15 =	smul.f32 s14, s15;
	_ =	sdelay $0x1  }
0x2cc: {  	s15 =	ssub.f32 $1.500000000e+00, s15;
	_ =	sdelay $0x1  }
0x2cd: {  	s14 =	smul.f32 s14, s15;
	_ =	sdelay $0x1  }
0x2ce: {  	s15 =	smul.f32 s14, s13;
	_ =	sdelay $0x1  }
0x2cf: {  	s15 =	smul.f32 s15, s14;
	_ =	sdelay $0x1  }
0x2d0: {  	s15 =	ssub.f32 $1.500000000e+00, s15;
	_ =	sdelay $0x1  }
0x2d1: {  	s14 =	smul.f32 s15, s14;
	_ =	sdelay $0x1  }
0x2d2: {  	s13 =	smul.f32 s14, s13;
	_ =	sdelay $0x1  }
0x2d3: {  	s13 =	smul.f32 s13, s14;
	_ =	sdelay $0x1  }
0x2d4: {  	s13 =	ssub.f32 $1.500000000e+00, s13;
	_ =	sdelay $0x1  }
0x2d5: {  	(v2sf) =	vpush v16, $0x1;
	s6 =	ssub.f32 $0.0e+00, s6;
	s13 =	smul.f32 s13, s14  }
0x2d6: {  	_ = 	snop  }
0x2d7: {  	s6 =	smul.f32 s13, s6;
	v17 =	vmul.f32 s13, v17  }
0x2d8: {  	v18 =	vmul.f32 s13, v18  }
0x2d9: {  	v22 =	vmul.f32 s13, v22;
	v30 =	vmul.f32 s13, v25;
	v17 =	vadd.f32 s6, v17  }
0x2da: {  	v20 =	vmul.f32 s13, v20;
	v19 =	vmul.f32 s13, v19;
	v18 =	vadd.f32 s6, v18  }
0x2db: {  	v31 =	vmul.f32 s13, v26;
	v23 =	vadd.f32 s6, v30;
	v17 =	vmul.f32 v17, v0  }
0x2dc: {  	v21 =	vmul.f32 s13, v21;
	v22 =	vadd.f32 s6, v22;
	v18 =	vmul.f32 v18, v1  }
0x2dd: {  	v19 =	vadd.f32 s6, v19;
	v23 =	vmul.f32 v23, v3;
	v17 =	vadd.f32 v17, v8  }
0x2de: {  	v20 =	vadd.f32 s6, v20;
	v22 =	vmul.f32 v22, v2;
	v18 =	vadd.f32 v18, v9  }
0x2df: {  	v39 =	vld [tilespmem:s5+$0x16B10];
	v21 =	vadd.f32 s6, v21;
	v19 =	vmul.f32 v19, v5;
	v33 =	vadd.f32 v23, v11;
	[tilespmem:s5+$0x1AA80] =	vst v17  }
0x2e0: {  	v42 =	vld [tilespmem:s5+$0x16B20];
	v32 =	vadd.f32 s6, v31;
	v20 =	vmul.f32 v20, v4;
	v17 =	vadd.f32 v22, v10;
	[tilespmem:s5+$0x1AA90] =	vst v18  }
0x2e1: {  	v45 =	vld [tilespmem:s5+$0x16B30];
	v36 =	vmul.f32 v21, v7;
	v35 =	vadd.f32 v19, v13;
	[tilespmem:s5+$0x1AAB0] =	vst v33  }
0x2e2: {  	v48 =	vld [tilespmem:s5+$0x16B40];
	v34 =	vmul.f32 v32, v6;
	[tilespmem:s5+$0x1AAA0] =	vst v17;
	v17 =	vadd.f32 v20, v12  }
0x2e3: {  	v52 =	vld [tilespmem:s5+$0x16B50];
	v37 =	vadd.f32 v36, v15;
	[tilespmem:s5+$0x1AAD0] =	vst v35  }
0x2e4: {  	v59 =	vld [tilespmem:s5+$0x16B60];
	s15 =	spop (v2sf);
	[tilespmem:s5+$0x1AAC0] =	vst v17;
	v17 =	vadd.f32 v34, v14  }
0x2e5: {  	s29 =	sshrl.u32 s15, $0xA;
	v36 =	vld [tilespmem:s5+$0x16B70];
	[tilespmem:s5+$0x1AAF0] =	vst v37  }
0x2e6: {  	s13 =	sand.u32 $0xFF80, s29;
	s6 =	sshrl.u32 s15, $0x13;
	[tilespmem:s5+$0x1AAE0] =	vst v17;
	v17 =	vld [tilespmem:s5+$0x16B00]  }
0x2e7: {  	s6 =	sand.u32 $0x1F80, s6;
	v18 =	vld [tilespmem:s13+$0x0]  }
0x2e8: {  	v38 =	vld [tilespmem:s6+$0x10000]  }
0x2e9: {  	v40 =	vld [tilespmem:s13+$0x10]  }
0x2ea: {  	v43 =	vld [tilespmem:s13+$0x20]  }
0x2eb: {  	v41 =	vld [tilespmem:s6+$0x10010]  }
0x2ec: {  	v46 =	vld [tilespmem:s13+$0x30]  }
0x2ed: {  	v44 =	vld [tilespmem:s6+$0x10020]  }
0x2ee: {  	v50 =	vld [tilespmem:s13+$0x40];
	v17 =	vadd.f32 v18, v17;
	v49 =	vadd.f32 v40, v39  }
0x2ef: {  	v47 =	vld [tilespmem:s6+$0x10030];
	v53 =	vadd.f32 v43, v42  }
0x2f0: {  	v54 =	vld [tilespmem:s13+$0x50];
	v17 =	vadd.f32 v38, v17;
	v18 =	vadd.f32 v41, v49  }
0x2f1: {  	v51 =	vld [tilespmem:s6+$0x10040];
	v58 =	vadd.f32 v46, v45  }
0x2f2: {  	v61 =	vld [tilespmem:s13+$0x60];
	v22 =	vadd.f32 v44, v53;
	v55 =	vmul.f32 v17, v17;
	v56 =	vmul.f32 v18, v18  }
0x2f3: {  	v57 =	vld [tilespmem:s6+$0x10050];
	v20 =	vadd.f32 v50, v48;
	v60 =	vadd.f32 v18, v17  }
0x2f4: {  	v63 =	vld [tilespmem:s6+$0x10060];
	v25 =	vadd.f32 v47, v58;
	v62 =	vmul.f32 v22, v22;
	v24 =	vadd.f32 v56, v55  }
0x2f5: {  	v19 =	vadd.f32 v54, v52;
	v38 =	vld [tilespmem:s13+$0x70];
	v27 =	vadd.f32 v22, v60  }
0x2f6: {  	v20 =	vadd.f32 v51, v20;
	v37 =	vmul.f32 v25, v25;
	v24 =	vadd.f32 v62, v24  }
0x2f7: {  	v26 =	vadd.f32 v61, v59;
	v41 =	vld [tilespmem:s6+$0x10070];
	v39 =	vadd.f32 v25, v27  }
0x2f8: {  	v19 =	vadd.f32 v57, v19;
	v40 =	vmul.f32 v20, v20;
	v24 =	vadd.f32 v37, v24  }
0x2f9: {  	v26 =	vadd.f32 v63, v26;
	v23 =	vadd.f32 v20, v39  }
0x2fa: {  	v42 =	vmul.f32 v19, v19;
	v21 =	vadd.f32 v38, v36;
	v24 =	vadd.f32 v40, v24  }
0x2fb: {  	v23 =	vadd.f32 v19, v23  }
0x2fc: {  	v43 =	vmul.f32 v26, v26;
	v21 =	vadd.f32 v41, v21;
	v24 =	vadd.f32 v42, v24  }
0x2fd: {  	v23 =	vadd.f32 v26, v23  }
0x2fe: {  	v44 =	vmul.f32 v21, v21;
	v24 =	vadd.f32 v43, v24  }
0x2ff: {  	v23 =	vadd.f32 v21, v23  }
0x300: {  	v24 =	vadd.f32 v44, v24  }
0x301: {  	(xrf2) =	vadd.scan.msk.f32 $0xffff, v23  }
0x302: {  	(xrf2) =	vadd.scan.msk.f32 $0xffff, v24;
	_ =	sdelay $0x8  }
0x303: {  	v23, _, _ =	vpop (xrf2)  }
0x304: {  	(v2sf) =	vpush v23, $0xF;
	v45, _, _ =	vpop (xrf2)  }
0x305: {  	(v2sf) =	vpush v45, $0xF;
	_ =	sdelay $0xd  }
0x306: {  	s14 =	spop (v2sf)  }
0x307: {  	s6 =	smul.f32 $7.812500000e-03, s14;
	s15 =	spop (v2sf)  }
0x308: {  	s13 =	smul.f32 $7.812500000e-03, s15  }
0x309: {  	s29 =	smul.f32 s6, s6;
	_ =	sdelay $0x1  }
0x30a: {  	s13 =	ssub.f32 s13, s29;
	_ =	sdelay $0x1  }
0x30b: {  	s13 =	sadd.f32 $1.000000050e-03, s13;
	_ =	sdelay $0x1  }
0x30c: {  	s15 =	sshra.s32 s13, $0x1;
	s13 =	smul.f32 $5.000000000e-01, s13  }
0x30d: {  	s14 =	ssub.s32 $0x5F3759DF, s15  }
0x30e: {  	s29 =	smul.f32 s14, s13;
	_ =	sdelay $0x1  }
0x30f: {  	s15 =	smul.f32 s14, s29;
	_ =	sdelay $0x1  }
0x310: {  	s15 =	ssub.f32 $1.500000000e+00, s15;
	_ =	sdelay $0x1  }
0x311: {  	s14 =	smul.f32 s14, s15;
	_ =	sdelay $0x1  }
0x312: {  	s15 =	smul.f32 s14, s13;
	_ =	sdelay $0x1  }
0x313: {  	s15 =	smul.f32 s15, s14;
	_ =	sdelay $0x1  }
0x314: {  	s15 =	ssub.f32 $1.500000000e+00, s15;
	_ =	sdelay $0x1  }
0x315: {  	s14 =	smul.f32 s15, s14;
	_ =	sdelay $0x1  }
0x316: {  	s13 =	smul.f32 s14, s13;
	_ =	sdelay $0x1  }
0x317: {  	s13 =	smul.f32 s13, s14;
	_ =	sdelay $0x1  }
0x318: {  	s13 =	ssub.f32 $1.500000000e+00, s13;
	_ =	sdelay $0x1  }
0x319: {  	(v2sf) =	vpush v16, $0x2;
	s6 =	ssub.f32 $0.0e+00, s6;
	s13 =	smul.f32 s13, s14  }
0x31a: {  	_ = 	snop  }
0x31b: {  	s6 =	smul.f32 s13, s6;
	v17 =	vmul.f32 s13, v17  }
0x31c: {  	v18 =	vmul.f32 s13, v18  }
0x31d: {  	v22 =	vmul.f32 s13, v22;
	v46 =	vmul.f32 s13, v25;
	v17 =	vadd.f32 s6, v17  }
0x31e: {  	v20 =	vmul.f32 s13, v20;
	v19 =	vmul.f32 s13, v19;
	v18 =	vadd.f32 s6, v18  }
0x31f: {  	v47 =	vmul.f32 s13, v26;
	v23 =	vadd.f32 s6, v46;
	v17 =	vmul.f32 v17, v0  }
0x320: {  	v21 =	vmul.f32 s13, v21;
	v22 =	vadd.f32 s6, v22;
	v18 =	vmul.f32 v18, v1  }
0x321: {  	v19 =	vadd.f32 s6, v19;
	v23 =	vmul.f32 v23, v3;
	v17 =	vadd.f32 v17, v8  }
0x322: {  	v20 =	vadd.f32 s6, v20;
	v22 =	vmul.f32 v22, v2;
	v18 =	vadd.f32 v18, v9  }
0x323: {  	v61 =	vld [tilespmem:s5+$0x16BB0];
	v21 =	vadd.f32 s6, v21;
	v19 =	vmul.f32 v19, v5;
	v49 =	vadd.f32 v23, v11;
	[tilespmem:s5+$0x1AB00] =	vst v17  }
0x324: {  	v58 =	vld [tilespmem:s5+$0x16BA0];
	v48 =	vadd.f32 s6, v47;
	v20 =	vmul.f32 v20, v4;
	v17 =	vadd.f32 v22, v10;
	[tilespmem:s5+$0x1AB10] =	vst v18  }
0x325: {  	v55 =	vld [tilespmem:s5+$0x16B90];
	v52 =	vmul.f32 v21, v7;
	v51 =	vadd.f32 v19, v13;
	[tilespmem:s5+$0x1AB30] =	vst v49  }
0x326: {  	v36 =	vld [tilespmem:s5+$0x16BC0];
	v50 =	vmul.f32 v48, v6;
	[tilespmem:s5+$0x1AB20] =	vst v17;
	v17 =	vadd.f32 v20, v12  }
0x327: {  	v40 =	vld [tilespmem:s5+$0x16BD0];
	v53 =	vadd.f32 v52, v15;
	[tilespmem:s5+$0x1AB50] =	vst v51  }
0x328: {  	s15 =	spop (v2sf);
	v47 =	vld [tilespmem:s5+$0x16BE0];
	[tilespmem:s5+$0x1AB40] =	vst v17;
	v17 =	vadd.f32 v50, v14  }
0x329: {  	s29 =	sshrl.u32 s15, $0xA;
	v52 =	vld [tilespmem:s5+$0x16BF0];
	[tilespmem:s5+$0x1AB70] =	vst v53  }
0x32a: {  	s13 =	sand.u32 $0xFF80, s29;
	s6 =	sshrl.u32 s15, $0x13;
	[tilespmem:s5+$0x1AB60] =	vst v17;
	v17 =	vld [tilespmem:s5+$0x16B80]  }
0x32b: {  	s6 =	sand.u32 $0x1F80, s6;
	v18 =	vld [tilespmem:s13+$0x0]  }
0x32c: {  	v54 =	vld [tilespmem:s6+$0x10000]  }
0x32d: {  	v56 =	vld [tilespmem:s13+$0x10]  }
0x32e: {  	v59 =	vld [tilespmem:s13+$0x20]  }
0x32f: {  	v57 =	vld [tilespmem:s6+$0x10010]  }
0x330: {  	v62 =	vld [tilespmem:s13+$0x30]  }
0x331: {  	v60 =	vld [tilespmem:s6+$0x10020]  }
0x332: {  	v38 =	vld [tilespmem:s13+$0x40];
	v17 =	vadd.f32 v18, v17;
	v37 =	vadd.f32 v56, v55  }
0x333: {  	v63 =	vld [tilespmem:s6+$0x10030];
	v41 =	vadd.f32 v59, v58  }
0x334: {  	v42 =	vld [tilespmem:s13+$0x50];
	v17 =	vadd.f32 v54, v17;
	v18 =	vadd.f32 v57, v37  }
0x335: {  	v39 =	vld [tilespmem:s6+$0x10040];
	v46 =	vadd.f32 v62, v61  }
0x336: {  	v49 =	vld [tilespmem:s13+$0x60];
	v22 =	vadd.f32 v60, v41;
	v43 =	vmul.f32 v17, v17;
	v44 =	vmul.f32 v18, v18  }
0x337: {  	v45 =	vld [tilespmem:s6+$0x10050];
	v20 =	vadd.f32 v38, v36;
	v48 =	vadd.f32 v18, v17  }
0x338: {  	v51 =	vld [tilespmem:s6+$0x10060];
	v25 =	vadd.f32 v63, v46;
	v50 =	vmul.f32 v22, v22;
	v24 =	vadd.f32 v44, v43  }
0x339: {  	v19 =	vadd.f32 v42, v40;
	v54 =	vld [tilespmem:s13+$0x70];
	v27 =	vadd.f32 v22, v48  }
0x33a: {  	v20 =	vadd.f32 v39, v20;
	v53 =	vmul.f32 v25, v25;
	v24 =	vadd.f32 v50, v24  }
0x33b: {  	v26 =	vadd.f32 v49, v47;
	v57 =	vld [tilespmem:s6+$0x10070];
	v55 =	vadd.f32 v25, v27  }
0x33c: {  	v19 =	vadd.f32 v45, v19;
	v56 =	vmul.f32 v20, v20;
	v24 =	vadd.f32 v53, v24  }
0x33d: {  	v26 =	vadd.f32 v51, v26;
	v23 =	vadd.f32 v20, v55  }
0x33e: {  	v58 =	vmul.f32 v19, v19;
	v21 =	vadd.f32 v54, v52;
	v24 =	vadd.f32 v56, v24  }
0x33f: {  	v23 =	vadd.f32 v19, v23  }
0x340: {  	v59 =	vmul.f32 v26, v26;
	v21 =	vadd.f32 v57, v21;
	v24 =	vadd.f32 v58, v24  }
0x341: {  	v23 =	vadd.f32 v26, v23  }
0x342: {  	v60 =	vmul.f32 v21, v21;
	v24 =	vadd.f32 v59, v24  }
0x343: {  	v23 =	vadd.f32 v21, v23  }
0x344: {  	v24 =	vadd.f32 v60, v24  }
0x345: {  	(xrf2) =	vadd.scan.msk.f32 $0xffff, v23  }
0x346: {  	(xrf2) =	vadd.scan.msk.f32 $0xffff, v24;
	_ =	sdelay $0x8  }
0x347: {  	v23, _, _ =	vpop (xrf2)  }
0x348: {  	(v2sf) =	vpush v23, $0xF;
	v61, _, _ =	vpop (xrf2)  }
0x349: {  	(v2sf) =	vpush v61, $0xF;
	_ =	sdelay $0xd  }
0x34a: {  	s14 =	spop (v2sf)  }
0x34b: {  	s6 =	smul.f32 $7.812500000e-03, s14;
	s15 =	spop (v2sf)  }
0x34c: {  	s13 =	smul.f32 $7.812500000e-03, s15  }
0x34d: {  	s29 =	smul.f32 s6, s6;
	_ =	sdelay $0x1  }
0x34e: {  	s13 =	ssub.f32 s13, s29;
	_ =	sdelay $0x1  }
0x34f: {  	s13 =	sadd.f32 $1.000000050e-03, s13;
	_ =	sdelay $0x1  }
0x350: {  	s15 =	sshra.s32 s13, $0x1;
	s13 =	smul.f32 $5.000000000e-01, s13  }
0x351: {  	s14 =	ssub.s32 $0x5F3759DF, s15  }
0x352: {  	s29 =	smul.f32 s14, s13;
	_ =	sdelay $0x1  }
0x353: {  	s15 =	smul.f32 s14, s29;
	_ =	sdelay $0x1  }
0x354: {  	s15 =	ssub.f32 $1.500000000e+00, s15;
	_ =	sdelay $0x1  }
0x355: {  	s14 =	smul.f32 s14, s15;
	_ =	sdelay $0x1  }
0x356: {  	s15 =	smul.f32 s14, s13;
	_ =	sdelay $0x1  }
0x357: {  	s15 =	smul.f32 s15, s14;
	_ =	sdelay $0x1  }
0x358: {  	s15 =	ssub.f32 $1.500000000e+00, s15;
	_ =	sdelay $0x1  }
0x359: {  	s14 =	smul.f32 s15, s14;
	_ =	sdelay $0x1  }
0x35a: {  	s13 =	smul.f32 s14, s13;
	_ =	sdelay $0x1  }
0x35b: {  	s13 =	smul.f32 s13, s14;
	_ =	sdelay $0x1  }
0x35c: {  	s13 =	ssub.f32 $1.500000000e+00, s13;
	_ =	sdelay $0x1  }
0x35d: {  	(v2sf) =	vpush v16, $0x3;
	s6 =	ssub.f32 $0.0e+00, s6;
	s13 =	smul.f32 s13, s14  }
0x35e: {  	_ = 	snop  }
0x35f: {  	s6 =	smul.f32 s13, s6;
	v17 =	vmul.f32 s13, v17  }
0x360: {  	v18 =	vmul.f32 s13, v18  }
0x361: {  	v22 =	vmul.f32 s13, v22;
	v62 =	vmul.f32 s13, v25;
	v17 =	vadd.f32 s6, v17  }
0x362: {  	v20 =	vmul.f32 s13, v20;
	v19 =	vmul.f32 s13, v19;
	v18 =	vadd.f32 s6, v18  }
0x363: {  	v63 =	vmul.f32 s13, v26;
	v23 =	vadd.f32 s6, v62;
	v17 =	vmul.f32 v17, v0  }
0x364: {  	v21 =	vmul.f32 s13, v21;
	v22 =	vadd.f32 s6, v22;
	v18 =	vmul.f32 v18, v1  }
0x365: {  	v19 =	vadd.f32 s6, v19;
	v23 =	vmul.f32 v23, v3;
	v17 =	vadd.f32 v17, v8  }
0x366: {  	v20 =	vadd.f32 s6, v20;
	v22 =	vmul.f32 v22, v2;
	v18 =	vadd.f32 v18, v9  }
0x367: {  	v33 =	vld [tilespmem:s5+$0x16C10];
	v21 =	vadd.f32 s6, v21;
	v19 =	vmul.f32 v19, v5;
	v27 =	vadd.f32 v23, v11;
	[tilespmem:s5+$0x1AB80] =	vst v17  }
0x368: {  	v36 =	vld [tilespmem:s5+$0x16C20];
	v26 =	vadd.f32 s6, v63;
	v20 =	vmul.f32 v20, v4;
	v17 =	vadd.f32 v22, v10;
	[tilespmem:s5+$0x1AB90] =	vst v18  }
0x369: {  	v42 =	vld [tilespmem:s5+$0x16C40];
	v30 =	vmul.f32 v21, v7;
	v29 =	vadd.f32 v19, v13;
	[tilespmem:s5+$0x1ABB0] =	vst v27  }
0x36a: {  	v39 =	vld [tilespmem:s5+$0x16C30];
	v28 =	vmul.f32 v26, v6;
	[tilespmem:s5+$0x1ABA0] =	vst v17;
	v17 =	vadd.f32 v20, v12  }
0x36b: {  	v46 =	vld [tilespmem:s5+$0x16C50];
	v31 =	vadd.f32 v30, v15;
	[tilespmem:s5+$0x1ABD0] =	vst v29  }
0x36c: {  	v53 =	vld [tilespmem:s5+$0x16C60];
	s15 =	spop (v2sf);
	[tilespmem:s5+$0x1ABC0] =	vst v17;
	v17 =	vadd.f32 v28, v14  }
0x36d: {  	v58 =	vld [tilespmem:s5+$0x16C70];
	s29 =	sshrl.u32 s15, $0xA;
	[tilespmem:s5+$0x1ABF0] =	vst v31  }
0x36e: {  	s13 =	sand.u32 $0xFF80, s29;
	s6 =	sshrl.u32 s15, $0x13;
	[tilespmem:s5+$0x1ABE0] =	vst v17;
	v17 =	vld [tilespmem:s5+$0x16C00]  }
0x36f: {  	s6 =	sand.u32 $0x1F80, s6;
	v18 =	vld [tilespmem:s13+$0x0]  }
0x370: {  	v32 =	vld [tilespmem:s6+$0x10000]  }
0x371: {  	v34 =	vld [tilespmem:s13+$0x10]  }
0x372: {  	v37 =	vld [tilespmem:s13+$0x20]  }
0x373: {  	v35 =	vld [tilespmem:s6+$0x10010]  }
0x374: {  	v40 =	vld [tilespmem:s13+$0x30]  }
0x375: {  	v38 =	vld [tilespmem:s6+$0x10020]  }
0x376: {  	v44 =	vld [tilespmem:s13+$0x40];
	v17 =	vadd.f32 v18, v17;
	v43 =	vadd.f32 v34, v33  }
0x377: {  	v41 =	vld [tilespmem:s6+$0x10030];
	v47 =	vadd.f32 v37, v36  }
0x378: {  	v48 =	vld [tilespmem:s13+$0x50];
	v17 =	vadd.f32 v32, v17;
	v18 =	vadd.f32 v35, v43  }
0x379: {  	v45 =	vld [tilespmem:s6+$0x10040];
	v52 =	vadd.f32 v40, v39  }
0x37a: {  	v55 =	vld [tilespmem:s13+$0x60];
	v22 =	vadd.f32 v38, v47;
	v49 =	vmul.f32 v17, v17;
	v50 =	vmul.f32 v18, v18  }
0x37b: {  	v51 =	vld [tilespmem:s6+$0x10050];
	v20 =	vadd.f32 v44, v42;
	v54 =	vadd.f32 v18, v17  }
0x37c: {  	v60 =	vld [tilespmem:s13+$0x70];
	v25 =	vadd.f32 v41, v52;
	v56 =	vmul.f32 v22, v22;
	v24 =	vadd.f32 v50, v49  }
0x37d: {  	v57 =	vld [tilespmem:s6+$0x10060];
	v19 =	vadd.f32 v48, v46;
	v27 =	vadd.f32 v22, v54  }
0x37e: {  	v20 =	vadd.f32 v45, v20;
	v59 =	vmul.f32 v25, v25;
	v24 =	vadd.f32 v56, v24  }
0x37f: {  	v63 =	vld [tilespmem:s6+$0x10070];
	v26 =	vadd.f32 v55, v53;
	v61 =	vadd.f32 v25, v27  }
0x380: {  	v19 =	vadd.f32 v51, v19;
	v62 =	vmul.f32 v20, v20;
	v24 =	vadd.f32 v59, v24  }
0x381: {  	v21 =	vadd.f32 v60, v58;
	v23 =	vadd.f32 v20, v61  }
0x382: {  	v26 =	vadd.f32 v57, v26;
	v35 =	vmul.f32 v19, v19;
	v24 =	vadd.f32 v62, v24  }
0x383: {  	v23 =	vadd.f32 v19, v23  }
0x384: {  	v21 =	vadd.f32 v63, v21;
	v36 =	vmul.f32 v26, v26;
	v24 =	vadd.f32 v35, v24  }
0x385: {  	v23 =	vadd.f32 v26, v23  }
0x386: {  	v37 =	vmul.f32 v21, v21;
	v24 =	vadd.f32 v36, v24  }
0x387: {  	v23 =	vadd.f32 v21, v23  }
0x388: {  	v24 =	vadd.f32 v37, v24  }
0x389: {  	(xrf2) =	vadd.scan.msk.f32 $0xffff, v23  }
0x38a: {  	(xrf2) =	vadd.scan.msk.f32 $0xffff, v24;
	_ =	sdelay $0x8  }
0x38b: {  	v23, _, _ =	vpop (xrf2)  }
0x38c: {  	(v2sf) =	vpush v23, $0xF;
	v38, _, _ =	vpop (xrf2)  }
0x38d: {  	(v2sf) =	vpush v38, $0xF;
	_ =	sdelay $0xd  }
0x38e: {  	s14 =	spop (v2sf)  }
0x38f: {  	s6 =	smul.f32 $7.812500000e-03, s14;
	s15 =	spop (v2sf)  }
0x390: {  	s13 =	smul.f32 $7.812500000e-03, s15  }
0x391: {  	s29 =	smul.f32 s6, s6;
	_ =	sdelay $0x1  }
0x392: {  	s13 =	ssub.f32 s13, s29;
	_ =	sdelay $0x1  }
0x393: {  	s13 =	sadd.f32 $1.000000050e-03, s13;
	_ =	sdelay $0x1  }
0x394: {  	s15 =	sshra.s32 s13, $0x1;
	s13 =	smul.f32 $5.000000000e-01, s13  }
0x395: {  	s14 =	ssub.s32 $0x5F3759DF, s15  }
0x396: {  	s29 =	smul.f32 s14, s13;
	_ =	sdelay $0x1  }
0x397: {  	s15 =	smul.f32 s14, s29;
	_ =	sdelay $0x1  }
0x398: {  	s15 =	ssub.f32 $1.500000000e+00, s15;
	_ =	sdelay $0x1  }
0x399: {  	s14 =	smul.f32 s14, s15;
	_ =	sdelay $0x1  }
0x39a: {  	s15 =	smul.f32 s14, s13;
	_ =	sdelay $0x1  }
0x39b: {  	s15 =	smul.f32 s15, s14;
	_ =	sdelay $0x1  }
0x39c: {  	s15 =	ssub.f32 $1.500000000e+00, s15;
	_ =	sdelay $0x1  }
0x39d: {  	s14 =	smul.f32 s15, s14;
	_ =	sdelay $0x1  }
0x39e: {  	s13 =	smul.f32 s14, s13;
	_ =	sdelay $0x1  }
0x39f: {  	s13 =	smul.f32 s13, s14;
	_ =	sdelay $0x1  }
0x3a0: {  	s13 =	ssub.f32 $1.500000000e+00, s13;
	_ =	sdelay $0x1  }
0x3a1: {  	(v2sf) =	vpush v16, $0x4;
	s6 =	ssub.f32 $0.0e+00, s6;
	s13 =	smul.f32 s13, s14  }
0x3a2: {  	_ = 	snop  }
0x3a3: {  	s6 =	smul.f32 s13, s6;
	v17 =	vmul.f32 s13, v17  }
0x3a4: {  	v18 =	vmul.f32 s13, v18  }
0x3a5: {  	v22 =	vmul.f32 s13, v22;
	v39 =	vmul.f32 s13, v25;
	v17 =	vadd.f32 s6, v17  }
0x3a6: {  	v20 =	vmul.f32 s13, v20;
	v19 =	vmul.f32 s13, v19;
	v18 =	vadd.f32 s6, v18  }
0x3a7: {  	v40 =	vmul.f32 s13, v26;
	v23 =	vadd.f32 s6, v39;
	v17 =	vmul.f32 v17, v0  }
0x3a8: {  	v21 =	vmul.f32 s13, v21;
	v22 =	vadd.f32 s6, v22;
	v18 =	vmul.f32 v18, v1  }
0x3a9: {  	v19 =	vadd.f32 s6, v19;
	v23 =	vmul.f32 v23, v3;
	v17 =	vadd.f32 v17, v8  }
0x3aa: {  	v20 =	vadd.f32 s6, v20;
	v22 =	vmul.f32 v22, v2;
	v18 =	vadd.f32 v18, v9  }
0x3ab: {  	v48 =	vld [tilespmem:s5+$0x16C90];
	v21 =	vadd.f32 s6, v21;
	v19 =	vmul.f32 v19, v5;
	v42 =	vadd.f32 v23, v11;
	[tilespmem:s5+$0x1AC00] =	vst v17  }
0x3ac: {  	v51 =	vld [tilespmem:s5+$0x16CA0];
	v41 =	vadd.f32 s6, v40;
	v20 =	vmul.f32 v20, v4;
	v17 =	vadd.f32 v22, v10;
	[tilespmem:s5+$0x1AC10] =	vst v18  }
0x3ad: {  	v57 =	vld [tilespmem:s5+$0x16CC0];
	v45 =	vmul.f32 v21, v7;
	v44 =	vadd.f32 v19, v13;
	[tilespmem:s5+$0x1AC30] =	vst v42  }
0x3ae: {  	v54 =	vld [tilespmem:s5+$0x16CB0];
	v43 =	vmul.f32 v41, v6;
	[tilespmem:s5+$0x1AC20] =	vst v17;
	v17 =	vadd.f32 v20, v12  }
0x3af: {  	v61 =	vld [tilespmem:s5+$0x16CD0];
	v46 =	vadd.f32 v45, v15;
	[tilespmem:s5+$0x1AC50] =	vst v44  }
0x3b0: {  	s15 =	spop (v2sf);
	v39 =	vld [tilespmem:s5+$0x16CE0];
	[tilespmem:s5+$0x1AC40] =	vst v17;
	v17 =	vadd.f32 v43, v14  }
0x3b1: {  	s29 =	sshrl.u32 s15, $0xA;
	[tilespmem:s5+$0x1AC70] =	vst v46;
	v44 =	vld [tilespmem:s5+$0x16CF0]  }
0x3b2: {  	s13 =	sand.u32 $0xFF80, s29;
	s6 =	sshrl.u32 s15, $0x13;
	[tilespmem:s5+$0x1AC60] =	vst v17;
	v17 =	vld [tilespmem:s5+$0x16C80]  }
0x3b3: {  	s6 =	sand.u32 $0x1F80, s6;
	v18 =	vld [tilespmem:s13+$0x0]  }
0x3b4: {  	v47 =	vld [tilespmem:s6+$0x10000]  }
0x3b5: {  	v49 =	vld [tilespmem:s13+$0x10]  }
0x3b6: {  	v52 =	vld [tilespmem:s13+$0x20]  }
0x3b7: {  	v50 =	vld [tilespmem:s6+$0x10010]  }
0x3b8: {  	v55 =	vld [tilespmem:s13+$0x30]  }
0x3b9: {  	v53 =	vld [tilespmem:s6+$0x10020]  }
0x3ba: {  	v59 =	vld [tilespmem:s13+$0x40];
	v17 =	vadd.f32 v18, v17;
	v58 =	vadd.f32 v49, v48  }
0x3bb: {  	v56 =	vld [tilespmem:s6+$0x10030];
	v62 =	vadd.f32 v52, v51  }
0x3bc: {  	v63 =	vld [tilespmem:s13+$0x50];
	v17 =	vadd.f32 v47, v17;
	v18 =	vadd.f32 v50, v58  }
0x3bd: {  	v60 =	vld [tilespmem:s6+$0x10040];
	v38 =	vadd.f32 v55, v54  }
0x3be: {  	v41 =	vld [tilespmem:s13+$0x60];
	v22 =	vadd.f32 v53, v62;
	v35 =	vmul.f32 v17, v17;
	v36 =	vmul.f32 v18, v18  }
0x3bf: {  	v37 =	vld [tilespmem:s6+$0x10050];
	v20 =	vadd.f32 v59, v57;
	v40 =	vadd.f32 v18, v17  }
0x3c0: {  	v46 =	vld [tilespmem:s13+$0x70];
	v25 =	vadd.f32 v56, v38;
	v42 =	vmul.f32 v22, v22;
	v24 =	vadd.f32 v36, v35  }
0x3c1: {  	v43 =	vld [tilespmem:s6+$0x10060];
	v19 =	vadd.f32 v63, v61;
	v27 =	vadd.f32 v22, v40  }
0x3c2: {  	v20 =	vadd.f32 v60, v20;
	v45 =	vmul.f32 v25, v25;
	v24 =	vadd.f32 v42, v24  }
0x3c3: {  	v49 =	vld [tilespmem:s6+$0x10070];
	v26 =	vadd.f32 v41, v39;
	v47 =	vadd.f32 v25, v27  }
0x3c4: {  	v19 =	vadd.f32 v37, v19;
	v48 =	vmul.f32 v20, v20;
	v24 =	vadd.f32 v45, v24  }
0x3c5: {  	v21 =	vadd.f32 v46, v44;
	v23 =	vadd.f32 v20, v47  }
0x3c6: {  	v26 =	vadd.f32 v43, v26;
	v50 =	vmul.f32 v19, v19;
	v24 =	vadd.f32 v48, v24  }
0x3c7: {  	v23 =	vadd.f32 v19, v23  }
0x3c8: {  	v51 =	vmul.f32 v26, v26;
	v21 =	vadd.f32 v49, v21;
	v24 =	vadd.f32 v50, v24  }
0x3c9: {  	v23 =	vadd.f32 v26, v23  }
0x3ca: {  	v52 =	vmul.f32 v21, v21;
	v24 =	vadd.f32 v51, v24  }
0x3cb: {  	v23 =	vadd.f32 v21, v23  }
0x3cc: {  	v24 =	vadd.f32 v52, v24  }
0x3cd: {  	(xrf2) =	vadd.scan.msk.f32 $0xffff, v23  }
0x3ce: {  	(xrf2) =	vadd.scan.msk.f32 $0xffff, v24;
	_ =	sdelay $0x8  }
0x3cf: {  	v23, _, _ =	vpop (xrf2)  }
0x3d0: {  	(v2sf) =	vpush v23, $0xF;
	v53, _, _ =	vpop (xrf2)  }
0x3d1: {  	(v2sf) =	vpush v53, $0xF;
	_ =	sdelay $0xd  }
0x3d2: {  	s14 =	spop (v2sf)  }
0x3d3: {  	s6 =	smul.f32 $7.812500000e-03, s14;
	s15 =	spop (v2sf)  }
0x3d4: {  	s13 =	smul.f32 $7.812500000e-03, s15  }
0x3d5: {  	s29 =	smul.f32 s6, s6;
	_ =	sdelay $0x1  }
0x3d6: {  	s13 =	ssub.f32 s13, s29;
	_ =	sdelay $0x1  }
0x3d7: {  	s13 =	sadd.f32 $1.000000050e-03, s13;
	_ =	sdelay $0x1  }
0x3d8: {  	s15 =	sshra.s32 s13, $0x1;
	s13 =	smul.f32 $5.000000000e-01, s13  }
0x3d9: {  	s14 =	ssub.s32 $0x5F3759DF, s15  }
0x3da: {  	s29 =	smul.f32 s14, s13;
	_ =	sdelay $0x1  }
0x3db: {  	s15 =	smul.f32 s14, s29;
	_ =	sdelay $0x1  }
0x3dc: {  	s15 =	ssub.f32 $1.500000000e+00, s15;
	_ =	sdelay $0x1  }
0x3dd: {  	s14 =	smul.f32 s14, s15;
	_ =	sdelay $0x1  }
0x3de: {  	s15 =	smul.f32 s14, s13;
	_ =	sdelay $0x1  }
0x3df: {  	s15 =	smul.f32 s15, s14;
	_ =	sdelay $0x1  }
0x3e0: {  	s15 =	ssub.f32 $1.500000000e+00, s15;
	_ =	sdelay $0x1  }
0x3e1: {  	s14 =	smul.f32 s15, s14;
	_ =	sdelay $0x1  }
0x3e2: {  	s13 =	smul.f32 s14, s13;
	_ =	sdelay $0x1  }
0x3e3: {  	s13 =	smul.f32 s13, s14;
	_ =	sdelay $0x1  }
0x3e4: {  	s13 =	ssub.f32 $1.500000000e+00, s13;
	_ =	sdelay $0x1  }
0x3e5: {  	(v2sf) =	vpush v16, $0x5;
	s6 =	ssub.f32 $0.0e+00, s6;
	s13 =	smul.f32 s13, s14  }
0x3e6: {  	_ = 	snop  }
0x3e7: {  	s6 =	smul.f32 s13, s6;
	v17 =	vmul.f32 s13, v17  }
0x3e8: {  	v18 =	vmul.f32 s13, v18  }
0x3e9: {  	v22 =	vmul.f32 s13, v22;
	v54 =	vmul.f32 s13, v25;
	v17 =	vadd.f32 s6, v17  }
0x3ea: {  	v20 =	vmul.f32 s13, v20;
	v19 =	vmul.f32 s13, v19;
	v18 =	vadd.f32 s6, v18  }
0x3eb: {  	v55 =	vmul.f32 s13, v26;
	v23 =	vadd.f32 s6, v54;
	v17 =	vmul.f32 v17, v0  }
0x3ec: {  	v21 =	vmul.f32 s13, v21;
	v22 =	vadd.f32 s6, v22;
	v18 =	vmul.f32 v18, v1  }
0x3ed: {  	v19 =	vadd.f32 s6, v19;
	v23 =	vmul.f32 v23, v3;
	v17 =	vadd.f32 v17, v8  }
0x3ee: {  	v20 =	vadd.f32 s6, v20;
	v22 =	vmul.f32 v22, v2;
	v18 =	vadd.f32 v18, v9  }
0x3ef: {  	v34 =	vld [tilespmem:s5+$0x16D20];
	v21 =	vadd.f32 s6, v21;
	v19 =	vmul.f32 v19, v5;
	v57 =	vadd.f32 v23, v11;
	[tilespmem:s5+$0x1AC80] =	vst v17  }
0x3f0: {  	v63 =	vld [tilespmem:s5+$0x16D10];
	v56 =	vadd.f32 s6, v55;
	v20 =	vmul.f32 v20, v4;
	v17 =	vadd.f32 v22, v10;
	[tilespmem:s5+$0x1AC90] =	vst v18  }
0x3f1: {  	v44 =	vld [tilespmem:s5+$0x16D50];
	v60 =	vmul.f32 v21, v7;
	v59 =	vadd.f32 v19, v13;
	[tilespmem:s5+$0x1ACB0] =	vst v57  }
0x3f2: {  	v37 =	vld [tilespmem:s5+$0x16D30];
	v58 =	vmul.f32 v56, v6;
	[tilespmem:s5+$0x1ACA0] =	vst v17;
	v17 =	vadd.f32 v20, v12  }
0x3f3: {  	v40 =	vld [tilespmem:s5+$0x16D40];
	v61 =	vadd.f32 v60, v15;
	[tilespmem:s5+$0x1ACD0] =	vst v59  }
0x3f4: {  	v51 =	vld [tilespmem:s5+$0x16D60];
	s15 =	spop (v2sf);
	[tilespmem:s5+$0x1ACC0] =	vst v17;
	v17 =	vadd.f32 v58, v14  }
0x3f5: {  	s29 =	sshrl.u32 s15, $0xA;
	v56 =	vld [tilespmem:s5+$0x16D70];
	[tilespmem:s5+$0x1ACF0] =	vst v61  }
0x3f6: {  	s13 =	sand.u32 $0xFF80, s29;
	s6 =	sshrl.u32 s15, $0x13;
	[tilespmem:s5+$0x1ACE0] =	vst v17;
	v17 =	vld [tilespmem:s5+$0x16D00]  }
0x3f7: {  	s6 =	sand.u32 $0x1F80, s6;
	v18 =	vld [tilespmem:s13+$0x0]  }
0x3f8: {  	v62 =	vld [tilespmem:s6+$0x10000]  }
0x3f9: {  	v32 =	vld [tilespmem:s13+$0x10]  }
0x3fa: {  	v35 =	vld [tilespmem:s13+$0x20]  }
0x3fb: {  	v33 =	vld [tilespmem:s6+$0x10010]  }
0x3fc: {  	v38 =	vld [tilespmem:s13+$0x30]  }
0x3fd: {  	v36 =	vld [tilespmem:s6+$0x10020]  }
0x3fe: {  	v42 =	vld [tilespmem:s13+$0x40];
	v17 =	vadd.f32 v18, v17;
	v41 =	vadd.f32 v32, v63  }
0x3ff: {  	v39 =	vld [tilespmem:s6+$0x10030];
	v45 =	vadd.f32 v35, v34  }
0x400: {  	v46 =	vld [tilespmem:s13+$0x50];
	v17 =	vadd.f32 v62, v17;
	v18 =	vadd.f32 v33, v41  }
0x401: {  	v43 =	vld [tilespmem:s6+$0x10040];
	v50 =	vadd.f32 v38, v37  }
0x402: {  	v53 =	vld [tilespmem:s13+$0x60];
	v22 =	vadd.f32 v36, v45;
	v47 =	vmul.f32 v17, v17;
	v48 =	vmul.f32 v18, v18  }
0x403: {  	v49 =	vld [tilespmem:s6+$0x10050];
	v20 =	vadd.f32 v42, v40;
	v52 =	vadd.f32 v18, v17  }
0x404: {  	v58 =	vld [tilespmem:s13+$0x70];
	v25 =	vadd.f32 v39, v50;
	v54 =	vmul.f32 v22, v22;
	v24 =	vadd.f32 v48, v47  }
0x405: {  	v55 =	vld [tilespmem:s6+$0x10060];
	v19 =	vadd.f32 v46, v44;
	v27 =	vadd.f32 v22, v52  }
0x406: {  	v20 =	vadd.f32 v43, v20;
	v57 =	vmul.f32 v25, v25;
	v24 =	vadd.f32 v54, v24  }
0x407: {  	v61 =	vld [tilespmem:s6+$0x10070];
	v26 =	vadd.f32 v53, v51;
	v59 =	vadd.f32 v25, v27  }
0x408: {  	v19 =	vadd.f32 v49, v19;
	v60 =	vmul.f32 v20, v20;
	v24 =	vadd.f32 v57, v24  }
0x409: {  	v21 =	vadd.f32 v58, v56;
	v23 =	vadd.f32 v20, v59  }
0x40a: {  	v26 =	vadd.f32 v55, v26;
	v62 =	vmul.f32 v19, v19;
	v24 =	vadd.f32 v60, v24  }
0x40b: {  	v23 =	vadd.f32 v19, v23  }
0x40c: {  	v21 =	vadd.f32 v61, v21;
	v63 =	vmul.f32 v26, v26;
	v24 =	vadd.f32 v62, v24  }
0x40d: {  	v23 =	vadd.f32 v26, v23  }
0x40e: {  	v30 =	vmul.f32 v21, v21;
	v24 =	vadd.f32 v63, v24  }
0x40f: {  	v23 =	vadd.f32 v21, v23  }
0x410: {  	v24 =	vadd.f32 v30, v24  }
0x411: {  	(xrf2) =	vadd.scan.msk.f32 $0xffff, v23  }
0x412: {  	(xrf2) =	vadd.scan.msk.f32 $0xffff, v24;
	_ =	sdelay $0x8  }
0x413: {  	v23, _, _ =	vpop (xrf2)  }
0x414: {  	(v2sf) =	vpush v23, $0xF;
	v31, _, _ =	vpop (xrf2)  }
0x415: {  	(v2sf) =	vpush v31, $0xF;
	_ =	sdelay $0xd  }
0x416: {  	s14 =	spop (v2sf)  }
0x417: {  	s6 =	smul.f32 $7.812500000e-03, s14;
	s15 =	spop (v2sf)  }
0x418: {  	s13 =	smul.f32 $7.812500000e-03, s15  }
0x419: {  	s29 =	smul.f32 s6, s6;
	_ =	sdelay $0x1  }
0x41a: {  	s13 =	ssub.f32 s13, s29;
	_ =	sdelay $0x1  }
0x41b: {  	s13 =	sadd.f32 $1.000000050e-03, s13;
	_ =	sdelay $0x1  }
0x41c: {  	s15 =	sshra.s32 s13, $0x1;
	s13 =	smul.f32 $5.000000000e-01, s13  }
0x41d: {  	s14 =	ssub.s32 $0x5F3759DF, s15  }
0x41e: {  	s29 =	smul.f32 s14, s13;
	_ =	sdelay $0x1  }
0x41f: {  	s15 =	smul.f32 s14, s29;
	_ =	sdelay $0x1  }
0x420: {  	s15 =	ssub.f32 $1.500000000e+00, s15;
	_ =	sdelay $0x1  }
0x421: {  	s14 =	smul.f32 s14, s15;
	_ =	sdelay $0x1  }
0x422: {  	s15 =	smul.f32 s14, s13;
	_ =	sdelay $0x1  }
0x423: {  	s15 =	smul.f32 s15, s14;
	_ =	sdelay $0x1  }
0x424: {  	s15 =	ssub.f32 $1.500000000e+00, s15;
	_ =	sdelay $0x1  }
0x425: {  	s14 =	smul.f32 s15, s14;
	_ =	sdelay $0x1  }
0x426: {  	s13 =	smul.f32 s14, s13;
	_ =	sdelay $0x1  }
0x427: {  	s13 =	smul.f32 s13, s14;
	_ =	sdelay $0x1  }
0x428: {  	s13 =	ssub.f32 $1.500000000e+00, s13;
	_ =	sdelay $0x1  }
0x429: {  	(v2sf) =	vpush v16, $0x6;
	s6 =	ssub.f32 $0.0e+00, s6;
	s13 =	smul.f32 s13, s14  }
0x42a: {  	_ = 	snop  }
0x42b: {  	s6 =	smul.f32 s13, s6;
	v17 =	vmul.f32 s13, v17  }
0x42c: {  	v18 =	vmul.f32 s13, v18  }
0x42d: {  	v22 =	vmul.f32 s13, v22;
	v32 =	vmul.f32 s13, v25;
	v17 =	vadd.f32 s6, v17  }
0x42e: {  	v20 =	vmul.f32 s13, v20;
	v19 =	vmul.f32 s13, v19;
	v18 =	vadd.f32 s6, v18  }
0x42f: {  	v33 =	vmul.f32 s13, v26;
	v23 =	vadd.f32 s6, v32;
	v17 =	vmul.f32 v17, v0  }
0x430: {  	v21 =	vmul.f32 s13, v21;
	v22 =	vadd.f32 s6, v22;
	v18 =	vmul.f32 v18, v1  }
0x431: {  	v19 =	vadd.f32 s6, v19;
	v23 =	vmul.f32 v23, v3;
	v17 =	vadd.f32 v17, v8  }
0x432: {  	v20 =	vadd.f32 s6, v20;
	v22 =	vmul.f32 v22, v2;
	v18 =	vadd.f32 v18, v9  }
0x433: {  	v44 =	vld [tilespmem:s5+$0x16DA0];
	v21 =	vadd.f32 s6, v21;
	v19 =	vmul.f32 v19, v5;
	v35 =	vadd.f32 v23, v11;
	[tilespmem:s5+$0x1AD00] =	vst v17  }
0x434: {  	v41 =	vld [tilespmem:s5+$0x16D90];
	v34 =	vadd.f32 s6, v33;
	v20 =	vmul.f32 v20, v4;
	v17 =	vadd.f32 v22, v10;
	[tilespmem:s5+$0x1AD10] =	vst v18  }
0x435: {  	v50 =	vld [tilespmem:s5+$0x16DC0];
	v38 =	vmul.f32 v21, v7;
	v37 =	vadd.f32 v19, v13;
	[tilespmem:s5+$0x1AD30] =	vst v35  }
0x436: {  	v61 =	vld [tilespmem:s5+$0x16DE0];
	v36 =	vmul.f32 v34, v6;
	[tilespmem:s5+$0x1AD20] =	vst v17;
	v17 =	vadd.f32 v20, v12  }
0x437: {  	v47 =	vld [tilespmem:s5+$0x16DB0];
	v39 =	vadd.f32 v38, v15;
	[tilespmem:s5+$0x1AD50] =	vst v37  }
0x438: {  	v54 =	vld [tilespmem:s5+$0x16DD0];
	s15 =	spop (v2sf);
	[tilespmem:s5+$0x1AD40] =	vst v17;
	v17 =	vadd.f32 v36, v14  }
0x439: {  	s29 =	sshrl.u32 s15, $0xA;
	v38 =	vld [tilespmem:s5+$0x16DF0];
	[tilespmem:s5+$0x1AD70] =	vst v39  }
0x43a: {  	s13 =	sand.u32 $0xFF80, s29;
	s6 =	sshrl.u32 s15, $0x13;
	[tilespmem:s5+$0x1AD60] =	vst v17;
	v17 =	vld [tilespmem:s5+$0x16D80]  }
0x43b: {  	s6 =	sand.u32 $0x1F80, s6;
	v18 =	vld [tilespmem:s13+$0x0]  }
0x43c: {  	v40 =	vld [tilespmem:s6+$0x10000]  }
0x43d: {  	v42 =	vld [tilespmem:s13+$0x10]  }
0x43e: {  	v45 =	vld [tilespmem:s13+$0x20]  }
0x43f: {  	v43 =	vld [tilespmem:s6+$0x10010]  }
0x440: {  	v48 =	vld [tilespmem:s13+$0x30]  }
0x441: {  	v46 =	vld [tilespmem:s6+$0x10020]  }
0x442: {  	v52 =	vld [tilespmem:s13+$0x40];
	v17 =	vadd.f32 v18, v17;
	v51 =	vadd.f32 v42, v41  }
0x443: {  	v49 =	vld [tilespmem:s6+$0x10030];
	v55 =	vadd.f32 v45, v44  }
0x444: {  	v56 =	vld [tilespmem:s13+$0x50];
	v17 =	vadd.f32 v40, v17;
	v18 =	vadd.f32 v43, v51  }
0x445: {  	v53 =	vld [tilespmem:s6+$0x10040];
	v60 =	vadd.f32 v48, v47  }
0x446: {  	v63 =	vld [tilespmem:s13+$0x60];
	v22 =	vadd.f32 v46, v55;
	v57 =	vmul.f32 v17, v17;
	v58 =	vmul.f32 v18, v18  }
0x447: {  	v59 =	vld [tilespmem:s6+$0x10050];
	v20 =	vadd.f32 v52, v50;
	v62 =	vadd.f32 v18, v17  }
0x448: {  	v37 =	vld [tilespmem:s6+$0x10060];
	v25 =	vadd.f32 v49, v60;
	v36 =	vmul.f32 v22, v22;
	v24 =	vadd.f32 v58, v57  }
0x449: {  	v19 =	vadd.f32 v56, v54;
	v40 =	vld [tilespmem:s13+$0x70];
	v27 =	vadd.f32 v22, v62  }
0x44a: {  	v20 =	vadd.f32 v53, v20;
	v39 =	vmul.f32 v25, v25;
	v24 =	vadd.f32 v36, v24  }
0x44b: {  	v26 =	vadd.f32 v63, v61;
	v43 =	vld [tilespmem:s6+$0x10070];
	v41 =	vadd.f32 v25, v27  }
0x44c: {  	v19 =	vadd.f32 v59, v19;
	v42 =	vmul.f32 v20, v20;
	v24 =	vadd.f32 v39, v24  }
0x44d: {  	v26 =	vadd.f32 v37, v26;
	v23 =	vadd.f32 v20, v41  }
0x44e: {  	v44 =	vmul.f32 v19, v19;
	v21 =	vadd.f32 v40, v38;
	v24 =	vadd.f32 v42, v24  }
0x44f: {  	v23 =	vadd.f32 v19, v23  }
0x450: {  	v45 =	vmul.f32 v26, v26;
	v21 =	vadd.f32 v43, v21;
	v24 =	vadd.f32 v44, v24  }
0x451: {  	v23 =	vadd.f32 v26, v23  }
0x452: {  	v46 =	vmul.f32 v21, v21;
	v24 =	vadd.f32 v45, v24  }
0x453: {  	v23 =	vadd.f32 v21, v23  }
0x454: {  	v24 =	vadd.f32 v46, v24  }
0x455: {  	(xrf2) =	vadd.scan.msk.f32 $0xffff, v23  }
0x456: {  	(xrf2) =	vadd.scan.msk.f32 $0xffff, v24;
	_ =	sdelay $0x8  }
0x457: {  	v23, _, _ =	vpop (xrf2)  }
0x458: {  	(v2sf) =	vpush v23, $0xF;
	v47, _, _ =	vpop (xrf2)  }
0x459: {  	(v2sf) =	vpush v47, $0xF;
	_ =	sdelay $0xd  }
0x45a: {  	s14 =	spop (v2sf)  }
0x45b: {  	s6 =	smul.f32 $7.812500000e-03, s14;
	s15 =	spop (v2sf)  }
0x45c: {  	s13 =	smul.f32 $7.812500000e-03, s15  }
0x45d: {  	s29 =	smul.f32 s6, s6;
	_ =	sdelay $0x1  }
0x45e: {  	s13 =	ssub.f32 s13, s29;
	_ =	sdelay $0x1  }
0x45f: {  	s13 =	sadd.f32 $1.000000050e-03, s13;
	_ =	sdelay $0x1  }
0x460: {  	s15 =	sshra.s32 s13, $0x1;
	s13 =	smul.f32 $5.000000000e-01, s13  }
0x461: {  	s14 =	ssub.s32 $0x5F3759DF, s15  }
0x462: {  	s29 =	smul.f32 s14, s13;
	_ =	sdelay $0x1  }
0x463: {  	s15 =	smul.f32 s14, s29;
	_ =	sdelay $0x1  }
0x464: {  	s15 =	ssub.f32 $1.500000000e+00, s15;
	_ =	sdelay $0x1  }
0x465: {  	s14 =	smul.f32 s14, s15;
	_ =	sdelay $0x1  }
0x466: {  	s15 =	smul.f32 s14, s13;
	_ =	sdelay $0x1  }
0x467: {  	s15 =	smul.f32 s15, s14;
	_ =	sdelay $0x1  }
0x468: {  	s15 =	ssub.f32 $1.500000000e+00, s15;
	_ =	sdelay $0x1  }
0x469: {  	s14 =	smul.f32 s15, s14;
	_ =	sdelay $0x1  }
0x46a: {  	s13 =	smul.f32 s14, s13;
	_ =	sdelay $0x1  }
0x46b: {  	s13 =	smul.f32 s13, s14;
	_ =	sdelay $0x1  }
0x46c: {  	s13 =	ssub.f32 $1.500000000e+00, s13;
	_ =	sdelay $0x1  }
0x46d: {  	(v2sf) =	vpush v16, $0x7;
	s6 =	ssub.f32 $0.0e+00, s6;
	s13 =	smul.f32 s13, s14  }
0x46e: {  	_ = 	snop  }
0x46f: {  	s6 =	smul.f32 s13, s6;
	v17 =	vmul.f32 s13, v17  }
0x470: {  	v16 =	vmul.f32 s13, v18  }
0x471: {  	v48 =	vmul.f32 s13, v22;
	v49 =	vmul.f32 s13, v25;
	v17 =	vadd.f32 s6, v17  }
0x472: {  	v20 =	vmul.f32 s13, v20;
	v19 =	vmul.f32 s13, v19;
	v16 =	vadd.f32 s6, v16  }
0x473: {  	v50 =	vmul.f32 s13, v26;
	v18 =	vadd.f32 s6, v48;
	v17 =	vmul.f32 v17, v0  }
0x474: {  	v21 =	vmul.f32 s13, v21;
	v22 =	vadd.f32 s6, v49;
	v16 =	vmul.f32 v16, v1  }
0x475: {  	v20 =	vadd.f32 s6, v20;
	v18 =	vmul.f32 v18, v2;
	v17 =	vadd.f32 v17, v8  }
0x476: {  	v19 =	vadd.f32 s6, v19;
	v22 =	vmul.f32 v22, v3;
	v16 =	vadd.f32 v16, v9  }
0x477: {  	v34 =	vld [tilespmem:s5+$0x16E40];
	v52 =	vadd.f32 s6, v50;
	v51 =	vmul.f32 v20, v4;
	[tilespmem:s5+$0x1AD80] =	vst v17;
	v17 =	vadd.f32 v18, v10  }
0x478: {  	v56 =	vld [tilespmem:s5+$0x16E10];
	v21 =	vadd.f32 s6, v21;
	v19 =	vmul.f32 v19, v5;
	[tilespmem:s5+$0x1AD90] =	vst v16;
	v16 =	vadd.f32 v22, v11  }
0x479: {  	v59 =	vld [tilespmem:s5+$0x16E20];
	v53 =	vmul.f32 v52, v6;
	[tilespmem:s5+$0x1ADA0] =	vst v17;
	v17 =	vadd.f32 v51, v12  }
0x47a: {  	v37 =	vld [tilespmem:s5+$0x16E50];
	v54 =	vmul.f32 v21, v7;
	[tilespmem:s5+$0x1ADB0] =	vst v16;
	v16 =	vadd.f32 v19, v13  }
0x47b: {  	v62 =	vld [tilespmem:s5+$0x16E30];
	[tilespmem:s5+$0x1ADC0] =	vst v17;
	v17 =	vadd.f32 v53, v14  }
0x47c: {  	v44 =	vld [tilespmem:s5+$0x16E60];
	s15 =	spop (v2sf);
	[tilespmem:s5+$0x1ADD0] =	vst v16;
	v16 =	vadd.f32 v54, v15  }
0x47d: {  	s29 =	sshrl.u32 s15, $0xA;
	v49 =	vld [tilespmem:s5+$0x16E70];
	[tilespmem:s5+$0x1ADE0] =	vst v17  }
0x47e: {  	s13 =	sand.u32 $0xFF80, s29;
	s6 =	sshrl.u32 s15, $0x13;
	[tilespmem:s5+$0x1ADF0] =	vst v16;
	v16 =	vld [tilespmem:s5+$0x16E00]  }
0x47f: {  	s6 =	sand.u32 $0x1F80, s6;
	v17 =	vld [tilespmem:s13+$0x0]  }
0x480: {  	v55 =	vld [tilespmem:s6+$0x10000]  }
0x481: {  	v57 =	vld [tilespmem:s13+$0x10]  }
0x482: {  	v60 =	vld [tilespmem:s13+$0x20]  }
0x483: {  	v58 =	vld [tilespmem:s6+$0x10010]  }
0x484: {  	v63 =	vld [tilespmem:s13+$0x30]  }
0x485: {  	v61 =	vld [tilespmem:s6+$0x10020]  }
0x486: {  	v35 =	vld [tilespmem:s13+$0x40];
	v16 =	vadd.f32 v17, v16;
	v17 =	vadd.f32 v57, v56  }
0x487: {  	v33 =	vld [tilespmem:s6+$0x10030];
	v38 =	vadd.f32 v60, v59  }
0x488: {  	v39 =	vld [tilespmem:s13+$0x50];
	v16 =	vadd.f32 v55, v16;
	v17 =	vadd.f32 v58, v17  }
0x489: {  	v36 =	vld [tilespmem:s6+$0x10040];
	v43 =	vadd.f32 v63, v62  }
0x48a: {  	v46 =	vld [tilespmem:s13+$0x60];
	v21 =	vadd.f32 v61, v38;
	v40 =	vmul.f32 v16, v16;
	v41 =	vmul.f32 v17, v17  }
0x48b: {  	v42 =	vld [tilespmem:s6+$0x10050];
	v19 =	vadd.f32 v35, v34;
	v45 =	vadd.f32 v17, v16  }
0x48c: {  	v51 =	vld [tilespmem:s13+$0x70];
	v24 =	vadd.f32 v33, v43;
	v47 =	vmul.f32 v21, v21;
	v23 =	vadd.f32 v41, v40  }
0x48d: {  	v48 =	vld [tilespmem:s6+$0x10060];
	v18 =	vadd.f32 v39, v37;
	v26 =	vadd.f32 v21, v45  }
0x48e: {  	v19 =	vadd.f32 v36, v19;
	v50 =	vmul.f32 v24, v24;
	v23 =	vadd.f32 v47, v23  }
0x48f: {  	v54 =	vld [tilespmem:s6+$0x10070];
	v25 =	vadd.f32 v46, v44;
	v52 =	vadd.f32 v24, v26  }
0x490: {  	v18 =	vadd.f32 v42, v18;
	v53 =	vmul.f32 v19, v19;
	v23 =	vadd.f32 v50, v23  }
0x491: {  	v20 =	vadd.f32 v51, v49;
	v22 =	vadd.f32 v19, v52  }
0x492: {  	v25 =	vadd.f32 v48, v25;
	v55 =	vmul.f32 v18, v18;
	v23 =	vadd.f32 v53, v23  }
0x493: {  	v22 =	vadd.f32 v18, v22  }
0x494: {  	v20 =	vadd.f32 v54, v20;
	v56 =	vmul.f32 v25, v25;
	v23 =	vadd.f32 v55, v23  }
0x495: {  	v22 =	vadd.f32 v25, v22  }
0x496: {  	v57 =	vmul.f32 v20, v20;
	v23 =	vadd.f32 v56, v23  }
0x497: {  	v22 =	vadd.f32 v20, v22  }
0x498: {  	v23 =	vadd.f32 v57, v23  }
0x499: {  	(xrf2) =	vadd.scan.msk.f32 $0xffff, v22  }
0x49a: {  	(xrf2) =	vadd.scan.msk.f32 $0xffff, v23;
	_ =	sdelay $0x8  }
0x49b: {  	v22, _, _ =	vpop (xrf2)  }
0x49c: {  	(v2sf) =	vpush v22, $0xF;
	v58, _, _ =	vpop (xrf2)  }
0x49d: {  	(v2sf) =	vpush v58, $0xF;
	_ =	sdelay $0xd  }
0x49e: {  	s14 =	spop (v2sf)  }
0x49f: {  	s6 =	smul.f32 $7.812500000e-03, s14;
	s15 =	spop (v2sf)  }
0x4a0: {  	s13 =	smul.f32 $7.812500000e-03, s15  }
0x4a1: {  	s29 =	smul.f32 s6, s6;
	_ =	sdelay $0x1  }
0x4a2: {  	s13 =	ssub.f32 s13, s29;
	_ =	sdelay $0x1  }
0x4a3: {  	s13 =	sadd.f32 $1.000000050e-03, s13;
	_ =	sdelay $0x1  }
0x4a4: {  	s15 =	sshra.s32 s13, $0x1;
	s13 =	smul.f32 $5.000000000e-01, s13  }
0x4a5: {  	s14 =	ssub.s32 $0x5F3759DF, s15  }
0x4a6: {  	s29 =	smul.f32 s14, s13;
	_ =	sdelay $0x1  }
0x4a7: {  	s15 =	smul.f32 s14, s29;
	_ =	sdelay $0x1  }
0x4a8: {  	s15 =	ssub.f32 $1.500000000e+00, s15;
	_ =	sdelay $0x1  }
0x4a9: {  	s14 =	smul.f32 s14, s15;
	_ =	sdelay $0x1  }
0x4aa: {  	s15 =	smul.f32 s14, s13;
	_ =	sdelay $0x1  }
0x4ab: {  	s15 =	smul.f32 s15, s14;
	_ =	sdelay $0x1  }
0x4ac: {  	s15 =	ssub.f32 $1.500000000e+00, s15;
	_ =	sdelay $0x1  }
0x4ad: {  	s14 =	smul.f32 s15, s14;
	_ =	sdelay $0x1  }
0x4ae: {  	s13 =	smul.f32 s14, s13;
	_ =	sdelay $0x1  }
0x4af: {  	s13 =	smul.f32 s13, s14;
	_ =	sdelay $0x1  }
0x4b0: {  	s13 =	ssub.f32 $1.500000000e+00, s13;
	_ =	sdelay $0x1  }
0x4b1: {  	s6 =	ssub.f32 $0.0e+00, s6;
	s13 =	smul.f32 s13, s14  }
0x4b2: {  	_ = 	snop  }
0x4b3: {  	s6 =	smul.f32 s13, s6;
	v16 =	vmul.f32 s13, v16  }
0x4b4: {  	v17 =	vmul.f32 s13, v17  }
0x4b5: {  	v21 =	vmul.f32 s13, v21;
	v59 =	vmul.f32 s13, v24;
	v16 =	vadd.f32 s6, v16  }
0x4b6: {  	v19 =	vmul.f32 s13, v19;
	v18 =	vmul.f32 s13, v18;
	v17 =	vadd.f32 s6, v17  }
0x4b7: {  	v60 =	vmul.f32 s13, v25;
	v21 =	vadd.f32 s6, v21;
	v16 =	vmul.f32 v16, v0  }
0x4b8: {  	v20 =	vmul.f32 s13, v20;
	v22 =	vadd.f32 s6, v59;
	v17 =	vmul.f32 v17, v1  }
0x4b9: {  	v19 =	vadd.f32 s6, v19;
	v21 =	vmul.f32 v21, v2;
	v16 =	vadd.f32 v16, v8  }
0x4ba: {  	v18 =	vadd.f32 s6, v18;
	v22 =	vmul.f32 v22, v3;
	v17 =	vadd.f32 v17, v9  }
0x4bb: {  	v61 =	vadd.f32 s6, v60;
	v19 =	vmul.f32 v19, v4;
	[tilespmem:s5+$0x1AE00] =	vst v16;
	v16 =	vadd.f32 v21, v10  }
0x4bc: {  	v20 =	vadd.f32 s6, v20;
	v18 =	vmul.f32 v18, v5;
	[tilespmem:s5+$0x1AE10] =	vst v17;
	v17 =	vadd.f32 v22, v11  }
0x4bd: {  	p0 =	sne.s32 s1, $0x7000;
	v62 =	vmul.f32 v61, v6;
	[tilespmem:s5+$0x1AE20] =	vst v16;
	v16 =	vadd.f32 v19, v12  }
.Ltmp4:
0x4be: {  	v63 =	vmul.f32 v20, v7;
	[tilespmem:s5+$0x1AE30] =	vst v17;
	v17 =	vadd.f32 v18, v13;
	(pc) =	sbr.rel @p0 .LBB2_9-.Ltmp4, $4  }
0x4bf: {  	[tilespmem:s5+$0x1AE40] =	vst v16;
	v16 =	vadd.f32 v62, v14  }
0x4c0: {  	[tilespmem:s5+$0x1AE50] =	vst v17;
	v17 =	vadd.f32 v63, v15  }
0x4c1: {  	[tilespmem:s5+$0x1AE60] =	vst v16  }
0x4c2: {  	s4 =	sadd.s32 $0x8, s4;
	s1 =	sadd.s32 $0x1000, s1;
	[tilespmem:s5+$0x1AE70] =	vst v17  }
0x4c3: {  	s31 =	sadd.s32 $0x1, s31  }
0x4c4: {  	p0 =	sne.s32 s31, $0x80  }
.Ltmp5:
0x4c5: {  	_ = 	snop;
	(pc) =	sbr.rel @p0 .LBB2_2-.Ltmp5, $4  }
0x4c6: {  	s1 =	sadd.s32 s9, s3  }
0x4c7: {  	s1 =	sshll.u32 s1, $0x4  }
0x4c8: {  	s2 =	sadd.s32 $0x80, s2;
	s30 =	sadd.s32 $0x80, s30;
	s1 =	sadd.s32 s7, s1  }
0x4c9: {  	[hbm4b:s1+s8] =	stream.linear.scatter [tilespmem:s25], [sflag:$0x4], $0x2000, $0x38;
	[tilespmem:$0x1CA80] =	vst v63  }
0x4ca: {  	s28 =	sadd.s32 $0x1, s28  }
0x4cb: {  	_ =	swait.ge [sflag:s26], $0x2000;
	p0 =	sne.s32 s28, s11  }
.Ltmp6:
0x4cc: {  	[sflag:s26] =	ssyncset.done $0x0;
	(pc) =	sbr.rel @p0 .LBB2_1-.Ltmp6, $4  }
0x4cd: {  	[sflag:s26] =	ssyncadd.s32 $0xFFFFE000  }
0x4ce: {  	_ =	swait.ge [sflag:s24], $0x2000  }
0x4cf: {  	[sflag:s24] =	ssyncset.done $0x0  }
0x4d0: {  	[sflag:s24] =	ssyncadd.s32 $0xFFFFE000  }
0x4d1: {  	_ =	sfence.sel $0x180000  }
0x4d2: {  	[bflag:$0x0] =	sbarrier.arrive $0xFFFF  }
0x4d3: {  	_ =	strace $0x90000047  }
0x4d4: {  	s0 =	stileid.u32;
	[bflag:$0x2] =	sbarrier.arrive $0xFFFF  }
0x4d5: {  	p0 =	sne.s32 s0, $0x0;
	s0 =	rddreg [dreg:$0x7]  }
0x4d6: {  	s0 =	sadd.s32 @!p0 $0x100000, s0  }
0x4d7: {  	[sflag:s0] =	ssyncadd.tile.s32 @!p0 $0x1;
	_ =	shalt  }
.Lfunc_end2:
_tile_overlayer_lowered:
.L_overlay_start_2:
0x4d8: {  	(tag) =	ssettag $0x2  }
0x4d9: {  	s0 =	rddreg [dreg:$0x0];
	s2 =	stileid.u32  }
0x4da: {  	s1 =	rddreg [dreg:$0x1];
	p0 =	sne.s32 s2, $0x0  }
0x4db: {  	s3 =	rddreg [dreg:$0x2];
	[bflag:$0x3] =	sbarrier.arrive $0xFFFF;
	s2 =	simm.s32 @!p0 $0x1C05  }
0x4dc: {  	[timem:s3], [sflag:s2] =	dma.local @!p0 [hbm:s0], s1  }
0x4dd: {  	s0 =	simm.s32 @!p0 $0x5  }
0x4de: {  	_ =	swait.ge @!p0 [sflag:s0], s1  }
0x4df: {  	s1 =	ssub.s32 @!p0 $0x0, s1;
	[sflag:s0] =	ssyncset.done @!p0 $0x0  }
0x4e0: {  	[sflag:s0] =	ssyncadd.s32 @!p0 s1  }
0x4e1: {  	[bflag:$0x3] =	sbarrier.arrive $0xFFFF  }
0x4e2: {  	_ =	shalt  }

</sc_bundles>
